<compile_context>
chip_gen: v7x
topology: tpu7x:2x2x1
jax: 0.10.2.dev20260603
libtpu: 0.0.44.dev20260713+nightly
codegen_flags: <defaults>
</compile_context>

<pallas_src>
import functools

import jax
import jax.numpy as jnp
from jax import lax
from jax.experimental import pallas as pl
from jax.experimental.pallas import tpu as pltpu
from jax.experimental.pallas import tpu_sc as plsc

H = 12
MBLK = 256
_INTERPRET = False



def _qkv_proj_kernel(x_ref, w_ref, b_ref, o_ref):
    x = x_ref[...]
    for j in range(w_ref.shape[0]):
        o_ref[j] = (
            jnp.dot(x, w_ref[j], preferred_element_type=jnp.float32) + b_ref[j]
        )


def _attn_kernel(q_ref, k_ref, v_ref, o_ref, *, scale):
    q = q_ref[0]
    k = k_ref[0]
    v = v_ref[0]
    s = lax.dot_general(
        q, k, (((1,), (1,)), ((), ())), preferred_element_type=jnp.float32
    ) * scale
    m = jnp.max(s, axis=-1, keepdims=True)
    p = jnp.exp(s - m)
    l = jnp.sum(p, axis=-1, keepdims=True)
    o_ref[0] = jnp.dot(p / l, v, preferred_element_type=jnp.float32)


def _ln(y, g, b):
    mu = jnp.mean(y, axis=-1, keepdims=True)
    d = y - mu
    var = jnp.mean(d * d, axis=-1, keepdims=True)
    return d / jnp.sqrt(var + 1e-5) * g + b


def _oproj_ln_kernel(a_ref, w_ref, b_ref, res_ref, g_ref, be_ref, out_ref):
    a = jnp.concatenate(
        [a_ref[h] for h in range(a_ref.shape[0])], axis=1)
    w = w_ref[...].reshape(-1, w_ref.shape[2])
    y = jnp.dot(a, w, preferred_element_type=jnp.float32) + b_ref[...]
    out_ref[...] = _ln(y + res_ref[...], g_ref[...], be_ref[...])


def _router_kernel(x_ref, wg_ref, bg_ref, probs_ref, idx_ref, usage_ref,
                   *, n_exp):
    i = pl.program_id(0)
    scores = (
        jnp.dot(x_ref[...], wg_ref[...], preferred_element_type=jnp.float32)
        + bg_ref[...]
    )
    cols = lax.broadcasted_iota(jnp.int32, scores.shape, 1)
    m1 = jnp.max(scores, axis=-1, keepdims=True)
    a1 = jnp.min(jnp.where(scores == m1, cols, n_exp), axis=-1, keepdims=True)
    masked = jnp.where(cols == a1, -jnp.inf, scores)
    m2 = jnp.max(masked, axis=-1, keepdims=True)
    a2 = jnp.min(jnp.where(masked == m2, cols, n_exp), axis=-1, keepdims=True)
    e2 = jnp.exp(m2 - m1)
    p1 = 1.0 / (1.0 + e2)
    p2 = e2 / (1.0 + e2)
    probs_ref[...] = jnp.concatenate(
        [p1.reshape(1, -1, 1), p2.reshape(1, -1, 1)], axis=0
    )
    idx_ref[...] = jnp.concatenate(
        [a1.reshape(1, -1, 1), a2.reshape(1, -1, 1)], axis=0
    )
    gw = jnp.where(cols == a1, p1, 0.0) + jnp.where(cols == a2, p2, 0.0)

    @pl.when(i == 0)
    def _():
        usage_ref[...] = jnp.zeros_like(usage_ref)

    usage_ref[...] += jnp.sum(gw, axis=0, keepdims=True)


def _rank_kernel(idx_ref, rank_ref, counts_ref, carry_ref, *, n_exp, nrb, sblk):
    k = pl.program_id(0)
    i = pl.program_id(1)

    @pl.when(jnp.logical_and(k == 0, i == 0))
    def _():
        carry_ref[...] = jnp.zeros_like(carry_ref)

    e_col = idx_ref[0]
    cols = lax.broadcasted_iota(jnp.int32, (sblk, n_exp), 1)
    oh = (e_col == cols).astype(jnp.float32)
    r0 = lax.broadcasted_iota(jnp.int32, (sblk, sblk), 0)
    r1 = lax.broadcasted_iota(jnp.int32, (sblk, sblk), 1)
    strict = (r0 > r1).astype(jnp.float32)
    rank_in = jnp.dot(strict, oh, preferred_element_type=jnp.float32)
    rank = jnp.sum(oh * (rank_in + carry_ref[...]), axis=1, keepdims=True)
    rank_ref[0] = rank.astype(jnp.int32)
    carry_ref[...] += jnp.sum(oh, axis=0, keepdims=True)

    @pl.when(jnp.logical_and(k == 1, i == nrb - 1))
    def _():
        counts_ref[...] = jnp.concatenate(
            [carry_ref[...].astype(jnp.int32),
             jnp.zeros((1, 16 - n_exp), jnp.int32)], axis=1)


def _group_ffn_kernel(be_ref, xs_ref, w1_ref, b1_ref, w2_ref, b2_ref,
                      sp_ref, ys_ref):
    s = pl.program_id(0)

    @pl.when(be_ref[s] >= 0)
    def _():
        h = jnp.maximum(
            jnp.dot(xs_ref[...], w1_ref[0], preferred_element_type=jnp.float32)
            + b1_ref[0],
            0.0,
        )
        ys_ref[...] = (
            jnp.dot(h, w2_ref[0], preferred_element_type=jnp.float32)
            + b2_ref[0]
        ) * sp_ref[...]


def _combine_ln_kernel(x_ref, ys_ref, g_ref, be_ref, out_ref):
    y = x_ref[...] + (ys_ref[0] + ys_ref[1])
    out_ref[...] = _ln(y, g_ref[...], be_ref[...])


def _aux_kernel(u_ref, aux_ref, *, n_layers):
    u = u_ref[...]
    p = u / jnp.sum(u, axis=-1, keepdims=True)
    ent = -jnp.sum(p * jnp.log(p + 1e-9), axis=-1)
    aux_ref[...] = (jnp.sum(ent) / n_layers).reshape(1, 1)



def _sc_route(idx_flat, rank_flat, probs_flat, counts16, n_exp, rp, mblk):
    s2 = idx_flat.shape[0]
    shift = mblk.bit_length() - 1
    mesh = plsc.VectorSubcoreMesh(core_axis_name="c", subcore_axis_name="s")

    @functools.partial(
        pl.kernel,
        out_type=[
            jax.ShapeDtypeStruct((rp,), jnp.int32),
            jax.ShapeDtypeStruct((s2,), jnp.int32),
            jax.ShapeDtypeStruct((32,), jnp.int32),
            jax.ShapeDtypeStruct((rp,), jnp.float32),
        ],
        mesh=mesh,
        compiler_params=pltpu.CompilerParams(needs_layout_passes=False),
        scratch_types=[
            pltpu.VMEM((s2,), jnp.int32),
            pltpu.VMEM((s2,), jnp.int32),
            pltpu.VMEM((s2,), jnp.float32),
            pltpu.VMEM((16,), jnp.int32),
            pltpu.VMEM((16,), jnp.int32),
            pltpu.VMEM((rp,), jnp.int32),
            pltpu.VMEM((s2,), jnp.int32),
            pltpu.VMEM((32,), jnp.int32),
            pltpu.VMEM((rp,), jnp.float32),
        ],
    )
    def route(idx_hbm, rank_hbm, prob_hbm, cnt_hbm,
              stid_hbm, pos_hbm, be_hbm, sprob_hbm,
              idx_v, rank_v, prob_v, cnt_v, cb_v, stid_v, pos_v, be_v,
              sprob_v):
        wid = lax.axis_index("s") * 2 + lax.axis_index("c")

        @pl.when(wid == 0)
        def _():
            pltpu.sync_copy(idx_hbm, idx_v)
            pltpu.sync_copy(rank_hbm, rank_v)
            pltpu.sync_copy(prob_hbm, prob_v)
            pltpu.sync_copy(cnt_hbm, cnt_v)
            c = cnt_v[...]
            nb = lax.shift_right_logical(c + (mblk - 1), shift)
            totblk = jnp.sum(nb)
            cbi = plsc.cumsum(nb)
            cb = cbi - nb
            cb_v[...] = cb
            be_v[pl.ds(0, 16)] = jnp.zeros((16,), jnp.int32)
            be_v[pl.ds(16, 16)] = jnp.zeros((16,), jnp.int32)
            lane = lax.iota(jnp.int32, 16)
            emask = jnp.logical_and(lane >= 1, lane < n_exp)
            plsc.addupdate_scatter(
                be_v, [cb], jnp.ones((16,), jnp.int32), mask=emask)
            d0 = be_v[pl.ds(0, 16)]
            d1 = be_v[pl.ds(16, 16)]
            be_v[pl.ds(0, 16)] = jnp.where(
                lane >= totblk, -1, plsc.cumsum(d0))
            be_v[pl.ds(16, 16)] = jnp.where(
                lane + 16 >= totblk, -1, plsc.cumsum(d1) + jnp.sum(d0))

            def init(i, _):
                stid_v[pl.ds(i * 16, 16)] = jnp.zeros((16,), jnp.int32)
                sprob_v[pl.ds(i * 16, 16)] = jnp.zeros((16,), jnp.float32)
                return 0

            lax.fori_loop(0, rp // 16, init, 0)
            tmask = jnp.int32(s2 // 2 - 1)

            def body(i, _):
                a0 = i * 16
                ev = idx_v[pl.ds(a0, 16)]
                rk = rank_v[pl.ds(a0, 16)]
                pv = prob_v[pl.ds(a0, 16)]
                cbg = plsc.load_gather(cb_v, [ev])
                pos = cbg * mblk + rk
                tok = lax.bitwise_and(a0 + lax.iota(jnp.int32, 16), tmask)
                plsc.store_scatter(stid_v, [pos], tok)
                plsc.store_scatter(sprob_v, [pos], pv)
                pos_v[pl.ds(a0, 16)] = pos
                return 0

            lax.fori_loop(0, s2 // 16, body, 0)
            pltpu.sync_copy(stid_v, stid_hbm)
            pltpu.sync_copy(pos_v, pos_hbm)
            pltpu.sync_copy(be_v, be_hbm)
            pltpu.sync_copy(sprob_v, sprob_hbm)

    return route(idx_flat, rank_flat, probs_flat, counts16)


def _sc_gather(table, idx):
    bn = idx.shape[0]
    dd = table.shape[1]
    nw = 32
    bpw = bn // nw
    ch = 32 if bpw % 32 == 0 else bpw
    nch = bpw // ch
    nbuf = min(4, nch)
    mesh = plsc.VectorSubcoreMesh(core_axis_name="c", subcore_axis_name="s")

    @functools.partial(
        pl.kernel,
        out_type=jax.ShapeDtypeStruct((bn, dd), jnp.float32),
        mesh=mesh,
        compiler_params=pltpu.CompilerParams(needs_layout_passes=False),
        scratch_types=[
            pltpu.VMEM((bpw,), jnp.int32),
            pltpu.VMEM((ch, dd), jnp.float32),
            pltpu.VMEM((ch, dd), jnp.float32),
            pltpu.VMEM((ch, dd), jnp.float32),
            pltpu.VMEM((ch, dd), jnp.float32),
            pltpu.SemaphoreType.DMA,
            pltpu.SemaphoreType.DMA,
        ],
    )
    def gather(table_hbm, idx_hbm, out_hbm, idx_v, buf0, buf1, buf2, buf3,
               gsem, wsem):
        wid = lax.axis_index("s") * 2 + lax.axis_index("c")
        base = wid * bpw
        pltpu.sync_copy(idx_hbm.at[pl.ds(base, bpw)], idx_v)
        bufs = (buf0, buf1, buf2, buf3)
        g = [None] * nch
        w = [None] * nch
        for i in range(nbuf):
            g[i] = pltpu.async_copy(
                table_hbm.at[idx_v.at[pl.ds(i * ch, ch)]], bufs[i % nbuf],
                gsem)
        for i in range(nch):
            nxt = i + nbuf - 1
            if i > 0 and nxt < nch:
                w[i - 1].wait()
                g[nxt] = pltpu.async_copy(
                    table_hbm.at[idx_v.at[pl.ds(nxt * ch, ch)]],
                    bufs[nxt % nbuf], gsem)
            g[i].wait()
            w[i] = pltpu.async_copy(
                bufs[i % nbuf], out_hbm.at[pl.ds(base + i * ch, ch)], wsem)
        for i in range(max(0, nch - nbuf), nch):
            w[i].wait()

    return gather(table, idx)



def _encoder_layer(x, w3, b3, wo3, bo, g1, be1, g2, be2, wg_t, bg,
                   w1_t, b1, w2_t, b2):
    S, D = x.shape
    E, _, DFF = w1_t.shape
    K = 2
    hd = D // H
    sblk = 256 if S % 256 == 0 else S
    nsb = S // sblk
    rp = K * S + E * MBLK
    nblk = rp // MBLK

    qkv = pl.pallas_call(
        _qkv_proj_kernel,
        grid=(nsb,),
        in_specs=[
            pl.BlockSpec((sblk, D), lambda i: (i, 0)),
            pl.BlockSpec((3 * H, D, hd), lambda i: (0, 0, 0)),
            pl.BlockSpec((3 * H, 1, hd), lambda i: (0, 0, 0)),
        ],
        out_specs=pl.BlockSpec((3 * H, sblk, hd), lambda i: (0, i, 0)),
        out_shape=jax.ShapeDtypeStruct((3 * H, S, hd), jnp.float32),
        interpret=_INTERPRET,
    )(x, w3, b3)

    attn = pl.pallas_call(
        functools.partial(_attn_kernel, scale=1.0 / float(hd) ** 0.5),
        grid=(H, nsb),
        in_specs=[
            pl.BlockSpec((1, sblk, hd), lambda h, i: (h, i, 0)),
            pl.BlockSpec((1, S, hd), lambda h, i: (H + h, 0, 0)),
            pl.BlockSpec((1, S, hd), lambda h, i: (2 * H + h, 0, 0)),
        ],
        out_specs=pl.BlockSpec((1, sblk, hd), lambda h, i: (h, i, 0)),
        out_shape=jax.ShapeDtypeStruct((H, S, hd), jnp.float32),
        interpret=_INTERPRET,
    )(qkv, qkv, qkv)

    x1 = pl.pallas_call(
        _oproj_ln_kernel,
        grid=(nsb,),
        in_specs=[
            pl.BlockSpec((H, sblk, hd), lambda i: (0, i, 0)),
            pl.BlockSpec((H, hd, D), lambda i: (0, 0, 0)),
            pl.BlockSpec((1, D), lambda i: (0, 0)),
            pl.BlockSpec((sblk, D), lambda i: (i, 0)),
            pl.BlockSpec((1, D), lambda i: (0, 0)),
            pl.BlockSpec((1, D), lambda i: (0, 0)),
        ],
        out_specs=pl.BlockSpec((sblk, D), lambda i: (i, 0)),
        out_shape=jax.ShapeDtypeStruct((S, D), jnp.float32),
        interpret=_INTERPRET,
    )(attn, wo3, bo.reshape(1, D), x, g1.reshape(1, D), be1.reshape(1, D))

    probs, idx2, usage = pl.pallas_call(
        functools.partial(_router_kernel, n_exp=E),
        grid=(nsb,),
        in_specs=[
            pl.BlockSpec((sblk, D), lambda i: (i, 0)),
            pl.BlockSpec((D, E), lambda i: (0, 0)),
            pl.BlockSpec((1, E), lambda i: (0, 0)),
        ],
        out_specs=[
            pl.BlockSpec((K, sblk, 1), lambda i: (0, i, 0)),
            pl.BlockSpec((K, sblk, 1), lambda i: (0, i, 0)),
            pl.BlockSpec((1, E), lambda i: (0, 0)),
        ],
        out_shape=[
            jax.ShapeDtypeStruct((K, S, 1), jnp.float32),
            jax.ShapeDtypeStruct((K, S, 1), jnp.int32),
            jax.ShapeDtypeStruct((1, E), jnp.float32),
        ],
        interpret=_INTERPRET,
    )(x1, wg_t, bg.reshape(1, E))

    rank2, counts = pl.pallas_call(
        functools.partial(_rank_kernel, n_exp=E, nrb=nsb, sblk=sblk),
        grid=(K, nsb),
        in_specs=[pl.BlockSpec((1, sblk, 1), lambda k, i: (k, i, 0))],
        out_specs=[
            pl.BlockSpec((1, sblk, 1), lambda k, i: (k, i, 0)),
            pl.BlockSpec((1, 16), lambda k, i: (0, 0)),
        ],
        out_shape=[
            jax.ShapeDtypeStruct((K, S, 1), jnp.int32),
            jax.ShapeDtypeStruct((1, 16), jnp.int32),
        ],
        scratch_shapes=[pltpu.VMEM((1, E), jnp.float32)],
        interpret=_INTERPRET,
    )(idx2)

    stid, pos, be32, sprob = _sc_route(
        idx2.reshape(K * S), rank2.reshape(K * S), probs.reshape(K * S),
        counts.reshape(16), E, rp, MBLK)

    xs = _sc_gather(x1, stid)

    ys = pl.pallas_call(
        _group_ffn_kernel,
        grid_spec=pltpu.PrefetchScalarGridSpec(
            num_scalar_prefetch=1,
            grid=(nblk,),
            in_specs=[
                pl.BlockSpec((MBLK, D), lambda s, be: (s, 0)),
                pl.BlockSpec(
                    (1, D, DFF),
                    lambda s, be: (jnp.where(be[s] < 0, 7, be[s]), 0, 0)),
                pl.BlockSpec(
                    (1, 1, DFF),
                    lambda s, be: (jnp.where(be[s] < 0, 7, be[s]), 0, 0)),
                pl.BlockSpec(
                    (1, DFF, D),
                    lambda s, be: (jnp.where(be[s] < 0, 7, be[s]), 0, 0)),
                pl.BlockSpec(
                    (1, 1, D),
                    lambda s, be: (jnp.where(be[s] < 0, 7, be[s]), 0, 0)),
                pl.BlockSpec((MBLK, 1), lambda s, be: (s, 0)),
            ],
            out_specs=pl.BlockSpec((MBLK, D), lambda s, be: (s, 0)),
        ),
        out_shape=jax.ShapeDtypeStruct((rp, D), jnp.float32),
        interpret=_INTERPRET,
    )(be32, xs, w1_t, b1.reshape(E, 1, DFF), w2_t, b2.reshape(E, 1, D),
      sprob.reshape(rp, 1))

    ysg = _sc_gather(ys, pos)

    x2 = pl.pallas_call(
        _combine_ln_kernel,
        grid=(nsb,),
        in_specs=[
            pl.BlockSpec((sblk, D), lambda i: (i, 0)),
            pl.BlockSpec((K, sblk, D), lambda i: (0, i, 0)),
            pl.BlockSpec((1, D), lambda i: (0, 0)),
            pl.BlockSpec((1, D), lambda i: (0, 0)),
        ],
        out_specs=pl.BlockSpec((sblk, D), lambda i: (i, 0)),
        out_shape=jax.ShapeDtypeStruct((S, D), jnp.float32),
        interpret=_INTERPRET,
    )(x1, ysg.reshape(K, S, D), g2.reshape(1, D), be2.reshape(1, D))

    return x2, usage


def kernel(src, Wqkv, bqkv, Wo, bo, g1, be1, g2, be2, Wg, bg, W1, b1, W2, b2):
    L = Wqkv.shape[0]
    S, B, D = src.shape
    hd = D // H
    x = src.reshape(S * B, D)
    usages = []
    for l in range(L):
        x, usage = _encoder_layer(
            x,
            jnp.swapaxes(Wqkv[l].reshape(3 * H, hd, D), 1, 2),
            bqkv[l].reshape(3 * H, 1, hd),
            Wo[l].T.reshape(H, hd, D),
            bo[l], g1[l], be1[l], g2[l], be2[l],
            Wg[l].T, bg[l], jnp.swapaxes(W1[l], 1, 2), b1[l],
            jnp.swapaxes(W2[l], 1, 2), b2[l],
        )
        usages.append(usage)

    usage_all = jnp.concatenate(usages, axis=0)
    aux = pl.pallas_call(
        functools.partial(_aux_kernel, n_layers=L),
        out_shape=jax.ShapeDtypeStruct((1, 1), jnp.float32),
        interpret=_INTERPRET,
    )(usage_all)
    return x.reshape(S, B, D), aux.reshape(())

# --- scband reference (transcript-rebuilt; emitter-appended) ---
"""Pipeline reference for scband-transformer-encoder-mo-e-62560493633926 (READ-ONLY COPY).

The authoritative reference and input builder live on the scoring server;
editing this copy changes nothing except your own understanding.
"""

import jax, jax.numpy as jnp
import numpy as np

L = 2
S, B, D = 2048, 1, 768
H = 12
DFF = 2048
E = 8
K = 2


def setup_inputs(seed: int = 0):
    key = jax.random.key(seed)
    ks = jax.random.split(key, 8)
    s = 0.02
    return {
        "src": jax.random.normal(ks[0], (S, B, D), jnp.float32),
        "Wqkv": jax.random.normal(ks[1], (L, 3 * D, D), jnp.float32) * s,
        "bqkv": jnp.zeros((L, 3 * D), jnp.float32),
        "Wo": jax.random.normal(ks[2], (L, D, D), jnp.float32) * s,
        "bo": jnp.zeros((L, D), jnp.float32),
        "g1": jnp.ones((L, D), jnp.float32),
        "be1": jnp.zeros((L, D), jnp.float32),
        "g2": jnp.ones((L, D), jnp.float32),
        "be2": jnp.zeros((L, D), jnp.float32),
        "Wg": jax.random.normal(ks[3], (L, E, D), jnp.float32) * s,
        "bg": jnp.zeros((L, E), jnp.float32),
        "W1": jax.random.normal(ks[4], (L, E, DFF, D), jnp.float32) * s,
        "b1": jnp.zeros((L, E, DFF), jnp.float32),
        "W2": jax.random.normal(ks[5], (L, E, D, DFF), jnp.float32) * s,
        "b2": jnp.zeros((L, E, D), jnp.float32),
    }


def _layer_norm(x, g, b):
    mu = x.mean(-1, keepdims=True)
    var = ((x - mu) ** 2).mean(-1, keepdims=True)
    return (x - mu) / jnp.sqrt(var + 1e-5) * g + b


def _mha(x, Wqkv, bqkv, Wo, bo):
    Sq, Bq, Dq = x.shape
    hd = Dq // H
    qkv = x @ Wqkv.T + bqkv
    q, k, v = jnp.split(qkv, 3, axis=-1)

    def rs(t):
        return t.reshape(Sq, Bq, H, hd).transpose(1, 2, 0, 3)

    q, k, v = rs(q), rs(k), rs(v)
    attn = jax.nn.softmax(jnp.einsum('bhqd,bhkd->bhqk', q, k) / jnp.float32(np.sqrt(hd)), axis=-1)
    o = jnp.einsum('bhqk,bhkd->bhqd', attn, v)
    o = o.transpose(2, 0, 1, 3).reshape(Sq, Bq, Dq)
    return o @ Wo.T + bo


def _moe(x, Wg, bg, W1, b1, W2, b2):
    Sq, Bq, Dq = x.shape
    xf = x.reshape(Sq * Bq, Dq)
    scores = xf @ Wg.T + bg
    vals, idx = jax.lax.top_k(scores, K)
    probs = jax.nn.softmax(vals, axis=-1)
    h = jax.nn.relu(jnp.einsum('td,efd->tef', xf, W1) + b1[None])
    y = jnp.einsum('tef,egf->teg', h, W2) + b2[None]
    onehot = (idx[:, :, None] == jnp.arange(E)[None, None, :]).astype(xf.dtype)
    comb = jnp.einsum('tk,tke,ted->td', probs, onehot, y)
    return comb.reshape(Sq, Bq, Dq), probs, idx


def _aux(probs, idx):
    usage = jnp.zeros((E,), probs.dtype)
    for i in range(K):
        usage = usage.at[idx[:, i]].add(probs[:, i])
    p = usage / usage.sum()
    return -(p * jnp.log(p + 1e-9)).sum()


def reference(src, Wqkv, bqkv, Wo, bo, g1, be1, g2, be2, Wg, bg, W1, b1, W2, b2):
    out = src
    aux = jnp.zeros((), src.dtype)
    for l in range(L):
        src2 = _mha(out, Wqkv[l], bqkv[l], Wo[l], bo[l])
        out = _layer_norm(out + src2, g1[l], be1[l])
        moe_out, probs, idx = _moe(out, Wg[l], bg[l], W1[l], b1[l], W2[l], b2[l])
        out = _layer_norm(out + moe_out, g2[l], be2[l])
        aux = aux + _aux(probs, idx) / L
    return (out, aux)

if __name__ == "__main__":
    import jax
    _d = setup_inputs()
    print(jax.jit(kernel)(*tuple(_d.values())))

</pallas_src>

<mosaic_0001>
#map = affine_map<(d0, d1) -> (0, 0)>
#map1 = affine_map<(d0, d1) -> (0)>
module attributes {stable_mosaic.version = 14 : i64} {
  func.func @gather(%arg0: i32, %arg1: i32, %arg2: memref<6144x768xf32, #tpu.memory_space<hbm>>, %arg3: memref<4096xi32, #tpu.memory_space<hbm>>, %arg4: memref<4096x768xf32, #tpu.memory_space<hbm>>, %arg5: memref<128xi32, #tpu.memory_space<vmem>>, %arg6: memref<32x768xf32, #tpu.memory_space<vmem>>, %arg7: memref<32x768xf32, #tpu.memory_space<vmem>>, %arg8: memref<32x768xf32, #tpu.memory_space<vmem>>, %arg9: memref<32x768xf32, #tpu.memory_space<vmem>>, %arg10: memref<!tpu.dma_semaphore, #tpu.memory_space<semaphore_mem>>, %arg11: memref<!tpu.dma_semaphore, #tpu.memory_space<semaphore_mem>>) attributes {dimension_semantics = [#tpu.dimension_semantics<core_parallel>, #tpu.dimension_semantics<subcore_parallel>], iteration_bounds = array<i64: 2, 16>, scalar_prefetch = 0 : i64, scratch_operands = 7 : i64, tpu.core_type = #tpu.core_type<sc_vector_subcore>, window_params = [{transform_indices = #map}, {transform_indices = #map1}, {transform_indices = #map}]} {
    %mul3A = arith.constant 2 : i32
    %mul3A_0 = arith.muli %arg1, %mul3A : i32
    %add3A = arith.addi %mul3A_0, %arg0 : i32
    %mul3A_1 = arith.constant 128 : i32
    %mul3A_2 = arith.muli %add3A, %mul3A_1 : i32
    "tpu.region"() ({
      %run_scoped3A = tpu.sem_alloc : memref<!tpu.dma_semaphore, #tpu.memory_space<semaphore_mem>>
      %dma_start3A_81 = tpu.memref_slice %arg3[%mul3A_2] : memref<4096xi32, #tpu.memory_space<hbm>> -> memref<128xi32, #tpu.memory_space<hbm>>
      %dma_start3A_82 = tpu.memref_slice %arg3[%mul3A_2] : memref<4096xi32, #tpu.memory_space<hbm>> -> memref<128xi32, #tpu.memory_space<hbm>>
      tpu.enqueue_dma source(%dma_start3A_82 : memref<128xi32, #tpu.memory_space<hbm>>) target(%arg5 : memref<128xi32, #tpu.memory_space<vmem>>) target_semaphore(%run_scoped3A : memref<!tpu.dma_semaphore, #tpu.memory_space<semaphore_mem>>)
      %dma_wait3A_83 = tpu.memref_slice %arg3[%mul3A_2] : memref<4096xi32, #tpu.memory_space<hbm>> -> memref<128xi32, #tpu.memory_space<hbm>>
      %dma_wait3A_84 = tpu.memref_slice %arg3[%mul3A_2] : memref<4096xi32, #tpu.memory_space<hbm>> -> memref<128xi32, #tpu.memory_space<hbm>>
      tpu.wait_dma2 semaphore(%run_scoped3A : memref<!tpu.dma_semaphore, #tpu.memory_space<semaphore_mem>>) src(%dma_wait3A_84 : memref<128xi32, #tpu.memory_space<hbm>>) dst(%arg5 : memref<128xi32, #tpu.memory_space<vmem>>)
      tpu.yield
    }) : () -> ()
    %dma_start3A = arith.constant 0 : i32
    %dma_start3A_3 = tpu.memref_slice %arg5[%dma_start3A] : memref<128xi32, #tpu.memory_space<vmem>> -> memref<32xi32, #tpu.memory_space<vmem>>
    %dma_start3A_4 = arith.constant 0 : i32
    %dma_start3A_5 = arith.constant 0 : i32
    %dma_start3A_6 = tpu.memref_slice %arg2[%dma_start3A_4, %dma_start3A_5] : memref<6144x768xf32, #tpu.memory_space<hbm>> -> memref<6144x768xf32, #tpu.memory_space<hbm>>
    tpu.enqueue_indirect_dma source(%dma_start3A_6 : memref<6144x768xf32, #tpu.memory_space<hbm>>) target(%arg6 : memref<32x768xf32, #tpu.memory_space<vmem>>) offsets(%dma_start3A_3 : memref<32xi32, #tpu.memory_space<vmem>>) semaphore(%arg10 : memref<!tpu.dma_semaphore, #tpu.memory_space<semaphore_mem>>)
    %dma_start3A_7 = arith.constant 32 : i32
    %dma_start3A_8 = tpu.memref_slice %arg5[%dma_start3A_7] : memref<128xi32, #tpu.memory_space<vmem>> -> memref<32xi32, #tpu.memory_space<vmem>>
    %dma_start3A_9 = arith.constant 0 : i32
    %dma_start3A_10 = arith.constant 0 : i32
    %dma_start3A_11 = tpu.memref_slice %arg2[%dma_start3A_9, %dma_start3A_10] : memref<6144x768xf32, #tpu.memory_space<hbm>> -> memref<6144x768xf32, #tpu.memory_space<hbm>>
    tpu.enqueue_indirect_dma source(%dma_start3A_11 : memref<6144x768xf32, #tpu.memory_space<hbm>>) target(%arg7 : memref<32x768xf32, #tpu.memory_space<vmem>>) offsets(%dma_start3A_8 : memref<32xi32, #tpu.memory_space<vmem>>) semaphore(%arg10 : memref<!tpu.dma_semaphore, #tpu.memory_space<semaphore_mem>>)
    %dma_start3A_12 = arith.constant 64 : i32
    %dma_start3A_13 = tpu.memref_slice %arg5[%dma_start3A_12] : memref<128xi32, #tpu.memory_space<vmem>> -> memref<32xi32, #tpu.memory_space<vmem>>
    %dma_start3A_14 = arith.constant 0 : i32
    %dma_start3A_15 = arith.constant 0 : i32
    %dma_start3A_16 = tpu.memref_slice %arg2[%dma_start3A_14, %dma_start3A_15] : memref<6144x768xf32, #tpu.memory_space<hbm>> -> memref<6144x768xf32, #tpu.memory_space<hbm>>
    tpu.enqueue_indirect_dma source(%dma_start3A_16 : memref<6144x768xf32, #tpu.memory_space<hbm>>) target(%arg8 : memref<32x768xf32, #tpu.memory_space<vmem>>) offsets(%dma_start3A_13 : memref<32xi32, #tpu.memory_space<vmem>>) semaphore(%arg10 : memref<!tpu.dma_semaphore, #tpu.memory_space<semaphore_mem>>)
    %dma_start3A_17 = arith.constant 96 : i32
    %dma_start3A_18 = tpu.memref_slice %arg5[%dma_start3A_17] : memref<128xi32, #tpu.memory_space<vmem>> -> memref<32xi32, #tpu.memory_space<vmem>>
    %dma_start3A_19 = arith.constant 0 : i32
    %dma_start3A_20 = arith.constant 0 : i32
    %dma_start3A_21 = tpu.memref_slice %arg2[%dma_start3A_19, %dma_start3A_20] : memref<6144x768xf32, #tpu.memory_space<hbm>> -> memref<6144x768xf32, #tpu.memory_space<hbm>>
    tpu.enqueue_indirect_dma source(%dma_start3A_21 : memref<6144x768xf32, #tpu.memory_space<hbm>>) target(%arg9 : memref<32x768xf32, #tpu.memory_space<vmem>>) offsets(%dma_start3A_18 : memref<32xi32, #tpu.memory_space<vmem>>) semaphore(%arg10 : memref<!tpu.dma_semaphore, #tpu.memory_space<semaphore_mem>>)
    %dma_wait3A = arith.constant 0 : i32
    %dma_wait3A_22 = tpu.memref_slice %arg5[%dma_wait3A] : memref<128xi32, #tpu.memory_space<vmem>> -> memref<32xi32, #tpu.memory_space<vmem>>
    %dma_wait3A_23 = arith.constant 0 : i32
    %dma_wait3A_24 = arith.constant 0 : i32
    %dma_wait3A_25 = tpu.memref_slice %arg2[%dma_wait3A_23, %dma_wait3A_24] : memref<6144x768xf32, #tpu.memory_space<hbm>> -> memref<6144x768xf32, #tpu.memory_space<hbm>>
    tpu.wait_indirect_dma semaphore(%arg10 : memref<!tpu.dma_semaphore, #tpu.memory_space<semaphore_mem>>) src(%dma_wait3A_25 : memref<6144x768xf32, #tpu.memory_space<hbm>>) dst(%arg6 : memref<32x768xf32, #tpu.memory_space<vmem>>)
    %add3A_26 = arith.constant 0 : i32
    %add3A_27 = arith.addi %mul3A_2, %add3A_26 : i32
    %dma_start3A_28 = arith.constant 0 : i32
    %dma_start3A_29 = tpu.memref_slice %arg4[%add3A_27, %dma_start3A_28] : memref<4096x768xf32, #tpu.memory_space<hbm>> -> memref<32x768xf32, #tpu.memory_space<hbm>>
    %dma_start3A_30 = arith.constant 0 : i32
    %dma_start3A_31 = tpu.memref_slice %arg4[%add3A_27, %dma_start3A_30] : memref<4096x768xf32, #tpu.memory_space<hbm>> -> memref<32x768xf32, #tpu.memory_space<hbm>>
    tpu.enqueue_dma source(%arg6 : memref<32x768xf32, #tpu.memory_space<vmem>>) target(%dma_start3A_31 : memref<32x768xf32, #tpu.memory_space<hbm>>) target_semaphore(%arg11 : memref<!tpu.dma_semaphore, #tpu.memory_space<semaphore_mem>>)
    %dma_wait3A_32 = arith.constant 32 : i32
    %dma_wait3A_33 = tpu.memref_slice %arg5[%dma_wait3A_32] : memref<128xi32, #tpu.memory_space<vmem>> -> memref<32xi32, #tpu.memory_space<vmem>>
    %dma_wait3A_34 = arith.constant 0 : i32
    %dma_wait3A_35 = arith.constant 0 : i32
    %dma_wait3A_36 = tpu.memref_slice %arg2[%dma_wait3A_34, %dma_wait3A_35] : memref<6144x768xf32, #tpu.memory_space<hbm>> -> memref<6144x768xf32, #tpu.memory_space<hbm>>
    tpu.wait_indirect_dma semaphore(%arg10 : memref<!tpu.dma_semaphore, #tpu.memory_space<semaphore_mem>>) src(%dma_wait3A_36 : memref<6144x768xf32, #tpu.memory_space<hbm>>) dst(%arg7 : memref<32x768xf32, #tpu.memory_space<vmem>>)
    %add3A_37 = arith.constant 32 : i32
    %add3A_38 = arith.addi %mul3A_2, %add3A_37 : i32
    %dma_start3A_39 = arith.constant 0 : i32
    %dma_start3A_40 = tpu.memref_slice %arg4[%add3A_38, %dma_start3A_39] : memref<4096x768xf32, #tpu.memory_space<hbm>> -> memref<32x768xf32, #tpu.memory_space<hbm>>
    %dma_start3A_41 = arith.constant 0 : i32
    %dma_start3A_42 = tpu.memref_slice %arg4[%add3A_38, %dma_start3A_41] : memref<4096x768xf32, #tpu.memory_space<hbm>> -> memref<32x768xf32, #tpu.memory_space<hbm>>
    tpu.enqueue_dma source(%arg7 : memref<32x768xf32, #tpu.memory_space<vmem>>) target(%dma_start3A_42 : memref<32x768xf32, #tpu.memory_space<hbm>>) target_semaphore(%arg11 : memref<!tpu.dma_semaphore, #tpu.memory_space<semaphore_mem>>)
    %dma_wait3A_43 = arith.constant 64 : i32
    %dma_wait3A_44 = tpu.memref_slice %arg5[%dma_wait3A_43] : memref<128xi32, #tpu.memory_space<vmem>> -> memref<32xi32, #tpu.memory_space<vmem>>
    %dma_wait3A_45 = arith.constant 0 : i32
    %dma_wait3A_46 = arith.constant 0 : i32
    %dma_wait3A_47 = tpu.memref_slice %arg2[%dma_wait3A_45, %dma_wait3A_46] : memref<6144x768xf32, #tpu.memory_space<hbm>> -> memref<6144x768xf32, #tpu.memory_space<hbm>>
    tpu.wait_indirect_dma semaphore(%arg10 : memref<!tpu.dma_semaphore, #tpu.memory_space<semaphore_mem>>) src(%dma_wait3A_47 : memref<6144x768xf32, #tpu.memory_space<hbm>>) dst(%arg8 : memref<32x768xf32, #tpu.memory_space<vmem>>)
    %add3A_48 = arith.constant 64 : i32
    %add3A_49 = arith.addi %mul3A_2, %add3A_48 : i32
    %dma_start3A_50 = arith.constant 0 : i32
    %dma_start3A_51 = tpu.memref_slice %arg4[%add3A_49, %dma_start3A_50] : memref<4096x768xf32, #tpu.memory_space<hbm>> -> memref<32x768xf32, #tpu.memory_space<hbm>>
    %dma_start3A_52 = arith.constant 0 : i32
    %dma_start3A_53 = tpu.memref_slice %arg4[%add3A_49, %dma_start3A_52] : memref<4096x768xf32, #tpu.memory_space<hbm>> -> memref<32x768xf32, #tpu.memory_space<hbm>>
    tpu.enqueue_dma source(%arg8 : memref<32x768xf32, #tpu.memory_space<vmem>>) target(%dma_start3A_53 : memref<32x768xf32, #tpu.memory_space<hbm>>) target_semaphore(%arg11 : memref<!tpu.dma_semaphore, #tpu.memory_space<semaphore_mem>>)
    %dma_wait3A_54 = arith.constant 96 : i32
    %dma_wait3A_55 = tpu.memref_slice %arg5[%dma_wait3A_54] : memref<128xi32, #tpu.memory_space<vmem>> -> memref<32xi32, #tpu.memory_space<vmem>>
    %dma_wait3A_56 = arith.constant 0 : i32
    %dma_wait3A_57 = arith.constant 0 : i32
    %dma_wait3A_58 = tpu.memref_slice %arg2[%dma_wait3A_56, %dma_wait3A_57] : memref<6144x768xf32, #tpu.memory_space<hbm>> -> memref<6144x768xf32, #tpu.memory_space<hbm>>
    tpu.wait_indirect_dma semaphore(%arg10 : memref<!tpu.dma_semaphore, #tpu.memory_space<semaphore_mem>>) src(%dma_wait3A_58 : memref<6144x768xf32, #tpu.memory_space<hbm>>) dst(%arg9 : memref<32x768xf32, #tpu.memory_space<vmem>>)
    %add3A_59 = arith.constant 96 : i32
    %add3A_60 = arith.addi %mul3A_2, %add3A_59 : i32
    %dma_start3A_61 = arith.constant 0 : i32
    %dma_start3A_62 = tpu.memref_slice %arg4[%add3A_60, %dma_start3A_61] : memref<4096x768xf32, #tpu.memory_space<hbm>> -> memref<32x768xf32, #tpu.memory_space<hbm>>
    %dma_start3A_63 = arith.constant 0 : i32
    %dma_start3A_64 = tpu.memref_slice %arg4[%add3A_60, %dma_start3A_63] : memref<4096x768xf32, #tpu.memory_space<hbm>> -> memref<32x768xf32, #tpu.memory_space<hbm>>
    tpu.enqueue_dma source(%arg9 : memref<32x768xf32, #tpu.memory_space<vmem>>) target(%dma_start3A_64 : memref<32x768xf32, #tpu.memory_space<hbm>>) target_semaphore(%arg11 : memref<!tpu.dma_semaphore, #tpu.memory_space<semaphore_mem>>)
    %dma_wait3A_65 = arith.constant 0 : i32
    %dma_wait3A_66 = tpu.memref_slice %arg4[%add3A_27, %dma_wait3A_65] : memref<4096x768xf32, #tpu.memory_space<hbm>> -> memref<32x768xf32, #tpu.memory_space<hbm>>
    %dma_wait3A_67 = arith.constant 0 : i32
    %dma_wait3A_68 = tpu.memref_slice %arg4[%add3A_27, %dma_wait3A_67] : memref<4096x768xf32, #tpu.memory_space<hbm>> -> memref<32x768xf32, #tpu.memory_space<hbm>>
    tpu.wait_dma2 semaphore(%arg11 : memref<!tpu.dma_semaphore, #tpu.memory_space<semaphore_mem>>) src(%arg6 : memref<32x768xf32, #tpu.memory_space<vmem>>) dst(%dma_wait3A_68 : memref<32x768xf32, #tpu.memory_space<hbm>>)
    %dma_wait3A_69 = arith.constant 0 : i32
    %dma_wait3A_70 = tpu.memref_slice %arg4[%add3A_38, %dma_wait3A_69] : memref<4096x768xf32, #tpu.memory_space<hbm>> -> memref<32x768xf32, #tpu.memory_space<hbm>>
    %dma_wait3A_71 = arith.constant 0 : i32
    %dma_wait3A_72 = tpu.memref_slice %arg4[%add3A_38, %dma_wait3A_71] : memref<4096x768xf32, #tpu.memory_space<hbm>> -> memref<32x768xf32, #tpu.memory_space<hbm>>
    tpu.wait_dma2 semaphore(%arg11 : memref<!tpu.dma_semaphore, #tpu.memory_space<semaphore_mem>>) src(%arg7 : memref<32x768xf32, #tpu.memory_space<vmem>>) dst(%dma_wait3A_72 : memref<32x768xf32, #tpu.memory_space<hbm>>)
    %dma_wait3A_73 = arith.constant 0 : i32
    %dma_wait3A_74 = tpu.memref_slice %arg4[%add3A_49, %dma_wait3A_73] : memref<4096x768xf32, #tpu.memory_space<hbm>> -> memref<32x768xf32, #tpu.memory_space<hbm>>
    %dma_wait3A_75 = arith.constant 0 : i32
    %dma_wait3A_76 = tpu.memref_slice %arg4[%add3A_49, %dma_wait3A_75] : memref<4096x768xf32, #tpu.memory_space<hbm>> -> memref<32x768xf32, #tpu.memory_space<hbm>>
    tpu.wait_dma2 semaphore(%arg11 : memref<!tpu.dma_semaphore, #tpu.memory_space<semaphore_mem>>) src(%arg8 : memref<32x768xf32, #tpu.memory_space<vmem>>) dst(%dma_wait3A_76 : memref<32x768xf32, #tpu.memory_space<hbm>>)
    %dma_wait3A_77 = arith.constant 0 : i32
    %dma_wait3A_78 = tpu.memref_slice %arg4[%add3A_60, %dma_wait3A_77] : memref<4096x768xf32, #tpu.memory_space<hbm>> -> memref<32x768xf32, #tpu.memory_space<hbm>>
    %dma_wait3A_79 = arith.constant 0 : i32
    %dma_wait3A_80 = tpu.memref_slice %arg4[%add3A_60, %dma_wait3A_79] : memref<4096x768xf32, #tpu.memory_space<hbm>> -> memref<32x768xf32, #tpu.memory_space<hbm>>
    tpu.wait_dma2 semaphore(%arg11 : memref<!tpu.dma_semaphore, #tpu.memory_space<semaphore_mem>>) src(%arg9 : memref<32x768xf32, #tpu.memory_space<vmem>>) dst(%dma_wait3A_80 : memref<32x768xf32, #tpu.memory_space<hbm>>)
    return
  }
}

#map = affine_map<(d0, d1) -> (0)>
module attributes {stable_mosaic.version = 14 : i64} {
  func.func @route(%arg0: i32, %arg1: i32, %arg2: memref<4096xi32, #tpu.memory_space<hbm>>, %arg3: memref<4096xi32, #tpu.memory_space<hbm>>, %arg4: memref<4096xf32, #tpu.memory_space<hbm>>, %arg5: memref<16xi32, #tpu.memory_space<hbm>>, %arg6: memref<6144xi32, #tpu.memory_space<hbm>>, %arg7: memref<4096xi32, #tpu.memory_space<hbm>>, %arg8: memref<32xi32, #tpu.memory_space<hbm>>, %arg9: memref<6144xf32, #tpu.memory_space<hbm>>, %arg10: memref<4096xi32, #tpu.memory_space<vmem>>, %arg11: memref<4096xi32, #tpu.memory_space<vmem>>, %arg12: memref<4096xf32, #tpu.memory_space<vmem>>, %arg13: memref<16xi32, #tpu.memory_space<vmem>>, %arg14: memref<16xi32, #tpu.memory_space<vmem>>, %arg15: memref<6144xi32, #tpu.memory_space<vmem>>, %arg16: memref<4096xi32, #tpu.memory_space<vmem>>, %arg17: memref<32xi32, #tpu.memory_space<vmem>>, %arg18: memref<6144xf32, #tpu.memory_space<vmem>>) attributes {dimension_semantics = [#tpu.dimension_semantics<core_parallel>, #tpu.dimension_semantics<subcore_parallel>], iteration_bounds = array<i64: 2, 16>, scalar_prefetch = 0 : i64, scratch_operands = 9 : i64, tpu.core_type = #tpu.core_type<sc_vector_subcore>, window_params = [{transform_indices = #map}, {transform_indices = #map}, {transform_indices = #map}, {transform_indices = #map}, {transform_indices = #map}, {transform_indices = #map}, {transform_indices = #map}, {transform_indices = #map}]} {
    %mul3A = arith.constant 2 : i32
    %mul3A_0 = arith.muli %arg1, %mul3A : i32
    %add3A = arith.addi %mul3A_0, %arg0 : i32
    %eq3A = arith.constant 0 : i32
    %eq3A_1 = arith.cmpi eq, %add3A, %eq3A : i32
    %convert_element_type3A = arith.extui %eq3A_1 : i1 to i32
    %cond3A = arith.constant 0 : i32
    %cond3A_2 = arith.cmpi ne, %convert_element_type3A, %cond3A : i32
    scf.if %cond3A_2 {
      "tpu.region"() ({
        %run_scoped3A = tpu.sem_alloc : memref<!tpu.dma_semaphore, #tpu.memory_space<semaphore_mem>>
        tpu.enqueue_dma source(%arg2 : memref<4096xi32, #tpu.memory_space<hbm>>) target(%arg10 : memref<4096xi32, #tpu.memory_space<vmem>>) target_semaphore(%run_scoped3A : memref<!tpu.dma_semaphore, #tpu.memory_space<semaphore_mem>>)
        tpu.wait_dma2 semaphore(%run_scoped3A : memref<!tpu.dma_semaphore, #tpu.memory_space<semaphore_mem>>) src(%arg2 : memref<4096xi32, #tpu.memory_space<hbm>>) dst(%arg10 : memref<4096xi32, #tpu.memory_space<vmem>>)
        tpu.yield
      }) : () -> ()
      "tpu.region"() ({
        %run_scoped3A = tpu.sem_alloc : memref<!tpu.dma_semaphore, #tpu.memory_space<semaphore_mem>>
        tpu.enqueue_dma source(%arg3 : memref<4096xi32, #tpu.memory_space<hbm>>) target(%arg11 : memref<4096xi32, #tpu.memory_space<vmem>>) target_semaphore(%run_scoped3A : memref<!tpu.dma_semaphore, #tpu.memory_space<semaphore_mem>>)
        tpu.wait_dma2 semaphore(%run_scoped3A : memref<!tpu.dma_semaphore, #tpu.memory_space<semaphore_mem>>) src(%arg3 : memref<4096xi32, #tpu.memory_space<hbm>>) dst(%arg11 : memref<4096xi32, #tpu.memory_space<vmem>>)
        tpu.yield
      }) : () -> ()
      "tpu.region"() ({
        %run_scoped3A = tpu.sem_alloc : memref<!tpu.dma_semaphore, #tpu.memory_space<semaphore_mem>>
        tpu.enqueue_dma source(%arg4 : memref<4096xf32, #tpu.memory_space<hbm>>) target(%arg12 : memref<4096xf32, #tpu.memory_space<vmem>>) target_semaphore(%run_scoped3A : memref<!tpu.dma_semaphore, #tpu.memory_space<semaphore_mem>>)
        tpu.wait_dma2 semaphore(%run_scoped3A : memref<!tpu.dma_semaphore, #tpu.memory_space<semaphore_mem>>) src(%arg4 : memref<4096xf32, #tpu.memory_space<hbm>>) dst(%arg12 : memref<4096xf32, #tpu.memory_space<vmem>>)
        tpu.yield
      }) : () -> ()
      "tpu.region"() ({
        %run_scoped3A = tpu.sem_alloc : memref<!tpu.dma_semaphore, #tpu.memory_space<semaphore_mem>>
        tpu.enqueue_dma source(%arg5 : memref<16xi32, #tpu.memory_space<hbm>>) target(%arg13 : memref<16xi32, #tpu.memory_space<vmem>>) target_semaphore(%run_scoped3A : memref<!tpu.dma_semaphore, #tpu.memory_space<semaphore_mem>>)
        tpu.wait_dma2 semaphore(%run_scoped3A : memref<!tpu.dma_semaphore, #tpu.memory_space<semaphore_mem>>) src(%arg5 : memref<16xi32, #tpu.memory_space<hbm>>) dst(%arg13 : memref<16xi32, #tpu.memory_space<vmem>>)
        tpu.yield
      }) : () -> ()
      %get3A = arith.constant 0 : index
      %get3A_3 = tpu.vector_load %arg13[%get3A] {strides = array<i32>} : memref<16xi32, #tpu.memory_space<vmem>>, vector<16xi32>,
      %add3A_4 = arith.constant 255 : i32
      %add3A_5 = vector.broadcast %add3A_4 : i32 to vector<16xi32>
      %add3A_6 = arith.addi %get3A_3, %add3A_5 : vector<16xi32>
      %shift_right_logical3A = arith.constant 8 : i32
      %shift_right_logical3A_7 = vector.broadcast %shift_right_logical3A : i32 to vector<16xi32>
      %shift_right_logical3A_8 = arith.shrui %add3A_6, %shift_right_logical3A_7 : vector<16xi32>
      %reduce_sum3A = arith.constant true
      %reduce_sum3A_9 = vector.broadcast %reduce_sum3A : i1 to vector<16xi1>
      %reduce_sum3A_10 = tpu.scan <sum>, %shift_right_logical3A_8 masked %reduce_sum3A_9 : vector<16xi32>, vector<16xi1> -> vector<16xi32>
      %reduce_sum3A_11 = vector.extract %reduce_sum3A_10[15] : i32 from vector<16xi32>
      %broadcast_in_dim3A = arith.constant true
      %broadcast_in_dim3A_12 = vector.broadcast %broadcast_in_dim3A : i1 to vector<16xi1>
      %masked_cumsum3A = tpu.scan <sum>, %shift_right_logical3A_8 masked %broadcast_in_dim3A_12 : vector<16xi32>, vector<16xi1> -> vector<16xi32>
      %sub3A = arith.subi %masked_cumsum3A, %shift_right_logical3A_8 : vector<16xi32>
      %swap3A = arith.constant 0 : index
      %swap3A_13 = tpu.vector_load %arg14[%swap3A] {strides = array<i32>} : memref<16xi32, #tpu.memory_space<vmem>>, vector<16xi32>,
      tpu.vector_store %arg14[%swap3A], %sub3A {strides = array<i32>} : memref<16xi32, #tpu.memory_space<vmem>>, vector<16xi32>,
      %broadcast_in_dim3A_14 = arith.constant 0 : i32
      %broadcast_in_dim3A_15 = vector.broadcast %broadcast_in_dim3A_14 : i32 to vector<16xi32>
      %swap3A_16 = arith.constant 0 : index
      %swap3A_17 = tpu.vector_load %arg17[%swap3A_16] {strides = array<i32>} : memref<32xi32, #tpu.memory_space<vmem>>, vector<16xi32>,
      tpu.vector_store %arg17[%swap3A_16], %broadcast_in_dim3A_15 {strides = array<i32>} : memref<32xi32, #tpu.memory_space<vmem>>, vector<16xi32>,
      %broadcast_in_dim3A_18 = arith.constant 0 : i32
      %broadcast_in_dim3A_19 = vector.broadcast %broadcast_in_dim3A_18 : i32 to vector<16xi32>
      %swap3A_20 = arith.constant 16 : index
      %swap3A_21 = tpu.vector_load %arg17[%swap3A_20] {strides = array<i32>} : memref<32xi32, #tpu.memory_space<vmem>>, vector<16xi32>,
      tpu.vector_store %arg17[%swap3A_20], %broadcast_in_dim3A_19 {strides = array<i32>} : memref<32xi32, #tpu.memory_space<vmem>>, vector<16xi32>,
      %iota3A = tpu.iota {dimensions = array<i32: 0>} : vector<16xi32>
      %ge3A = arith.constant 1 : i32
      %ge3A_22 = vector.broadcast %ge3A : i32 to vector<16xi32>
      %ge3A_23 = arith.cmpi sge, %iota3A, %ge3A_22 : vector<16xi32>
      %lt3A = arith.constant 8 : i32
      %lt3A_24 = vector.broadcast %lt3A : i32 to vector<16xi32>
      %lt3A_25 = arith.cmpi slt, %iota3A, %lt3A_24 : vector<16xi32>
      %and3A = arith.andi %ge3A_23, %lt3A_25 : vector<16xi1>
      %broadcast_in_dim3A_26 = arith.constant 1 : i32
      %broadcast_in_dim3A_27 = vector.broadcast %broadcast_in_dim3A_26 : i32 to vector<16xi32>
      tpu.vector_store_idx %arg17[%sub3A], %broadcast_in_dim3A_27 masked %and3A {add = true} : memref<32xi32, #tpu.memory_space<vmem>>[vector<16xi32>], vector<16xi32>, vector<16xi1>
      %get3A_28 = arith.constant 0 : index
      %get3A_29 = tpu.vector_load %arg17[%get3A_28] {strides = array<i32>} : memref<32xi32, #tpu.memory_space<vmem>>, vector<16xi32>,
      %get3A_30 = arith.constant 16 : index
      %get3A_31 = tpu.vector_load %arg17[%get3A_30] {strides = array<i32>} : memref<32xi32, #tpu.memory_space<vmem>>, vector<16xi32>,
      %ge3A_32 = vector.broadcast %reduce_sum3A_11 : i32 to vector<16xi32>
      %ge3A_33 = arith.cmpi sge, %iota3A, %ge3A_32 : vector<16xi32>
      %broadcast_in_dim3A_34 = arith.constant true
      %broadcast_in_dim3A_35 = vector.broadcast %broadcast_in_dim3A_34 : i1 to vector<16xi1>
      %masked_cumsum3A_36 = tpu.scan <sum>, %get3A_29 masked %broadcast_in_dim3A_35 : vector<16xi32>, vector<16xi1> -> vector<16xi32>
      %jit3A = arith.constant -1 : i32
      %broadcast_in_dim3A_37 = vector.broadcast %jit3A : i32 to vector<16xi32>
      %select_n3A = arith.select %ge3A_33, %broadcast_in_dim3A_37, %masked_cumsum3A_36 : vector<16xi1>, vector<16xi32>
      %swap3A_38 = arith.constant 0 : index
      %swap3A_39 = tpu.vector_load %arg17[%swap3A_38] {strides = array<i32>} : memref<32xi32, #tpu.memory_space<vmem>>, vector<16xi32>,
      tpu.vector_store %arg17[%swap3A_38], %select_n3A {strides = array<i32>} : memref<32xi32, #tpu.memory_space<vmem>>, vector<16xi32>,
      %add3A_40 = arith.constant 16 : i32
      %add3A_41 = vector.broadcast %add3A_40 : i32 to vector<16xi32>
      %add3A_42 = arith.addi %iota3A, %add3A_41 : vector<16xi32>
      %ge3A_43 = vector.broadcast %reduce_sum3A_11 : i32 to vector<16xi32>
      %ge3A_44 = arith.cmpi sge, %add3A_42, %ge3A_43 : vector<16xi32>
      %broadcast_in_dim3A_45 = arith.constant true
      %broadcast_in_dim3A_46 = vector.broadcast %broadcast_in_dim3A_45 : i1 to vector<16xi1>
      %masked_cumsum3A_47 = tpu.scan <sum>, %get3A_31 masked %broadcast_in_dim3A_46 : vector<16xi32>, vector<16xi1> -> vector<16xi32>
      %reduce_sum3A_48 = arith.constant true
      %reduce_sum3A_49 = vector.broadcast %reduce_sum3A_48 : i1 to vector<16xi1>
      %reduce_sum3A_50 = tpu.scan <sum>, %get3A_29 masked %reduce_sum3A_49 : vector<16xi32>, vector<16xi1> -> vector<16xi32>
      %reduce_sum3A_51 = vector.extract %reduce_sum3A_50[15] : i32 from vector<16xi32>
      %add3A_52 = vector.broadcast %reduce_sum3A_51 : i32 to vector<16xi32>
      %add3A_53 = arith.addi %masked_cumsum3A_47, %add3A_52 : vector<16xi32>
      %jit3A_54 = arith.constant -1 : i32
      %broadcast_in_dim3A_55 = vector.broadcast %jit3A_54 : i32 to vector<16xi32>
      %select_n3A_56 = arith.select %ge3A_44, %broadcast_in_dim3A_55, %add3A_53 : vector<16xi1>, vector<16xi32>
      %swap3A_57 = arith.constant 16 : index
      %swap3A_58 = tpu.vector_load %arg17[%swap3A_57] {strides = array<i32>} : memref<32xi32, #tpu.memory_space<vmem>>, vector<16xi32>,
      tpu.vector_store %arg17[%swap3A_57], %select_n3A_56 {strides = array<i32>} : memref<32xi32, #tpu.memory_space<vmem>>, vector<16xi32>,
      %scan3A = arith.constant 0 : i32
      %scan3A_59 = arith.constant 0 : i32
      %scan3A_60 = arith.constant 384 : i32
      %scan3A_61 = arith.addi %scan3A_59, %scan3A_60 : i32
      %scan3A_62 = arith.constant 1 : i32
      %scan3A_63 = scf.for %scan3A_73 = %scan3A_59 to %scan3A_61 step %scan3A_62 iter_args(%scan3A_74 = %scan3A) -> (i32)  : i32 {
        %broadcast_in_dim3A_75 = arith.constant 0 : i32
        %broadcast_in_dim3A_76 = vector.broadcast %broadcast_in_dim3A_75 : i32 to vector<16xi32>
        %mul3A_77 = arith.constant 16 : i32
        %mul3A_78 = arith.muli %scan3A_73, %mul3A_77 : i32
        %swap3A_79 = arith.index_cast %mul3A_78 : i32 to index
        %swap3A_80 = tpu.vector_load %arg15[%swap3A_79] {strides = array<i32>} : memref<6144xi32, #tpu.memory_space<vmem>>, vector<16xi32>,
        tpu.vector_store %arg15[%swap3A_79], %broadcast_in_dim3A_76 {strides = array<i32>} : memref<6144xi32, #tpu.memory_space<vmem>>, vector<16xi32>,
        %broadcast_in_dim3A_81 = arith.constant 0.000000e+00 : f32
        %broadcast_in_dim3A_82 = vector.broadcast %broadcast_in_dim3A_81 : f32 to vector<16xf32>
        %mul3A_83 = arith.constant 16 : i32
        %mul3A_84 = arith.muli %scan3A_73, %mul3A_83 : i32
        %swap3A_85 = arith.index_cast %mul3A_84 : i32 to index
        %swap3A_86 = tpu.vector_load %arg18[%swap3A_85] {strides = array<i32>} : memref<6144xf32, #tpu.memory_space<vmem>>, vector<16xf32>,
        tpu.vector_store %arg18[%swap3A_85], %broadcast_in_dim3A_82 {strides = array<i32>} : memref<6144xf32, #tpu.memory_space<vmem>>, vector<16xf32>,
        %scan3A_87 = arith.constant 0 : i32
        scf.yield %scan3A_87 : i32
      }
      %scan3A_64 = arith.constant 384 : i32
      %scan3A_65 = arith.constant 2047 : i32
      %scan3A_66 = arith.constant 0 : i32
      %scan3A_67 = arith.constant 0 : i32
      %scan3A_68 = arith.constant 256 : i32
      %scan3A_69 = arith.addi %scan3A_67, %scan3A_68 : i32
      %scan3A_70 = arith.constant 1 : i32
      %scan3A_71 = scf.for %scan3A_73 = %scan3A_67 to %scan3A_69 step %scan3A_70 iter_args(%scan3A_74 = %scan3A_66) -> (i32)  : i32 {
        %mul3A_75 = arith.constant 16 : i32
        %mul3A_76 = arith.muli %scan3A_73, %mul3A_75 : i32
        %get3A_77 = arith.index_cast %mul3A_76 : i32 to index
        %get3A_78 = tpu.vector_load %arg10[%get3A_77] {strides = array<i32>} : memref<4096xi32, #tpu.memory_space<vmem>>, vector<16xi32>,
        %get3A_79 = arith.index_cast %mul3A_76 : i32 to index
        %get3A_80 = tpu.vector_load %arg11[%get3A_79] {strides = array<i32>} : memref<4096xi32, #tpu.memory_space<vmem>>, vector<16xi32>,
        %get3A_81 = arith.index_cast %mul3A_76 : i32 to index
        %get3A_82 = tpu.vector_load %arg12[%get3A_81] {strides = array<i32>} : memref<4096xf32, #tpu.memory_space<vmem>>, vector<16xf32>,
        %gather3A = tpu.vector_load_idx %arg14[%get3A_78] : memref<16xi32, #tpu.memory_space<vmem>>[vector<16xi32>], vector<16xi32>,
        %mul3A_83 = arith.constant 256 : i32
        %mul3A_84 = vector.broadcast %mul3A_83 : i32 to vector<16xi32>
        %mul3A_85 = arith.muli %gather3A, %mul3A_84 : vector<16xi32>
        %add3A_86 = arith.addi %mul3A_85, %get3A_80 : vector<16xi32>
        %iota3A_87 = tpu.iota {dimensions = array<i32: 0>} : vector<16xi32>
        %add3A_88 = vector.broadcast %mul3A_76 : i32 to vector<16xi32>
        %add3A_89 = arith.addi %add3A_88, %iota3A_87 : vector<16xi32>
        %and3A_90 = vector.broadcast %scan3A_65 : i32 to vector<16xi32>
        %and3A_91 = arith.andi %add3A_89, %and3A_90 : vector<16xi32>
        tpu.vector_store_idx %arg15[%add3A_86], %and3A_91 : memref<6144xi32, #tpu.memory_space<vmem>>[vector<16xi32>], vector<16xi32>,
        tpu.vector_store_idx %arg18[%add3A_86], %get3A_82 : memref<6144xf32, #tpu.memory_space<vmem>>[vector<16xi32>], vector<16xf32>,
        %swap3A_92 = arith.index_cast %mul3A_76 : i32 to index
        %swap3A_93 = tpu.vector_load %arg16[%swap3A_92] {strides = array<i32>} : memref<4096xi32, #tpu.memory_space<vmem>>, vector<16xi32>,
        tpu.vector_store %arg16[%swap3A_92], %add3A_86 {strides = array<i32>} : memref<4096xi32, #tpu.memory_space<vmem>>, vector<16xi32>,
        %scan3A_94 = arith.constant 0 : i32
        scf.yield %scan3A_94 : i32
      }
      %scan3A_72 = arith.constant 256 : i32
      "tpu.region"() ({
        %run_scoped3A = tpu.sem_alloc : memref<!tpu.dma_semaphore, #tpu.memory_space<semaphore_mem>>
        tpu.enqueue_dma source(%arg15 : memref<6144xi32, #tpu.memory_space<vmem>>) target(%arg6 : memref<6144xi32, #tpu.memory_space<hbm>>) target_semaphore(%run_scoped3A : memref<!tpu.dma_semaphore, #tpu.memory_space<semaphore_mem>>)
        tpu.wait_dma2 semaphore(%run_scoped3A : memref<!tpu.dma_semaphore, #tpu.memory_space<semaphore_mem>>) src(%arg15 : memref<6144xi32, #tpu.memory_space<vmem>>) dst(%arg6 : memref<6144xi32, #tpu.memory_space<hbm>>)
        tpu.yield
      }) : () -> ()
      "tpu.region"() ({
        %run_scoped3A = tpu.sem_alloc : memref<!tpu.dma_semaphore, #tpu.memory_space<semaphore_mem>>
        tpu.enqueue_dma source(%arg16 : memref<4096xi32, #tpu.memory_space<vmem>>) target(%arg7 : memref<4096xi32, #tpu.memory_space<hbm>>) target_semaphore(%run_scoped3A : memref<!tpu.dma_semaphore, #tpu.memory_space<semaphore_mem>>)
        tpu.wait_dma2 semaphore(%run_scoped3A : memref<!tpu.dma_semaphore, #tpu.memory_space<semaphore_mem>>) src(%arg16 : memref<4096xi32, #tpu.memory_space<vmem>>) dst(%arg7 : memref<4096xi32, #tpu.memory_space<hbm>>)
        tpu.yield
      }) : () -> ()
      "tpu.region"() ({
        %run_scoped3A = tpu.sem_alloc : memref<!tpu.dma_semaphore, #tpu.memory_space<semaphore_mem>>
        tpu.enqueue_dma source(%arg17 : memref<32xi32, #tpu.memory_space<vmem>>) target(%arg8 : memref<32xi32, #tpu.memory_space<hbm>>) target_semaphore(%run_scoped3A : memref<!tpu.dma_semaphore, #tpu.memory_space<semaphore_mem>>)
        tpu.wait_dma2 semaphore(%run_scoped3A : memref<!tpu.dma_semaphore, #tpu.memory_space<semaphore_mem>>) src(%arg17 : memref<32xi32, #tpu.memory_space<vmem>>) dst(%arg8 : memref<32xi32, #tpu.memory_space<hbm>>)
        tpu.yield
      }) : () -> ()
      "tpu.region"() ({
        %run_scoped3A = tpu.sem_alloc : memref<!tpu.dma_semaphore, #tpu.memory_space<semaphore_mem>>
        tpu.enqueue_dma source(%arg18 : memref<6144xf32, #tpu.memory_space<vmem>>) target(%arg9 : memref<6144xf32, #tpu.memory_space<hbm>>) target_semaphore(%run_scoped3A : memref<!tpu.dma_semaphore, #tpu.memory_space<semaphore_mem>>)
        tpu.wait_dma2 semaphore(%run_scoped3A : memref<!tpu.dma_semaphore, #tpu.memory_space<semaphore_mem>>) src(%arg18 : memref<6144xf32, #tpu.memory_space<vmem>>) dst(%arg9 : memref<6144xf32, #tpu.memory_space<hbm>>)
        tpu.yield
      }) : () -> ()
    } else {
    }
    return
  }
}

#map = affine_map<(d0, d1) -> (0)>
module attributes {stable_mosaic.version = 14 : i64} {
  func.func @route(%arg0: i32, %arg1: i32, %arg2: memref<4096xi32, #tpu.memory_space<hbm>>, %arg3: memref<4096xi32, #tpu.memory_space<hbm>>, %arg4: memref<4096xf32, #tpu.memory_space<hbm>>, %arg5: memref<16xi32, #tpu.memory_space<hbm>>, %arg6: memref<6144xi32, #tpu.memory_space<hbm>>, %arg7: memref<4096xi32, #tpu.memory_space<hbm>>, %arg8: memref<32xi32, #tpu.memory_space<hbm>>, %arg9: memref<6144xf32, #tpu.memory_space<hbm>>, %arg10: memref<4096xi32, #tpu.memory_space<vmem>>, %arg11: memref<4096xi32, #tpu.memory_space<vmem>>, %arg12: memref<4096xf32, #tpu.memory_space<vmem>>, %arg13: memref<16xi32, #tpu.memory_space<vmem>>, %arg14: memref<16xi32, #tpu.memory_space<vmem>>, %arg15: memref<6144xi32, #tpu.memory_space<vmem>>, %arg16: memref<4096xi32, #tpu.memory_space<vmem>>, %arg17: memref<32xi32, #tpu.memory_space<vmem>>, %arg18: memref<6144xf32, #tpu.memory_space<vmem>>) attributes {dimension_semantics = [#tpu.dimension_semantics<core_parallel>, #tpu.dimension_semantics<subcore_parallel>], iteration_bounds = array<i64: 2, 16>, scalar_prefetch = 0 : i64, scratch_operands = 9 : i64, tpu.core_type = #tpu.core_type<sc_vector_subcore>, window_params = [{transform_indices = #map}, {transform_indices = #map}, {transform_indices = #map}, {transform_indices = #map}, {transform_indices = #map}, {transform_indices = #map}, {transform_indices = #map}, {transform_indices = #map}]} {
    %mul3A = arith.constant 2 : i32
    %mul3A_0 = arith.muli %arg1, %mul3A : i32
    %add3A = arith.addi %mul3A_0, %arg0 : i32
    %eq3A = arith.constant 0 : i32
    %eq3A_1 = arith.cmpi eq, %add3A, %eq3A : i32
    %convert_element_type3A = arith.extui %eq3A_1 : i1 to i32
    %cond3A = arith.constant 0 : i32
    %cond3A_2 = arith.cmpi ne, %convert_element_type3A, %cond3A : i32
    scf.if %cond3A_2 {
      "tpu.region"() ({
        %run_scoped3A = tpu.sem_alloc : memref<!tpu.dma_semaphore, #tpu.memory_space<semaphore_mem>>
        tpu.enqueue_dma source(%arg2 : memref<4096xi32, #tpu.memory_space<hbm>>) target(%arg10 : memref<4096xi32, #tpu.memory_space<vmem>>) target_semaphore(%run_scoped3A : memref<!tpu.dma_semaphore, #tpu.memory_space<semaphore_mem>>)
        tpu.wait_dma2 semaphore(%run_scoped3A : memref<!tpu.dma_semaphore, #tpu.memory_space<semaphore_mem>>) src(%arg2 : memref<4096xi32, #tpu.memory_space<hbm>>) dst(%arg10 : memref<4096xi32, #tpu.memory_space<vmem>>)
        tpu.yield
      }) : () -> ()
      "tpu.region"() ({
        %run_scoped3A = tpu.sem_alloc : memref<!tpu.dma_semaphore, #tpu.memory_space<semaphore_mem>>
        tpu.enqueue_dma source(%arg3 : memref<4096xi32, #tpu.memory_space<hbm>>) target(%arg11 : memref<4096xi32, #tpu.memory_space<vmem>>) target_semaphore(%run_scoped3A : memref<!tpu.dma_semaphore, #tpu.memory_space<semaphore_mem>>)
        tpu.wait_dma2 semaphore(%run_scoped3A : memref<!tpu.dma_semaphore, #tpu.memory_space<semaphore_mem>>) src(%arg3 : memref<4096xi32, #tpu.memory_space<hbm>>) dst(%arg11 : memref<4096xi32, #tpu.memory_space<vmem>>)
        tpu.yield
      }) : () -> ()
      "tpu.region"() ({
        %run_scoped3A = tpu.sem_alloc : memref<!tpu.dma_semaphore, #tpu.memory_space<semaphore_mem>>
        tpu.enqueue_dma source(%arg4 : memref<4096xf32, #tpu.memory_space<hbm>>) target(%arg12 : memref<4096xf32, #tpu.memory_space<vmem>>) target_semaphore(%run_scoped3A : memref<!tpu.dma_semaphore, #tpu.memory_space<semaphore_mem>>)
        tpu.wait_dma2 semaphore(%run_scoped3A : memref<!tpu.dma_semaphore, #tpu.memory_space<semaphore_mem>>) src(%arg4 : memref<4096xf32, #tpu.memory_space<hbm>>) dst(%arg12 : memref<4096xf32, #tpu.memory_space<vmem>>)
        tpu.yield
      }) : () -> ()
      "tpu.region"() ({
        %run_scoped3A = tpu.sem_alloc : memref<!tpu.dma_semaphore, #tpu.memory_space<semaphore_mem>>
        tpu.enqueue_dma source(%arg5 : memref<16xi32, #tpu.memory_space<hbm>>) target(%arg13 : memref<16xi32, #tpu.memory_space<vmem>>) target_semaphore(%run_scoped3A : memref<!tpu.dma_semaphore, #tpu.memory_space<semaphore_mem>>)
        tpu.wait_dma2 semaphore(%run_scoped3A : memref<!tpu.dma_semaphore, #tpu.memory_space<semaphore_mem>>) src(%arg5 : memref<16xi32, #tpu.memory_space<hbm>>) dst(%arg13 : memref<16xi32, #tpu.memory_space<vmem>>)
        tpu.yield
      }) : () -> ()
      %get3A = arith.constant 0 : index
      %get3A_3 = tpu.vector_load %arg13[%get3A] {strides = array<i32>} : memref<16xi32, #tpu.memory_space<vmem>>, vector<16xi32>,
      %add3A_4 = arith.constant 255 : i32
      %add3A_5 = vector.broadcast %add3A_4 : i32 to vector<16xi32>
      %add3A_6 = arith.addi %get3A_3, %add3A_5 : vector<16xi32>
      %shift_right_logical3A = arith.constant 8 : i32
      %shift_right_logical3A_7 = vector.broadcast %shift_right_logical3A : i32 to vector<16xi32>
      %shift_right_logical3A_8 = arith.shrui %add3A_6, %shift_right_logical3A_7 : vector<16xi32>
      %reduce_sum3A = arith.constant true
      %reduce_sum3A_9 = vector.broadcast %reduce_sum3A : i1 to vector<16xi1>
      %reduce_sum3A_10 = tpu.scan <sum>, %shift_right_logical3A_8 masked %reduce_sum3A_9 : vector<16xi32>, vector<16xi1> -> vector<16xi32>
      %reduce_sum3A_11 = vector.extract %reduce_sum3A_10[15] : i32 from vector<16xi32>
      %broadcast_in_dim3A = arith.constant true
      %broadcast_in_dim3A_12 = vector.broadcast %broadcast_in_dim3A : i1 to vector<16xi1>
      %masked_cumsum3A = tpu.scan <sum>, %shift_right_logical3A_8 masked %broadcast_in_dim3A_12 : vector<16xi32>, vector<16xi1> -> vector<16xi32>
      %sub3A = arith.subi %masked_cumsum3A, %shift_right_logical3A_8 : vector<16xi32>
      %swap3A = arith.constant 0 : index
      %swap3A_13 = tpu.vector_load %arg14[%swap3A] {strides = array<i32>} : memref<16xi32, #tpu.memory_space<vmem>>, vector<16xi32>,
      tpu.vector_store %arg14[%swap3A], %sub3A {strides = array<i32>} : memref<16xi32, #tpu.memory_space<vmem>>, vector<16xi32>,
      %broadcast_in_dim3A_14 = arith.constant 0 : i32
      %broadcast_in_dim3A_15 = vector.broadcast %broadcast_in_dim3A_14 : i32 to vector<16xi32>
      %swap3A_16 = arith.constant 0 : index
      %swap3A_17 = tpu.vector_load %arg17[%swap3A_16] {strides = array<i32>} : memref<32xi32, #tpu.memory_space<vmem>>, vector<16xi32>,
      tpu.vector_store %arg17[%swap3A_16], %broadcast_in_dim3A_15 {strides = array<i32>} : memref<32xi32, #tpu.memory_space<vmem>>, vector<16xi32>,
      %broadcast_in_dim3A_18 = arith.constant 0 : i32
      %broadcast_in_dim3A_19 = vector.broadcast %broadcast_in_dim3A_18 : i32 to vector<16xi32>
      %swap3A_20 = arith.constant 16 : index
      %swap3A_21 = tpu.vector_load %arg17[%swap3A_20] {strides = array<i32>} : memref<32xi32, #tpu.memory_space<vmem>>, vector<16xi32>,
      tpu.vector_store %arg17[%swap3A_20], %broadcast_in_dim3A_19 {strides = array<i32>} : memref<32xi32, #tpu.memory_space<vmem>>, vector<16xi32>,
      %iota3A = tpu.iota {dimensions = array<i32: 0>} : vector<16xi32>
      %ge3A = arith.constant 1 : i32
      %ge3A_22 = vector.broadcast %ge3A : i32 to vector<16xi32>
      %ge3A_23 = arith.cmpi sge, %iota3A, %ge3A_22 : vector<16xi32>
      %lt3A = arith.constant 8 : i32
      %lt3A_24 = vector.broadcast %lt3A : i32 to vector<16xi32>
      %lt3A_25 = arith.cmpi slt, %iota3A, %lt3A_24 : vector<16xi32>
      %and3A = arith.andi %ge3A_23, %lt3A_25 : vector<16xi1>
      %broadcast_in_dim3A_26 = arith.constant 1 : i32
      %broadcast_in_dim3A_27 = vector.broadcast %broadcast_in_dim3A_26 : i32 to vector<16xi32>
      tpu.vector_store_idx %arg17[%sub3A], %broadcast_in_dim3A_27 masked %and3A {add = true} : memref<32xi32, #tpu.memory_space<vmem>>[vector<16xi32>], vector<16xi32>, vector<16xi1>
      %get3A_28 = arith.constant 0 : index
      %get3A_29 = tpu.vector_load %arg17[%get3A_28] {strides = array<i32>} : memref<32xi32, #tpu.memory_space<vmem>>, vector<16xi32>,
      %get3A_30 = arith.constant 16 : index
      %get3A_31 = tpu.vector_load %arg17[%get3A_30] {strides = array<i32>} : memref<32xi32, #tpu.memory_space<vmem>>, vector<16xi32>,
      %ge3A_32 = vector.broadcast %reduce_sum3A_11 : i32 to vector<16xi32>
      %ge3A_33 = arith.cmpi sge, %iota3A, %ge3A_32 : vector<16xi32>
      %broadcast_in_dim3A_34 = arith.constant true
      %broadcast_in_dim3A_35 = vector.broadcast %broadcast_in_dim3A_34 : i1 to vector<16xi1>
      %masked_cumsum3A_36 = tpu.scan <sum>, %get3A_29 masked %broadcast_in_dim3A_35 : vector<16xi32>, vector<16xi1> -> vector<16xi32>
      %jit3A = arith.constant -1 : i32
      %broadcast_in_dim3A_37 = vector.broadcast %jit3A : i32 to vector<16xi32>
      %select_n3A = arith.select %ge3A_33, %broadcast_in_dim3A_37, %masked_cumsum3A_36 : vector<16xi1>, vector<16xi32>
      %swap3A_38 = arith.constant 0 : index
      %swap3A_39 = tpu.vector_load %arg17[%swap3A_38] {strides = array<i32>} : memref<32xi32, #tpu.memory_space<vmem>>, vector<16xi32>,
      tpu.vector_store %arg17[%swap3A_38], %select_n3A {strides = array<i32>} : memref<32xi32, #tpu.memory_space<vmem>>, vector<16xi32>,
      %add3A_40 = arith.constant 16 : i32
      %add3A_41 = vector.broadcast %add3A_40 : i32 to vector<16xi32>
      %add3A_42 = arith.addi %iota3A, %add3A_41 : vector<16xi32>
      %ge3A_43 = vector.broadcast %reduce_sum3A_11 : i32 to vector<16xi32>
      %ge3A_44 = arith.cmpi sge, %add3A_42, %ge3A_43 : vector<16xi32>
      %broadcast_in_dim3A_45 = arith.constant true
      %broadcast_in_dim3A_46 = vector.broadcast %broadcast_in_dim3A_45 : i1 to vector<16xi1>
      %masked_cumsum3A_47 = tpu.scan <sum>, %get3A_31 masked %broadcast_in_dim3A_46 : vector<16xi32>, vector<16xi1> -> vector<16xi32>
      %reduce_sum3A_48 = arith.constant true
      %reduce_sum3A_49 = vector.broadcast %reduce_sum3A_48 : i1 to vector<16xi1>
      %reduce_sum3A_50 = tpu.scan <sum>, %get3A_29 masked %reduce_sum3A_49 : vector<16xi32>, vector<16xi1> -> vector<16xi32>
      %reduce_sum3A_51 = vector.extract %reduce_sum3A_50[15] : i32 from vector<16xi32>
      %add3A_52 = vector.broadcast %reduce_sum3A_51 : i32 to vector<16xi32>
      %add3A_53 = arith.addi %masked_cumsum3A_47, %add3A_52 : vector<16xi32>
      %jit3A_54 = arith.constant -1 : i32
      %broadcast_in_dim3A_55 = vector.broadcast %jit3A_54 : i32 to vector<16xi32>
      %select_n3A_56 = arith.select %ge3A_44, %broadcast_in_dim3A_55, %add3A_53 : vector<16xi1>, vector<16xi32>
      %swap3A_57 = arith.constant 16 : index
      %swap3A_58 = tpu.vector_load %arg17[%swap3A_57] {strides = array<i32>} : memref<32xi32, #tpu.memory_space<vmem>>, vector<16xi32>,
      tpu.vector_store %arg17[%swap3A_57], %select_n3A_56 {strides = array<i32>} : memref<32xi32, #tpu.memory_space<vmem>>, vector<16xi32>,
      %scan3A = arith.constant 0 : i32
      %scan3A_59 = arith.constant 0 : i32
      %scan3A_60 = arith.constant 384 : i32
      %scan3A_61 = arith.addi %scan3A_59, %scan3A_60 : i32
      %scan3A_62 = arith.constant 1 : i32
      %scan3A_63 = scf.for %scan3A_73 = %scan3A_59 to %scan3A_61 step %scan3A_62 iter_args(%scan3A_74 = %scan3A) -> (i32)  : i32 {
        %broadcast_in_dim3A_75 = arith.constant 0 : i32
        %broadcast_in_dim3A_76 = vector.broadcast %broadcast_in_dim3A_75 : i32 to vector<16xi32>
        %mul3A_77 = arith.constant 16 : i32
        %mul3A_78 = arith.muli %scan3A_73, %mul3A_77 : i32
        %swap3A_79 = arith.index_cast %mul3A_78 : i32 to index
        %swap3A_80 = tpu.vector_load %arg15[%swap3A_79] {strides = array<i32>} : memref<6144xi32, #tpu.memory_space<vmem>>, vector<16xi32>,
        tpu.vector_store %arg15[%swap3A_79], %broadcast_in_dim3A_76 {strides = array<i32>} : memref<6144xi32, #tpu.memory_space<vmem>>, vector<16xi32>,
        %broadcast_in_dim3A_81 = arith.constant 0.000000e+00 : f32
        %broadcast_in_dim3A_82 = vector.broadcast %broadcast_in_dim3A_81 : f32 to vector<16xf32>
        %mul3A_83 = arith.constant 16 : i32
        %mul3A_84 = arith.muli %scan3A_73, %mul3A_83 : i32
        %swap3A_85 = arith.index_cast %mul3A_84 : i32 to index
        %swap3A_86 = tpu.vector_load %arg18[%swap3A_85] {strides = array<i32>} : memref<6144xf32, #tpu.memory_space<vmem>>, vector<16xf32>,
        tpu.vector_store %arg18[%swap3A_85], %broadcast_in_dim3A_82 {strides = array<i32>} : memref<6144xf32, #tpu.memory_space<vmem>>, vector<16xf32>,
        %scan3A_87 = arith.constant 0 : i32
        scf.yield %scan3A_87 : i32
      }
      %scan3A_64 = arith.constant 384 : i32
      %scan3A_65 = arith.constant 2047 : i32
      %scan3A_66 = arith.constant 0 : i32
      %scan3A_67 = arith.constant 0 : i32
      %scan3A_68 = arith.constant 256 : i32
      %scan3A_69 = arith.addi %scan3A_67, %scan3A_68 : i32
      %scan3A_70 = arith.constant 1 : i32
      %scan3A_71 = scf.for %scan3A_73 = %scan3A_67 to %scan3A_69 step %scan3A_70 iter_args(%scan3A_74 = %scan3A_66) -> (i32)  : i32 {
        %mul3A_75 = arith.constant 16 : i32
        %mul3A_76 = arith.muli %scan3A_73, %mul3A_75 : i32
        %get3A_77 = arith.index_cast %mul3A_76 : i32 to index
        %get3A_78 = tpu.vector_load %arg10[%get3A_77] {strides = array<i32>} : memref<4096xi32, #tpu.memory_space<vmem>>, vector<16xi32>,
        %get3A_79 = arith.index_cast %mul3A_76 : i32 to index
        %get3A_80 = tpu.vector_load %arg11[%get3A_79] {strides = array<i32>} : memref<4096xi32, #tpu.memory_space<vmem>>, vector<16xi32>,
        %get3A_81 = arith.index_cast %mul3A_76 : i32 to index
        %get3A_82 = tpu.vector_load %arg12[%get3A_81] {strides = array<i32>} : memref<4096xf32, #tpu.memory_space<vmem>>, vector<16xf32>,
        %gather3A = tpu.vector_load_idx %arg14[%get3A_78] : memref<16xi32, #tpu.memory_space<vmem>>[vector<16xi32>], vector<16xi32>,
        %mul3A_83 = arith.constant 256 : i32
        %mul3A_84 = vector.broadcast %mul3A_83 : i32 to vector<16xi32>
        %mul3A_85 = arith.muli %gather3A, %mul3A_84 : vector<16xi32>
        %add3A_86 = arith.addi %mul3A_85, %get3A_80 : vector<16xi32>
        %iota3A_87 = tpu.iota {dimensions = array<i32: 0>} : vector<16xi32>
        %add3A_88 = vector.broadcast %mul3A_76 : i32 to vector<16xi32>
        %add3A_89 = arith.addi %add3A_88, %iota3A_87 : vector<16xi32>
        %and3A_90 = vector.broadcast %scan3A_65 : i32 to vector<16xi32>
        %and3A_91 = arith.andi %add3A_89, %and3A_90 : vector<16xi32>
        tpu.vector_store_idx %arg15[%add3A_86], %and3A_91 : memref<6144xi32, #tpu.memory_space<vmem>>[vector<16xi32>], vector<16xi32>,
        tpu.vector_store_idx %arg18[%add3A_86], %get3A_82 : memref<6144xf32, #tpu.memory_space<vmem>>[vector<16xi32>], vector<16xf32>,
        %swap3A_92 = arith.index_cast %mul3A_76 : i32 to index
        %swap3A_93 = tpu.vector_load %arg16[%swap3A_92] {strides = array<i32>} : memref<4096xi32, #tpu.memory_space<vmem>>, vector<16xi32>,
        tpu.vector_store %arg16[%swap3A_92], %add3A_86 {strides = array<i32>} : memref<4096xi32, #tpu.memory_space<vmem>>, vector<16xi32>,
        %scan3A_94 = arith.constant 0 : i32
        scf.yield %scan3A_94 : i32
      }
      %scan3A_72 = arith.constant 256 : i32
      "tpu.region"() ({
        %run_scoped3A = tpu.sem_alloc : memref<!tpu.dma_semaphore, #tpu.memory_space<semaphore_mem>>
        tpu.enqueue_dma source(%arg15 : memref<6144xi32, #tpu.memory_space<vmem>>) target(%arg6 : memref<6144xi32, #tpu.memory_space<hbm>>) target_semaphore(%run_scoped3A : memref<!tpu.dma_semaphore, #tpu.memory_space<semaphore_mem>>)
        tpu.wait_dma2 semaphore(%run_scoped3A : memref<!tpu.dma_semaphore, #tpu.memory_space<semaphore_mem>>) src(%arg15 : memref<6144xi32, #tpu.memory_space<vmem>>) dst(%arg6 : memref<6144xi32, #tpu.memory_space<hbm>>)
        tpu.yield
      }) : () -> ()
      "tpu.region"() ({
        %run_scoped3A = tpu.sem_alloc : memref<!tpu.dma_semaphore, #tpu.memory_space<semaphore_mem>>
        tpu.enqueue_dma source(%arg16 : memref<4096xi32, #tpu.memory_space<vmem>>) target(%arg7 : memref<4096xi32, #tpu.memory_space<hbm>>) target_semaphore(%run_scoped3A : memref<!tpu.dma_semaphore, #tpu.memory_space<semaphore_mem>>)
        tpu.wait_dma2 semaphore(%run_scoped3A : memref<!tpu.dma_semaphore, #tpu.memory_space<semaphore_mem>>) src(%arg16 : memref<4096xi32, #tpu.memory_space<vmem>>) dst(%arg7 : memref<4096xi32, #tpu.memory_space<hbm>>)
        tpu.yield
      }) : () -> ()
      "tpu.region"() ({
        %run_scoped3A = tpu.sem_alloc : memref<!tpu.dma_semaphore, #tpu.memory_space<semaphore_mem>>
        tpu.enqueue_dma source(%arg17 : memref<32xi32, #tpu.memory_space<vmem>>) target(%arg8 : memref<32xi32, #tpu.memory_space<hbm>>) target_semaphore(%run_scoped3A : memref<!tpu.dma_semaphore, #tpu.memory_space<semaphore_mem>>)
        tpu.wait_dma2 semaphore(%run_scoped3A : memref<!tpu.dma_semaphore, #tpu.memory_space<semaphore_mem>>) src(%arg17 : memref<32xi32, #tpu.memory_space<vmem>>) dst(%arg8 : memref<32xi32, #tpu.memory_space<hbm>>)
        tpu.yield
      }) : () -> ()
      "tpu.region"() ({
        %run_scoped3A = tpu.sem_alloc : memref<!tpu.dma_semaphore, #tpu.memory_space<semaphore_mem>>
        tpu.enqueue_dma source(%arg18 : memref<6144xf32, #tpu.memory_space<vmem>>) target(%arg9 : memref<6144xf32, #tpu.memory_space<hbm>>) target_semaphore(%run_scoped3A : memref<!tpu.dma_semaphore, #tpu.memory_space<semaphore_mem>>)
        tpu.wait_dma2 semaphore(%run_scoped3A : memref<!tpu.dma_semaphore, #tpu.memory_space<semaphore_mem>>) src(%arg18 : memref<6144xf32, #tpu.memory_space<vmem>>) dst(%arg9 : memref<6144xf32, #tpu.memory_space<hbm>>)
        tpu.yield
      }) : () -> ()
    } else {
    }
    return
  }
}

#map = affine_map<(d0, d1) -> (0, 0)>
#map1 = affine_map<(d0, d1) -> (0)>
module attributes {stable_mosaic.version = 14 : i64} {
  func.func @gather(%arg0: i32, %arg1: i32, %arg2: memref<2048x768xf32, #tpu.memory_space<hbm>>, %arg3: memref<6144xi32, #tpu.memory_space<hbm>>, %arg4: memref<6144x768xf32, #tpu.memory_space<hbm>>, %arg5: memref<192xi32, #tpu.memory_space<vmem>>, %arg6: memref<32x768xf32, #tpu.memory_space<vmem>>, %arg7: memref<32x768xf32, #tpu.memory_space<vmem>>, %arg8: memref<32x768xf32, #tpu.memory_space<vmem>>, %arg9: memref<32x768xf32, #tpu.memory_space<vmem>>, %arg10: memref<!tpu.dma_semaphore, #tpu.memory_space<semaphore_mem>>, %arg11: memref<!tpu.dma_semaphore, #tpu.memory_space<semaphore_mem>>) attributes {dimension_semantics = [#tpu.dimension_semantics<core_parallel>, #tpu.dimension_semantics<subcore_parallel>], iteration_bounds = array<i64: 2, 16>, scalar_prefetch = 0 : i64, scratch_operands = 7 : i64, tpu.core_type = #tpu.core_type<sc_vector_subcore>, window_params = [{transform_indices = #map}, {transform_indices = #map1}, {transform_indices = #map}]} {
    %mul3A = arith.constant 2 : i32
    %mul3A_0 = arith.muli %arg1, %mul3A : i32
    %add3A = arith.addi %mul3A_0, %arg0 : i32
    %mul3A_1 = arith.constant 192 : i32
    %mul3A_2 = arith.muli %add3A, %mul3A_1 : i32
    "tpu.region"() ({
      %run_scoped3A = tpu.sem_alloc : memref<!tpu.dma_semaphore, #tpu.memory_space<semaphore_mem>>
      %dma_start3A_121 = tpu.memref_slice %arg3[%mul3A_2] : memref<6144xi32, #tpu.memory_space<hbm>> -> memref<192xi32, #tpu.memory_space<hbm>>
      %dma_start3A_122 = tpu.memref_slice %arg3[%mul3A_2] : memref<6144xi32, #tpu.memory_space<hbm>> -> memref<192xi32, #tpu.memory_space<hbm>>
      tpu.enqueue_dma source(%dma_start3A_122 : memref<192xi32, #tpu.memory_space<hbm>>) target(%arg5 : memref<192xi32, #tpu.memory_space<vmem>>) target_semaphore(%run_scoped3A : memref<!tpu.dma_semaphore, #tpu.memory_space<semaphore_mem>>)
      %dma_wait3A_123 = tpu.memref_slice %arg3[%mul3A_2] : memref<6144xi32, #tpu.memory_space<hbm>> -> memref<192xi32, #tpu.memory_space<hbm>>
      %dma_wait3A_124 = tpu.memref_slice %arg3[%mul3A_2] : memref<6144xi32, #tpu.memory_space<hbm>> -> memref<192xi32, #tpu.memory_space<hbm>>
      tpu.wait_dma2 semaphore(%run_scoped3A : memref<!tpu.dma_semaphore, #tpu.memory_space<semaphore_mem>>) src(%dma_wait3A_124 : memref<192xi32, #tpu.memory_space<hbm>>) dst(%arg5 : memref<192xi32, #tpu.memory_space<vmem>>)
      tpu.yield
    }) : () -> ()
    %dma_start3A = arith.constant 0 : i32
    %dma_start3A_3 = tpu.memref_slice %arg5[%dma_start3A] : memref<192xi32, #tpu.memory_space<vmem>> -> memref<32xi32, #tpu.memory_space<vmem>>
    %dma_start3A_4 = arith.constant 0 : i32
    %dma_start3A_5 = arith.constant 0 : i32
    %dma_start3A_6 = tpu.memref_slice %arg2[%dma_start3A_4, %dma_start3A_5] : memref<2048x768xf32, #tpu.memory_space<hbm>> -> memref<2048x768xf32, #tpu.memory_space<hbm>>
    tpu.enqueue_indirect_dma source(%dma_start3A_6 : memref<2048x768xf32, #tpu.memory_space<hbm>>) target(%arg6 : memref<32x768xf32, #tpu.memory_space<vmem>>) offsets(%dma_start3A_3 : memref<32xi32, #tpu.memory_space<vmem>>) semaphore(%arg10 : memref<!tpu.dma_semaphore, #tpu.memory_space<semaphore_mem>>)
    %dma_start3A_7 = arith.constant 32 : i32
    %dma_start3A_8 = tpu.memref_slice %arg5[%dma_start3A_7] : memref<192xi32, #tpu.memory_space<vmem>> -> memref<32xi32, #tpu.memory_space<vmem>>
    %dma_start3A_9 = arith.constant 0 : i32
    %dma_start3A_10 = arith.constant 0 : i32
    %dma_start3A_11 = tpu.memref_slice %arg2[%dma_start3A_9, %dma_start3A_10] : memref<2048x768xf32, #tpu.memory_space<hbm>> -> memref<2048x768xf32, #tpu.memory_space<hbm>>
    tpu.enqueue_indirect_dma source(%dma_start3A_11 : memref<2048x768xf32, #tpu.memory_space<hbm>>) target(%arg7 : memref<32x768xf32, #tpu.memory_space<vmem>>) offsets(%dma_start3A_8 : memref<32xi32, #tpu.memory_space<vmem>>) semaphore(%arg10 : memref<!tpu.dma_semaphore, #tpu.memory_space<semaphore_mem>>)
    %dma_start3A_12 = arith.constant 64 : i32
    %dma_start3A_13 = tpu.memref_slice %arg5[%dma_start3A_12] : memref<192xi32, #tpu.memory_space<vmem>> -> memref<32xi32, #tpu.memory_space<vmem>>
    %dma_start3A_14 = arith.constant 0 : i32
    %dma_start3A_15 = arith.constant 0 : i32
    %dma_start3A_16 = tpu.memref_slice %arg2[%dma_start3A_14, %dma_start3A_15] : memref<2048x768xf32, #tpu.memory_space<hbm>> -> memref<2048x768xf32, #tpu.memory_space<hbm>>
    tpu.enqueue_indirect_dma source(%dma_start3A_16 : memref<2048x768xf32, #tpu.memory_space<hbm>>) target(%arg8 : memref<32x768xf32, #tpu.memory_space<vmem>>) offsets(%dma_start3A_13 : memref<32xi32, #tpu.memory_space<vmem>>) semaphore(%arg10 : memref<!tpu.dma_semaphore, #tpu.memory_space<semaphore_mem>>)
    %dma_start3A_17 = arith.constant 96 : i32
    %dma_start3A_18 = tpu.memref_slice %arg5[%dma_start3A_17] : memref<192xi32, #tpu.memory_space<vmem>> -> memref<32xi32, #tpu.memory_space<vmem>>
    %dma_start3A_19 = arith.constant 0 : i32
    %dma_start3A_20 = arith.constant 0 : i32
    %dma_start3A_21 = tpu.memref_slice %arg2[%dma_start3A_19, %dma_start3A_20] : memref<2048x768xf32, #tpu.memory_space<hbm>> -> memref<2048x768xf32, #tpu.memory_space<hbm>>
    tpu.enqueue_indirect_dma source(%dma_start3A_21 : memref<2048x768xf32, #tpu.memory_space<hbm>>) target(%arg9 : memref<32x768xf32, #tpu.memory_space<vmem>>) offsets(%dma_start3A_18 : memref<32xi32, #tpu.memory_space<vmem>>) semaphore(%arg10 : memref<!tpu.dma_semaphore, #tpu.memory_space<semaphore_mem>>)
    %dma_wait3A = arith.constant 0 : i32
    %dma_wait3A_22 = tpu.memref_slice %arg5[%dma_wait3A] : memref<192xi32, #tpu.memory_space<vmem>> -> memref<32xi32, #tpu.memory_space<vmem>>
    %dma_wait3A_23 = arith.constant 0 : i32
    %dma_wait3A_24 = arith.constant 0 : i32
    %dma_wait3A_25 = tpu.memref_slice %arg2[%dma_wait3A_23, %dma_wait3A_24] : memref<2048x768xf32, #tpu.memory_space<hbm>> -> memref<2048x768xf32, #tpu.memory_space<hbm>>
    tpu.wait_indirect_dma semaphore(%arg10 : memref<!tpu.dma_semaphore, #tpu.memory_space<semaphore_mem>>) src(%dma_wait3A_25 : memref<2048x768xf32, #tpu.memory_space<hbm>>) dst(%arg6 : memref<32x768xf32, #tpu.memory_space<vmem>>)
    %add3A_26 = arith.constant 0 : i32
    %add3A_27 = arith.addi %mul3A_2, %add3A_26 : i32
    %dma_start3A_28 = arith.constant 0 : i32
    %dma_start3A_29 = tpu.memref_slice %arg4[%add3A_27, %dma_start3A_28] : memref<6144x768xf32, #tpu.memory_space<hbm>> -> memref<32x768xf32, #tpu.memory_space<hbm>>
    %dma_start3A_30 = arith.constant 0 : i32
    %dma_start3A_31 = tpu.memref_slice %arg4[%add3A_27, %dma_start3A_30] : memref<6144x768xf32, #tpu.memory_space<hbm>> -> memref<32x768xf32, #tpu.memory_space<hbm>>
    tpu.enqueue_dma source(%arg6 : memref<32x768xf32, #tpu.memory_space<vmem>>) target(%dma_start3A_31 : memref<32x768xf32, #tpu.memory_space<hbm>>) target_semaphore(%arg11 : memref<!tpu.dma_semaphore, #tpu.memory_space<semaphore_mem>>)
    %dma_wait3A_32 = arith.constant 0 : i32
    %dma_wait3A_33 = tpu.memref_slice %arg4[%add3A_27, %dma_wait3A_32] : memref<6144x768xf32, #tpu.memory_space<hbm>> -> memref<32x768xf32, #tpu.memory_space<hbm>>
    %dma_wait3A_34 = arith.constant 0 : i32
    %dma_wait3A_35 = tpu.memref_slice %arg4[%add3A_27, %dma_wait3A_34] : memref<6144x768xf32, #tpu.memory_space<hbm>> -> memref<32x768xf32, #tpu.memory_space<hbm>>
    tpu.wait_dma2 semaphore(%arg11 : memref<!tpu.dma_semaphore, #tpu.memory_space<semaphore_mem>>) src(%arg6 : memref<32x768xf32, #tpu.memory_space<vmem>>) dst(%dma_wait3A_35 : memref<32x768xf32, #tpu.memory_space<hbm>>)
    %dma_start3A_36 = arith.constant 128 : i32
    %dma_start3A_37 = tpu.memref_slice %arg5[%dma_start3A_36] : memref<192xi32, #tpu.memory_space<vmem>> -> memref<32xi32, #tpu.memory_space<vmem>>
    %dma_start3A_38 = arith.constant 0 : i32
    %dma_start3A_39 = arith.constant 0 : i32
    %dma_start3A_40 = tpu.memref_slice %arg2[%dma_start3A_38, %dma_start3A_39] : memref<2048x768xf32, #tpu.memory_space<hbm>> -> memref<2048x768xf32, #tpu.memory_space<hbm>>
    tpu.enqueue_indirect_dma source(%dma_start3A_40 : memref<2048x768xf32, #tpu.memory_space<hbm>>) target(%arg6 : memref<32x768xf32, #tpu.memory_space<vmem>>) offsets(%dma_start3A_37 : memref<32xi32, #tpu.memory_space<vmem>>) semaphore(%arg10 : memref<!tpu.dma_semaphore, #tpu.memory_space<semaphore_mem>>)
    %dma_wait3A_41 = arith.constant 32 : i32
    %dma_wait3A_42 = tpu.memref_slice %arg5[%dma_wait3A_41] : memref<192xi32, #tpu.memory_space<vmem>> -> memref<32xi32, #tpu.memory_space<vmem>>
    %dma_wait3A_43 = arith.constant 0 : i32
    %dma_wait3A_44 = arith.constant 0 : i32
    %dma_wait3A_45 = tpu.memref_slice %arg2[%dma_wait3A_43, %dma_wait3A_44] : memref<2048x768xf32, #tpu.memory_space<hbm>> -> memref<2048x768xf32, #tpu.memory_space<hbm>>
    tpu.wait_indirect_dma semaphore(%arg10 : memref<!tpu.dma_semaphore, #tpu.memory_space<semaphore_mem>>) src(%dma_wait3A_45 : memref<2048x768xf32, #tpu.memory_space<hbm>>) dst(%arg7 : memref<32x768xf32, #tpu.memory_space<vmem>>)
    %add3A_46 = arith.constant 32 : i32
    %add3A_47 = arith.addi %mul3A_2, %add3A_46 : i32
    %dma_start3A_48 = arith.constant 0 : i32
    %dma_start3A_49 = tpu.memref_slice %arg4[%add3A_47, %dma_start3A_48] : memref<6144x768xf32, #tpu.memory_space<hbm>> -> memref<32x768xf32, #tpu.memory_space<hbm>>
    %dma_start3A_50 = arith.constant 0 : i32
    %dma_start3A_51 = tpu.memref_slice %arg4[%add3A_47, %dma_start3A_50] : memref<6144x768xf32, #tpu.memory_space<hbm>> -> memref<32x768xf32, #tpu.memory_space<hbm>>
    tpu.enqueue_dma source(%arg7 : memref<32x768xf32, #tpu.memory_space<vmem>>) target(%dma_start3A_51 : memref<32x768xf32, #tpu.memory_space<hbm>>) target_semaphore(%arg11 : memref<!tpu.dma_semaphore, #tpu.memory_space<semaphore_mem>>)
    %dma_wait3A_52 = arith.constant 0 : i32
    %dma_wait3A_53 = tpu.memref_slice %arg4[%add3A_47, %dma_wait3A_52] : memref<6144x768xf32, #tpu.memory_space<hbm>> -> memref<32x768xf32, #tpu.memory_space<hbm>>
    %dma_wait3A_54 = arith.constant 0 : i32
    %dma_wait3A_55 = tpu.memref_slice %arg4[%add3A_47, %dma_wait3A_54] : memref<6144x768xf32, #tpu.memory_space<hbm>> -> memref<32x768xf32, #tpu.memory_space<hbm>>
    tpu.wait_dma2 semaphore(%arg11 : memref<!tpu.dma_semaphore, #tpu.memory_space<semaphore_mem>>) src(%arg7 : memref<32x768xf32, #tpu.memory_space<vmem>>) dst(%dma_wait3A_55 : memref<32x768xf32, #tpu.memory_space<hbm>>)
    %dma_start3A_56 = arith.constant 160 : i32
    %dma_start3A_57 = tpu.memref_slice %arg5[%dma_start3A_56] : memref<192xi32, #tpu.memory_space<vmem>> -> memref<32xi32, #tpu.memory_space<vmem>>
    %dma_start3A_58 = arith.constant 0 : i32
    %dma_start3A_59 = arith.constant 0 : i32
    %dma_start3A_60 = tpu.memref_slice %arg2[%dma_start3A_58, %dma_start3A_59] : memref<2048x768xf32, #tpu.memory_space<hbm>> -> memref<2048x768xf32, #tpu.memory_space<hbm>>
    tpu.enqueue_indirect_dma source(%dma_start3A_60 : memref<2048x768xf32, #tpu.memory_space<hbm>>) target(%arg7 : memref<32x768xf32, #tpu.memory_space<vmem>>) offsets(%dma_start3A_57 : memref<32xi32, #tpu.memory_space<vmem>>) semaphore(%arg10 : memref<!tpu.dma_semaphore, #tpu.memory_space<semaphore_mem>>)
    %dma_wait3A_61 = arith.constant 64 : i32
    %dma_wait3A_62 = tpu.memref_slice %arg5[%dma_wait3A_61] : memref<192xi32, #tpu.memory_space<vmem>> -> memref<32xi32, #tpu.memory_space<vmem>>
    %dma_wait3A_63 = arith.constant 0 : i32
    %dma_wait3A_64 = arith.constant 0 : i32
    %dma_wait3A_65 = tpu.memref_slice %arg2[%dma_wait3A_63, %dma_wait3A_64] : memref<2048x768xf32, #tpu.memory_space<hbm>> -> memref<2048x768xf32, #tpu.memory_space<hbm>>
    tpu.wait_indirect_dma semaphore(%arg10 : memref<!tpu.dma_semaphore, #tpu.memory_space<semaphore_mem>>) src(%dma_wait3A_65 : memref<2048x768xf32, #tpu.memory_space<hbm>>) dst(%arg8 : memref<32x768xf32, #tpu.memory_space<vmem>>)
    %add3A_66 = arith.constant 64 : i32
    %add3A_67 = arith.addi %mul3A_2, %add3A_66 : i32
    %dma_start3A_68 = arith.constant 0 : i32
    %dma_start3A_69 = tpu.memref_slice %arg4[%add3A_67, %dma_start3A_68] : memref<6144x768xf32, #tpu.memory_space<hbm>> -> memref<32x768xf32, #tpu.memory_space<hbm>>
    %dma_start3A_70 = arith.constant 0 : i32
    %dma_start3A_71 = tpu.memref_slice %arg4[%add3A_67, %dma_start3A_70] : memref<6144x768xf32, #tpu.memory_space<hbm>> -> memref<32x768xf32, #tpu.memory_space<hbm>>
    tpu.enqueue_dma source(%arg8 : memref<32x768xf32, #tpu.memory_space<vmem>>) target(%dma_start3A_71 : memref<32x768xf32, #tpu.memory_space<hbm>>) target_semaphore(%arg11 : memref<!tpu.dma_semaphore, #tpu.memory_space<semaphore_mem>>)
    %dma_wait3A_72 = arith.constant 96 : i32
    %dma_wait3A_73 = tpu.memref_slice %arg5[%dma_wait3A_72] : memref<192xi32, #tpu.memory_space<vmem>> -> memref<32xi32, #tpu.memory_space<vmem>>
    %dma_wait3A_74 = arith.constant 0 : i32
    %dma_wait3A_75 = arith.constant 0 : i32
    %dma_wait3A_76 = tpu.memref_slice %arg2[%dma_wait3A_74, %dma_wait3A_75] : memref<2048x768xf32, #tpu.memory_space<hbm>> -> memref<2048x768xf32, #tpu.memory_space<hbm>>
    tpu.wait_indirect_dma semaphore(%arg10 : memref<!tpu.dma_semaphore, #tpu.memory_space<semaphore_mem>>) src(%dma_wait3A_76 : memref<2048x768xf32, #tpu.memory_space<hbm>>) dst(%arg9 : memref<32x768xf32, #tpu.memory_space<vmem>>)
    %add3A_77 = arith.constant 96 : i32
    %add3A_78 = arith.addi %mul3A_2, %add3A_77 : i32
    %dma_start3A_79 = arith.constant 0 : i32
    %dma_start3A_80 = tpu.memref_slice %arg4[%add3A_78, %dma_start3A_79] : memref<6144x768xf32, #tpu.memory_space<hbm>> -> memref<32x768xf32, #tpu.memory_space<hbm>>
    %dma_start3A_81 = arith.constant 0 : i32
    %dma_start3A_82 = tpu.memref_slice %arg4[%add3A_78, %dma_start3A_81] : memref<6144x768xf32, #tpu.memory_space<hbm>> -> memref<32x768xf32, #tpu.memory_space<hbm>>
    tpu.enqueue_dma source(%arg9 : memref<32x768xf32, #tpu.memory_space<vmem>>) target(%dma_start3A_82 : memref<32x768xf32, #tpu.memory_space<hbm>>) target_semaphore(%arg11 : memref<!tpu.dma_semaphore, #tpu.memory_space<semaphore_mem>>)
    %dma_wait3A_83 = arith.constant 128 : i32
    %dma_wait3A_84 = tpu.memref_slice %arg5[%dma_wait3A_83] : memref<192xi32, #tpu.memory_space<vmem>> -> memref<32xi32, #tpu.memory_space<vmem>>
    %dma_wait3A_85 = arith.constant 0 : i32
    %dma_wait3A_86 = arith.constant 0 : i32
    %dma_wait3A_87 = tpu.memref_slice %arg2[%dma_wait3A_85, %dma_wait3A_86] : memref<2048x768xf32, #tpu.memory_space<hbm>> -> memref<2048x768xf32, #tpu.memory_space<hbm>>
    tpu.wait_indirect_dma semaphore(%arg10 : memref<!tpu.dma_semaphore, #tpu.memory_space<semaphore_mem>>) src(%dma_wait3A_87 : memref<2048x768xf32, #tpu.memory_space<hbm>>) dst(%arg6 : memref<32x768xf32, #tpu.memory_space<vmem>>)
    %add3A_88 = arith.constant 128 : i32
    %add3A_89 = arith.addi %mul3A_2, %add3A_88 : i32
    %dma_start3A_90 = arith.constant 0 : i32
    %dma_start3A_91 = tpu.memref_slice %arg4[%add3A_89, %dma_start3A_90] : memref<6144x768xf32, #tpu.memory_space<hbm>> -> memref<32x768xf32, #tpu.memory_space<hbm>>
    %dma_start3A_92 = arith.constant 0 : i32
    %dma_start3A_93 = tpu.memref_slice %arg4[%add3A_89, %dma_start3A_92] : memref<6144x768xf32, #tpu.memory_space<hbm>> -> memref<32x768xf32, #tpu.memory_space<hbm>>
    tpu.enqueue_dma source(%arg6 : memref<32x768xf32, #tpu.memory_space<vmem>>) target(%dma_start3A_93 : memref<32x768xf32, #tpu.memory_space<hbm>>) target_semaphore(%arg11 : memref<!tpu.dma_semaphore, #tpu.memory_space<semaphore_mem>>)
    %dma_wait3A_94 = arith.constant 160 : i32
    %dma_wait3A_95 = tpu.memref_slice %arg5[%dma_wait3A_94] : memref<192xi32, #tpu.memory_space<vmem>> -> memref<32xi32, #tpu.memory_space<vmem>>
    %dma_wait3A_96 = arith.constant 0 : i32
    %dma_wait3A_97 = arith.constant 0 : i32
    %dma_wait3A_98 = tpu.memref_slice %arg2[%dma_wait3A_96, %dma_wait3A_97] : memref<2048x768xf32, #tpu.memory_space<hbm>> -> memref<2048x768xf32, #tpu.memory_space<hbm>>
    tpu.wait_indirect_dma semaphore(%arg10 : memref<!tpu.dma_semaphore, #tpu.memory_space<semaphore_mem>>) src(%dma_wait3A_98 : memref<2048x768xf32, #tpu.memory_space<hbm>>) dst(%arg7 : memref<32x768xf32, #tpu.memory_space<vmem>>)
    %add3A_99 = arith.constant 160 : i32
    %add3A_100 = arith.addi %mul3A_2, %add3A_99 : i32
    %dma_start3A_101 = arith.constant 0 : i32
    %dma_start3A_102 = tpu.memref_slice %arg4[%add3A_100, %dma_start3A_101] : memref<6144x768xf32, #tpu.memory_space<hbm>> -> memref<32x768xf32, #tpu.memory_space<hbm>>
    %dma_start3A_103 = arith.constant 0 : i32
    %dma_start3A_104 = tpu.memref_slice %arg4[%add3A_100, %dma_start3A_103] : memref<6144x768xf32, #tpu.memory_space<hbm>> -> memref<32x768xf32, #tpu.memory_space<hbm>>
    tpu.enqueue_dma source(%arg7 : memref<32x768xf32, #tpu.memory_space<vmem>>) target(%dma_start3A_104 : memref<32x768xf32, #tpu.memory_space<hbm>>) target_semaphore(%arg11 : memref<!tpu.dma_semaphore, #tpu.memory_space<semaphore_mem>>)
    %dma_wait3A_105 = arith.constant 0 : i32
    %dma_wait3A_106 = tpu.memref_slice %arg4[%add3A_67, %dma_wait3A_105] : memref<6144x768xf32, #tpu.memory_space<hbm>> -> memref<32x768xf32, #tpu.memory_space<hbm>>
    %dma_wait3A_107 = arith.constant 0 : i32
    %dma_wait3A_108 = tpu.memref_slice %arg4[%add3A_67, %dma_wait3A_107] : memref<6144x768xf32, #tpu.memory_space<hbm>> -> memref<32x768xf32, #tpu.memory_space<hbm>>
    tpu.wait_dma2 semaphore(%arg11 : memref<!tpu.dma_semaphore, #tpu.memory_space<semaphore_mem>>) src(%arg8 : memref<32x768xf32, #tpu.memory_space<vmem>>) dst(%dma_wait3A_108 : memref<32x768xf32, #tpu.memory_space<hbm>>)
    %dma_wait3A_109 = arith.constant 0 : i32
    %dma_wait3A_110 = tpu.memref_slice %arg4[%add3A_78, %dma_wait3A_109] : memref<6144x768xf32, #tpu.memory_space<hbm>> -> memref<32x768xf32, #tpu.memory_space<hbm>>
    %dma_wait3A_111 = arith.constant 0 : i32
    %dma_wait3A_112 = tpu.memref_slice %arg4[%add3A_78, %dma_wait3A_111] : memref<6144x768xf32, #tpu.memory_space<hbm>> -> memref<32x768xf32, #tpu.memory_space<hbm>>
    tpu.wait_dma2 semaphore(%arg11 : memref<!tpu.dma_semaphore, #tpu.memory_space<semaphore_mem>>) src(%arg9 : memref<32x768xf32, #tpu.memory_space<vmem>>) dst(%dma_wait3A_112 : memref<32x768xf32, #tpu.memory_space<hbm>>)
    %dma_wait3A_113 = arith.constant 0 : i32
    %dma_wait3A_114 = tpu.memref_slice %arg4[%add3A_89, %dma_wait3A_113] : memref<6144x768xf32, #tpu.memory_space<hbm>> -> memref<32x768xf32, #tpu.memory_space<hbm>>
    %dma_wait3A_115 = arith.constant 0 : i32
    %dma_wait3A_116 = tpu.memref_slice %arg4[%add3A_89, %dma_wait3A_115] : memref<6144x768xf32, #tpu.memory_space<hbm>> -> memref<32x768xf32, #tpu.memory_space<hbm>>
    tpu.wait_dma2 semaphore(%arg11 : memref<!tpu.dma_semaphore, #tpu.memory_space<semaphore_mem>>) src(%arg6 : memref<32x768xf32, #tpu.memory_space<vmem>>) dst(%dma_wait3A_116 : memref<32x768xf32, #tpu.memory_space<hbm>>)
    %dma_wait3A_117 = arith.constant 0 : i32
    %dma_wait3A_118 = tpu.memref_slice %arg4[%add3A_100, %dma_wait3A_117] : memref<6144x768xf32, #tpu.memory_space<hbm>> -> memref<32x768xf32, #tpu.memory_space<hbm>>
    %dma_wait3A_119 = arith.constant 0 : i32
    %dma_wait3A_120 = tpu.memref_slice %arg4[%add3A_100, %dma_wait3A_119] : memref<6144x768xf32, #tpu.memory_space<hbm>> -> memref<32x768xf32, #tpu.memory_space<hbm>>
    tpu.wait_dma2 semaphore(%arg11 : memref<!tpu.dma_semaphore, #tpu.memory_space<semaphore_mem>>) src(%arg7 : memref<32x768xf32, #tpu.memory_space<vmem>>) dst(%dma_wait3A_120 : memref<32x768xf32, #tpu.memory_space<hbm>>)
    return
  }
}

#map = affine_map<(d0, d1) -> (0, 0)>
#map1 = affine_map<(d0, d1) -> (0)>
module attributes {stable_mosaic.version = 14 : i64} {
  func.func @gather(%arg0: i32, %arg1: i32, %arg2: memref<2048x768xf32, #tpu.memory_space<hbm>>, %arg3: memref<6144xi32, #tpu.memory_space<hbm>>, %arg4: memref<6144x768xf32, #tpu.memory_space<hbm>>, %arg5: memref<192xi32, #tpu.memory_space<vmem>>, %arg6: memref<32x768xf32, #tpu.memory_space<vmem>>, %arg7: memref<32x768xf32, #tpu.memory_space<vmem>>, %arg8: memref<32x768xf32, #tpu.memory_space<vmem>>, %arg9: memref<32x768xf32, #tpu.memory_space<vmem>>, %arg10: memref<!tpu.dma_semaphore, #tpu.memory_space<semaphore_mem>>, %arg11: memref<!tpu.dma_semaphore, #tpu.memory_space<semaphore_mem>>) attributes {dimension_semantics = [#tpu.dimension_semantics<core_parallel>, #tpu.dimension_semantics<subcore_parallel>], iteration_bounds = array<i64: 2, 16>, scalar_prefetch = 0 : i64, scratch_operands = 7 : i64, tpu.core_type = #tpu.core_type<sc_vector_subcore>, window_params = [{transform_indices = #map}, {transform_indices = #map1}, {transform_indices = #map}]} {
    %mul3A = arith.constant 2 : i32
    %mul3A_0 = arith.muli %arg1, %mul3A : i32
    %add3A = arith.addi %mul3A_0, %arg0 : i32
    %mul3A_1 = arith.constant 192 : i32
    %mul3A_2 = arith.muli %add3A, %mul3A_1 : i32
    "tpu.region"() ({
      %run_scoped3A = tpu.sem_alloc : memref<!tpu.dma_semaphore, #tpu.memory_space<semaphore_mem>>
      %dma_start3A_121 = tpu.memref_slice %arg3[%mul3A_2] : memref<6144xi32, #tpu.memory_space<hbm>> -> memref<192xi32, #tpu.memory_space<hbm>>
      %dma_start3A_122 = tpu.memref_slice %arg3[%mul3A_2] : memref<6144xi32, #tpu.memory_space<hbm>> -> memref<192xi32, #tpu.memory_space<hbm>>
      tpu.enqueue_dma source(%dma_start3A_122 : memref<192xi32, #tpu.memory_space<hbm>>) target(%arg5 : memref<192xi32, #tpu.memory_space<vmem>>) target_semaphore(%run_scoped3A : memref<!tpu.dma_semaphore, #tpu.memory_space<semaphore_mem>>)
      %dma_wait3A_123 = tpu.memref_slice %arg3[%mul3A_2] : memref<6144xi32, #tpu.memory_space<hbm>> -> memref<192xi32, #tpu.memory_space<hbm>>
      %dma_wait3A_124 = tpu.memref_slice %arg3[%mul3A_2] : memref<6144xi32, #tpu.memory_space<hbm>> -> memref<192xi32, #tpu.memory_space<hbm>>
      tpu.wait_dma2 semaphore(%run_scoped3A : memref<!tpu.dma_semaphore, #tpu.memory_space<semaphore_mem>>) src(%dma_wait3A_124 : memref<192xi32, #tpu.memory_space<hbm>>) dst(%arg5 : memref<192xi32, #tpu.memory_space<vmem>>)
      tpu.yield
    }) : () -> ()
    %dma_start3A = arith.constant 0 : i32
    %dma_start3A_3 = tpu.memref_slice %arg5[%dma_start3A] : memref<192xi32, #tpu.memory_space<vmem>> -> memref<32xi32, #tpu.memory_space<vmem>>
    %dma_start3A_4 = arith.constant 0 : i32
    %dma_start3A_5 = arith.constant 0 : i32
    %dma_start3A_6 = tpu.memref_slice %arg2[%dma_start3A_4, %dma_start3A_5] : memref<2048x768xf32, #tpu.memory_space<hbm>> -> memref<2048x768xf32, #tpu.memory_space<hbm>>
    tpu.enqueue_indirect_dma source(%dma_start3A_6 : memref<2048x768xf32, #tpu.memory_space<hbm>>) target(%arg6 : memref<32x768xf32, #tpu.memory_space<vmem>>) offsets(%dma_start3A_3 : memref<32xi32, #tpu.memory_space<vmem>>) semaphore(%arg10 : memref<!tpu.dma_semaphore, #tpu.memory_space<semaphore_mem>>)
    %dma_start3A_7 = arith.constant 32 : i32
    %dma_start3A_8 = tpu.memref_slice %arg5[%dma_start3A_7] : memref<192xi32, #tpu.memory_space<vmem>> -> memref<32xi32, #tpu.memory_space<vmem>>
    %dma_start3A_9 = arith.constant 0 : i32
    %dma_start3A_10 = arith.constant 0 : i32
    %dma_start3A_11 = tpu.memref_slice %arg2[%dma_start3A_9, %dma_start3A_10] : memref<2048x768xf32, #tpu.memory_space<hbm>> -> memref<2048x768xf32, #tpu.memory_space<hbm>>
    tpu.enqueue_indirect_dma source(%dma_start3A_11 : memref<2048x768xf32, #tpu.memory_space<hbm>>) target(%arg7 : memref<32x768xf32, #tpu.memory_space<vmem>>) offsets(%dma_start3A_8 : memref<32xi32, #tpu.memory_space<vmem>>) semaphore(%arg10 : memref<!tpu.dma_semaphore, #tpu.memory_space<semaphore_mem>>)
    %dma_start3A_12 = arith.constant 64 : i32
    %dma_start3A_13 = tpu.memref_slice %arg5[%dma_start3A_12] : memref<192xi32, #tpu.memory_space<vmem>> -> memref<32xi32, #tpu.memory_space<vmem>>
    %dma_start3A_14 = arith.constant 0 : i32
    %dma_start3A_15 = arith.constant 0 : i32
    %dma_start3A_16 = tpu.memref_slice %arg2[%dma_start3A_14, %dma_start3A_15] : memref<2048x768xf32, #tpu.memory_space<hbm>> -> memref<2048x768xf32, #tpu.memory_space<hbm>>
    tpu.enqueue_indirect_dma source(%dma_start3A_16 : memref<2048x768xf32, #tpu.memory_space<hbm>>) target(%arg8 : memref<32x768xf32, #tpu.memory_space<vmem>>) offsets(%dma_start3A_13 : memref<32xi32, #tpu.memory_space<vmem>>) semaphore(%arg10 : memref<!tpu.dma_semaphore, #tpu.memory_space<semaphore_mem>>)
    %dma_start3A_17 = arith.constant 96 : i32
    %dma_start3A_18 = tpu.memref_slice %arg5[%dma_start3A_17] : memref<192xi32, #tpu.memory_space<vmem>> -> memref<32xi32, #tpu.memory_space<vmem>>
    %dma_start3A_19 = arith.constant 0 : i32
    %dma_start3A_20 = arith.constant 0 : i32
    %dma_start3A_21 = tpu.memref_slice %arg2[%dma_start3A_19, %dma_start3A_20] : memref<2048x768xf32, #tpu.memory_space<hbm>> -> memref<2048x768xf32, #tpu.memory_space<hbm>>
    tpu.enqueue_indirect_dma source(%dma_start3A_21 : memref<2048x768xf32, #tpu.memory_space<hbm>>) target(%arg9 : memref<32x768xf32, #tpu.memory_space<vmem>>) offsets(%dma_start3A_18 : memref<32xi32, #tpu.memory_space<vmem>>) semaphore(%arg10 : memref<!tpu.dma_semaphore, #tpu.memory_space<semaphore_mem>>)
    %dma_wait3A = arith.constant 0 : i32
    %dma_wait3A_22 = tpu.memref_slice %arg5[%dma_wait3A] : memref<192xi32, #tpu.memory_space<vmem>> -> memref<32xi32, #tpu.memory_space<vmem>>
    %dma_wait3A_23 = arith.constant 0 : i32
    %dma_wait3A_24 = arith.constant 0 : i32
    %dma_wait3A_25 = tpu.memref_slice %arg2[%dma_wait3A_23, %dma_wait3A_24] : memref<2048x768xf32, #tpu.memory_space<hbm>> -> memref<2048x768xf32, #tpu.memory_space<hbm>>
    tpu.wait_indirect_dma semaphore(%arg10 : memref<!tpu.dma_semaphore, #tpu.memory_space<semaphore_mem>>) src(%dma_wait3A_25 : memref<2048x768xf32, #tpu.memory_space<hbm>>) dst(%arg6 : memref<32x768xf32, #tpu.memory_space<vmem>>)
    %add3A_26 = arith.constant 0 : i32
    %add3A_27 = arith.addi %mul3A_2, %add3A_26 : i32
    %dma_start3A_28 = arith.constant 0 : i32
    %dma_start3A_29 = tpu.memref_slice %arg4[%add3A_27, %dma_start3A_28] : memref<6144x768xf32, #tpu.memory_space<hbm>> -> memref<32x768xf32, #tpu.memory_space<hbm>>
    %dma_start3A_30 = arith.constant 0 : i32
    %dma_start3A_31 = tpu.memref_slice %arg4[%add3A_27, %dma_start3A_30] : memref<6144x768xf32, #tpu.memory_space<hbm>> -> memref<32x768xf32, #tpu.memory_space<hbm>>
    tpu.enqueue_dma source(%arg6 : memref<32x768xf32, #tpu.memory_space<vmem>>) target(%dma_start3A_31 : memref<32x768xf32, #tpu.memory_space<hbm>>) target_semaphore(%arg11 : memref<!tpu.dma_semaphore, #tpu.memory_space<semaphore_mem>>)
    %dma_wait3A_32 = arith.constant 0 : i32
    %dma_wait3A_33 = tpu.memref_slice %arg4[%add3A_27, %dma_wait3A_32] : memref<6144x768xf32, #tpu.memory_space<hbm>> -> memref<32x768xf32, #tpu.memory_space<hbm>>
    %dma_wait3A_34 = arith.constant 0 : i32
    %dma_wait3A_35 = tpu.memref_slice %arg4[%add3A_27, %dma_wait3A_34] : memref<6144x768xf32, #tpu.memory_space<hbm>> -> memref<32x768xf32, #tpu.memory_space<hbm>>
    tpu.wait_dma2 semaphore(%arg11 : memref<!tpu.dma_semaphore, #tpu.memory_space<semaphore_mem>>) src(%arg6 : memref<32x768xf32, #tpu.memory_space<vmem>>) dst(%dma_wait3A_35 : memref<32x768xf32, #tpu.memory_space<hbm>>)
    %dma_start3A_36 = arith.constant 128 : i32
    %dma_start3A_37 = tpu.memref_slice %arg5[%dma_start3A_36] : memref<192xi32, #tpu.memory_space<vmem>> -> memref<32xi32, #tpu.memory_space<vmem>>
    %dma_start3A_38 = arith.constant 0 : i32
    %dma_start3A_39 = arith.constant 0 : i32
    %dma_start3A_40 = tpu.memref_slice %arg2[%dma_start3A_38, %dma_start3A_39] : memref<2048x768xf32, #tpu.memory_space<hbm>> -> memref<2048x768xf32, #tpu.memory_space<hbm>>
    tpu.enqueue_indirect_dma source(%dma_start3A_40 : memref<2048x768xf32, #tpu.memory_space<hbm>>) target(%arg6 : memref<32x768xf32, #tpu.memory_space<vmem>>) offsets(%dma_start3A_37 : memref<32xi32, #tpu.memory_space<vmem>>) semaphore(%arg10 : memref<!tpu.dma_semaphore, #tpu.memory_space<semaphore_mem>>)
    %dma_wait3A_41 = arith.constant 32 : i32
    %dma_wait3A_42 = tpu.memref_slice %arg5[%dma_wait3A_41] : memref<192xi32, #tpu.memory_space<vmem>> -> memref<32xi32, #tpu.memory_space<vmem>>
    %dma_wait3A_43 = arith.constant 0 : i32
    %dma_wait3A_44 = arith.constant 0 : i32
    %dma_wait3A_45 = tpu.memref_slice %arg2[%dma_wait3A_43, %dma_wait3A_44] : memref<2048x768xf32, #tpu.memory_space<hbm>> -> memref<2048x768xf32, #tpu.memory_space<hbm>>
    tpu.wait_indirect_dma semaphore(%arg10 : memref<!tpu.dma_semaphore, #tpu.memory_space<semaphore_mem>>) src(%dma_wait3A_45 : memref<2048x768xf32, #tpu.memory_space<hbm>>) dst(%arg7 : memref<32x768xf32, #tpu.memory_space<vmem>>)
    %add3A_46 = arith.constant 32 : i32
    %add3A_47 = arith.addi %mul3A_2, %add3A_46 : i32
    %dma_start3A_48 = arith.constant 0 : i32
    %dma_start3A_49 = tpu.memref_slice %arg4[%add3A_47, %dma_start3A_48] : memref<6144x768xf32, #tpu.memory_space<hbm>> -> memref<32x768xf32, #tpu.memory_space<hbm>>
    %dma_start3A_50 = arith.constant 0 : i32
    %dma_start3A_51 = tpu.memref_slice %arg4[%add3A_47, %dma_start3A_50] : memref<6144x768xf32, #tpu.memory_space<hbm>> -> memref<32x768xf32, #tpu.memory_space<hbm>>
    tpu.enqueue_dma source(%arg7 : memref<32x768xf32, #tpu.memory_space<vmem>>) target(%dma_start3A_51 : memref<32x768xf32, #tpu.memory_space<hbm>>) target_semaphore(%arg11 : memref<!tpu.dma_semaphore, #tpu.memory_space<semaphore_mem>>)
    %dma_wait3A_52 = arith.constant 0 : i32
    %dma_wait3A_53 = tpu.memref_slice %arg4[%add3A_47, %dma_wait3A_52] : memref<6144x768xf32, #tpu.memory_space<hbm>> -> memref<32x768xf32, #tpu.memory_space<hbm>>
    %dma_wait3A_54 = arith.constant 0 : i32
    %dma_wait3A_55 = tpu.memref_slice %arg4[%add3A_47, %dma_wait3A_54] : memref<6144x768xf32, #tpu.memory_space<hbm>> -> memref<32x768xf32, #tpu.memory_space<hbm>>
    tpu.wait_dma2 semaphore(%arg11 : memref<!tpu.dma_semaphore, #tpu.memory_space<semaphore_mem>>) src(%arg7 : memref<32x768xf32, #tpu.memory_space<vmem>>) dst(%dma_wait3A_55 : memref<32x768xf32, #tpu.memory_space<hbm>>)
    %dma_start3A_56 = arith.constant 160 : i32
    %dma_start3A_57 = tpu.memref_slice %arg5[%dma_start3A_56] : memref<192xi32, #tpu.memory_space<vmem>> -> memref<32xi32, #tpu.memory_space<vmem>>
    %dma_start3A_58 = arith.constant 0 : i32
    %dma_start3A_59 = arith.constant 0 : i32
    %dma_start3A_60 = tpu.memref_slice %arg2[%dma_start3A_58, %dma_start3A_59] : memref<2048x768xf32, #tpu.memory_space<hbm>> -> memref<2048x768xf32, #tpu.memory_space<hbm>>
    tpu.enqueue_indirect_dma source(%dma_start3A_60 : memref<2048x768xf32, #tpu.memory_space<hbm>>) target(%arg7 : memref<32x768xf32, #tpu.memory_space<vmem>>) offsets(%dma_start3A_57 : memref<32xi32, #tpu.memory_space<vmem>>) semaphore(%arg10 : memref<!tpu.dma_semaphore, #tpu.memory_space<semaphore_mem>>)
    %dma_wait3A_61 = arith.constant 64 : i32
    %dma_wait3A_62 = tpu.memref_slice %arg5[%dma_wait3A_61] : memref<192xi32, #tpu.memory_space<vmem>> -> memref<32xi32, #tpu.memory_space<vmem>>
    %dma_wait3A_63 = arith.constant 0 : i32
    %dma_wait3A_64 = arith.constant 0 : i32
    %dma_wait3A_65 = tpu.memref_slice %arg2[%dma_wait3A_63, %dma_wait3A_64] : memref<2048x768xf32, #tpu.memory_space<hbm>> -> memref<2048x768xf32, #tpu.memory_space<hbm>>
    tpu.wait_indirect_dma semaphore(%arg10 : memref<!tpu.dma_semaphore, #tpu.memory_space<semaphore_mem>>) src(%dma_wait3A_65 : memref<2048x768xf32, #tpu.memory_space<hbm>>) dst(%arg8 : memref<32x768xf32, #tpu.memory_space<vmem>>)
    %add3A_66 = arith.constant 64 : i32
    %add3A_67 = arith.addi %mul3A_2, %add3A_66 : i32
    %dma_start3A_68 = arith.constant 0 : i32
    %dma_start3A_69 = tpu.memref_slice %arg4[%add3A_67, %dma_start3A_68] : memref<6144x768xf32, #tpu.memory_space<hbm>> -> memref<32x768xf32, #tpu.memory_space<hbm>>
    %dma_start3A_70 = arith.constant 0 : i32
    %dma_start3A_71 = tpu.memref_slice %arg4[%add3A_67, %dma_start3A_70] : memref<6144x768xf32, #tpu.memory_space<hbm>> -> memref<32x768xf32, #tpu.memory_space<hbm>>
    tpu.enqueue_dma source(%arg8 : memref<32x768xf32, #tpu.memory_space<vmem>>) target(%dma_start3A_71 : memref<32x768xf32, #tpu.memory_space<hbm>>) target_semaphore(%arg11 : memref<!tpu.dma_semaphore, #tpu.memory_space<semaphore_mem>>)
    %dma_wait3A_72 = arith.constant 96 : i32
    %dma_wait3A_73 = tpu.memref_slice %arg5[%dma_wait3A_72] : memref<192xi32, #tpu.memory_space<vmem>> -> memref<32xi32, #tpu.memory_space<vmem>>
    %dma_wait3A_74 = arith.constant 0 : i32
    %dma_wait3A_75 = arith.constant 0 : i32
    %dma_wait3A_76 = tpu.memref_slice %arg2[%dma_wait3A_74, %dma_wait3A_75] : memref<2048x768xf32, #tpu.memory_space<hbm>> -> memref<2048x768xf32, #tpu.memory_space<hbm>>
    tpu.wait_indirect_dma semaphore(%arg10 : memref<!tpu.dma_semaphore, #tpu.memory_space<semaphore_mem>>) src(%dma_wait3A_76 : memref<2048x768xf32, #tpu.memory_space<hbm>>) dst(%arg9 : memref<32x768xf32, #tpu.memory_space<vmem>>)
    %add3A_77 = arith.constant 96 : i32
    %add3A_78 = arith.addi %mul3A_2, %add3A_77 : i32
    %dma_start3A_79 = arith.constant 0 : i32
    %dma_start3A_80 = tpu.memref_slice %arg4[%add3A_78, %dma_start3A_79] : memref<6144x768xf32, #tpu.memory_space<hbm>> -> memref<32x768xf32, #tpu.memory_space<hbm>>
    %dma_start3A_81 = arith.constant 0 : i32
    %dma_start3A_82 = tpu.memref_slice %arg4[%add3A_78, %dma_start3A_81] : memref<6144x768xf32, #tpu.memory_space<hbm>> -> memref<32x768xf32, #tpu.memory_space<hbm>>
    tpu.enqueue_dma source(%arg9 : memref<32x768xf32, #tpu.memory_space<vmem>>) target(%dma_start3A_82 : memref<32x768xf32, #tpu.memory_space<hbm>>) target_semaphore(%arg11 : memref<!tpu.dma_semaphore, #tpu.memory_space<semaphore_mem>>)
    %dma_wait3A_83 = arith.constant 128 : i32
    %dma_wait3A_84 = tpu.memref_slice %arg5[%dma_wait3A_83] : memref<192xi32, #tpu.memory_space<vmem>> -> memref<32xi32, #tpu.memory_space<vmem>>
    %dma_wait3A_85 = arith.constant 0 : i32
    %dma_wait3A_86 = arith.constant 0 : i32
    %dma_wait3A_87 = tpu.memref_slice %arg2[%dma_wait3A_85, %dma_wait3A_86] : memref<2048x768xf32, #tpu.memory_space<hbm>> -> memref<2048x768xf32, #tpu.memory_space<hbm>>
    tpu.wait_indirect_dma semaphore(%arg10 : memref<!tpu.dma_semaphore, #tpu.memory_space<semaphore_mem>>) src(%dma_wait3A_87 : memref<2048x768xf32, #tpu.memory_space<hbm>>) dst(%arg6 : memref<32x768xf32, #tpu.memory_space<vmem>>)
    %add3A_88 = arith.constant 128 : i32
    %add3A_89 = arith.addi %mul3A_2, %add3A_88 : i32
    %dma_start3A_90 = arith.constant 0 : i32
    %dma_start3A_91 = tpu.memref_slice %arg4[%add3A_89, %dma_start3A_90] : memref<6144x768xf32, #tpu.memory_space<hbm>> -> memref<32x768xf32, #tpu.memory_space<hbm>>
    %dma_start3A_92 = arith.constant 0 : i32
    %dma_start3A_93 = tpu.memref_slice %arg4[%add3A_89, %dma_start3A_92] : memref<6144x768xf32, #tpu.memory_space<hbm>> -> memref<32x768xf32, #tpu.memory_space<hbm>>
    tpu.enqueue_dma source(%arg6 : memref<32x768xf32, #tpu.memory_space<vmem>>) target(%dma_start3A_93 : memref<32x768xf32, #tpu.memory_space<hbm>>) target_semaphore(%arg11 : memref<!tpu.dma_semaphore, #tpu.memory_space<semaphore_mem>>)
    %dma_wait3A_94 = arith.constant 160 : i32
    %dma_wait3A_95 = tpu.memref_slice %arg5[%dma_wait3A_94] : memref<192xi32, #tpu.memory_space<vmem>> -> memref<32xi32, #tpu.memory_space<vmem>>
    %dma_wait3A_96 = arith.constant 0 : i32
    %dma_wait3A_97 = arith.constant 0 : i32
    %dma_wait3A_98 = tpu.memref_slice %arg2[%dma_wait3A_96, %dma_wait3A_97] : memref<2048x768xf32, #tpu.memory_space<hbm>> -> memref<2048x768xf32, #tpu.memory_space<hbm>>
    tpu.wait_indirect_dma semaphore(%arg10 : memref<!tpu.dma_semaphore, #tpu.memory_space<semaphore_mem>>) src(%dma_wait3A_98 : memref<2048x768xf32, #tpu.memory_space<hbm>>) dst(%arg7 : memref<32x768xf32, #tpu.memory_space<vmem>>)
    %add3A_99 = arith.constant 160 : i32
    %add3A_100 = arith.addi %mul3A_2, %add3A_99 : i32
    %dma_start3A_101 = arith.constant 0 : i32
    %dma_start3A_102 = tpu.memref_slice %arg4[%add3A_100, %dma_start3A_101] : memref<6144x768xf32, #tpu.memory_space<hbm>> -> memref<32x768xf32, #tpu.memory_space<hbm>>
    %dma_start3A_103 = arith.constant 0 : i32
    %dma_start3A_104 = tpu.memref_slice %arg4[%add3A_100, %dma_start3A_103] : memref<6144x768xf32, #tpu.memory_space<hbm>> -> memref<32x768xf32, #tpu.memory_space<hbm>>
    tpu.enqueue_dma source(%arg7 : memref<32x768xf32, #tpu.memory_space<vmem>>) target(%dma_start3A_104 : memref<32x768xf32, #tpu.memory_space<hbm>>) target_semaphore(%arg11 : memref<!tpu.dma_semaphore, #tpu.memory_space<semaphore_mem>>)
    %dma_wait3A_105 = arith.constant 0 : i32
    %dma_wait3A_106 = tpu.memref_slice %arg4[%add3A_67, %dma_wait3A_105] : memref<6144x768xf32, #tpu.memory_space<hbm>> -> memref<32x768xf32, #tpu.memory_space<hbm>>
    %dma_wait3A_107 = arith.constant 0 : i32
    %dma_wait3A_108 = tpu.memref_slice %arg4[%add3A_67, %dma_wait3A_107] : memref<6144x768xf32, #tpu.memory_space<hbm>> -> memref<32x768xf32, #tpu.memory_space<hbm>>
    tpu.wait_dma2 semaphore(%arg11 : memref<!tpu.dma_semaphore, #tpu.memory_space<semaphore_mem>>) src(%arg8 : memref<32x768xf32, #tpu.memory_space<vmem>>) dst(%dma_wait3A_108 : memref<32x768xf32, #tpu.memory_space<hbm>>)
    %dma_wait3A_109 = arith.constant 0 : i32
    %dma_wait3A_110 = tpu.memref_slice %arg4[%add3A_78, %dma_wait3A_109] : memref<6144x768xf32, #tpu.memory_space<hbm>> -> memref<32x768xf32, #tpu.memory_space<hbm>>
    %dma_wait3A_111 = arith.constant 0 : i32
    %dma_wait3A_112 = tpu.memref_slice %arg4[%add3A_78, %dma_wait3A_111] : memref<6144x768xf32, #tpu.memory_space<hbm>> -> memref<32x768xf32, #tpu.memory_space<hbm>>
    tpu.wait_dma2 semaphore(%arg11 : memref<!tpu.dma_semaphore, #tpu.memory_space<semaphore_mem>>) src(%arg9 : memref<32x768xf32, #tpu.memory_space<vmem>>) dst(%dma_wait3A_112 : memref<32x768xf32, #tpu.memory_space<hbm>>)
    %dma_wait3A_113 = arith.constant 0 : i32
    %dma_wait3A_114 = tpu.memref_slice %arg4[%add3A_89, %dma_wait3A_113] : memref<6144x768xf32, #tpu.memory_space<hbm>> -> memref<32x768xf32, #tpu.memory_space<hbm>>
    %dma_wait3A_115 = arith.constant 0 : i32
    %dma_wait3A_116 = tpu.memref_slice %arg4[%add3A_89, %dma_wait3A_115] : memref<6144x768xf32, #tpu.memory_space<hbm>> -> memref<32x768xf32, #tpu.memory_space<hbm>>
    tpu.wait_dma2 semaphore(%arg11 : memref<!tpu.dma_semaphore, #tpu.memory_space<semaphore_mem>>) src(%arg6 : memref<32x768xf32, #tpu.memory_space<vmem>>) dst(%dma_wait3A_116 : memref<32x768xf32, #tpu.memory_space<hbm>>)
    %dma_wait3A_117 = arith.constant 0 : i32
    %dma_wait3A_118 = tpu.memref_slice %arg4[%add3A_100, %dma_wait3A_117] : memref<6144x768xf32, #tpu.memory_space<hbm>> -> memref<32x768xf32, #tpu.memory_space<hbm>>
    %dma_wait3A_119 = arith.constant 0 : i32
    %dma_wait3A_120 = tpu.memref_slice %arg4[%add3A_100, %dma_wait3A_119] : memref<6144x768xf32, #tpu.memory_space<hbm>> -> memref<32x768xf32, #tpu.memory_space<hbm>>
    tpu.wait_dma2 semaphore(%arg11 : memref<!tpu.dma_semaphore, #tpu.memory_space<semaphore_mem>>) src(%arg7 : memref<32x768xf32, #tpu.memory_space<vmem>>) dst(%dma_wait3A_120 : memref<32x768xf32, #tpu.memory_space<hbm>>)
    return
  }
}

#map = affine_map<(d0, d1) -> (0, 0)>
#map1 = affine_map<(d0, d1) -> (0)>
module attributes {stable_mosaic.version = 14 : i64} {
  func.func @gather(%arg0: i32, %arg1: i32, %arg2: memref<6144x768xf32, #tpu.memory_space<hbm>>, %arg3: memref<4096xi32, #tpu.memory_space<hbm>>, %arg4: memref<4096x768xf32, #tpu.memory_space<hbm>>, %arg5: memref<128xi32, #tpu.memory_space<vmem>>, %arg6: memref<32x768xf32, #tpu.memory_space<vmem>>, %arg7: memref<32x768xf32, #tpu.memory_space<vmem>>, %arg8: memref<32x768xf32, #tpu.memory_space<vmem>>, %arg9: memref<32x768xf32, #tpu.memory_space<vmem>>, %arg10: memref<!tpu.dma_semaphore, #tpu.memory_space<semaphore_mem>>, %arg11: memref<!tpu.dma_semaphore, #tpu.memory_space<semaphore_mem>>) attributes {dimension_semantics = [#tpu.dimension_semantics<core_parallel>, #tpu.dimension_semantics<subcore_parallel>], iteration_bounds = array<i64: 2, 16>, scalar_prefetch = 0 : i64, scratch_operands = 7 : i64, tpu.core_type = #tpu.core_type<sc_vector_subcore>, window_params = [{transform_indices = #map}, {transform_indices = #map1}, {transform_indices = #map}]} {
    %mul3A = arith.constant 2 : i32
    %mul3A_0 = arith.muli %arg1, %mul3A : i32
    %add3A = arith.addi %mul3A_0, %arg0 : i32
    %mul3A_1 = arith.constant 128 : i32
    %mul3A_2 = arith.muli %add3A, %mul3A_1 : i32
    "tpu.region"() ({
      %run_scoped3A = tpu.sem_alloc : memref<!tpu.dma_semaphore, #tpu.memory_space<semaphore_mem>>
      %dma_start3A_81 = tpu.memref_slice %arg3[%mul3A_2] : memref<4096xi32, #tpu.memory_space<hbm>> -> memref<128xi32, #tpu.memory_space<hbm>>
      %dma_start3A_82 = tpu.memref_slice %arg3[%mul3A_2] : memref<4096xi32, #tpu.memory_space<hbm>> -> memref<128xi32, #tpu.memory_space<hbm>>
      tpu.enqueue_dma source(%dma_start3A_82 : memref<128xi32, #tpu.memory_space<hbm>>) target(%arg5 : memref<128xi32, #tpu.memory_space<vmem>>) target_semaphore(%run_scoped3A : memref<!tpu.dma_semaphore, #tpu.memory_space<semaphore_mem>>)
      %dma_wait3A_83 = tpu.memref_slice %arg3[%mul3A_2] : memref<4096xi32, #tpu.memory_space<hbm>> -> memref<128xi32, #tpu.memory_space<hbm>>
      %dma_wait3A_84 = tpu.memref_slice %arg3[%mul3A_2] : memref<4096xi32, #tpu.memory_space<hbm>> -> memref<128xi32, #tpu.memory_space<hbm>>
      tpu.wait_dma2 semaphore(%run_scoped3A : memref<!tpu.dma_semaphore, #tpu.memory_space<semaphore_mem>>) src(%dma_wait3A_84 : memref<128xi32, #tpu.memory_space<hbm>>) dst(%arg5 : memref<128xi32, #tpu.memory_space<vmem>>)
      tpu.yield
    }) : () -> ()
    %dma_start3A = arith.constant 0 : i32
    %dma_start3A_3 = tpu.memref_slice %arg5[%dma_start3A] : memref<128xi32, #tpu.memory_space<vmem>> -> memref<32xi32, #tpu.memory_space<vmem>>
    %dma_start3A_4 = arith.constant 0 : i32
    %dma_start3A_5 = arith.constant 0 : i32
    %dma_start3A_6 = tpu.memref_slice %arg2[%dma_start3A_4, %dma_start3A_5] : memref<6144x768xf32, #tpu.memory_space<hbm>> -> memref<6144x768xf32, #tpu.memory_space<hbm>>
    tpu.enqueue_indirect_dma source(%dma_start3A_6 : memref<6144x768xf32, #tpu.memory_space<hbm>>) target(%arg6 : memref<32x768xf32, #tpu.memory_space<vmem>>) offsets(%dma_start3A_3 : memref<32xi32, #tpu.memory_space<vmem>>) semaphore(%arg10 : memref<!tpu.dma_semaphore, #tpu.memory_space<semaphore_mem>>)
    %dma_start3A_7 = arith.constant 32 : i32
    %dma_start3A_8 = tpu.memref_slice %arg5[%dma_start3A_7] : memref<128xi32, #tpu.memory_space<vmem>> -> memref<32xi32, #tpu.memory_space<vmem>>
    %dma_start3A_9 = arith.constant 0 : i32
    %dma_start3A_10 = arith.constant 0 : i32
    %dma_start3A_11 = tpu.memref_slice %arg2[%dma_start3A_9, %dma_start3A_10] : memref<6144x768xf32, #tpu.memory_space<hbm>> -> memref<6144x768xf32, #tpu.memory_space<hbm>>
    tpu.enqueue_indirect_dma source(%dma_start3A_11 : memref<6144x768xf32, #tpu.memory_space<hbm>>) target(%arg7 : memref<32x768xf32, #tpu.memory_space<vmem>>) offsets(%dma_start3A_8 : memref<32xi32, #tpu.memory_space<vmem>>) semaphore(%arg10 : memref<!tpu.dma_semaphore, #tpu.memory_space<semaphore_mem>>)
    %dma_start3A_12 = arith.constant 64 : i32
    %dma_start3A_13 = tpu.memref_slice %arg5[%dma_start3A_12] : memref<128xi32, #tpu.memory_space<vmem>> -> memref<32xi32, #tpu.memory_space<vmem>>
    %dma_start3A_14 = arith.constant 0 : i32
    %dma_start3A_15 = arith.constant 0 : i32
    %dma_start3A_16 = tpu.memref_slice %arg2[%dma_start3A_14, %dma_start3A_15] : memref<6144x768xf32, #tpu.memory_space<hbm>> -> memref<6144x768xf32, #tpu.memory_space<hbm>>
    tpu.enqueue_indirect_dma source(%dma_start3A_16 : memref<6144x768xf32, #tpu.memory_space<hbm>>) target(%arg8 : memref<32x768xf32, #tpu.memory_space<vmem>>) offsets(%dma_start3A_13 : memref<32xi32, #tpu.memory_space<vmem>>) semaphore(%arg10 : memref<!tpu.dma_semaphore, #tpu.memory_space<semaphore_mem>>)
    %dma_start3A_17 = arith.constant 96 : i32
    %dma_start3A_18 = tpu.memref_slice %arg5[%dma_start3A_17] : memref<128xi32, #tpu.memory_space<vmem>> -> memref<32xi32, #tpu.memory_space<vmem>>
    %dma_start3A_19 = arith.constant 0 : i32
    %dma_start3A_20 = arith.constant 0 : i32
    %dma_start3A_21 = tpu.memref_slice %arg2[%dma_start3A_19, %dma_start3A_20] : memref<6144x768xf32, #tpu.memory_space<hbm>> -> memref<6144x768xf32, #tpu.memory_space<hbm>>
    tpu.enqueue_indirect_dma source(%dma_start3A_21 : memref<6144x768xf32, #tpu.memory_space<hbm>>) target(%arg9 : memref<32x768xf32, #tpu.memory_space<vmem>>) offsets(%dma_start3A_18 : memref<32xi32, #tpu.memory_space<vmem>>) semaphore(%arg10 : memref<!tpu.dma_semaphore, #tpu.memory_space<semaphore_mem>>)
    %dma_wait3A = arith.constant 0 : i32
    %dma_wait3A_22 = tpu.memref_slice %arg5[%dma_wait3A] : memref<128xi32, #tpu.memory_space<vmem>> -> memref<32xi32, #tpu.memory_space<vmem>>
    %dma_wait3A_23 = arith.constant 0 : i32
    %dma_wait3A_24 = arith.constant 0 : i32
    %dma_wait3A_25 = tpu.memref_slice %arg2[%dma_wait3A_23, %dma_wait3A_24] : memref<6144x768xf32, #tpu.memory_space<hbm>> -> memref<6144x768xf32, #tpu.memory_space<hbm>>
    tpu.wait_indirect_dma semaphore(%arg10 : memref<!tpu.dma_semaphore, #tpu.memory_space<semaphore_mem>>) src(%dma_wait3A_25 : memref<6144x768xf32, #tpu.memory_space<hbm>>) dst(%arg6 : memref<32x768xf32, #tpu.memory_space<vmem>>)
    %add3A_26 = arith.constant 0 : i32
    %add3A_27 = arith.addi %mul3A_2, %add3A_26 : i32
    %dma_start3A_28 = arith.constant 0 : i32
    %dma_start3A_29 = tpu.memref_slice %arg4[%add3A_27, %dma_start3A_28] : memref<4096x768xf32, #tpu.memory_space<hbm>> -> memref<32x768xf32, #tpu.memory_space<hbm>>
    %dma_start3A_30 = arith.constant 0 : i32
    %dma_start3A_31 = tpu.memref_slice %arg4[%add3A_27, %dma_start3A_30] : memref<4096x768xf32, #tpu.memory_space<hbm>> -> memref<32x768xf32, #tpu.memory_space<hbm>>
    tpu.enqueue_dma source(%arg6 : memref<32x768xf32, #tpu.memory_space<vmem>>) target(%dma_start3A_31 : memref<32x768xf32, #tpu.memory_space<hbm>>) target_semaphore(%arg11 : memref<!tpu.dma_semaphore, #tpu.memory_space<semaphore_mem>>)
    %dma_wait3A_32 = arith.constant 32 : i32
    %dma_wait3A_33 = tpu.memref_slice %arg5[%dma_wait3A_32] : memref<128xi32, #tpu.memory_space<vmem>> -> memref<32xi32, #tpu.memory_space<vmem>>
    %dma_wait3A_34 = arith.constant 0 : i32
    %dma_wait3A_35 = arith.constant 0 : i32
    %dma_wait3A_36 = tpu.memref_slice %arg2[%dma_wait3A_34, %dma_wait3A_35] : memref<6144x768xf32, #tpu.memory_space<hbm>> -> memref<6144x768xf32, #tpu.memory_space<hbm>>
    tpu.wait_indirect_dma semaphore(%arg10 : memref<!tpu.dma_semaphore, #tpu.memory_space<semaphore_mem>>) src(%dma_wait3A_36 : memref<6144x768xf32, #tpu.memory_space<hbm>>) dst(%arg7 : memref<32x768xf32, #tpu.memory_space<vmem>>)
    %add3A_37 = arith.constant 32 : i32
    %add3A_38 = arith.addi %mul3A_2, %add3A_37 : i32
    %dma_start3A_39 = arith.constant 0 : i32
    %dma_start3A_40 = tpu.memref_slice %arg4[%add3A_38, %dma_start3A_39] : memref<4096x768xf32, #tpu.memory_space<hbm>> -> memref<32x768xf32, #tpu.memory_space<hbm>>
    %dma_start3A_41 = arith.constant 0 : i32
    %dma_start3A_42 = tpu.memref_slice %arg4[%add3A_38, %dma_start3A_41] : memref<4096x768xf32, #tpu.memory_space<hbm>> -> memref<32x768xf32, #tpu.memory_space<hbm>>
    tpu.enqueue_dma source(%arg7 : memref<32x768xf32, #tpu.memory_space<vmem>>) target(%dma_start3A_42 : memref<32x768xf32, #tpu.memory_space<hbm>>) target_semaphore(%arg11 : memref<!tpu.dma_semaphore, #tpu.memory_space<semaphore_mem>>)
    %dma_wait3A_43 = arith.constant 64 : i32
    %dma_wait3A_44 = tpu.memref_slice %arg5[%dma_wait3A_43] : memref<128xi32, #tpu.memory_space<vmem>> -> memref<32xi32, #tpu.memory_space<vmem>>
    %dma_wait3A_45 = arith.constant 0 : i32
    %dma_wait3A_46 = arith.constant 0 : i32
    %dma_wait3A_47 = tpu.memref_slice %arg2[%dma_wait3A_45, %dma_wait3A_46] : memref<6144x768xf32, #tpu.memory_space<hbm>> -> memref<6144x768xf32, #tpu.memory_space<hbm>>
    tpu.wait_indirect_dma semaphore(%arg10 : memref<!tpu.dma_semaphore, #tpu.memory_space<semaphore_mem>>) src(%dma_wait3A_47 : memref<6144x768xf32, #tpu.memory_space<hbm>>) dst(%arg8 : memref<32x768xf32, #tpu.memory_space<vmem>>)
    %add3A_48 = arith.constant 64 : i32
    %add3A_49 = arith.addi %mul3A_2, %add3A_48 : i32
    %dma_start3A_50 = arith.constant 0 : i32
    %dma_start3A_51 = tpu.memref_slice %arg4[%add3A_49, %dma_start3A_50] : memref<4096x768xf32, #tpu.memory_space<hbm>> -> memref<32x768xf32, #tpu.memory_space<hbm>>
    %dma_start3A_52 = arith.constant 0 : i32
    %dma_start3A_53 = tpu.memref_slice %arg4[%add3A_49, %dma_start3A_52] : memref<4096x768xf32, #tpu.memory_space<hbm>> -> memref<32x768xf32, #tpu.memory_space<hbm>>
    tpu.enqueue_dma source(%arg8 : memref<32x768xf32, #tpu.memory_space<vmem>>) target(%dma_start3A_53 : memref<32x768xf32, #tpu.memory_space<hbm>>) target_semaphore(%arg11 : memref<!tpu.dma_semaphore, #tpu.memory_space<semaphore_mem>>)
    %dma_wait3A_54 = arith.constant 96 : i32
    %dma_wait3A_55 = tpu.memref_slice %arg5[%dma_wait3A_54] : memref<128xi32, #tpu.memory_space<vmem>> -> memref<32xi32, #tpu.memory_space<vmem>>
    %dma_wait3A_56 = arith.constant 0 : i32
    %dma_wait3A_57 = arith.constant 0 : i32
    %dma_wait3A_58 = tpu.memref_slice %arg2[%dma_wait3A_56, %dma_wait3A_57] : memref<6144x768xf32, #tpu.memory_space<hbm>> -> memref<6144x768xf32, #tpu.memory_space<hbm>>
    tpu.wait_indirect_dma semaphore(%arg10 : memref<!tpu.dma_semaphore, #tpu.memory_space<semaphore_mem>>) src(%dma_wait3A_58 : memref<6144x768xf32, #tpu.memory_space<hbm>>) dst(%arg9 : memref<32x768xf32, #tpu.memory_space<vmem>>)
    %add3A_59 = arith.constant 96 : i32
    %add3A_60 = arith.addi %mul3A_2, %add3A_59 : i32
    %dma_start3A_61 = arith.constant 0 : i32
    %dma_start3A_62 = tpu.memref_slice %arg4[%add3A_60, %dma_start3A_61] : memref<4096x768xf32, #tpu.memory_space<hbm>> -> memref<32x768xf32, #tpu.memory_space<hbm>>
    %dma_start3A_63 = arith.constant 0 : i32
    %dma_start3A_64 = tpu.memref_slice %arg4[%add3A_60, %dma_start3A_63] : memref<4096x768xf32, #tpu.memory_space<hbm>> -> memref<32x768xf32, #tpu.memory_space<hbm>>
    tpu.enqueue_dma source(%arg9 : memref<32x768xf32, #tpu.memory_space<vmem>>) target(%dma_start3A_64 : memref<32x768xf32, #tpu.memory_space<hbm>>) target_semaphore(%arg11 : memref<!tpu.dma_semaphore, #tpu.memory_space<semaphore_mem>>)
    %dma_wait3A_65 = arith.constant 0 : i32
    %dma_wait3A_66 = tpu.memref_slice %arg4[%add3A_27, %dma_wait3A_65] : memref<4096x768xf32, #tpu.memory_space<hbm>> -> memref<32x768xf32, #tpu.memory_space<hbm>>
    %dma_wait3A_67 = arith.constant 0 : i32
    %dma_wait3A_68 = tpu.memref_slice %arg4[%add3A_27, %dma_wait3A_67] : memref<4096x768xf32, #tpu.memory_space<hbm>> -> memref<32x768xf32, #tpu.memory_space<hbm>>
    tpu.wait_dma2 semaphore(%arg11 : memref<!tpu.dma_semaphore, #tpu.memory_space<semaphore_mem>>) src(%arg6 : memref<32x768xf32, #tpu.memory_space<vmem>>) dst(%dma_wait3A_68 : memref<32x768xf32, #tpu.memory_space<hbm>>)
    %dma_wait3A_69 = arith.constant 0 : i32
    %dma_wait3A_70 = tpu.memref_slice %arg4[%add3A_38, %dma_wait3A_69] : memref<4096x768xf32, #tpu.memory_space<hbm>> -> memref<32x768xf32, #tpu.memory_space<hbm>>
    %dma_wait3A_71 = arith.constant 0 : i32
    %dma_wait3A_72 = tpu.memref_slice %arg4[%add3A_38, %dma_wait3A_71] : memref<4096x768xf32, #tpu.memory_space<hbm>> -> memref<32x768xf32, #tpu.memory_space<hbm>>
    tpu.wait_dma2 semaphore(%arg11 : memref<!tpu.dma_semaphore, #tpu.memory_space<semaphore_mem>>) src(%arg7 : memref<32x768xf32, #tpu.memory_space<vmem>>) dst(%dma_wait3A_72 : memref<32x768xf32, #tpu.memory_space<hbm>>)
    %dma_wait3A_73 = arith.constant 0 : i32
    %dma_wait3A_74 = tpu.memref_slice %arg4[%add3A_49, %dma_wait3A_73] : memref<4096x768xf32, #tpu.memory_space<hbm>> -> memref<32x768xf32, #tpu.memory_space<hbm>>
    %dma_wait3A_75 = arith.constant 0 : i32
    %dma_wait3A_76 = tpu.memref_slice %arg4[%add3A_49, %dma_wait3A_75] : memref<4096x768xf32, #tpu.memory_space<hbm>> -> memref<32x768xf32, #tpu.memory_space<hbm>>
    tpu.wait_dma2 semaphore(%arg11 : memref<!tpu.dma_semaphore, #tpu.memory_space<semaphore_mem>>) src(%arg8 : memref<32x768xf32, #tpu.memory_space<vmem>>) dst(%dma_wait3A_76 : memref<32x768xf32, #tpu.memory_space<hbm>>)
    %dma_wait3A_77 = arith.constant 0 : i32
    %dma_wait3A_78 = tpu.memref_slice %arg4[%add3A_60, %dma_wait3A_77] : memref<4096x768xf32, #tpu.memory_space<hbm>> -> memref<32x768xf32, #tpu.memory_space<hbm>>
    %dma_wait3A_79 = arith.constant 0 : i32
    %dma_wait3A_80 = tpu.memref_slice %arg4[%add3A_60, %dma_wait3A_79] : memref<4096x768xf32, #tpu.memory_space<hbm>> -> memref<32x768xf32, #tpu.memory_space<hbm>>
    tpu.wait_dma2 semaphore(%arg11 : memref<!tpu.dma_semaphore, #tpu.memory_space<semaphore_mem>>) src(%arg9 : memref<32x768xf32, #tpu.memory_space<vmem>>) dst(%dma_wait3A_80 : memref<32x768xf32, #tpu.memory_space<hbm>>)
    return
  }
}

module attributes {stable_mosaic.version = 14 : i64} {
  func.func @_attn_kernel(%arg0: i32, %arg1: i32, %arg2: memref<1x256x64xf32, #tpu.memory_space<vmem>>, %arg3: memref<1x2048x64xf32, #tpu.memory_space<vmem>>, %arg4: memref<1x2048x64xf32, #tpu.memory_space<vmem>>, %arg5: memref<1x256x64xf32, #tpu.memory_space<vmem>>) attributes {dimension_semantics = [#tpu.dimension_semantics<arbitrary>, #tpu.dimension_semantics<arbitrary>], iteration_bounds = array<i64: 12, 8>, scalar_prefetch = 0 : i64, scratch_operands = 0 : i64, tpu.core_type = #tpu.core_type<tc>, window_params = [{transform_indices = @transform_0, window_bounds = array<i64: 1, 256, 64>}, {transform_indices = @transform_1, window_bounds = array<i64: 1, 2048, 64>}, {transform_indices = @transform_2, window_bounds = array<i64: 1, 2048, 64>}, {transform_indices = @transform_3, window_bounds = array<i64: 1, 256, 64>}]} {
    %get3A = arith.constant 0 : index
    %get3A_0 = arith.constant 0 : index
    %get3A_1 = arith.constant 0 : index
    %get3A_2 = vector.load %arg2[%get3A, %get3A_0, %get3A_1] : memref<1x256x64xf32, #tpu.memory_space<vmem>>, vector<1x256x64xf32>
    %get3A_3 = vector.shape_cast %get3A_2 : vector<1x256x64xf32> to vector<256x64xf32>
    %get3A_4 = arith.constant 0 : index
    %get3A_5 = arith.constant 0 : index
    %get3A_6 = arith.constant 0 : index
    %get3A_7 = vector.load %arg3[%get3A_4, %get3A_5, %get3A_6] : memref<1x2048x64xf32, #tpu.memory_space<vmem>>, vector<1x2048x64xf32>
    %get3A_8 = vector.shape_cast %get3A_7 : vector<1x2048x64xf32> to vector<2048x64xf32>
    %get3A_9 = arith.constant 0 : index
    %get3A_10 = arith.constant 0 : index
    %get3A_11 = arith.constant 0 : index
    %get3A_12 = vector.load %arg4[%get3A_9, %get3A_10, %get3A_11] : memref<1x2048x64xf32, #tpu.memory_space<vmem>>, vector<1x2048x64xf32>
    %get3A_13 = vector.shape_cast %get3A_12 : vector<1x2048x64xf32> to vector<2048x64xf32>
    %dot_general3A = arith.constant dense<0.000000e+00> : vector<256x2048xf32>
    %dot_general3A_14 = tpu.matmul %get3A_3, %get3A_8, %dot_general3A {dimension_numbers = #tpu.dot_dimension_numbers<[1], [1], [0], [0], [0, 0, 1, 0], [], []>, transpose_lhs_hint = false} : vector<256x64xf32>, vector<2048x64xf32>, vector<256x2048xf32> -> vector<256x2048xf32>
    %mul3A = arith.constant 1.250000e-01 : f32
    %mul3A_15 = vector.broadcast %mul3A : f32 to vector<256x2048xf32>
    %mul3A_16 = arith.mulf %dot_general3A_14, %mul3A_15 : vector<256x2048xf32>
    %reduce_max3A = arith.constant dense<0xFF800000> : vector<256xf32>
    %reduce_max3A_17 = vector.multi_reduction <maximumf>, %mul3A_16, %reduce_max3A [1] : vector<256x2048xf32> to vector<256xf32>
    %broadcast_in_dim3A = vector.shape_cast %reduce_max3A_17 : vector<256xf32> to vector<256x1xf32>
    %sub3A = vector.broadcast %broadcast_in_dim3A : vector<256x1xf32> to vector<256x2048xf32>
    %sub3A_18 = arith.subf %mul3A_16, %sub3A : vector<256x2048xf32>
    %exp3A = math.exp %sub3A_18 : vector<256x2048xf32>
    %reduce_sum3A = arith.constant dense<0.000000e+00> : vector<256xf32>
    %reduce_sum3A_19 = vector.multi_reduction <add>, %exp3A, %reduce_sum3A [1] : vector<256x2048xf32> to vector<256xf32>
    %broadcast_in_dim3A_20 = vector.shape_cast %reduce_sum3A_19 : vector<256xf32> to vector<256x1xf32>
    %div3A = vector.broadcast %broadcast_in_dim3A_20 : vector<256x1xf32> to vector<256x2048xf32>
    %div3A_21 = arith.divf %exp3A, %div3A : vector<256x2048xf32>
    %dot_general3A_22 = arith.constant dense<0.000000e+00> : vector<256x64xf32>
    %dot_general3A_23 = tpu.matmul %div3A_21, %get3A_13, %dot_general3A_22 {dimension_numbers = #tpu.dot_dimension_numbers<[1], [0], [0], [1], [0, 0, 1, 1], [], []>, transpose_lhs_hint = false} : vector<256x2048xf32>, vector<2048x64xf32>, vector<256x64xf32> -> vector<256x64xf32>
    %swap3A = arith.constant 0 : index
    %swap3A_24 = arith.constant 0 : index
    %swap3A_25 = arith.constant 0 : index
    %swap3A_26 = vector.load %arg5[%swap3A, %swap3A_24, %swap3A_25] : memref<1x256x64xf32, #tpu.memory_space<vmem>>, vector<1x256x64xf32>
    %swap3A_27 = vector.shape_cast %swap3A_26 : vector<1x256x64xf32> to vector<256x64xf32>
    %swap3A_28 = vector.shape_cast %dot_general3A_23 : vector<256x64xf32> to vector<1x256x64xf32>
    tpu.vector_store %arg5[%swap3A, %swap3A_24, %swap3A_25], %swap3A_28 {strides = array<i32>} : memref<1x256x64xf32, #tpu.memory_space<vmem>>, vector<1x256x64xf32>,
    return
  }
  func.func @transform_0(%arg0: i32, %arg1: i32) -> (i32, i32, i32) {
    %c0_i32 = arith.constant 0 : i32
    %c0_i32_0 = arith.constant 0 : i32
    return %arg0, %arg1, %c0_i32 : i32, i32, i32
  }
  func.func @transform_1(%arg0: i32, %arg1: i32) -> (i32, i32, i32) {
    %add3A = arith.constant 12 : i32
    %add3A_0 = arith.addi %add3A, %arg0 : i32
    %c0_i32 = arith.constant 0 : i32
    %c0_i32_1 = arith.constant 0 : i32
    %c0_i32_2 = arith.constant 0 : i32
    return %add3A_0, %c0_i32, %c0_i32_1 : i32, i32, i32
  }
  func.func @transform_2(%arg0: i32, %arg1: i32) -> (i32, i32, i32) {
    %add3A = arith.constant 24 : i32
    %add3A_0 = arith.addi %add3A, %arg0 : i32
    %c0_i32 = arith.constant 0 : i32
    %c0_i32_1 = arith.constant 0 : i32
    %c0_i32_2 = arith.constant 0 : i32
    return %add3A_0, %c0_i32, %c0_i32_1 : i32, i32, i32
  }
  func.func @transform_3(%arg0: i32, %arg1: i32) -> (i32, i32, i32) {
    %c0_i32 = arith.constant 0 : i32
    %c0_i32_0 = arith.constant 0 : i32
    return %arg0, %arg1, %c0_i32 : i32, i32, i32
  }
}

module attributes {stable_mosaic.version = 14 : i64} {
  func.func @_qkv_proj_kernel(%arg0: i32, %arg1: memref<256x768xf32, #tpu.memory_space<vmem>>, %arg2: memref<36x768x64xf32, #tpu.memory_space<vmem>>, %arg3: memref<36x1x64xf32, #tpu.memory_space<vmem>>, %arg4: memref<36x256x64xf32, #tpu.memory_space<vmem>>) attributes {dimension_semantics = [#tpu.dimension_semantics<arbitrary>], iteration_bounds = array<i64: 8>, scalar_prefetch = 0 : i64, scratch_operands = 0 : i64, tpu.core_type = #tpu.core_type<tc>, window_params = [{transform_indices = @transform_0, window_bounds = array<i64: 256, 768>}, {pipeline_mode = #tpu.pipeline_mode<synchronous>, transform_indices = @transform_1, window_bounds = array<i64: 36, 768, 64>}, {pipeline_mode = #tpu.pipeline_mode<synchronous>, transform_indices = @transform_2, window_bounds = array<i64: 36, 1, 64>}, {transform_indices = @transform_3, window_bounds = array<i64: 36, 256, 64>}]} {
    %get3A = arith.constant 0 : index
    %get3A_0 = arith.constant 0 : index
    %get3A_1 = vector.load %arg1[%get3A, %get3A_0] : memref<256x768xf32, #tpu.memory_space<vmem>>, vector<256x768xf32>
    %get3A_2 = arith.constant 0 : index
    %get3A_3 = arith.constant 0 : index
    %get3A_4 = arith.constant 0 : index
    %get3A_5 = vector.load %arg2[%get3A_2, %get3A_3, %get3A_4] : memref<36x768x64xf32, #tpu.memory_space<vmem>>, vector<1x768x64xf32>
    %get3A_6 = vector.shape_cast %get3A_5 : vector<1x768x64xf32> to vector<768x64xf32>
    %dot_general3A = arith.constant dense<0.000000e+00> : vector<256x64xf32>
    %dot_general3A_7 = tpu.matmul %get3A_1, %get3A_6, %dot_general3A {dimension_numbers = #tpu.dot_dimension_numbers<[1], [0], [0], [1], [0, 0, 1, 1], [], []>, transpose_lhs_hint = false} : vector<256x768xf32>, vector<768x64xf32>, vector<256x64xf32> -> vector<256x64xf32>
    %get3A_8 = arith.constant 0 : index
    %get3A_9 = arith.constant 0 : index
    %get3A_10 = arith.constant 0 : index
    %get3A_11 = vector.load %arg3[%get3A_8, %get3A_9, %get3A_10] : memref<36x1x64xf32, #tpu.memory_space<vmem>>, vector<1x1x64xf32>
    %get3A_12 = vector.shape_cast %get3A_11 : vector<1x1x64xf32> to vector<1x64xf32>
    %add3A = vector.broadcast %get3A_12 : vector<1x64xf32> to vector<256x64xf32>
    %add3A_13 = arith.addf %dot_general3A_7, %add3A : vector<256x64xf32>
    %swap3A = arith.constant 0 : index
    %swap3A_14 = arith.constant 0 : index
    %swap3A_15 = arith.constant 0 : index
    %swap3A_16 = vector.load %arg4[%swap3A, %swap3A_14, %swap3A_15] : memref<36x256x64xf32, #tpu.memory_space<vmem>>, vector<1x256x64xf32>
    %swap3A_17 = vector.shape_cast %swap3A_16 : vector<1x256x64xf32> to vector<256x64xf32>
    %swap3A_18 = vector.shape_cast %add3A_13 : vector<256x64xf32> to vector<1x256x64xf32>
    tpu.vector_store %arg4[%swap3A, %swap3A_14, %swap3A_15], %swap3A_18 {strides = array<i32>} : memref<36x256x64xf32, #tpu.memory_space<vmem>>, vector<1x256x64xf32>,
    %get3A_19 = arith.constant 1 : index
    %get3A_20 = arith.constant 0 : index
    %get3A_21 = arith.constant 0 : index
    %get3A_22 = vector.load %arg2[%get3A_19, %get3A_20, %get3A_21] : memref<36x768x64xf32, #tpu.memory_space<vmem>>, vector<1x768x64xf32>
    %get3A_23 = vector.shape_cast %get3A_22 : vector<1x768x64xf32> to vector<768x64xf32>
    %dot_general3A_24 = arith.constant dense<0.000000e+00> : vector<256x64xf32>
    %dot_general3A_25 = tpu.matmul %get3A_1, %get3A_23, %dot_general3A_24 {dimension_numbers = #tpu.dot_dimension_numbers<[1], [0], [0], [1], [0, 0, 1, 1], [], []>, transpose_lhs_hint = false} : vector<256x768xf32>, vector<768x64xf32>, vector<256x64xf32> -> vector<256x64xf32>
    %get3A_26 = arith.constant 1 : index
    %get3A_27 = arith.constant 0 : index
    %get3A_28 = arith.constant 0 : index
    %get3A_29 = vector.load %arg3[%get3A_26, %get3A_27, %get3A_28] : memref<36x1x64xf32, #tpu.memory_space<vmem>>, vector<1x1x64xf32>
    %get3A_30 = vector.shape_cast %get3A_29 : vector<1x1x64xf32> to vector<1x64xf32>
    %add3A_31 = vector.broadcast %get3A_30 : vector<1x64xf32> to vector<256x64xf32>
    %add3A_32 = arith.addf %dot_general3A_25, %add3A_31 : vector<256x64xf32>
    %swap3A_33 = arith.constant 1 : index
    %swap3A_34 = arith.constant 0 : index
    %swap3A_35 = arith.constant 0 : index
    %swap3A_36 = vector.load %arg4[%swap3A_33, %swap3A_34, %swap3A_35] : memref<36x256x64xf32, #tpu.memory_space<vmem>>, vector<1x256x64xf32>
    %swap3A_37 = vector.shape_cast %swap3A_36 : vector<1x256x64xf32> to vector<256x64xf32>
    %swap3A_38 = vector.shape_cast %add3A_32 : vector<256x64xf32> to vector<1x256x64xf32>
    tpu.vector_store %arg4[%swap3A_33, %swap3A_34, %swap3A_35], %swap3A_38 {strides = array<i32>} : memref<36x256x64xf32, #tpu.memory_space<vmem>>, vector<1x256x64xf32>,
    %get3A_39 = arith.constant 2 : index
    %get3A_40 = arith.constant 0 : index
    %get3A_41 = arith.constant 0 : index
    %get3A_42 = vector.load %arg2[%get3A_39, %get3A_40, %get3A_41] : memref<36x768x64xf32, #tpu.memory_space<vmem>>, vector<1x768x64xf32>
    %get3A_43 = vector.shape_cast %get3A_42 : vector<1x768x64xf32> to vector<768x64xf32>
    %dot_general3A_44 = arith.constant dense<0.000000e+00> : vector<256x64xf32>
    %dot_general3A_45 = tpu.matmul %get3A_1, %get3A_43, %dot_general3A_44 {dimension_numbers = #tpu.dot_dimension_numbers<[1], [0], [0], [1], [0, 0, 1, 1], [], []>, transpose_lhs_hint = false} : vector<256x768xf32>, vector<768x64xf32>, vector<256x64xf32> -> vector<256x64xf32>
    %get3A_46 = arith.constant 2 : index
    %get3A_47 = arith.constant 0 : index
    %get3A_48 = arith.constant 0 : index
    %get3A_49 = vector.load %arg3[%get3A_46, %get3A_47, %get3A_48] : memref<36x1x64xf32, #tpu.memory_space<vmem>>, vector<1x1x64xf32>
    %get3A_50 = vector.shape_cast %get3A_49 : vector<1x1x64xf32> to vector<1x64xf32>
    %add3A_51 = vector.broadcast %get3A_50 : vector<1x64xf32> to vector<256x64xf32>
    %add3A_52 = arith.addf %dot_general3A_45, %add3A_51 : vector<256x64xf32>
    %swap3A_53 = arith.constant 2 : index
    %swap3A_54 = arith.constant 0 : index
    %swap3A_55 = arith.constant 0 : index
    %swap3A_56 = vector.load %arg4[%swap3A_53, %swap3A_54, %swap3A_55] : memref<36x256x64xf32, #tpu.memory_space<vmem>>, vector<1x256x64xf32>
    %swap3A_57 = vector.shape_cast %swap3A_56 : vector<1x256x64xf32> to vector<256x64xf32>
    %swap3A_58 = vector.shape_cast %add3A_52 : vector<256x64xf32> to vector<1x256x64xf32>
    tpu.vector_store %arg4[%swap3A_53, %swap3A_54, %swap3A_55], %swap3A_58 {strides = array<i32>} : memref<36x256x64xf32, #tpu.memory_space<vmem>>, vector<1x256x64xf32>,
    %get3A_59 = arith.constant 3 : index
    %get3A_60 = arith.constant 0 : index
    %get3A_61 = arith.constant 0 : index
    %get3A_62 = vector.load %arg2[%get3A_59, %get3A_60, %get3A_61] : memref<36x768x64xf32, #tpu.memory_space<vmem>>, vector<1x768x64xf32>
    %get3A_63 = vector.shape_cast %get3A_62 : vector<1x768x64xf32> to vector<768x64xf32>
    %dot_general3A_64 = arith.constant dense<0.000000e+00> : vector<256x64xf32>
    %dot_general3A_65 = tpu.matmul %get3A_1, %get3A_63, %dot_general3A_64 {dimension_numbers = #tpu.dot_dimension_numbers<[1], [0], [0], [1], [0, 0, 1, 1], [], []>, transpose_lhs_hint = false} : vector<256x768xf32>, vector<768x64xf32>, vector<256x64xf32> -> vector<256x64xf32>
    %get3A_66 = arith.constant 3 : index
    %get3A_67 = arith.constant 0 : index
    %get3A_68 = arith.constant 0 : index
    %get3A_69 = vector.load %arg3[%get3A_66, %get3A_67, %get3A_68] : memref<36x1x64xf32, #tpu.memory_space<vmem>>, vector<1x1x64xf32>
    %get3A_70 = vector.shape_cast %get3A_69 : vector<1x1x64xf32> to vector<1x64xf32>
    %add3A_71 = vector.broadcast %get3A_70 : vector<1x64xf32> to vector<256x64xf32>
    %add3A_72 = arith.addf %dot_general3A_65, %add3A_71 : vector<256x64xf32>
    %swap3A_73 = arith.constant 3 : index
    %swap3A_74 = arith.constant 0 : index
    %swap3A_75 = arith.constant 0 : index
    %swap3A_76 = vector.load %arg4[%swap3A_73, %swap3A_74, %swap3A_75] : memref<36x256x64xf32, #tpu.memory_space<vmem>>, vector<1x256x64xf32>
    %swap3A_77 = vector.shape_cast %swap3A_76 : vector<1x256x64xf32> to vector<256x64xf32>
    %swap3A_78 = vector.shape_cast %add3A_72 : vector<256x64xf32> to vector<1x256x64xf32>
    tpu.vector_store %arg4[%swap3A_73, %swap3A_74, %swap3A_75], %swap3A_78 {strides = array<i32>} : memref<36x256x64xf32, #tpu.memory_space<vmem>>, vector<1x256x64xf32>,
    %get3A_79 = arith.constant 4 : index
    %get3A_80 = arith.constant 0 : index
    %get3A_81 = arith.constant 0 : index
    %get3A_82 = vector.load %arg2[%get3A_79, %get3A_80, %get3A_81] : memref<36x768x64xf32, #tpu.memory_space<vmem>>, vector<1x768x64xf32>
    %get3A_83 = vector.shape_cast %get3A_82 : vector<1x768x64xf32> to vector<768x64xf32>
    %dot_general3A_84 = arith.constant dense<0.000000e+00> : vector<256x64xf32>
    %dot_general3A_85 = tpu.matmul %get3A_1, %get3A_83, %dot_general3A_84 {dimension_numbers = #tpu.dot_dimension_numbers<[1], [0], [0], [1], [0, 0, 1, 1], [], []>, transpose_lhs_hint = false} : vector<256x768xf32>, vector<768x64xf32>, vector<256x64xf32> -> vector<256x64xf32>
    %get3A_86 = arith.constant 4 : index
    %get3A_87 = arith.constant 0 : index
    %get3A_88 = arith.constant 0 : index
    %get3A_89 = vector.load %arg3[%get3A_86, %get3A_87, %get3A_88] : memref<36x1x64xf32, #tpu.memory_space<vmem>>, vector<1x1x64xf32>
    %get3A_90 = vector.shape_cast %get3A_89 : vector<1x1x64xf32> to vector<1x64xf32>
    %add3A_91 = vector.broadcast %get3A_90 : vector<1x64xf32> to vector<256x64xf32>
    %add3A_92 = arith.addf %dot_general3A_85, %add3A_91 : vector<256x64xf32>
    %swap3A_93 = arith.constant 4 : index
    %swap3A_94 = arith.constant 0 : index
    %swap3A_95 = arith.constant 0 : index
    %swap3A_96 = vector.load %arg4[%swap3A_93, %swap3A_94, %swap3A_95] : memref<36x256x64xf32, #tpu.memory_space<vmem>>, vector<1x256x64xf32>
    %swap3A_97 = vector.shape_cast %swap3A_96 : vector<1x256x64xf32> to vector<256x64xf32>
    %swap3A_98 = vector.shape_cast %add3A_92 : vector<256x64xf32> to vector<1x256x64xf32>
    tpu.vector_store %arg4[%swap3A_93, %swap3A_94, %swap3A_95], %swap3A_98 {strides = array<i32>} : memref<36x256x64xf32, #tpu.memory_space<vmem>>, vector<1x256x64xf32>,
    %get3A_99 = arith.constant 5 : index
    %get3A_100 = arith.constant 0 : index
    %get3A_101 = arith.constant 0 : index
    %get3A_102 = vector.load %arg2[%get3A_99, %get3A_100, %get3A_101] : memref<36x768x64xf32, #tpu.memory_space<vmem>>, vector<1x768x64xf32>
    %get3A_103 = vector.shape_cast %get3A_102 : vector<1x768x64xf32> to vector<768x64xf32>
    %dot_general3A_104 = arith.constant dense<0.000000e+00> : vector<256x64xf32>
    %dot_general3A_105 = tpu.matmul %get3A_1, %get3A_103, %dot_general3A_104 {dimension_numbers = #tpu.dot_dimension_numbers<[1], [0], [0], [1], [0, 0, 1, 1], [], []>, transpose_lhs_hint = false} : vector<256x768xf32>, vector<768x64xf32>, vector<256x64xf32> -> vector<256x64xf32>
    %get3A_106 = arith.constant 5 : index
    %get3A_107 = arith.constant 0 : index
    %get3A_108 = arith.constant 0 : index
    %get3A_109 = vector.load %arg3[%get3A_106, %get3A_107, %get3A_108] : memref<36x1x64xf32, #tpu.memory_space<vmem>>, vector<1x1x64xf32>
    %get3A_110 = vector.shape_cast %get3A_109 : vector<1x1x64xf32> to vector<1x64xf32>
    %add3A_111 = vector.broadcast %get3A_110 : vector<1x64xf32> to vector<256x64xf32>
    %add3A_112 = arith.addf %dot_general3A_105, %add3A_111 : vector<256x64xf32>
    %swap3A_113 = arith.constant 5 : index
    %swap3A_114 = arith.constant 0 : index
    %swap3A_115 = arith.constant 0 : index
    %swap3A_116 = vector.load %arg4[%swap3A_113, %swap3A_114, %swap3A_115] : memref<36x256x64xf32, #tpu.memory_space<vmem>>, vector<1x256x64xf32>
    %swap3A_117 = vector.shape_cast %swap3A_116 : vector<1x256x64xf32> to vector<256x64xf32>
    %swap3A_118 = vector.shape_cast %add3A_112 : vector<256x64xf32> to vector<1x256x64xf32>
    tpu.vector_store %arg4[%swap3A_113, %swap3A_114, %swap3A_115], %swap3A_118 {strides = array<i32>} : memref<36x256x64xf32, #tpu.memory_space<vmem>>, vector<1x256x64xf32>,
    %get3A_119 = arith.constant 6 : index
    %get3A_120 = arith.constant 0 : index
    %get3A_121 = arith.constant 0 : index
    %get3A_122 = vector.load %arg2[%get3A_119, %get3A_120, %get3A_121] : memref<36x768x64xf32, #tpu.memory_space<vmem>>, vector<1x768x64xf32>
    %get3A_123 = vector.shape_cast %get3A_122 : vector<1x768x64xf32> to vector<768x64xf32>
    %dot_general3A_124 = arith.constant dense<0.000000e+00> : vector<256x64xf32>
    %dot_general3A_125 = tpu.matmul %get3A_1, %get3A_123, %dot_general3A_124 {dimension_numbers = #tpu.dot_dimension_numbers<[1], [0], [0], [1], [0, 0, 1, 1], [], []>, transpose_lhs_hint = false} : vector<256x768xf32>, vector<768x64xf32>, vector<256x64xf32> -> vector<256x64xf32>
    %get3A_126 = arith.constant 6 : index
    %get3A_127 = arith.constant 0 : index
    %get3A_128 = arith.constant 0 : index
    %get3A_129 = vector.load %arg3[%get3A_126, %get3A_127, %get3A_128] : memref<36x1x64xf32, #tpu.memory_space<vmem>>, vector<1x1x64xf32>
    %get3A_130 = vector.shape_cast %get3A_129 : vector<1x1x64xf32> to vector<1x64xf32>
    %add3A_131 = vector.broadcast %get3A_130 : vector<1x64xf32> to vector<256x64xf32>
    %add3A_132 = arith.addf %dot_general3A_125, %add3A_131 : vector<256x64xf32>
    %swap3A_133 = arith.constant 6 : index
    %swap3A_134 = arith.constant 0 : index
    %swap3A_135 = arith.constant 0 : index
    %swap3A_136 = vector.load %arg4[%swap3A_133, %swap3A_134, %swap3A_135] : memref<36x256x64xf32, #tpu.memory_space<vmem>>, vector<1x256x64xf32>
    %swap3A_137 = vector.shape_cast %swap3A_136 : vector<1x256x64xf32> to vector<256x64xf32>
    %swap3A_138 = vector.shape_cast %add3A_132 : vector<256x64xf32> to vector<1x256x64xf32>
    tpu.vector_store %arg4[%swap3A_133, %swap3A_134, %swap3A_135], %swap3A_138 {strides = array<i32>} : memref<36x256x64xf32, #tpu.memory_space<vmem>>, vector<1x256x64xf32>,
    %get3A_139 = arith.constant 7 : index
    %get3A_140 = arith.constant 0 : index
    %get3A_141 = arith.constant 0 : index
    %get3A_142 = vector.load %arg2[%get3A_139, %get3A_140, %get3A_141] : memref<36x768x64xf32, #tpu.memory_space<vmem>>, vector<1x768x64xf32>
    %get3A_143 = vector.shape_cast %get3A_142 : vector<1x768x64xf32> to vector<768x64xf32>
    %dot_general3A_144 = arith.constant dense<0.000000e+00> : vector<256x64xf32>
    %dot_general3A_145 = tpu.matmul %get3A_1, %get3A_143, %dot_general3A_144 {dimension_numbers = #tpu.dot_dimension_numbers<[1], [0], [0], [1], [0, 0, 1, 1], [], []>, transpose_lhs_hint = false} : vector<256x768xf32>, vector<768x64xf32>, vector<256x64xf32> -> vector<256x64xf32>
    %get3A_146 = arith.constant 7 : index
    %get3A_147 = arith.constant 0 : index
    %get3A_148 = arith.constant 0 : index
    %get3A_149 = vector.load %arg3[%get3A_146, %get3A_147, %get3A_148] : memref<36x1x64xf32, #tpu.memory_space<vmem>>, vector<1x1x64xf32>
    %get3A_150 = vector.shape_cast %get3A_149 : vector<1x1x64xf32> to vector<1x64xf32>
    %add3A_151 = vector.broadcast %get3A_150 : vector<1x64xf32> to vector<256x64xf32>
    %add3A_152 = arith.addf %dot_general3A_145, %add3A_151 : vector<256x64xf32>
    %swap3A_153 = arith.constant 7 : index
    %swap3A_154 = arith.constant 0 : index
    %swap3A_155 = arith.constant 0 : index
    %swap3A_156 = vector.load %arg4[%swap3A_153, %swap3A_154, %swap3A_155] : memref<36x256x64xf32, #tpu.memory_space<vmem>>, vector<1x256x64xf32>
    %swap3A_157 = vector.shape_cast %swap3A_156 : vector<1x256x64xf32> to vector<256x64xf32>
    %swap3A_158 = vector.shape_cast %add3A_152 : vector<256x64xf32> to vector<1x256x64xf32>
    tpu.vector_store %arg4[%swap3A_153, %swap3A_154, %swap3A_155], %swap3A_158 {strides = array<i32>} : memref<36x256x64xf32, #tpu.memory_space<vmem>>, vector<1x256x64xf32>,
    %get3A_159 = arith.constant 8 : index
    %get3A_160 = arith.constant 0 : index
    %get3A_161 = arith.constant 0 : index
    %get3A_162 = vector.load %arg2[%get3A_159, %get3A_160, %get3A_161] : memref<36x768x64xf32, #tpu.memory_space<vmem>>, vector<1x768x64xf32>
    %get3A_163 = vector.shape_cast %get3A_162 : vector<1x768x64xf32> to vector<768x64xf32>
    %dot_general3A_164 = arith.constant dense<0.000000e+00> : vector<256x64xf32>
    %dot_general3A_165 = tpu.matmul %get3A_1, %get3A_163, %dot_general3A_164 {dimension_numbers = #tpu.dot_dimension_numbers<[1], [0], [0], [1], [0, 0, 1, 1], [], []>, transpose_lhs_hint = false} : vector<256x768xf32>, vector<768x64xf32>, vector<256x64xf32> -> vector<256x64xf32>
    %get3A_166 = arith.constant 8 : index
    %get3A_167 = arith.constant 0 : index
    %get3A_168 = arith.constant 0 : index
    %get3A_169 = vector.load %arg3[%get3A_166, %get3A_167, %get3A_168] : memref<36x1x64xf32, #tpu.memory_space<vmem>>, vector<1x1x64xf32>
    %get3A_170 = vector.shape_cast %get3A_169 : vector<1x1x64xf32> to vector<1x64xf32>
    %add3A_171 = vector.broadcast %get3A_170 : vector<1x64xf32> to vector<256x64xf32>
    %add3A_172 = arith.addf %dot_general3A_165, %add3A_171 : vector<256x64xf32>
    %swap3A_173 = arith.constant 8 : index
    %swap3A_174 = arith.constant 0 : index
    %swap3A_175 = arith.constant 0 : index
    %swap3A_176 = vector.load %arg4[%swap3A_173, %swap3A_174, %swap3A_175] : memref<36x256x64xf32, #tpu.memory_space<vmem>>, vector<1x256x64xf32>
    %swap3A_177 = vector.shape_cast %swap3A_176 : vector<1x256x64xf32> to vector<256x64xf32>
    %swap3A_178 = vector.shape_cast %add3A_172 : vector<256x64xf32> to vector<1x256x64xf32>
    tpu.vector_store %arg4[%swap3A_173, %swap3A_174, %swap3A_175], %swap3A_178 {strides = array<i32>} : memref<36x256x64xf32, #tpu.memory_space<vmem>>, vector<1x256x64xf32>,
    %get3A_179 = arith.constant 9 : index
    %get3A_180 = arith.constant 0 : index
    %get3A_181 = arith.constant 0 : index
    %get3A_182 = vector.load %arg2[%get3A_179, %get3A_180, %get3A_181] : memref<36x768x64xf32, #tpu.memory_space<vmem>>, vector<1x768x64xf32>
    %get3A_183 = vector.shape_cast %get3A_182 : vector<1x768x64xf32> to vector<768x64xf32>
    %dot_general3A_184 = arith.constant dense<0.000000e+00> : vector<256x64xf32>
    %dot_general3A_185 = tpu.matmul %get3A_1, %get3A_183, %dot_general3A_184 {dimension_numbers = #tpu.dot_dimension_numbers<[1], [0], [0], [1], [0, 0, 1, 1], [], []>, transpose_lhs_hint = false} : vector<256x768xf32>, vector<768x64xf32>, vector<256x64xf32> -> vector<256x64xf32>
    %get3A_186 = arith.constant 9 : index
    %get3A_187 = arith.constant 0 : index
    %get3A_188 = arith.constant 0 : index
    %get3A_189 = vector.load %arg3[%get3A_186, %get3A_187, %get3A_188] : memref<36x1x64xf32, #tpu.memory_space<vmem>>, vector<1x1x64xf32>
    %get3A_190 = vector.shape_cast %get3A_189 : vector<1x1x64xf32> to vector<1x64xf32>
    %add3A_191 = vector.broadcast %get3A_190 : vector<1x64xf32> to vector<256x64xf32>
    %add3A_192 = arith.addf %dot_general3A_185, %add3A_191 : vector<256x64xf32>
    %swap3A_193 = arith.constant 9 : index
    %swap3A_194 = arith.constant 0 : index
    %swap3A_195 = arith.constant 0 : index
    %swap3A_196 = vector.load %arg4[%swap3A_193, %swap3A_194, %swap3A_195] : memref<36x256x64xf32, #tpu.memory_space<vmem>>, vector<1x256x64xf32>
    %swap3A_197 = vector.shape_cast %swap3A_196 : vector<1x256x64xf32> to vector<256x64xf32>
    %swap3A_198 = vector.shape_cast %add3A_192 : vector<256x64xf32> to vector<1x256x64xf32>
    tpu.vector_store %arg4[%swap3A_193, %swap3A_194, %swap3A_195], %swap3A_198 {strides = array<i32>} : memref<36x256x64xf32, #tpu.memory_space<vmem>>, vector<1x256x64xf32>,
    %get3A_199 = arith.constant 10 : index
    %get3A_200 = arith.constant 0 : index
    %get3A_201 = arith.constant 0 : index
    %get3A_202 = vector.load %arg2[%get3A_199, %get3A_200, %get3A_201] : memref<36x768x64xf32, #tpu.memory_space<vmem>>, vector<1x768x64xf32>
    %get3A_203 = vector.shape_cast %get3A_202 : vector<1x768x64xf32> to vector<768x64xf32>
    %dot_general3A_204 = arith.constant dense<0.000000e+00> : vector<256x64xf32>
    %dot_general3A_205 = tpu.matmul %get3A_1, %get3A_203, %dot_general3A_204 {dimension_numbers = #tpu.dot_dimension_numbers<[1], [0], [0], [1], [0, 0, 1, 1], [], []>, transpose_lhs_hint = false} : vector<256x768xf32>, vector<768x64xf32>, vector<256x64xf32> -> vector<256x64xf32>
    %get3A_206 = arith.constant 10 : index
    %get3A_207 = arith.constant 0 : index
    %get3A_208 = arith.constant 0 : index
    %get3A_209 = vector.load %arg3[%get3A_206, %get3A_207, %get3A_208] : memref<36x1x64xf32, #tpu.memory_space<vmem>>, vector<1x1x64xf32>
    %get3A_210 = vector.shape_cast %get3A_209 : vector<1x1x64xf32> to vector<1x64xf32>
    %add3A_211 = vector.broadcast %get3A_210 : vector<1x64xf32> to vector<256x64xf32>
    %add3A_212 = arith.addf %dot_general3A_205, %add3A_211 : vector<256x64xf32>
    %swap3A_213 = arith.constant 10 : index
    %swap3A_214 = arith.constant 0 : index
    %swap3A_215 = arith.constant 0 : index
    %swap3A_216 = vector.load %arg4[%swap3A_213, %swap3A_214, %swap3A_215] : memref<36x256x64xf32, #tpu.memory_space<vmem>>, vector<1x256x64xf32>
    %swap3A_217 = vector.shape_cast %swap3A_216 : vector<1x256x64xf32> to vector<256x64xf32>
    %swap3A_218 = vector.shape_cast %add3A_212 : vector<256x64xf32> to vector<1x256x64xf32>
    tpu.vector_store %arg4[%swap3A_213, %swap3A_214, %swap3A_215], %swap3A_218 {strides = array<i32>} : memref<36x256x64xf32, #tpu.memory_space<vmem>>, vector<1x256x64xf32>,
    %get3A_219 = arith.constant 11 : index
    %get3A_220 = arith.constant 0 : index
    %get3A_221 = arith.constant 0 : index
    %get3A_222 = vector.load %arg2[%get3A_219, %get3A_220, %get3A_221] : memref<36x768x64xf32, #tpu.memory_space<vmem>>, vector<1x768x64xf32>
    %get3A_223 = vector.shape_cast %get3A_222 : vector<1x768x64xf32> to vector<768x64xf32>
    %dot_general3A_224 = arith.constant dense<0.000000e+00> : vector<256x64xf32>
    %dot_general3A_225 = tpu.matmul %get3A_1, %get3A_223, %dot_general3A_224 {dimension_numbers = #tpu.dot_dimension_numbers<[1], [0], [0], [1], [0, 0, 1, 1], [], []>, transpose_lhs_hint = false} : vector<256x768xf32>, vector<768x64xf32>, vector<256x64xf32> -> vector<256x64xf32>
    %get3A_226 = arith.constant 11 : index
    %get3A_227 = arith.constant 0 : index
    %get3A_228 = arith.constant 0 : index
    %get3A_229 = vector.load %arg3[%get3A_226, %get3A_227, %get3A_228] : memref<36x1x64xf32, #tpu.memory_space<vmem>>, vector<1x1x64xf32>
    %get3A_230 = vector.shape_cast %get3A_229 : vector<1x1x64xf32> to vector<1x64xf32>
    %add3A_231 = vector.broadcast %get3A_230 : vector<1x64xf32> to vector<256x64xf32>
    %add3A_232 = arith.addf %dot_general3A_225, %add3A_231 : vector<256x64xf32>
    %swap3A_233 = arith.constant 11 : index
    %swap3A_234 = arith.constant 0 : index
    %swap3A_235 = arith.constant 0 : index
    %swap3A_236 = vector.load %arg4[%swap3A_233, %swap3A_234, %swap3A_235] : memref<36x256x64xf32, #tpu.memory_space<vmem>>, vector<1x256x64xf32>
    %swap3A_237 = vector.shape_cast %swap3A_236 : vector<1x256x64xf32> to vector<256x64xf32>
    %swap3A_238 = vector.shape_cast %add3A_232 : vector<256x64xf32> to vector<1x256x64xf32>
    tpu.vector_store %arg4[%swap3A_233, %swap3A_234, %swap3A_235], %swap3A_238 {strides = array<i32>} : memref<36x256x64xf32, #tpu.memory_space<vmem>>, vector<1x256x64xf32>,
    %get3A_239 = arith.constant 12 : index
    %get3A_240 = arith.constant 0 : index
    %get3A_241 = arith.constant 0 : index
    %get3A_242 = vector.load %arg2[%get3A_239, %get3A_240, %get3A_241] : memref<36x768x64xf32, #tpu.memory_space<vmem>>, vector<1x768x64xf32>
    %get3A_243 = vector.shape_cast %get3A_242 : vector<1x768x64xf32> to vector<768x64xf32>
    %dot_general3A_244 = arith.constant dense<0.000000e+00> : vector<256x64xf32>
    %dot_general3A_245 = tpu.matmul %get3A_1, %get3A_243, %dot_general3A_244 {dimension_numbers = #tpu.dot_dimension_numbers<[1], [0], [0], [1], [0, 0, 1, 1], [], []>, transpose_lhs_hint = false} : vector<256x768xf32>, vector<768x64xf32>, vector<256x64xf32> -> vector<256x64xf32>
    %get3A_246 = arith.constant 12 : index
    %get3A_247 = arith.constant 0 : index
    %get3A_248 = arith.constant 0 : index
    %get3A_249 = vector.load %arg3[%get3A_246, %get3A_247, %get3A_248] : memref<36x1x64xf32, #tpu.memory_space<vmem>>, vector<1x1x64xf32>
    %get3A_250 = vector.shape_cast %get3A_249 : vector<1x1x64xf32> to vector<1x64xf32>
    %add3A_251 = vector.broadcast %get3A_250 : vector<1x64xf32> to vector<256x64xf32>
    %add3A_252 = arith.addf %dot_general3A_245, %add3A_251 : vector<256x64xf32>
    %swap3A_253 = arith.constant 12 : index
    %swap3A_254 = arith.constant 0 : index
    %swap3A_255 = arith.constant 0 : index
    %swap3A_256 = vector.load %arg4[%swap3A_253, %swap3A_254, %swap3A_255] : memref<36x256x64xf32, #tpu.memory_space<vmem>>, vector<1x256x64xf32>
    %swap3A_257 = vector.shape_cast %swap3A_256 : vector<1x256x64xf32> to vector<256x64xf32>
    %swap3A_258 = vector.shape_cast %add3A_252 : vector<256x64xf32> to vector<1x256x64xf32>
    tpu.vector_store %arg4[%swap3A_253, %swap3A_254, %swap3A_255], %swap3A_258 {strides = array<i32>} : memref<36x256x64xf32, #tpu.memory_space<vmem>>, vector<1x256x64xf32>,
    %get3A_259 = arith.constant 13 : index
    %get3A_260 = arith.constant 0 : index
    %get3A_261 = arith.constant 0 : index
    %get3A_262 = vector.load %arg2[%get3A_259, %get3A_260, %get3A_261] : memref<36x768x64xf32, #tpu.memory_space<vmem>>, vector<1x768x64xf32>
    %get3A_263 = vector.shape_cast %get3A_262 : vector<1x768x64xf32> to vector<768x64xf32>
    %dot_general3A_264 = arith.constant dense<0.000000e+00> : vector<256x64xf32>
    %dot_general3A_265 = tpu.matmul %get3A_1, %get3A_263, %dot_general3A_264 {dimension_numbers = #tpu.dot_dimension_numbers<[1], [0], [0], [1], [0, 0, 1, 1], [], []>, transpose_lhs_hint = false} : vector<256x768xf32>, vector<768x64xf32>, vector<256x64xf32> -> vector<256x64xf32>
    %get3A_266 = arith.constant 13 : index
    %get3A_267 = arith.constant 0 : index
    %get3A_268 = arith.constant 0 : index
    %get3A_269 = vector.load %arg3[%get3A_266, %get3A_267, %get3A_268] : memref<36x1x64xf32, #tpu.memory_space<vmem>>, vector<1x1x64xf32>
    %get3A_270 = vector.shape_cast %get3A_269 : vector<1x1x64xf32> to vector<1x64xf32>
    %add3A_271 = vector.broadcast %get3A_270 : vector<1x64xf32> to vector<256x64xf32>
    %add3A_272 = arith.addf %dot_general3A_265, %add3A_271 : vector<256x64xf32>
    %swap3A_273 = arith.constant 13 : index
    %swap3A_274 = arith.constant 0 : index
    %swap3A_275 = arith.constant 0 : index
    %swap3A_276 = vector.load %arg4[%swap3A_273, %swap3A_274, %swap3A_275] : memref<36x256x64xf32, #tpu.memory_space<vmem>>, vector<1x256x64xf32>
    %swap3A_277 = vector.shape_cast %swap3A_276 : vector<1x256x64xf32> to vector<256x64xf32>
    %swap3A_278 = vector.shape_cast %add3A_272 : vector<256x64xf32> to vector<1x256x64xf32>
    tpu.vector_store %arg4[%swap3A_273, %swap3A_274, %swap3A_275], %swap3A_278 {strides = array<i32>} : memref<36x256x64xf32, #tpu.memory_space<vmem>>, vector<1x256x64xf32>,
    %get3A_279 = arith.constant 14 : index
    %get3A_280 = arith.constant 0 : index
    %get3A_281 = arith.constant 0 : index
    %get3A_282 = vector.load %arg2[%get3A_279, %get3A_280, %get3A_281] : memref<36x768x64xf32, #tpu.memory_space<vmem>>, vector<1x768x64xf32>
    %get3A_283 = vector.shape_cast %get3A_282 : vector<1x768x64xf32> to vector<768x64xf32>
    %dot_general3A_284 = arith.constant dense<0.000000e+00> : vector<256x64xf32>
    %dot_general3A_285 = tpu.matmul %get3A_1, %get3A_283, %dot_general3A_284 {dimension_numbers = #tpu.dot_dimension_numbers<[1], [0], [0], [1], [0, 0, 1, 1], [], []>, transpose_lhs_hint = false} : vector<256x768xf32>, vector<768x64xf32>, vector<256x64xf32> -> vector<256x64xf32>
    %get3A_286 = arith.constant 14 : index
    %get3A_287 = arith.constant 0 : index
    %get3A_288 = arith.constant 0 : index
    %get3A_289 = vector.load %arg3[%get3A_286, %get3A_287, %get3A_288] : memref<36x1x64xf32, #tpu.memory_space<vmem>>, vector<1x1x64xf32>
    %get3A_290 = vector.shape_cast %get3A_289 : vector<1x1x64xf32> to vector<1x64xf32>
    %add3A_291 = vector.broadcast %get3A_290 : vector<1x64xf32> to vector<256x64xf32>
    %add3A_292 = arith.addf %dot_general3A_285, %add3A_291 : vector<256x64xf32>
    %swap3A_293 = arith.constant 14 : index
    %swap3A_294 = arith.constant 0 : index
    %swap3A_295 = arith.constant 0 : index
    %swap3A_296 = vector.load %arg4[%swap3A_293, %swap3A_294, %swap3A_295] : memref<36x256x64xf32, #tpu.memory_space<vmem>>, vector<1x256x64xf32>
    %swap3A_297 = vector.shape_cast %swap3A_296 : vector<1x256x64xf32> to vector<256x64xf32>
    %swap3A_298 = vector.shape_cast %add3A_292 : vector<256x64xf32> to vector<1x256x64xf32>
    tpu.vector_store %arg4[%swap3A_293, %swap3A_294, %swap3A_295], %swap3A_298 {strides = array<i32>} : memref<36x256x64xf32, #tpu.memory_space<vmem>>, vector<1x256x64xf32>,
    %get3A_299 = arith.constant 15 : index
    %get3A_300 = arith.constant 0 : index
    %get3A_301 = arith.constant 0 : index
    %get3A_302 = vector.load %arg2[%get3A_299, %get3A_300, %get3A_301] : memref<36x768x64xf32, #tpu.memory_space<vmem>>, vector<1x768x64xf32>
    %get3A_303 = vector.shape_cast %get3A_302 : vector<1x768x64xf32> to vector<768x64xf32>
    %dot_general3A_304 = arith.constant dense<0.000000e+00> : vector<256x64xf32>
    %dot_general3A_305 = tpu.matmul %get3A_1, %get3A_303, %dot_general3A_304 {dimension_numbers = #tpu.dot_dimension_numbers<[1], [0], [0], [1], [0, 0, 1, 1], [], []>, transpose_lhs_hint = false} : vector<256x768xf32>, vector<768x64xf32>, vector<256x64xf32> -> vector<256x64xf32>
    %get3A_306 = arith.constant 15 : index
    %get3A_307 = arith.constant 0 : index
    %get3A_308 = arith.constant 0 : index
    %get3A_309 = vector.load %arg3[%get3A_306, %get3A_307, %get3A_308] : memref<36x1x64xf32, #tpu.memory_space<vmem>>, vector<1x1x64xf32>
    %get3A_310 = vector.shape_cast %get3A_309 : vector<1x1x64xf32> to vector<1x64xf32>
    %add3A_311 = vector.broadcast %get3A_310 : vector<1x64xf32> to vector<256x64xf32>
    %add3A_312 = arith.addf %dot_general3A_305, %add3A_311 : vector<256x64xf32>
    %swap3A_313 = arith.constant 15 : index
    %swap3A_314 = arith.constant 0 : index
    %swap3A_315 = arith.constant 0 : index
    %swap3A_316 = vector.load %arg4[%swap3A_313, %swap3A_314, %swap3A_315] : memref<36x256x64xf32, #tpu.memory_space<vmem>>, vector<1x256x64xf32>
    %swap3A_317 = vector.shape_cast %swap3A_316 : vector<1x256x64xf32> to vector<256x64xf32>
    %swap3A_318 = vector.shape_cast %add3A_312 : vector<256x64xf32> to vector<1x256x64xf32>
    tpu.vector_store %arg4[%swap3A_313, %swap3A_314, %swap3A_315], %swap3A_318 {strides = array<i32>} : memref<36x256x64xf32, #tpu.memory_space<vmem>>, vector<1x256x64xf32>,
    %get3A_319 = arith.constant 16 : index
    %get3A_320 = arith.constant 0 : index
    %get3A_321 = arith.constant 0 : index
    %get3A_322 = vector.load %arg2[%get3A_319, %get3A_320, %get3A_321] : memref<36x768x64xf32, #tpu.memory_space<vmem>>, vector<1x768x64xf32>
    %get3A_323 = vector.shape_cast %get3A_322 : vector<1x768x64xf32> to vector<768x64xf32>
    %dot_general3A_324 = arith.constant dense<0.000000e+00> : vector<256x64xf32>
    %dot_general3A_325 = tpu.matmul %get3A_1, %get3A_323, %dot_general3A_324 {dimension_numbers = #tpu.dot_dimension_numbers<[1], [0], [0], [1], [0, 0, 1, 1], [], []>, transpose_lhs_hint = false} : vector<256x768xf32>, vector<768x64xf32>, vector<256x64xf32> -> vector<256x64xf32>
    %get3A_326 = arith.constant 16 : index
    %get3A_327 = arith.constant 0 : index
    %get3A_328 = arith.constant 0 : index
    %get3A_329 = vector.load %arg3[%get3A_326, %get3A_327, %get3A_328] : memref<36x1x64xf32, #tpu.memory_space<vmem>>, vector<1x1x64xf32>
    %get3A_330 = vector.shape_cast %get3A_329 : vector<1x1x64xf32> to vector<1x64xf32>
    %add3A_331 = vector.broadcast %get3A_330 : vector<1x64xf32> to vector<256x64xf32>
    %add3A_332 = arith.addf %dot_general3A_325, %add3A_331 : vector<256x64xf32>
    %swap3A_333 = arith.constant 16 : index
    %swap3A_334 = arith.constant 0 : index
    %swap3A_335 = arith.constant 0 : index
    %swap3A_336 = vector.load %arg4[%swap3A_333, %swap3A_334, %swap3A_335] : memref<36x256x64xf32, #tpu.memory_space<vmem>>, vector<1x256x64xf32>
    %swap3A_337 = vector.shape_cast %swap3A_336 : vector<1x256x64xf32> to vector<256x64xf32>
    %swap3A_338 = vector.shape_cast %add3A_332 : vector<256x64xf32> to vector<1x256x64xf32>
    tpu.vector_store %arg4[%swap3A_333, %swap3A_334, %swap3A_335], %swap3A_338 {strides = array<i32>} : memref<36x256x64xf32, #tpu.memory_space<vmem>>, vector<1x256x64xf32>,
    %get3A_339 = arith.constant 17 : index
    %get3A_340 = arith.constant 0 : index
    %get3A_341 = arith.constant 0 : index
    %get3A_342 = vector.load %arg2[%get3A_339, %get3A_340, %get3A_341] : memref<36x768x64xf32, #tpu.memory_space<vmem>>, vector<1x768x64xf32>
    %get3A_343 = vector.shape_cast %get3A_342 : vector<1x768x64xf32> to vector<768x64xf32>
    %dot_general3A_344 = arith.constant dense<0.000000e+00> : vector<256x64xf32>
    %dot_general3A_345 = tpu.matmul %get3A_1, %get3A_343, %dot_general3A_344 {dimension_numbers = #tpu.dot_dimension_numbers<[1], [0], [0], [1], [0, 0, 1, 1], [], []>, transpose_lhs_hint = false} : vector<256x768xf32>, vector<768x64xf32>, vector<256x64xf32> -> vector<256x64xf32>
    %get3A_346 = arith.constant 17 : index
    %get3A_347 = arith.constant 0 : index
    %get3A_348 = arith.constant 0 : index
    %get3A_349 = vector.load %arg3[%get3A_346, %get3A_347, %get3A_348] : memref<36x1x64xf32, #tpu.memory_space<vmem>>, vector<1x1x64xf32>
    %get3A_350 = vector.shape_cast %get3A_349 : vector<1x1x64xf32> to vector<1x64xf32>
    %add3A_351 = vector.broadcast %get3A_350 : vector<1x64xf32> to vector<256x64xf32>
    %add3A_352 = arith.addf %dot_general3A_345, %add3A_351 : vector<256x64xf32>
    %swap3A_353 = arith.constant 17 : index
    %swap3A_354 = arith.constant 0 : index
    %swap3A_355 = arith.constant 0 : index
    %swap3A_356 = vector.load %arg4[%swap3A_353, %swap3A_354, %swap3A_355] : memref<36x256x64xf32, #tpu.memory_space<vmem>>, vector<1x256x64xf32>
    %swap3A_357 = vector.shape_cast %swap3A_356 : vector<1x256x64xf32> to vector<256x64xf32>
    %swap3A_358 = vector.shape_cast %add3A_352 : vector<256x64xf32> to vector<1x256x64xf32>
    tpu.vector_store %arg4[%swap3A_353, %swap3A_354, %swap3A_355], %swap3A_358 {strides = array<i32>} : memref<36x256x64xf32, #tpu.memory_space<vmem>>, vector<1x256x64xf32>,
    %get3A_359 = arith.constant 18 : index
    %get3A_360 = arith.constant 0 : index
    %get3A_361 = arith.constant 0 : index
    %get3A_362 = vector.load %arg2[%get3A_359, %get3A_360, %get3A_361] : memref<36x768x64xf32, #tpu.memory_space<vmem>>, vector<1x768x64xf32>
    %get3A_363 = vector.shape_cast %get3A_362 : vector<1x768x64xf32> to vector<768x64xf32>
    %dot_general3A_364 = arith.constant dense<0.000000e+00> : vector<256x64xf32>
    %dot_general3A_365 = tpu.matmul %get3A_1, %get3A_363, %dot_general3A_364 {dimension_numbers = #tpu.dot_dimension_numbers<[1], [0], [0], [1], [0, 0, 1, 1], [], []>, transpose_lhs_hint = false} : vector<256x768xf32>, vector<768x64xf32>, vector<256x64xf32> -> vector<256x64xf32>
    %get3A_366 = arith.constant 18 : index
    %get3A_367 = arith.constant 0 : index
    %get3A_368 = arith.constant 0 : index
    %get3A_369 = vector.load %arg3[%get3A_366, %get3A_367, %get3A_368] : memref<36x1x64xf32, #tpu.memory_space<vmem>>, vector<1x1x64xf32>
    %get3A_370 = vector.shape_cast %get3A_369 : vector<1x1x64xf32> to vector<1x64xf32>
    %add3A_371 = vector.broadcast %get3A_370 : vector<1x64xf32> to vector<256x64xf32>
    %add3A_372 = arith.addf %dot_general3A_365, %add3A_371 : vector<256x64xf32>
    %swap3A_373 = arith.constant 18 : index
    %swap3A_374 = arith.constant 0 : index
    %swap3A_375 = arith.constant 0 : index
    %swap3A_376 = vector.load %arg4[%swap3A_373, %swap3A_374, %swap3A_375] : memref<36x256x64xf32, #tpu.memory_space<vmem>>, vector<1x256x64xf32>
    %swap3A_377 = vector.shape_cast %swap3A_376 : vector<1x256x64xf32> to vector<256x64xf32>
    %swap3A_378 = vector.shape_cast %add3A_372 : vector<256x64xf32> to vector<1x256x64xf32>
    tpu.vector_store %arg4[%swap3A_373, %swap3A_374, %swap3A_375], %swap3A_378 {strides = array<i32>} : memref<36x256x64xf32, #tpu.memory_space<vmem>>, vector<1x256x64xf32>,
    %get3A_379 = arith.constant 19 : index
    %get3A_380 = arith.constant 0 : index
    %get3A_381 = arith.constant 0 : index
    %get3A_382 = vector.load %arg2[%get3A_379, %get3A_380, %get3A_381] : memref<36x768x64xf32, #tpu.memory_space<vmem>>, vector<1x768x64xf32>
    %get3A_383 = vector.shape_cast %get3A_382 : vector<1x768x64xf32> to vector<768x64xf32>
    %dot_general3A_384 = arith.constant dense<0.000000e+00> : vector<256x64xf32>
    %dot_general3A_385 = tpu.matmul %get3A_1, %get3A_383, %dot_general3A_384 {dimension_numbers = #tpu.dot_dimension_numbers<[1], [0], [0], [1], [0, 0, 1, 1], [], []>, transpose_lhs_hint = false} : vector<256x768xf32>, vector<768x64xf32>, vector<256x64xf32> -> vector<256x64xf32>
    %get3A_386 = arith.constant 19 : index
    %get3A_387 = arith.constant 0 : index
    %get3A_388 = arith.constant 0 : index
    %get3A_389 = vector.load %arg3[%get3A_386, %get3A_387, %get3A_388] : memref<36x1x64xf32, #tpu.memory_space<vmem>>, vector<1x1x64xf32>
    %get3A_390 = vector.shape_cast %get3A_389 : vector<1x1x64xf32> to vector<1x64xf32>
    %add3A_391 = vector.broadcast %get3A_390 : vector<1x64xf32> to vector<256x64xf32>
    %add3A_392 = arith.addf %dot_general3A_385, %add3A_391 : vector<256x64xf32>
    %swap3A_393 = arith.constant 19 : index
    %swap3A_394 = arith.constant 0 : index
    %swap3A_395 = arith.constant 0 : index
    %swap3A_396 = vector.load %arg4[%swap3A_393, %swap3A_394, %swap3A_395] : memref<36x256x64xf32, #tpu.memory_space<vmem>>, vector<1x256x64xf32>
    %swap3A_397 = vector.shape_cast %swap3A_396 : vector<1x256x64xf32> to vector<256x64xf32>
    %swap3A_398 = vector.shape_cast %add3A_392 : vector<256x64xf32> to vector<1x256x64xf32>
    tpu.vector_store %arg4[%swap3A_393, %swap3A_394, %swap3A_395], %swap3A_398 {strides = array<i32>} : memref<36x256x64xf32, #tpu.memory_space<vmem>>, vector<1x256x64xf32>,
    %get3A_399 = arith.constant 20 : index
    %get3A_400 = arith.constant 0 : index
    %get3A_401 = arith.constant 0 : index
    %get3A_402 = vector.load %arg2[%get3A_399, %get3A_400, %get3A_401] : memref<36x768x64xf32, #tpu.memory_space<vmem>>, vector<1x768x64xf32>
    %get3A_403 = vector.shape_cast %get3A_402 : vector<1x768x64xf32> to vector<768x64xf32>
    %dot_general3A_404 = arith.constant dense<0.000000e+00> : vector<256x64xf32>
    %dot_general3A_405 = tpu.matmul %get3A_1, %get3A_403, %dot_general3A_404 {dimension_numbers = #tpu.dot_dimension_numbers<[1], [0], [0], [1], [0, 0, 1, 1], [], []>, transpose_lhs_hint = false} : vector<256x768xf32>, vector<768x64xf32>, vector<256x64xf32> -> vector<256x64xf32>
    %get3A_406 = arith.constant 20 : index
    %get3A_407 = arith.constant 0 : index
    %get3A_408 = arith.constant 0 : index
    %get3A_409 = vector.load %arg3[%get3A_406, %get3A_407, %get3A_408] : memref<36x1x64xf32, #tpu.memory_space<vmem>>, vector<1x1x64xf32>
    %get3A_410 = vector.shape_cast %get3A_409 : vector<1x1x64xf32> to vector<1x64xf32>
    %add3A_411 = vector.broadcast %get3A_410 : vector<1x64xf32> to vector<256x64xf32>
    %add3A_412 = arith.addf %dot_general3A_405, %add3A_411 : vector<256x64xf32>
    %swap3A_413 = arith.constant 20 : index
    %swap3A_414 = arith.constant 0 : index
    %swap3A_415 = arith.constant 0 : index
    %swap3A_416 = vector.load %arg4[%swap3A_413, %swap3A_414, %swap3A_415] : memref<36x256x64xf32, #tpu.memory_space<vmem>>, vector<1x256x64xf32>
    %swap3A_417 = vector.shape_cast %swap3A_416 : vector<1x256x64xf32> to vector<256x64xf32>
    %swap3A_418 = vector.shape_cast %add3A_412 : vector<256x64xf32> to vector<1x256x64xf32>
    tpu.vector_store %arg4[%swap3A_413, %swap3A_414, %swap3A_415], %swap3A_418 {strides = array<i32>} : memref<36x256x64xf32, #tpu.memory_space<vmem>>, vector<1x256x64xf32>,
    %get3A_419 = arith.constant 21 : index
    %get3A_420 = arith.constant 0 : index
    %get3A_421 = arith.constant 0 : index
    %get3A_422 = vector.load %arg2[%get3A_419, %get3A_420, %get3A_421] : memref<36x768x64xf32, #tpu.memory_space<vmem>>, vector<1x768x64xf32>
    %get3A_423 = vector.shape_cast %get3A_422 : vector<1x768x64xf32> to vector<768x64xf32>
    %dot_general3A_424 = arith.constant dense<0.000000e+00> : vector<256x64xf32>
    %dot_general3A_425 = tpu.matmul %get3A_1, %get3A_423, %dot_general3A_424 {dimension_numbers = #tpu.dot_dimension_numbers<[1], [0], [0], [1], [0, 0, 1, 1], [], []>, transpose_lhs_hint = false} : vector<256x768xf32>, vector<768x64xf32>, vector<256x64xf32> -> vector<256x64xf32>
    %get3A_426 = arith.constant 21 : index
    %get3A_427 = arith.constant 0 : index
    %get3A_428 = arith.constant 0 : index
    %get3A_429 = vector.load %arg3[%get3A_426, %get3A_427, %get3A_428] : memref<36x1x64xf32, #tpu.memory_space<vmem>>, vector<1x1x64xf32>
    %get3A_430 = vector.shape_cast %get3A_429 : vector<1x1x64xf32> to vector<1x64xf32>
    %add3A_431 = vector.broadcast %get3A_430 : vector<1x64xf32> to vector<256x64xf32>
    %add3A_432 = arith.addf %dot_general3A_425, %add3A_431 : vector<256x64xf32>
    %swap3A_433 = arith.constant 21 : index
    %swap3A_434 = arith.constant 0 : index
    %swap3A_435 = arith.constant 0 : index
    %swap3A_436 = vector.load %arg4[%swap3A_433, %swap3A_434, %swap3A_435] : memref<36x256x64xf32, #tpu.memory_space<vmem>>, vector<1x256x64xf32>
    %swap3A_437 = vector.shape_cast %swap3A_436 : vector<1x256x64xf32> to vector<256x64xf32>
    %swap3A_438 = vector.shape_cast %add3A_432 : vector<256x64xf32> to vector<1x256x64xf32>
    tpu.vector_store %arg4[%swap3A_433, %swap3A_434, %swap3A_435], %swap3A_438 {strides = array<i32>} : memref<36x256x64xf32, #tpu.memory_space<vmem>>, vector<1x256x64xf32>,
    %get3A_439 = arith.constant 22 : index
    %get3A_440 = arith.constant 0 : index
    %get3A_441 = arith.constant 0 : index
    %get3A_442 = vector.load %arg2[%get3A_439, %get3A_440, %get3A_441] : memref<36x768x64xf32, #tpu.memory_space<vmem>>, vector<1x768x64xf32>
    %get3A_443 = vector.shape_cast %get3A_442 : vector<1x768x64xf32> to vector<768x64xf32>
    %dot_general3A_444 = arith.constant dense<0.000000e+00> : vector<256x64xf32>
    %dot_general3A_445 = tpu.matmul %get3A_1, %get3A_443, %dot_general3A_444 {dimension_numbers = #tpu.dot_dimension_numbers<[1], [0], [0], [1], [0, 0, 1, 1], [], []>, transpose_lhs_hint = false} : vector<256x768xf32>, vector<768x64xf32>, vector<256x64xf32> -> vector<256x64xf32>
    %get3A_446 = arith.constant 22 : index
    %get3A_447 = arith.constant 0 : index
    %get3A_448 = arith.constant 0 : index
    %get3A_449 = vector.load %arg3[%get3A_446, %get3A_447, %get3A_448] : memref<36x1x64xf32, #tpu.memory_space<vmem>>, vector<1x1x64xf32>
    %get3A_450 = vector.shape_cast %get3A_449 : vector<1x1x64xf32> to vector<1x64xf32>
    %add3A_451 = vector.broadcast %get3A_450 : vector<1x64xf32> to vector<256x64xf32>
    %add3A_452 = arith.addf %dot_general3A_445, %add3A_451 : vector<256x64xf32>
    %swap3A_453 = arith.constant 22 : index
    %swap3A_454 = arith.constant 0 : index
    %swap3A_455 = arith.constant 0 : index
    %swap3A_456 = vector.load %arg4[%swap3A_453, %swap3A_454, %swap3A_455] : memref<36x256x64xf32, #tpu.memory_space<vmem>>, vector<1x256x64xf32>
    %swap3A_457 = vector.shape_cast %swap3A_456 : vector<1x256x64xf32> to vector<256x64xf32>
    %swap3A_458 = vector.shape_cast %add3A_452 : vector<256x64xf32> to vector<1x256x64xf32>
    tpu.vector_store %arg4[%swap3A_453, %swap3A_454, %swap3A_455], %swap3A_458 {strides = array<i32>} : memref<36x256x64xf32, #tpu.memory_space<vmem>>, vector<1x256x64xf32>,
    %get3A_459 = arith.constant 23 : index
    %get3A_460 = arith.constant 0 : index
    %get3A_461 = arith.constant 0 : index
    %get3A_462 = vector.load %arg2[%get3A_459, %get3A_460, %get3A_461] : memref<36x768x64xf32, #tpu.memory_space<vmem>>, vector<1x768x64xf32>
    %get3A_463 = vector.shape_cast %get3A_462 : vector<1x768x64xf32> to vector<768x64xf32>
    %dot_general3A_464 = arith.constant dense<0.000000e+00> : vector<256x64xf32>
    %dot_general3A_465 = tpu.matmul %get3A_1, %get3A_463, %dot_general3A_464 {dimension_numbers = #tpu.dot_dimension_numbers<[1], [0], [0], [1], [0, 0, 1, 1], [], []>, transpose_lhs_hint = false} : vector<256x768xf32>, vector<768x64xf32>, vector<256x64xf32> -> vector<256x64xf32>
    %get3A_466 = arith.constant 23 : index
    %get3A_467 = arith.constant 0 : index
    %get3A_468 = arith.constant 0 : index
    %get3A_469 = vector.load %arg3[%get3A_466, %get3A_467, %get3A_468] : memref<36x1x64xf32, #tpu.memory_space<vmem>>, vector<1x1x64xf32>
    %get3A_470 = vector.shape_cast %get3A_469 : vector<1x1x64xf32> to vector<1x64xf32>
    %add3A_471 = vector.broadcast %get3A_470 : vector<1x64xf32> to vector<256x64xf32>
    %add3A_472 = arith.addf %dot_general3A_465, %add3A_471 : vector<256x64xf32>
    %swap3A_473 = arith.constant 23 : index
    %swap3A_474 = arith.constant 0 : index
    %swap3A_475 = arith.constant 0 : index
    %swap3A_476 = vector.load %arg4[%swap3A_473, %swap3A_474, %swap3A_475] : memref<36x256x64xf32, #tpu.memory_space<vmem>>, vector<1x256x64xf32>
    %swap3A_477 = vector.shape_cast %swap3A_476 : vector<1x256x64xf32> to vector<256x64xf32>
    %swap3A_478 = vector.shape_cast %add3A_472 : vector<256x64xf32> to vector<1x256x64xf32>
    tpu.vector_store %arg4[%swap3A_473, %swap3A_474, %swap3A_475], %swap3A_478 {strides = array<i32>} : memref<36x256x64xf32, #tpu.memory_space<vmem>>, vector<1x256x64xf32>,
    %get3A_479 = arith.constant 24 : index
    %get3A_480 = arith.constant 0 : index
    %get3A_481 = arith.constant 0 : index
    %get3A_482 = vector.load %arg2[%get3A_479, %get3A_480, %get3A_481] : memref<36x768x64xf32, #tpu.memory_space<vmem>>, vector<1x768x64xf32>
    %get3A_483 = vector.shape_cast %get3A_482 : vector<1x768x64xf32> to vector<768x64xf32>
    %dot_general3A_484 = arith.constant dense<0.000000e+00> : vector<256x64xf32>
    %dot_general3A_485 = tpu.matmul %get3A_1, %get3A_483, %dot_general3A_484 {dimension_numbers = #tpu.dot_dimension_numbers<[1], [0], [0], [1], [0, 0, 1, 1], [], []>, transpose_lhs_hint = false} : vector<256x768xf32>, vector<768x64xf32>, vector<256x64xf32> -> vector<256x64xf32>
    %get3A_486 = arith.constant 24 : index
    %get3A_487 = arith.constant 0 : index
    %get3A_488 = arith.constant 0 : index
    %get3A_489 = vector.load %arg3[%get3A_486, %get3A_487, %get3A_488] : memref<36x1x64xf32, #tpu.memory_space<vmem>>, vector<1x1x64xf32>
    %get3A_490 = vector.shape_cast %get3A_489 : vector<1x1x64xf32> to vector<1x64xf32>
    %add3A_491 = vector.broadcast %get3A_490 : vector<1x64xf32> to vector<256x64xf32>
    %add3A_492 = arith.addf %dot_general3A_485, %add3A_491 : vector<256x64xf32>
    %swap3A_493 = arith.constant 24 : index
    %swap3A_494 = arith.constant 0 : index
    %swap3A_495 = arith.constant 0 : index
    %swap3A_496 = vector.load %arg4[%swap3A_493, %swap3A_494, %swap3A_495] : memref<36x256x64xf32, #tpu.memory_space<vmem>>, vector<1x256x64xf32>
    %swap3A_497 = vector.shape_cast %swap3A_496 : vector<1x256x64xf32> to vector<256x64xf32>
    %swap3A_498 = vector.shape_cast %add3A_492 : vector<256x64xf32> to vector<1x256x64xf32>
    tpu.vector_store %arg4[%swap3A_493, %swap3A_494, %swap3A_495], %swap3A_498 {strides = array<i32>} : memref<36x256x64xf32, #tpu.memory_space<vmem>>, vector<1x256x64xf32>,
    %get3A_499 = arith.constant 25 : index
    %get3A_500 = arith.constant 0 : index
    %get3A_501 = arith.constant 0 : index
    %get3A_502 = vector.load %arg2[%get3A_499, %get3A_500, %get3A_501] : memref<36x768x64xf32, #tpu.memory_space<vmem>>, vector<1x768x64xf32>
    %get3A_503 = vector.shape_cast %get3A_502 : vector<1x768x64xf32> to vector<768x64xf32>
    %dot_general3A_504 = arith.constant dense<0.000000e+00> : vector<256x64xf32>
    %dot_general3A_505 = tpu.matmul %get3A_1, %get3A_503, %dot_general3A_504 {dimension_numbers = #tpu.dot_dimension_numbers<[1], [0], [0], [1], [0, 0, 1, 1], [], []>, transpose_lhs_hint = false} : vector<256x768xf32>, vector<768x64xf32>, vector<256x64xf32> -> vector<256x64xf32>
    %get3A_506 = arith.constant 25 : index
    %get3A_507 = arith.constant 0 : index
    %get3A_508 = arith.constant 0 : index
    %get3A_509 = vector.load %arg3[%get3A_506, %get3A_507, %get3A_508] : memref<36x1x64xf32, #tpu.memory_space<vmem>>, vector<1x1x64xf32>
    %get3A_510 = vector.shape_cast %get3A_509 : vector<1x1x64xf32> to vector<1x64xf32>
    %add3A_511 = vector.broadcast %get3A_510 : vector<1x64xf32> to vector<256x64xf32>
    %add3A_512 = arith.addf %dot_general3A_505, %add3A_511 : vector<256x64xf32>
    %swap3A_513 = arith.constant 25 : index
    %swap3A_514 = arith.constant 0 : index
    %swap3A_515 = arith.constant 0 : index
    %swap3A_516 = vector.load %arg4[%swap3A_513, %swap3A_514, %swap3A_515] : memref<36x256x64xf32, #tpu.memory_space<vmem>>, vector<1x256x64xf32>
    %swap3A_517 = vector.shape_cast %swap3A_516 : vector<1x256x64xf32> to vector<256x64xf32>
    %swap3A_518 = vector.shape_cast %add3A_512 : vector<256x64xf32> to vector<1x256x64xf32>
    tpu.vector_store %arg4[%swap3A_513, %swap3A_514, %swap3A_515], %swap3A_518 {strides = array<i32>} : memref<36x256x64xf32, #tpu.memory_space<vmem>>, vector<1x256x64xf32>,
    %get3A_519 = arith.constant 26 : index
    %get3A_520 = arith.constant 0 : index
    %get3A_521 = arith.constant 0 : index
    %get3A_522 = vector.load %arg2[%get3A_519, %get3A_520, %get3A_521] : memref<36x768x64xf32, #tpu.memory_space<vmem>>, vector<1x768x64xf32>
    %get3A_523 = vector.shape_cast %get3A_522 : vector<1x768x64xf32> to vector<768x64xf32>
    %dot_general3A_524 = arith.constant dense<0.000000e+00> : vector<256x64xf32>
    %dot_general3A_525 = tpu.matmul %get3A_1, %get3A_523, %dot_general3A_524 {dimension_numbers = #tpu.dot_dimension_numbers<[1], [0], [0], [1], [0, 0, 1, 1], [], []>, transpose_lhs_hint = false} : vector<256x768xf32>, vector<768x64xf32>, vector<256x64xf32> -> vector<256x64xf32>
    %get3A_526 = arith.constant 26 : index
    %get3A_527 = arith.constant 0 : index
    %get3A_528 = arith.constant 0 : index
    %get3A_529 = vector.load %arg3[%get3A_526, %get3A_527, %get3A_528] : memref<36x1x64xf32, #tpu.memory_space<vmem>>, vector<1x1x64xf32>
    %get3A_530 = vector.shape_cast %get3A_529 : vector<1x1x64xf32> to vector<1x64xf32>
    %add3A_531 = vector.broadcast %get3A_530 : vector<1x64xf32> to vector<256x64xf32>
    %add3A_532 = arith.addf %dot_general3A_525, %add3A_531 : vector<256x64xf32>
    %swap3A_533 = arith.constant 26 : index
    %swap3A_534 = arith.constant 0 : index
    %swap3A_535 = arith.constant 0 : index
    %swap3A_536 = vector.load %arg4[%swap3A_533, %swap3A_534, %swap3A_535] : memref<36x256x64xf32, #tpu.memory_space<vmem>>, vector<1x256x64xf32>
    %swap3A_537 = vector.shape_cast %swap3A_536 : vector<1x256x64xf32> to vector<256x64xf32>
    %swap3A_538 = vector.shape_cast %add3A_532 : vector<256x64xf32> to vector<1x256x64xf32>
    tpu.vector_store %arg4[%swap3A_533, %swap3A_534, %swap3A_535], %swap3A_538 {strides = array<i32>} : memref<36x256x64xf32, #tpu.memory_space<vmem>>, vector<1x256x64xf32>,
    %get3A_539 = arith.constant 27 : index
    %get3A_540 = arith.constant 0 : index
    %get3A_541 = arith.constant 0 : index
    %get3A_542 = vector.load %arg2[%get3A_539, %get3A_540, %get3A_541] : memref<36x768x64xf32, #tpu.memory_space<vmem>>, vector<1x768x64xf32>
    %get3A_543 = vector.shape_cast %get3A_542 : vector<1x768x64xf32> to vector<768x64xf32>
    %dot_general3A_544 = arith.constant dense<0.000000e+00> : vector<256x64xf32>
    %dot_general3A_545 = tpu.matmul %get3A_1, %get3A_543, %dot_general3A_544 {dimension_numbers = #tpu.dot_dimension_numbers<[1], [0], [0], [1], [0, 0, 1, 1], [], []>, transpose_lhs_hint = false} : vector<256x768xf32>, vector<768x64xf32>, vector<256x64xf32> -> vector<256x64xf32>
    %get3A_546 = arith.constant 27 : index
    %get3A_547 = arith.constant 0 : index
    %get3A_548 = arith.constant 0 : index
    %get3A_549 = vector.load %arg3[%get3A_546, %get3A_547, %get3A_548] : memref<36x1x64xf32, #tpu.memory_space<vmem>>, vector<1x1x64xf32>
    %get3A_550 = vector.shape_cast %get3A_549 : vector<1x1x64xf32> to vector<1x64xf32>
    %add3A_551 = vector.broadcast %get3A_550 : vector<1x64xf32> to vector<256x64xf32>
    %add3A_552 = arith.addf %dot_general3A_545, %add3A_551 : vector<256x64xf32>
    %swap3A_553 = arith.constant 27 : index
    %swap3A_554 = arith.constant 0 : index
    %swap3A_555 = arith.constant 0 : index
    %swap3A_556 = vector.load %arg4[%swap3A_553, %swap3A_554, %swap3A_555] : memref<36x256x64xf32, #tpu.memory_space<vmem>>, vector<1x256x64xf32>
    %swap3A_557 = vector.shape_cast %swap3A_556 : vector<1x256x64xf32> to vector<256x64xf32>
    %swap3A_558 = vector.shape_cast %add3A_552 : vector<256x64xf32> to vector<1x256x64xf32>
    tpu.vector_store %arg4[%swap3A_553, %swap3A_554, %swap3A_555], %swap3A_558 {strides = array<i32>} : memref<36x256x64xf32, #tpu.memory_space<vmem>>, vector<1x256x64xf32>,
    %get3A_559 = arith.constant 28 : index
    %get3A_560 = arith.constant 0 : index
    %get3A_561 = arith.constant 0 : index
    %get3A_562 = vector.load %arg2[%get3A_559, %get3A_560, %get3A_561] : memref<36x768x64xf32, #tpu.memory_space<vmem>>, vector<1x768x64xf32>
    %get3A_563 = vector.shape_cast %get3A_562 : vector<1x768x64xf32> to vector<768x64xf32>
    %dot_general3A_564 = arith.constant dense<0.000000e+00> : vector<256x64xf32>
    %dot_general3A_565 = tpu.matmul %get3A_1, %get3A_563, %dot_general3A_564 {dimension_numbers = #tpu.dot_dimension_numbers<[1], [0], [0], [1], [0, 0, 1, 1], [], []>, transpose_lhs_hint = false} : vector<256x768xf32>, vector<768x64xf32>, vector<256x64xf32> -> vector<256x64xf32>
    %get3A_566 = arith.constant 28 : index
    %get3A_567 = arith.constant 0 : index
    %get3A_568 = arith.constant 0 : index
    %get3A_569 = vector.load %arg3[%get3A_566, %get3A_567, %get3A_568] : memref<36x1x64xf32, #tpu.memory_space<vmem>>, vector<1x1x64xf32>
    %get3A_570 = vector.shape_cast %get3A_569 : vector<1x1x64xf32> to vector<1x64xf32>
    %add3A_571 = vector.broadcast %get3A_570 : vector<1x64xf32> to vector<256x64xf32>
    %add3A_572 = arith.addf %dot_general3A_565, %add3A_571 : vector<256x64xf32>
    %swap3A_573 = arith.constant 28 : index
    %swap3A_574 = arith.constant 0 : index
    %swap3A_575 = arith.constant 0 : index
    %swap3A_576 = vector.load %arg4[%swap3A_573, %swap3A_574, %swap3A_575] : memref<36x256x64xf32, #tpu.memory_space<vmem>>, vector<1x256x64xf32>
    %swap3A_577 = vector.shape_cast %swap3A_576 : vector<1x256x64xf32> to vector<256x64xf32>
    %swap3A_578 = vector.shape_cast %add3A_572 : vector<256x64xf32> to vector<1x256x64xf32>
    tpu.vector_store %arg4[%swap3A_573, %swap3A_574, %swap3A_575], %swap3A_578 {strides = array<i32>} : memref<36x256x64xf32, #tpu.memory_space<vmem>>, vector<1x256x64xf32>,
    %get3A_579 = arith.constant 29 : index
    %get3A_580 = arith.constant 0 : index
    %get3A_581 = arith.constant 0 : index
    %get3A_582 = vector.load %arg2[%get3A_579, %get3A_580, %get3A_581] : memref<36x768x64xf32, #tpu.memory_space<vmem>>, vector<1x768x64xf32>
    %get3A_583 = vector.shape_cast %get3A_582 : vector<1x768x64xf32> to vector<768x64xf32>
    %dot_general3A_584 = arith.constant dense<0.000000e+00> : vector<256x64xf32>
    %dot_general3A_585 = tpu.matmul %get3A_1, %get3A_583, %dot_general3A_584 {dimension_numbers = #tpu.dot_dimension_numbers<[1], [0], [0], [1], [0, 0, 1, 1], [], []>, transpose_lhs_hint = false} : vector<256x768xf32>, vector<768x64xf32>, vector<256x64xf32> -> vector<256x64xf32>
    %get3A_586 = arith.constant 29 : index
    %get3A_587 = arith.constant 0 : index
    %get3A_588 = arith.constant 0 : index
    %get3A_589 = vector.load %arg3[%get3A_586, %get3A_587, %get3A_588] : memref<36x1x64xf32, #tpu.memory_space<vmem>>, vector<1x1x64xf32>
    %get3A_590 = vector.shape_cast %get3A_589 : vector<1x1x64xf32> to vector<1x64xf32>
    %add3A_591 = vector.broadcast %get3A_590 : vector<1x64xf32> to vector<256x64xf32>
    %add3A_592 = arith.addf %dot_general3A_585, %add3A_591 : vector<256x64xf32>
    %swap3A_593 = arith.constant 29 : index
    %swap3A_594 = arith.constant 0 : index
    %swap3A_595 = arith.constant 0 : index
    %swap3A_596 = vector.load %arg4[%swap3A_593, %swap3A_594, %swap3A_595] : memref<36x256x64xf32, #tpu.memory_space<vmem>>, vector<1x256x64xf32>
    %swap3A_597 = vector.shape_cast %swap3A_596 : vector<1x256x64xf32> to vector<256x64xf32>
    %swap3A_598 = vector.shape_cast %add3A_592 : vector<256x64xf32> to vector<1x256x64xf32>
    tpu.vector_store %arg4[%swap3A_593, %swap3A_594, %swap3A_595], %swap3A_598 {strides = array<i32>} : memref<36x256x64xf32, #tpu.memory_space<vmem>>, vector<1x256x64xf32>,
    %get3A_599 = arith.constant 30 : index
    %get3A_600 = arith.constant 0 : index
    %get3A_601 = arith.constant 0 : index
    %get3A_602 = vector.load %arg2[%get3A_599, %get3A_600, %get3A_601] : memref<36x768x64xf32, #tpu.memory_space<vmem>>, vector<1x768x64xf32>
    %get3A_603 = vector.shape_cast %get3A_602 : vector<1x768x64xf32> to vector<768x64xf32>
    %dot_general3A_604 = arith.constant dense<0.000000e+00> : vector<256x64xf32>
    %dot_general3A_605 = tpu.matmul %get3A_1, %get3A_603, %dot_general3A_604 {dimension_numbers = #tpu.dot_dimension_numbers<[1], [0], [0], [1], [0, 0, 1, 1], [], []>, transpose_lhs_hint = false} : vector<256x768xf32>, vector<768x64xf32>, vector<256x64xf32> -> vector<256x64xf32>
    %get3A_606 = arith.constant 30 : index
    %get3A_607 = arith.constant 0 : index
    %get3A_608 = arith.constant 0 : index
    %get3A_609 = vector.load %arg3[%get3A_606, %get3A_607, %get3A_608] : memref<36x1x64xf32, #tpu.memory_space<vmem>>, vector<1x1x64xf32>
    %get3A_610 = vector.shape_cast %get3A_609 : vector<1x1x64xf32> to vector<1x64xf32>
    %add3A_611 = vector.broadcast %get3A_610 : vector<1x64xf32> to vector<256x64xf32>
    %add3A_612 = arith.addf %dot_general3A_605, %add3A_611 : vector<256x64xf32>
    %swap3A_613 = arith.constant 30 : index
    %swap3A_614 = arith.constant 0 : index
    %swap3A_615 = arith.constant 0 : index
    %swap3A_616 = vector.load %arg4[%swap3A_613, %swap3A_614, %swap3A_615] : memref<36x256x64xf32, #tpu.memory_space<vmem>>, vector<1x256x64xf32>
    %swap3A_617 = vector.shape_cast %swap3A_616 : vector<1x256x64xf32> to vector<256x64xf32>
    %swap3A_618 = vector.shape_cast %add3A_612 : vector<256x64xf32> to vector<1x256x64xf32>
    tpu.vector_store %arg4[%swap3A_613, %swap3A_614, %swap3A_615], %swap3A_618 {strides = array<i32>} : memref<36x256x64xf32, #tpu.memory_space<vmem>>, vector<1x256x64xf32>,
    %get3A_619 = arith.constant 31 : index
    %get3A_620 = arith.constant 0 : index
    %get3A_621 = arith.constant 0 : index
    %get3A_622 = vector.load %arg2[%get3A_619, %get3A_620, %get3A_621] : memref<36x768x64xf32, #tpu.memory_space<vmem>>, vector<1x768x64xf32>
    %get3A_623 = vector.shape_cast %get3A_622 : vector<1x768x64xf32> to vector<768x64xf32>
    %dot_general3A_624 = arith.constant dense<0.000000e+00> : vector<256x64xf32>
    %dot_general3A_625 = tpu.matmul %get3A_1, %get3A_623, %dot_general3A_624 {dimension_numbers = #tpu.dot_dimension_numbers<[1], [0], [0], [1], [0, 0, 1, 1], [], []>, transpose_lhs_hint = false} : vector<256x768xf32>, vector<768x64xf32>, vector<256x64xf32> -> vector<256x64xf32>
    %get3A_626 = arith.constant 31 : index
    %get3A_627 = arith.constant 0 : index
    %get3A_628 = arith.constant 0 : index
    %get3A_629 = vector.load %arg3[%get3A_626, %get3A_627, %get3A_628] : memref<36x1x64xf32, #tpu.memory_space<vmem>>, vector<1x1x64xf32>
    %get3A_630 = vector.shape_cast %get3A_629 : vector<1x1x64xf32> to vector<1x64xf32>
    %add3A_631 = vector.broadcast %get3A_630 : vector<1x64xf32> to vector<256x64xf32>
    %add3A_632 = arith.addf %dot_general3A_625, %add3A_631 : vector<256x64xf32>
    %swap3A_633 = arith.constant 31 : index
    %swap3A_634 = arith.constant 0 : index
    %swap3A_635 = arith.constant 0 : index
    %swap3A_636 = vector.load %arg4[%swap3A_633, %swap3A_634, %swap3A_635] : memref<36x256x64xf32, #tpu.memory_space<vmem>>, vector<1x256x64xf32>
    %swap3A_637 = vector.shape_cast %swap3A_636 : vector<1x256x64xf32> to vector<256x64xf32>
    %swap3A_638 = vector.shape_cast %add3A_632 : vector<256x64xf32> to vector<1x256x64xf32>
    tpu.vector_store %arg4[%swap3A_633, %swap3A_634, %swap3A_635], %swap3A_638 {strides = array<i32>} : memref<36x256x64xf32, #tpu.memory_space<vmem>>, vector<1x256x64xf32>,
    %get3A_639 = arith.constant 32 : index
    %get3A_640 = arith.constant 0 : index
    %get3A_641 = arith.constant 0 : index
    %get3A_642 = vector.load %arg2[%get3A_639, %get3A_640, %get3A_641] : memref<36x768x64xf32, #tpu.memory_space<vmem>>, vector<1x768x64xf32>
    %get3A_643 = vector.shape_cast %get3A_642 : vector<1x768x64xf32> to vector<768x64xf32>
    %dot_general3A_644 = arith.constant dense<0.000000e+00> : vector<256x64xf32>
    %dot_general3A_645 = tpu.matmul %get3A_1, %get3A_643, %dot_general3A_644 {dimension_numbers = #tpu.dot_dimension_numbers<[1], [0], [0], [1], [0, 0, 1, 1], [], []>, transpose_lhs_hint = false} : vector<256x768xf32>, vector<768x64xf32>, vector<256x64xf32> -> vector<256x64xf32>
    %get3A_646 = arith.constant 32 : index
    %get3A_647 = arith.constant 0 : index
    %get3A_648 = arith.constant 0 : index
    %get3A_649 = vector.load %arg3[%get3A_646, %get3A_647, %get3A_648] : memref<36x1x64xf32, #tpu.memory_space<vmem>>, vector<1x1x64xf32>
    %get3A_650 = vector.shape_cast %get3A_649 : vector<1x1x64xf32> to vector<1x64xf32>
    %add3A_651 = vector.broadcast %get3A_650 : vector<1x64xf32> to vector<256x64xf32>
    %add3A_652 = arith.addf %dot_general3A_645, %add3A_651 : vector<256x64xf32>
    %swap3A_653 = arith.constant 32 : index
    %swap3A_654 = arith.constant 0 : index
    %swap3A_655 = arith.constant 0 : index
    %swap3A_656 = vector.load %arg4[%swap3A_653, %swap3A_654, %swap3A_655] : memref<36x256x64xf32, #tpu.memory_space<vmem>>, vector<1x256x64xf32>
    %swap3A_657 = vector.shape_cast %swap3A_656 : vector<1x256x64xf32> to vector<256x64xf32>
    %swap3A_658 = vector.shape_cast %add3A_652 : vector<256x64xf32> to vector<1x256x64xf32>
    tpu.vector_store %arg4[%swap3A_653, %swap3A_654, %swap3A_655], %swap3A_658 {strides = array<i32>} : memref<36x256x64xf32, #tpu.memory_space<vmem>>, vector<1x256x64xf32>,
    %get3A_659 = arith.constant 33 : index
    %get3A_660 = arith.constant 0 : index
    %get3A_661 = arith.constant 0 : index
    %get3A_662 = vector.load %arg2[%get3A_659, %get3A_660, %get3A_661] : memref<36x768x64xf32, #tpu.memory_space<vmem>>, vector<1x768x64xf32>
    %get3A_663 = vector.shape_cast %get3A_662 : vector<1x768x64xf32> to vector<768x64xf32>
    %dot_general3A_664 = arith.constant dense<0.000000e+00> : vector<256x64xf32>
    %dot_general3A_665 = tpu.matmul %get3A_1, %get3A_663, %dot_general3A_664 {dimension_numbers = #tpu.dot_dimension_numbers<[1], [0], [0], [1], [0, 0, 1, 1], [], []>, transpose_lhs_hint = false} : vector<256x768xf32>, vector<768x64xf32>, vector<256x64xf32> -> vector<256x64xf32>
    %get3A_666 = arith.constant 33 : index
    %get3A_667 = arith.constant 0 : index
    %get3A_668 = arith.constant 0 : index
    %get3A_669 = vector.load %arg3[%get3A_666, %get3A_667, %get3A_668] : memref<36x1x64xf32, #tpu.memory_space<vmem>>, vector<1x1x64xf32>
    %get3A_670 = vector.shape_cast %get3A_669 : vector<1x1x64xf32> to vector<1x64xf32>
    %add3A_671 = vector.broadcast %get3A_670 : vector<1x64xf32> to vector<256x64xf32>
    %add3A_672 = arith.addf %dot_general3A_665, %add3A_671 : vector<256x64xf32>
    %swap3A_673 = arith.constant 33 : index
    %swap3A_674 = arith.constant 0 : index
    %swap3A_675 = arith.constant 0 : index
    %swap3A_676 = vector.load %arg4[%swap3A_673, %swap3A_674, %swap3A_675] : memref<36x256x64xf32, #tpu.memory_space<vmem>>, vector<1x256x64xf32>
    %swap3A_677 = vector.shape_cast %swap3A_676 : vector<1x256x64xf32> to vector<256x64xf32>
    %swap3A_678 = vector.shape_cast %add3A_672 : vector<256x64xf32> to vector<1x256x64xf32>
    tpu.vector_store %arg4[%swap3A_673, %swap3A_674, %swap3A_675], %swap3A_678 {strides = array<i32>} : memref<36x256x64xf32, #tpu.memory_space<vmem>>, vector<1x256x64xf32>,
    %get3A_679 = arith.constant 34 : index
    %get3A_680 = arith.constant 0 : index
    %get3A_681 = arith.constant 0 : index
    %get3A_682 = vector.load %arg2[%get3A_679, %get3A_680, %get3A_681] : memref<36x768x64xf32, #tpu.memory_space<vmem>>, vector<1x768x64xf32>
    %get3A_683 = vector.shape_cast %get3A_682 : vector<1x768x64xf32> to vector<768x64xf32>
    %dot_general3A_684 = arith.constant dense<0.000000e+00> : vector<256x64xf32>
    %dot_general3A_685 = tpu.matmul %get3A_1, %get3A_683, %dot_general3A_684 {dimension_numbers = #tpu.dot_dimension_numbers<[1], [0], [0], [1], [0, 0, 1, 1], [], []>, transpose_lhs_hint = false} : vector<256x768xf32>, vector<768x64xf32>, vector<256x64xf32> -> vector<256x64xf32>
    %get3A_686 = arith.constant 34 : index
    %get3A_687 = arith.constant 0 : index
    %get3A_688 = arith.constant 0 : index
    %get3A_689 = vector.load %arg3[%get3A_686, %get3A_687, %get3A_688] : memref<36x1x64xf32, #tpu.memory_space<vmem>>, vector<1x1x64xf32>
    %get3A_690 = vector.shape_cast %get3A_689 : vector<1x1x64xf32> to vector<1x64xf32>
    %add3A_691 = vector.broadcast %get3A_690 : vector<1x64xf32> to vector<256x64xf32>
    %add3A_692 = arith.addf %dot_general3A_685, %add3A_691 : vector<256x64xf32>
    %swap3A_693 = arith.constant 34 : index
    %swap3A_694 = arith.constant 0 : index
    %swap3A_695 = arith.constant 0 : index
    %swap3A_696 = vector.load %arg4[%swap3A_693, %swap3A_694, %swap3A_695] : memref<36x256x64xf32, #tpu.memory_space<vmem>>, vector<1x256x64xf32>
    %swap3A_697 = vector.shape_cast %swap3A_696 : vector<1x256x64xf32> to vector<256x64xf32>
    %swap3A_698 = vector.shape_cast %add3A_692 : vector<256x64xf32> to vector<1x256x64xf32>
    tpu.vector_store %arg4[%swap3A_693, %swap3A_694, %swap3A_695], %swap3A_698 {strides = array<i32>} : memref<36x256x64xf32, #tpu.memory_space<vmem>>, vector<1x256x64xf32>,
    %get3A_699 = arith.constant 35 : index
    %get3A_700 = arith.constant 0 : index
    %get3A_701 = arith.constant 0 : index
    %get3A_702 = vector.load %arg2[%get3A_699, %get3A_700, %get3A_701] : memref<36x768x64xf32, #tpu.memory_space<vmem>>, vector<1x768x64xf32>
    %get3A_703 = vector.shape_cast %get3A_702 : vector<1x768x64xf32> to vector<768x64xf32>
    %dot_general3A_704 = arith.constant dense<0.000000e+00> : vector<256x64xf32>
    %dot_general3A_705 = tpu.matmul %get3A_1, %get3A_703, %dot_general3A_704 {dimension_numbers = #tpu.dot_dimension_numbers<[1], [0], [0], [1], [0, 0, 1, 1], [], []>, transpose_lhs_hint = false} : vector<256x768xf32>, vector<768x64xf32>, vector<256x64xf32> -> vector<256x64xf32>
    %get3A_706 = arith.constant 35 : index
    %get3A_707 = arith.constant 0 : index
    %get3A_708 = arith.constant 0 : index
    %get3A_709 = vector.load %arg3[%get3A_706, %get3A_707, %get3A_708] : memref<36x1x64xf32, #tpu.memory_space<vmem>>, vector<1x1x64xf32>
    %get3A_710 = vector.shape_cast %get3A_709 : vector<1x1x64xf32> to vector<1x64xf32>
    %add3A_711 = vector.broadcast %get3A_710 : vector<1x64xf32> to vector<256x64xf32>
    %add3A_712 = arith.addf %dot_general3A_705, %add3A_711 : vector<256x64xf32>
    %swap3A_713 = arith.constant 35 : index
    %swap3A_714 = arith.constant 0 : index
    %swap3A_715 = arith.constant 0 : index
    %swap3A_716 = vector.load %arg4[%swap3A_713, %swap3A_714, %swap3A_715] : memref<36x256x64xf32, #tpu.memory_space<vmem>>, vector<1x256x64xf32>
    %swap3A_717 = vector.shape_cast %swap3A_716 : vector<1x256x64xf32> to vector<256x64xf32>
    %swap3A_718 = vector.shape_cast %add3A_712 : vector<256x64xf32> to vector<1x256x64xf32>
    tpu.vector_store %arg4[%swap3A_713, %swap3A_714, %swap3A_715], %swap3A_718 {strides = array<i32>} : memref<36x256x64xf32, #tpu.memory_space<vmem>>, vector<1x256x64xf32>,
    return
  }
  func.func @transform_0(%arg0: i32) -> (i32, i32) {
    %c0_i32 = arith.constant 0 : i32
    %c0_i32_0 = arith.constant 0 : i32
    return %arg0, %c0_i32 : i32, i32
  }
  func.func @transform_1(%arg0: i32) -> (i32, i32, i32) {
    %c0_i32 = arith.constant 0 : i32
    %c0_i32_0 = arith.constant 0 : i32
    %c0_i32_1 = arith.constant 0 : i32
    %c0_i32_2 = arith.constant 0 : i32
    return %c0_i32, %c0_i32_0, %c0_i32_1 : i32, i32, i32
  }
  func.func @transform_2(%arg0: i32) -> (i32, i32, i32) {
    %c0_i32 = arith.constant 0 : i32
    %c0_i32_0 = arith.constant 0 : i32
    %c0_i32_1 = arith.constant 0 : i32
    %c0_i32_2 = arith.constant 0 : i32
    return %c0_i32, %c0_i32_0, %c0_i32_1 : i32, i32, i32
  }
  func.func @transform_3(%arg0: i32) -> (i32, i32, i32) {
    %c0_i32 = arith.constant 0 : i32
    %c0_i32_0 = arith.constant 0 : i32
    %c0_i32_1 = arith.constant 0 : i32
    return %c0_i32, %arg0, %c0_i32_0 : i32, i32, i32
  }
}

module attributes {stable_mosaic.version = 14 : i64} {
  func.func @_oproj_ln_kernel(%arg0: i32, %arg1: memref<12x256x64xf32, #tpu.memory_space<vmem>>, %arg2: memref<12x64x768xf32, #tpu.memory_space<vmem>>, %arg3: memref<1x768xf32, #tpu.memory_space<vmem>>, %arg4: memref<256x768xf32, #tpu.memory_space<vmem>>, %arg5: memref<1x768xf32, #tpu.memory_space<vmem>>, %arg6: memref<1x768xf32, #tpu.memory_space<vmem>>, %arg7: memref<256x768xf32, #tpu.memory_space<vmem>>) attributes {dimension_semantics = [#tpu.dimension_semantics<arbitrary>], iteration_bounds = array<i64: 8>, scalar_prefetch = 0 : i64, scratch_operands = 0 : i64, tpu.core_type = #tpu.core_type<tc>, window_params = [{transform_indices = @transform_0, window_bounds = array<i64: 12, 256, 64>}, {pipeline_mode = #tpu.pipeline_mode<synchronous>, transform_indices = @transform_1, window_bounds = array<i64: 12, 64, 768>}, {pipeline_mode = #tpu.pipeline_mode<synchronous>, transform_indices = @transform_2, window_bounds = array<i64: 1, 768>}, {transform_indices = @transform_3, window_bounds = array<i64: 256, 768>}, {pipeline_mode = #tpu.pipeline_mode<synchronous>, transform_indices = @transform_4, window_bounds = array<i64: 1, 768>}, {pipeline_mode = #tpu.pipeline_mode<synchronous>, transform_indices = @transform_5, window_bounds = array<i64: 1, 768>}, {transform_indices = @transform_6, window_bounds = array<i64: 256, 768>}]} {
    %get3A = arith.constant 0 : index
    %get3A_0 = arith.constant 0 : index
    %get3A_1 = arith.constant 0 : index
    %get3A_2 = vector.load %arg1[%get3A, %get3A_0, %get3A_1] : memref<12x256x64xf32, #tpu.memory_space<vmem>>, vector<1x256x64xf32>
    %get3A_3 = vector.shape_cast %get3A_2 : vector<1x256x64xf32> to vector<256x64xf32>
    %get3A_4 = arith.constant 1 : index
    %get3A_5 = arith.constant 0 : index
    %get3A_6 = arith.constant 0 : index
    %get3A_7 = vector.load %arg1[%get3A_4, %get3A_5, %get3A_6] : memref<12x256x64xf32, #tpu.memory_space<vmem>>, vector<1x256x64xf32>
    %get3A_8 = vector.shape_cast %get3A_7 : vector<1x256x64xf32> to vector<256x64xf32>
    %get3A_9 = arith.constant 2 : index
    %get3A_10 = arith.constant 0 : index
    %get3A_11 = arith.constant 0 : index
    %get3A_12 = vector.load %arg1[%get3A_9, %get3A_10, %get3A_11] : memref<12x256x64xf32, #tpu.memory_space<vmem>>, vector<1x256x64xf32>
    %get3A_13 = vector.shape_cast %get3A_12 : vector<1x256x64xf32> to vector<256x64xf32>
    %get3A_14 = arith.constant 3 : index
    %get3A_15 = arith.constant 0 : index
    %get3A_16 = arith.constant 0 : index
    %get3A_17 = vector.load %arg1[%get3A_14, %get3A_15, %get3A_16] : memref<12x256x64xf32, #tpu.memory_space<vmem>>, vector<1x256x64xf32>
    %get3A_18 = vector.shape_cast %get3A_17 : vector<1x256x64xf32> to vector<256x64xf32>
    %get3A_19 = arith.constant 4 : index
    %get3A_20 = arith.constant 0 : index
    %get3A_21 = arith.constant 0 : index
    %get3A_22 = vector.load %arg1[%get3A_19, %get3A_20, %get3A_21] : memref<12x256x64xf32, #tpu.memory_space<vmem>>, vector<1x256x64xf32>
    %get3A_23 = vector.shape_cast %get3A_22 : vector<1x256x64xf32> to vector<256x64xf32>
    %get3A_24 = arith.constant 5 : index
    %get3A_25 = arith.constant 0 : index
    %get3A_26 = arith.constant 0 : index
    %get3A_27 = vector.load %arg1[%get3A_24, %get3A_25, %get3A_26] : memref<12x256x64xf32, #tpu.memory_space<vmem>>, vector<1x256x64xf32>
    %get3A_28 = vector.shape_cast %get3A_27 : vector<1x256x64xf32> to vector<256x64xf32>
    %get3A_29 = arith.constant 6 : index
    %get3A_30 = arith.constant 0 : index
    %get3A_31 = arith.constant 0 : index
    %get3A_32 = vector.load %arg1[%get3A_29, %get3A_30, %get3A_31] : memref<12x256x64xf32, #tpu.memory_space<vmem>>, vector<1x256x64xf32>
    %get3A_33 = vector.shape_cast %get3A_32 : vector<1x256x64xf32> to vector<256x64xf32>
    %get3A_34 = arith.constant 7 : index
    %get3A_35 = arith.constant 0 : index
    %get3A_36 = arith.constant 0 : index
    %get3A_37 = vector.load %arg1[%get3A_34, %get3A_35, %get3A_36] : memref<12x256x64xf32, #tpu.memory_space<vmem>>, vector<1x256x64xf32>
    %get3A_38 = vector.shape_cast %get3A_37 : vector<1x256x64xf32> to vector<256x64xf32>
    %get3A_39 = arith.constant 8 : index
    %get3A_40 = arith.constant 0 : index
    %get3A_41 = arith.constant 0 : index
    %get3A_42 = vector.load %arg1[%get3A_39, %get3A_40, %get3A_41] : memref<12x256x64xf32, #tpu.memory_space<vmem>>, vector<1x256x64xf32>
    %get3A_43 = vector.shape_cast %get3A_42 : vector<1x256x64xf32> to vector<256x64xf32>
    %get3A_44 = arith.constant 9 : index
    %get3A_45 = arith.constant 0 : index
    %get3A_46 = arith.constant 0 : index
    %get3A_47 = vector.load %arg1[%get3A_44, %get3A_45, %get3A_46] : memref<12x256x64xf32, #tpu.memory_space<vmem>>, vector<1x256x64xf32>
    %get3A_48 = vector.shape_cast %get3A_47 : vector<1x256x64xf32> to vector<256x64xf32>
    %get3A_49 = arith.constant 10 : index
    %get3A_50 = arith.constant 0 : index
    %get3A_51 = arith.constant 0 : index
    %get3A_52 = vector.load %arg1[%get3A_49, %get3A_50, %get3A_51] : memref<12x256x64xf32, #tpu.memory_space<vmem>>, vector<1x256x64xf32>
    %get3A_53 = vector.shape_cast %get3A_52 : vector<1x256x64xf32> to vector<256x64xf32>
    %get3A_54 = arith.constant 11 : index
    %get3A_55 = arith.constant 0 : index
    %get3A_56 = arith.constant 0 : index
    %get3A_57 = vector.load %arg1[%get3A_54, %get3A_55, %get3A_56] : memref<12x256x64xf32, #tpu.memory_space<vmem>>, vector<1x256x64xf32>
    %get3A_58 = vector.shape_cast %get3A_57 : vector<1x256x64xf32> to vector<256x64xf32>
    %concatenate3A = tpu.concatenate %get3A_3, %get3A_8, %get3A_13, %get3A_18, %get3A_23, %get3A_28, %get3A_33, %get3A_38, %get3A_43, %get3A_48, %get3A_53, %get3A_58 in 1 : vector<256x64xf32>, vector<256x64xf32>, vector<256x64xf32>, vector<256x64xf32>, vector<256x64xf32>, vector<256x64xf32>, vector<256x64xf32>, vector<256x64xf32>, vector<256x64xf32>, vector<256x64xf32>, vector<256x64xf32>, vector<256x64xf32> -> vector<256x768xf32>
    %get3A_59 = arith.constant 0 : index
    %get3A_60 = arith.constant 0 : index
    %get3A_61 = arith.constant 0 : index
    %get3A_62 = vector.load %arg2[%get3A_59, %get3A_60, %get3A_61] : memref<12x64x768xf32, #tpu.memory_space<vmem>>, vector<12x64x768xf32>
    %reshape3A = vector.shape_cast %get3A_62 : vector<12x64x768xf32> to vector<768x768xf32>
    %dot_general3A = arith.constant dense<0.000000e+00> : vector<256x768xf32>
    %dot_general3A_63 = tpu.matmul %concatenate3A, %reshape3A, %dot_general3A {dimension_numbers = #tpu.dot_dimension_numbers<[1], [0], [0], [1], [0, 0, 1, 1], [], []>, transpose_lhs_hint = false} : vector<256x768xf32>, vector<768x768xf32>, vector<256x768xf32> -> vector<256x768xf32>
    %get3A_64 = arith.constant 0 : index
    %get3A_65 = arith.constant 0 : index
    %get3A_66 = vector.load %arg3[%get3A_64, %get3A_65] : memref<1x768xf32, #tpu.memory_space<vmem>>, vector<1x768xf32>
    %add3A = vector.broadcast %get3A_66 : vector<1x768xf32> to vector<256x768xf32>
    %add3A_67 = arith.addf %dot_general3A_63, %add3A : vector<256x768xf32>
    %get3A_68 = arith.constant 0 : index
    %get3A_69 = arith.constant 0 : index
    %get3A_70 = vector.load %arg4[%get3A_68, %get3A_69] : memref<256x768xf32, #tpu.memory_space<vmem>>, vector<256x768xf32>
    %add3A_71 = arith.addf %add3A_67, %get3A_70 : vector<256x768xf32>
    %get3A_72 = arith.constant 0 : index
    %get3A_73 = arith.constant 0 : index
    %get3A_74 = vector.load %arg5[%get3A_72, %get3A_73] : memref<1x768xf32, #tpu.memory_space<vmem>>, vector<1x768xf32>
    %get3A_75 = arith.constant 0 : index
    %get3A_76 = arith.constant 0 : index
    %get3A_77 = vector.load %arg6[%get3A_75, %get3A_76] : memref<1x768xf32, #tpu.memory_space<vmem>>, vector<1x768xf32>
    %reduce_sum3A = arith.constant dense<0.000000e+00> : vector<256xf32>
    %reduce_sum3A_78 = vector.multi_reduction <add>, %add3A_71, %reduce_sum3A [1] : vector<256x768xf32> to vector<256xf32>
    %broadcast_in_dim3A = vector.shape_cast %reduce_sum3A_78 : vector<256xf32> to vector<256x1xf32>
    %div3A = arith.constant 7.680000e+02 : f32
    %div3A_79 = vector.broadcast %div3A : f32 to vector<256x1xf32>
    %div3A_80 = arith.divf %broadcast_in_dim3A, %div3A_79 : vector<256x1xf32>
    %sub3A = vector.broadcast %div3A_80 : vector<256x1xf32> to vector<256x768xf32>
    %sub3A_81 = arith.subf %add3A_71, %sub3A : vector<256x768xf32>
    %mul3A = arith.mulf %sub3A_81, %sub3A_81 : vector<256x768xf32>
    %reduce_sum3A_82 = arith.constant dense<0.000000e+00> : vector<256xf32>
    %reduce_sum3A_83 = vector.multi_reduction <add>, %mul3A, %reduce_sum3A_82 [1] : vector<256x768xf32> to vector<256xf32>
    %broadcast_in_dim3A_84 = vector.shape_cast %reduce_sum3A_83 : vector<256xf32> to vector<256x1xf32>
    %div3A_85 = arith.constant 7.680000e+02 : f32
    %div3A_86 = vector.broadcast %div3A_85 : f32 to vector<256x1xf32>
    %div3A_87 = arith.divf %broadcast_in_dim3A_84, %div3A_86 : vector<256x1xf32>
    %add3A_88 = arith.constant 9.99999974E-6 : f32
    %add3A_89 = vector.broadcast %add3A_88 : f32 to vector<256x1xf32>
    %add3A_90 = arith.addf %div3A_87, %add3A_89 : vector<256x1xf32>
    %sqrt3A = math.sqrt %add3A_90 : vector<256x1xf32>
    %div3A_91 = vector.broadcast %sqrt3A : vector<256x1xf32> to vector<256x768xf32>
    %div3A_92 = arith.divf %sub3A_81, %div3A_91 : vector<256x768xf32>
    %mul3A_93 = vector.broadcast %get3A_74 : vector<1x768xf32> to vector<256x768xf32>
    %mul3A_94 = arith.mulf %div3A_92, %mul3A_93 : vector<256x768xf32>
    %add3A_95 = vector.broadcast %get3A_77 : vector<1x768xf32> to vector<256x768xf32>
    %add3A_96 = arith.addf %mul3A_94, %add3A_95 : vector<256x768xf32>
    %swap3A = arith.constant 0 : index
    %swap3A_97 = arith.constant 0 : index
    %swap3A_98 = vector.load %arg7[%swap3A, %swap3A_97] : memref<256x768xf32, #tpu.memory_space<vmem>>, vector<256x768xf32>
    tpu.vector_store %arg7[%swap3A, %swap3A_97], %add3A_96 {strides = array<i32>} : memref<256x768xf32, #tpu.memory_space<vmem>>, vector<256x768xf32>,
    return
  }
  func.func @transform_0(%arg0: i32) -> (i32, i32, i32) {
    %c0_i32 = arith.constant 0 : i32
    %c0_i32_0 = arith.constant 0 : i32
    %c0_i32_1 = arith.constant 0 : i32
    return %c0_i32, %arg0, %c0_i32_0 : i32, i32, i32
  }
  func.func @transform_1(%arg0: i32) -> (i32, i32, i32) {
    %c0_i32 = arith.constant 0 : i32
    %c0_i32_0 = arith.constant 0 : i32
    %c0_i32_1 = arith.constant 0 : i32
    %c0_i32_2 = arith.constant 0 : i32
    return %c0_i32, %c0_i32_0, %c0_i32_1 : i32, i32, i32
  }
  func.func @transform_2(%arg0: i32) -> (i32, i32) {
    %c0_i32 = arith.constant 0 : i32
    %c0_i32_0 = arith.constant 0 : i32
    %c0_i32_1 = arith.constant 0 : i32
    return %c0_i32, %c0_i32_0 : i32, i32
  }
  func.func @transform_3(%arg0: i32) -> (i32, i32) {
    %c0_i32 = arith.constant 0 : i32
    %c0_i32_0 = arith.constant 0 : i32
    return %arg0, %c0_i32 : i32, i32
  }
  func.func @transform_4(%arg0: i32) -> (i32, i32) {
    %c0_i32 = arith.constant 0 : i32
    %c0_i32_0 = arith.constant 0 : i32
    %c0_i32_1 = arith.constant 0 : i32
    return %c0_i32, %c0_i32_0 : i32, i32
  }
  func.func @transform_5(%arg0: i32) -> (i32, i32) {
    %c0_i32 = arith.constant 0 : i32
    %c0_i32_0 = arith.constant 0 : i32
    %c0_i32_1 = arith.constant 0 : i32
    return %c0_i32, %c0_i32_0 : i32, i32
  }
  func.func @transform_6(%arg0: i32) -> (i32, i32) {
    %c0_i32 = arith.constant 0 : i32
    %c0_i32_0 = arith.constant 0 : i32
    return %arg0, %c0_i32 : i32, i32
  }
}

module attributes {stable_mosaic.version = 14 : i64} {
  func.func @_router_kernel(%arg0: i32, %arg1: memref<256x768xf32, #tpu.memory_space<vmem>>, %arg2: memref<768x8xf32, #tpu.memory_space<vmem>>, %arg3: memref<1x8xf32, #tpu.memory_space<vmem>>, %arg4: memref<2x256x1xf32, #tpu.memory_space<vmem>>, %arg5: memref<2x256x1xi32, #tpu.memory_space<vmem>>, %arg6: memref<1x8xf32, #tpu.memory_space<vmem>>) attributes {dimension_semantics = [#tpu.dimension_semantics<arbitrary>], iteration_bounds = array<i64: 8>, scalar_prefetch = 0 : i64, scratch_operands = 0 : i64, tpu.core_type = #tpu.core_type<tc>, window_params = [{transform_indices = @transform_0, window_bounds = array<i64: 256, 768>}, {pipeline_mode = #tpu.pipeline_mode<synchronous>, transform_indices = @transform_1, window_bounds = array<i64: 768, 8>}, {pipeline_mode = #tpu.pipeline_mode<synchronous>, transform_indices = @transform_2, window_bounds = array<i64: 1, 8>}, {transform_indices = @transform_3, window_bounds = array<i64: 2, 256, 1>}, {transform_indices = @transform_4, window_bounds = array<i64: 2, 256, 1>}, {pipeline_mode = #tpu.pipeline_mode<synchronous>, transform_indices = @transform_5, window_bounds = array<i64: 1, 8>}]} {
    %get3A = arith.constant 0 : index
    %get3A_0 = arith.constant 0 : index
    %get3A_1 = vector.load %arg1[%get3A, %get3A_0] : memref<256x768xf32, #tpu.memory_space<vmem>>, vector<256x768xf32>
    %get3A_2 = arith.constant 0 : index
    %get3A_3 = arith.constant 0 : index
    %get3A_4 = vector.load %arg2[%get3A_2, %get3A_3] : memref<768x8xf32, #tpu.memory_space<vmem>>, vector<768x8xf32>
    %dot_general3A = arith.constant dense<0.000000e+00> : vector<256x8xf32>
    %dot_general3A_5 = tpu.matmul %get3A_1, %get3A_4, %dot_general3A {dimension_numbers = #tpu.dot_dimension_numbers<[1], [0], [0], [1], [0, 0, 1, 1], [], []>, transpose_lhs_hint = false} : vector<256x768xf32>, vector<768x8xf32>, vector<256x8xf32> -> vector<256x8xf32>
    %get3A_6 = arith.constant 0 : index
    %get3A_7 = arith.constant 0 : index
    %get3A_8 = vector.load %arg3[%get3A_6, %get3A_7] : memref<1x8xf32, #tpu.memory_space<vmem>>, vector<1x8xf32>
    %add3A = vector.broadcast %get3A_8 : vector<1x8xf32> to vector<256x8xf32>
    %add3A_9 = arith.addf %dot_general3A_5, %add3A : vector<256x8xf32>
    %iota3A = tpu.iota {dimensions = array<i32: 1>} : vector<256x8xi32>
    %reduce_max3A = arith.constant dense<0xFF800000> : vector<256xf32>
    %reduce_max3A_10 = vector.multi_reduction <maximumf>, %add3A_9, %reduce_max3A [1] : vector<256x8xf32> to vector<256xf32>
    %broadcast_in_dim3A = vector.shape_cast %reduce_max3A_10 : vector<256xf32> to vector<256x1xf32>
    %eq3A = vector.broadcast %broadcast_in_dim3A : vector<256x1xf32> to vector<256x8xf32>
    %eq3A_11 = arith.cmpf oeq, %add3A_9, %eq3A : vector<256x8xf32>
    %jit3A = arith.constant 8 : i32
    %broadcast_in_dim3A_12 = vector.broadcast %jit3A : i32 to vector<256x8xi32>
    %select_n3A = arith.select %eq3A_11, %iota3A, %broadcast_in_dim3A_12 : vector<256x8xi1>, vector<256x8xi32>
    %reduce_min3A = arith.constant dense<2147483647> : vector<256xi32>
    %reduce_min3A_13 = vector.multi_reduction <minsi>, %select_n3A, %reduce_min3A [1] : vector<256x8xi32> to vector<256xi32>
    %broadcast_in_dim3A_14 = vector.shape_cast %reduce_min3A_13 : vector<256xi32> to vector<256x1xi32>
    %eq3A_15 = vector.broadcast %broadcast_in_dim3A_14 : vector<256x1xi32> to vector<256x8xi32>
    %eq3A_16 = arith.cmpi eq, %iota3A, %eq3A_15 : vector<256x8xi32>
    %jit3A_17 = arith.constant 0xFF800000 : f32
    %broadcast_in_dim3A_18 = vector.broadcast %jit3A_17 : f32 to vector<256x8xf32>
    %select_n3A_19 = arith.select %eq3A_16, %broadcast_in_dim3A_18, %add3A_9 : vector<256x8xi1>, vector<256x8xf32>
    %reduce_max3A_20 = arith.constant dense<0xFF800000> : vector<256xf32>
    %reduce_max3A_21 = vector.multi_reduction <maximumf>, %select_n3A_19, %reduce_max3A_20 [1] : vector<256x8xf32> to vector<256xf32>
    %broadcast_in_dim3A_22 = vector.shape_cast %reduce_max3A_21 : vector<256xf32> to vector<256x1xf32>
    %eq3A_23 = vector.broadcast %broadcast_in_dim3A_22 : vector<256x1xf32> to vector<256x8xf32>
    %eq3A_24 = arith.cmpf oeq, %select_n3A_19, %eq3A_23 : vector<256x8xf32>
    %jit3A_25 = arith.constant 8 : i32
    %broadcast_in_dim3A_26 = vector.broadcast %jit3A_25 : i32 to vector<256x8xi32>
    %select_n3A_27 = arith.select %eq3A_24, %iota3A, %broadcast_in_dim3A_26 : vector<256x8xi1>, vector<256x8xi32>
    %reduce_min3A_28 = arith.constant dense<2147483647> : vector<256xi32>
    %reduce_min3A_29 = vector.multi_reduction <minsi>, %select_n3A_27, %reduce_min3A_28 [1] : vector<256x8xi32> to vector<256xi32>
    %broadcast_in_dim3A_30 = vector.shape_cast %reduce_min3A_29 : vector<256xi32> to vector<256x1xi32>
    %sub3A = arith.subf %broadcast_in_dim3A_22, %broadcast_in_dim3A : vector<256x1xf32>
    %exp3A = math.exp %sub3A : vector<256x1xf32>
    %add3A_31 = arith.constant 1.000000e+00 : f32
    %add3A_32 = vector.broadcast %add3A_31 : f32 to vector<256x1xf32>
    %add3A_33 = arith.addf %add3A_32, %exp3A : vector<256x1xf32>
    %div3A = arith.constant 1.000000e+00 : f32
    %div3A_34 = vector.broadcast %div3A : f32 to vector<256x1xf32>
    %div3A_35 = arith.divf %div3A_34, %add3A_33 : vector<256x1xf32>
    %add3A_36 = arith.constant 1.000000e+00 : f32
    %add3A_37 = vector.broadcast %add3A_36 : f32 to vector<256x1xf32>
    %add3A_38 = arith.addf %add3A_37, %exp3A : vector<256x1xf32>
    %div3A_39 = arith.divf %exp3A, %add3A_38 : vector<256x1xf32>
    %reshape3A = vector.shape_cast %div3A_35 : vector<256x1xf32> to vector<1x256x1xf32>
    %reshape3A_40 = vector.shape_cast %div3A_39 : vector<256x1xf32> to vector<1x256x1xf32>
    %concatenate3A = tpu.concatenate %reshape3A, %reshape3A_40 in 0 : vector<1x256x1xf32>, vector<1x256x1xf32> -> vector<2x256x1xf32>
    %swap3A = arith.constant 0 : index
    %swap3A_41 = arith.constant 0 : index
    %swap3A_42 = arith.constant 0 : index
    %swap3A_43 = vector.load %arg4[%swap3A, %swap3A_41, %swap3A_42] : memref<2x256x1xf32, #tpu.memory_space<vmem>>, vector<2x256x1xf32>
    tpu.vector_store %arg4[%swap3A, %swap3A_41, %swap3A_42], %concatenate3A {strides = array<i32>} : memref<2x256x1xf32, #tpu.memory_space<vmem>>, vector<2x256x1xf32>,
    %reshape3A_44 = vector.shape_cast %broadcast_in_dim3A_14 : vector<256x1xi32> to vector<1x256x1xi32>
    %reshape3A_45 = vector.shape_cast %broadcast_in_dim3A_30 : vector<256x1xi32> to vector<1x256x1xi32>
    %concatenate3A_46 = tpu.concatenate %reshape3A_44, %reshape3A_45 in 0 : vector<1x256x1xi32>, vector<1x256x1xi32> -> vector<2x256x1xi32>
    %swap3A_47 = arith.constant 0 : index
    %swap3A_48 = arith.constant 0 : index
    %swap3A_49 = arith.constant 0 : index
    %swap3A_50 = vector.load %arg5[%swap3A_47, %swap3A_48, %swap3A_49] : memref<2x256x1xi32, #tpu.memory_space<vmem>>, vector<2x256x1xi32>
    tpu.vector_store %arg5[%swap3A_47, %swap3A_48, %swap3A_49], %concatenate3A_46 {strides = array<i32>} : memref<2x256x1xi32, #tpu.memory_space<vmem>>, vector<2x256x1xi32>,
    %eq3A_51 = vector.broadcast %broadcast_in_dim3A_14 : vector<256x1xi32> to vector<256x8xi32>
    %eq3A_52 = arith.cmpi eq, %iota3A, %eq3A_51 : vector<256x8xi32>
    %jit3A_53 = arith.constant 0.000000e+00 : f32
    %broadcast_in_dim3A_54 = vector.shape_cast %div3A_35 : vector<256x1xf32> to vector<256x1xf32>
    %broadcast_in_dim3A_55 = vector.broadcast %broadcast_in_dim3A_54 : vector<256x1xf32> to vector<256x8xf32>
    %broadcast_in_dim3A_56 = vector.broadcast %jit3A_53 : f32 to vector<256x8xf32>
    %select_n3A_57 = arith.select %eq3A_52, %broadcast_in_dim3A_55, %broadcast_in_dim3A_56 : vector<256x8xi1>, vector<256x8xf32>
    %eq3A_58 = vector.broadcast %broadcast_in_dim3A_30 : vector<256x1xi32> to vector<256x8xi32>
    %eq3A_59 = arith.cmpi eq, %iota3A, %eq3A_58 : vector<256x8xi32>
    %jit3A_60 = arith.constant 0.000000e+00 : f32
    %broadcast_in_dim3A_61 = vector.shape_cast %div3A_39 : vector<256x1xf32> to vector<256x1xf32>
    %broadcast_in_dim3A_62 = vector.broadcast %broadcast_in_dim3A_61 : vector<256x1xf32> to vector<256x8xf32>
    %broadcast_in_dim3A_63 = vector.broadcast %jit3A_60 : f32 to vector<256x8xf32>
    %select_n3A_64 = arith.select %eq3A_59, %broadcast_in_dim3A_62, %broadcast_in_dim3A_63 : vector<256x8xi1>, vector<256x8xf32>
    %add3A_65 = arith.addf %select_n3A_57, %select_n3A_64 : vector<256x8xf32>
    %eq3A_66 = arith.constant 0 : i32
    %eq3A_67 = arith.cmpi eq, %arg0, %eq3A_66 : i32
    %convert_element_type3A = arith.extui %eq3A_67 : i1 to i32
    %cond3A = arith.constant 0 : i32
    %cond3A_68 = arith.cmpi ne, %convert_element_type3A, %cond3A : i32
    scf.if %cond3A_68 {
      %broadcast_in_dim3A_78 = arith.constant 0.000000e+00 : f32
      %broadcast_in_dim3A_79 = vector.broadcast %broadcast_in_dim3A_78 : f32 to vector<1x8xf32>
      %swap3A_80 = arith.constant 0 : index
      %swap3A_81 = arith.constant 0 : index
      %swap3A_82 = vector.load %arg6[%swap3A_80, %swap3A_81] : memref<1x8xf32, #tpu.memory_space<vmem>>, vector<1x8xf32>
      tpu.vector_store %arg6[%swap3A_80, %swap3A_81], %broadcast_in_dim3A_79 {strides = array<i32>} : memref<1x8xf32, #tpu.memory_space<vmem>>, vector<1x8xf32>,
    } else {
    }
    %get3A_69 = arith.constant 0 : index
    %get3A_70 = arith.constant 0 : index
    %get3A_71 = vector.load %arg6[%get3A_69, %get3A_70] : memref<1x8xf32, #tpu.memory_space<vmem>>, vector<1x8xf32>
    %reduce_sum3A = arith.constant dense<0.000000e+00> : vector<8xf32>
    %reduce_sum3A_72 = vector.multi_reduction <add>, %add3A_65, %reduce_sum3A [0] : vector<256x8xf32> to vector<8xf32>
    %broadcast_in_dim3A_73 = vector.shape_cast %reduce_sum3A_72 : vector<8xf32> to vector<1x8xf32>
    %add3A_74 = arith.addf %get3A_71, %broadcast_in_dim3A_73 : vector<1x8xf32>
    %swap3A_75 = arith.constant 0 : index
    %swap3A_76 = arith.constant 0 : index
    %swap3A_77 = vector.load %arg6[%swap3A_75, %swap3A_76] : memref<1x8xf32, #tpu.memory_space<vmem>>, vector<1x8xf32>
    tpu.vector_store %arg6[%swap3A_75, %swap3A_76], %add3A_74 {strides = array<i32>} : memref<1x8xf32, #tpu.memory_space<vmem>>, vector<1x8xf32>,
    return
  }
  func.func @transform_0(%arg0: i32) -> (i32, i32) {
    %c0_i32 = arith.constant 0 : i32
    %c0_i32_0 = arith.constant 0 : i32
    return %arg0, %c0_i32 : i32, i32
  }
  func.func @transform_1(%arg0: i32) -> (i32, i32) {
    %c0_i32 = arith.constant 0 : i32
    %c0_i32_0 = arith.constant 0 : i32
    %c0_i32_1 = arith.constant 0 : i32
    return %c0_i32, %c0_i32_0 : i32, i32
  }
  func.func @transform_2(%arg0: i32) -> (i32, i32) {
    %c0_i32 = arith.constant 0 : i32
    %c0_i32_0 = arith.constant 0 : i32
    %c0_i32_1 = arith.constant 0 : i32
    return %c0_i32, %c0_i32_0 : i32, i32
  }
  func.func @transform_3(%arg0: i32) -> (i32, i32, i32) {
    %c0_i32 = arith.constant 0 : i32
    %c0_i32_0 = arith.constant 0 : i32
    %c0_i32_1 = arith.constant 0 : i32
    return %c0_i32, %arg0, %c0_i32_0 : i32, i32, i32
  }
  func.func @transform_4(%arg0: i32) -> (i32, i32, i32) {
    %c0_i32 = arith.constant 0 : i32
    %c0_i32_0 = arith.constant 0 : i32
    %c0_i32_1 = arith.constant 0 : i32
    return %c0_i32, %arg0, %c0_i32_0 : i32, i32, i32
  }
  func.func @transform_5(%arg0: i32) -> (i32, i32) {
    %c0_i32 = arith.constant 0 : i32
    %c0_i32_0 = arith.constant 0 : i32
    %c0_i32_1 = arith.constant 0 : i32
    return %c0_i32, %c0_i32_0 : i32, i32
  }
}

module attributes {stable_mosaic.version = 14 : i64} {
  func.func @_rank_kernel(%arg0: i32, %arg1: i32, %arg2: memref<1x256x1xi32, #tpu.memory_space<vmem>>, %arg3: memref<1x256x1xi32, #tpu.memory_space<vmem>>, %arg4: memref<1x16xi32, #tpu.memory_space<vmem>>, %arg5: memref<1x8xf32, #tpu.memory_space<vmem>>) attributes {dimension_semantics = [#tpu.dimension_semantics<arbitrary>, #tpu.dimension_semantics<arbitrary>], iteration_bounds = array<i64: 2, 8>, scalar_prefetch = 0 : i64, scratch_operands = 1 : i64, tpu.core_type = #tpu.core_type<tc>, window_params = [{transform_indices = @transform_0, window_bounds = array<i64: 1, 256, 1>}, {transform_indices = @transform_1, window_bounds = array<i64: 1, 256, 1>}, {pipeline_mode = #tpu.pipeline_mode<synchronous>, transform_indices = @transform_2, window_bounds = array<i64: 1, 16>}]} {
    %eq3A = arith.constant 0 : i32
    %eq3A_0 = arith.cmpi eq, %arg0, %eq3A : i32
    %eq3A_1 = arith.constant 0 : i32
    %eq3A_2 = arith.cmpi eq, %arg1, %eq3A_1 : i32
    %and3A = arith.andi %eq3A_0, %eq3A_2 : i1
    %convert_element_type3A = arith.extui %and3A : i1 to i32
    %cond3A = arith.constant 0 : i32
    %cond3A_3 = arith.cmpi ne, %convert_element_type3A, %cond3A : i32
    scf.if %cond3A_3 {
      %broadcast_in_dim3A_46 = arith.constant 0.000000e+00 : f32
      %broadcast_in_dim3A_47 = vector.broadcast %broadcast_in_dim3A_46 : f32 to vector<1x8xf32>
      %swap3A_48 = arith.constant 0 : index
      %swap3A_49 = arith.constant 0 : index
      %swap3A_50 = vector.load %arg5[%swap3A_48, %swap3A_49] : memref<1x8xf32, #tpu.memory_space<vmem>>, vector<1x8xf32>
      tpu.vector_store %arg5[%swap3A_48, %swap3A_49], %broadcast_in_dim3A_47 {strides = array<i32>} : memref<1x8xf32, #tpu.memory_space<vmem>>, vector<1x8xf32>,
    } else {
    }
    %get3A = arith.constant 0 : index
    %get3A_4 = arith.constant 0 : index
    %get3A_5 = arith.constant 0 : index
    %get3A_6 = vector.load %arg2[%get3A, %get3A_4, %get3A_5] : memref<1x256x1xi32, #tpu.memory_space<vmem>>, vector<1x256x1xi32>
    %get3A_7 = vector.shape_cast %get3A_6 : vector<1x256x1xi32> to vector<256x1xi32>
    %iota3A = tpu.iota {dimensions = array<i32: 1>} : vector<256x8xi32>
    %eq3A_8 = vector.broadcast %get3A_7 : vector<256x1xi32> to vector<256x8xi32>
    %eq3A_9 = arith.cmpi eq, %eq3A_8, %iota3A : vector<256x8xi32>
    %convert_element_type3A_10 = arith.extui %eq3A_9 : vector<256x8xi1> to vector<256x8xi32>
    %convert_element_type3A_11 = arith.sitofp %convert_element_type3A_10 : vector<256x8xi32> to vector<256x8xf32>
    %iota3A_12 = tpu.iota {dimensions = array<i32: 0>} : vector<256x256xi32>
    %iota3A_13 = tpu.iota {dimensions = array<i32: 1>} : vector<256x256xi32>
    %gt3A = arith.cmpi sgt, %iota3A_12, %iota3A_13 : vector<256x256xi32>
    %convert_element_type3A_14 = arith.extui %gt3A : vector<256x256xi1> to vector<256x256xi32>
    %convert_element_type3A_15 = arith.sitofp %convert_element_type3A_14 : vector<256x256xi32> to vector<256x256xf32>
    %dot_general3A = arith.constant dense<0.000000e+00> : vector<256x8xf32>
    %dot_general3A_16 = tpu.matmul %convert_element_type3A_15, %convert_element_type3A_11, %dot_general3A {dimension_numbers = #tpu.dot_dimension_numbers<[1], [0], [0], [1], [0, 0, 1, 1], [], []>, transpose_lhs_hint = false} : vector<256x256xf32>, vector<256x8xf32>, vector<256x8xf32> -> vector<256x8xf32>
    %get3A_17 = arith.constant 0 : index
    %get3A_18 = arith.constant 0 : index
    %get3A_19 = vector.load %arg5[%get3A_17, %get3A_18] : memref<1x8xf32, #tpu.memory_space<vmem>>, vector<1x8xf32>
    %add3A = vector.broadcast %get3A_19 : vector<1x8xf32> to vector<256x8xf32>
    %add3A_20 = arith.addf %dot_general3A_16, %add3A : vector<256x8xf32>
    %mul3A = arith.mulf %convert_element_type3A_11, %add3A_20 : vector<256x8xf32>
    %reduce_sum3A = arith.constant dense<0.000000e+00> : vector<256xf32>
    %reduce_sum3A_21 = vector.multi_reduction <add>, %mul3A, %reduce_sum3A [1] : vector<256x8xf32> to vector<256xf32>
    %broadcast_in_dim3A = vector.shape_cast %reduce_sum3A_21 : vector<256xf32> to vector<256x1xf32>
    %convert_element_type3A_22 = arith.fptosi %broadcast_in_dim3A : vector<256x1xf32> to vector<256x1xi32>
    %swap3A = arith.constant 0 : index
    %swap3A_23 = arith.constant 0 : index
    %swap3A_24 = arith.constant 0 : index
    %swap3A_25 = vector.load %arg3[%swap3A, %swap3A_23, %swap3A_24] : memref<1x256x1xi32, #tpu.memory_space<vmem>>, vector<1x256x1xi32>
    %swap3A_26 = vector.shape_cast %swap3A_25 : vector<1x256x1xi32> to vector<256x1xi32>
    %swap3A_27 = vector.shape_cast %convert_element_type3A_22 : vector<256x1xi32> to vector<1x256x1xi32>
    tpu.vector_store %arg3[%swap3A, %swap3A_23, %swap3A_24], %swap3A_27 {strides = array<i32>} : memref<1x256x1xi32, #tpu.memory_space<vmem>>, vector<1x256x1xi32>,
    %get3A_28 = arith.constant 0 : index
    %get3A_29 = arith.constant 0 : index
    %get3A_30 = vector.load %arg5[%get3A_28, %get3A_29] : memref<1x8xf32, #tpu.memory_space<vmem>>, vector<1x8xf32>
    %reduce_sum3A_31 = arith.constant dense<0.000000e+00> : vector<8xf32>
    %reduce_sum3A_32 = vector.multi_reduction <add>, %convert_element_type3A_11, %reduce_sum3A_31 [0] : vector<256x8xf32> to vector<8xf32>
    %broadcast_in_dim3A_33 = vector.shape_cast %reduce_sum3A_32 : vector<8xf32> to vector<1x8xf32>
    %add3A_34 = arith.addf %get3A_30, %broadcast_in_dim3A_33 : vector<1x8xf32>
    %swap3A_35 = arith.constant 0 : index
    %swap3A_36 = arith.constant 0 : index
    %swap3A_37 = vector.load %arg5[%swap3A_35, %swap3A_36] : memref<1x8xf32, #tpu.memory_space<vmem>>, vector<1x8xf32>
    tpu.vector_store %arg5[%swap3A_35, %swap3A_36], %add3A_34 {strides = array<i32>} : memref<1x8xf32, #tpu.memory_space<vmem>>, vector<1x8xf32>,
    %eq3A_38 = arith.constant 1 : i32
    %eq3A_39 = arith.cmpi eq, %arg0, %eq3A_38 : i32
    %eq3A_40 = arith.constant 7 : i32
    %eq3A_41 = arith.cmpi eq, %arg1, %eq3A_40 : i32
    %and3A_42 = arith.andi %eq3A_39, %eq3A_41 : i1
    %convert_element_type3A_43 = arith.extui %and3A_42 : i1 to i32
    %cond3A_44 = arith.constant 0 : i32
    %cond3A_45 = arith.cmpi ne, %convert_element_type3A_43, %cond3A_44 : i32
    scf.if %cond3A_45 {
      %get3A_46 = arith.constant 0 : index
      %get3A_47 = arith.constant 0 : index
      %get3A_48 = vector.load %arg5[%get3A_46, %get3A_47] : memref<1x8xf32, #tpu.memory_space<vmem>>, vector<1x8xf32>
      %convert_element_type3A_49 = arith.fptosi %get3A_48 : vector<1x8xf32> to vector<1x8xi32>
      %broadcast_in_dim3A_50 = arith.constant 0 : i32
      %broadcast_in_dim3A_51 = vector.broadcast %broadcast_in_dim3A_50 : i32 to vector<1x8xi32>
      %concatenate3A = tpu.concatenate %convert_element_type3A_49, %broadcast_in_dim3A_51 in 1 : vector<1x8xi32>, vector<1x8xi32> -> vector<1x16xi32>
      %swap3A_52 = arith.constant 0 : index
      %swap3A_53 = arith.constant 0 : index
      %swap3A_54 = vector.load %arg4[%swap3A_52, %swap3A_53] : memref<1x16xi32, #tpu.memory_space<vmem>>, vector<1x16xi32>
      tpu.vector_store %arg4[%swap3A_52, %swap3A_53], %concatenate3A {strides = array<i32>} : memref<1x16xi32, #tpu.memory_space<vmem>>, vector<1x16xi32>,
    } else {
    }
    return
  }
  func.func @transform_0(%arg0: i32, %arg1: i32) -> (i32, i32, i32) {
    %c0_i32 = arith.constant 0 : i32
    %c0_i32_0 = arith.constant 0 : i32
    return %arg0, %arg1, %c0_i32 : i32, i32, i32
  }
  func.func @transform_1(%arg0: i32, %arg1: i32) -> (i32, i32, i32) {
    %c0_i32 = arith.constant 0 : i32
    %c0_i32_0 = arith.constant 0 : i32
    return %arg0, %arg1, %c0_i32 : i32, i32, i32
  }
  func.func @transform_2(%arg0: i32, %arg1: i32) -> (i32, i32) {
    %c0_i32 = arith.constant 0 : i32
    %c0_i32_0 = arith.constant 0 : i32
    %c0_i32_1 = arith.constant 0 : i32
    return %c0_i32, %c0_i32_0 : i32, i32
  }
}

module attributes {stable_mosaic.version = 14 : i64} {
  func.func @_group_ffn_kernel(%arg0: i32, %arg1: memref<32xi32, #tpu.memory_space<smem>>, %arg2: memref<256x768xf32, #tpu.memory_space<vmem>>, %arg3: memref<1x768x2048xf32, #tpu.memory_space<vmem>>, %arg4: memref<1x1x2048xf32, #tpu.memory_space<vmem>>, %arg5: memref<1x2048x768xf32, #tpu.memory_space<vmem>>, %arg6: memref<1x1x768xf32, #tpu.memory_space<vmem>>, %arg7: memref<256x1xf32, #tpu.memory_space<vmem>>, %arg8: memref<256x768xf32, #tpu.memory_space<vmem>>) attributes {dimension_semantics = [#tpu.dimension_semantics<arbitrary>], iteration_bounds = array<i64: 24>, scalar_prefetch = 1 : i64, scratch_operands = 0 : i64, tpu.core_type = #tpu.core_type<tc>, window_params = [{transform_indices = @transform_0, window_bounds = array<i64: 256, 768>}, {transform_indices = @transform_1, window_bounds = array<i64: 1, 768, 2048>}, {transform_indices = @transform_2, window_bounds = array<i64: 1, 1, 2048>}, {transform_indices = @transform_3, window_bounds = array<i64: 1, 2048, 768>}, {transform_indices = @transform_4, window_bounds = array<i64: 1, 1, 768>}, {transform_indices = @transform_5, window_bounds = array<i64: 256, 1>}, {transform_indices = @transform_6, window_bounds = array<i64: 256, 768>}]} {
    %get3A = arith.index_cast %arg0 : i32 to index
    %get3A_0 = memref.load %arg1[%get3A] : memref<32xi32, #tpu.memory_space<smem>>
    %ge3A = arith.constant 0 : i32
    %ge3A_1 = arith.cmpi sge, %get3A_0, %ge3A : i32
    %convert_element_type3A = arith.extui %ge3A_1 : i1 to i32
    %cond3A = arith.constant 0 : i32
    %cond3A_2 = arith.cmpi ne, %convert_element_type3A, %cond3A : i32
    scf.if %cond3A_2 {
      %get3A_3 = arith.constant 0 : index
      %get3A_4 = arith.constant 0 : index
      %get3A_5 = vector.load %arg2[%get3A_3, %get3A_4] : memref<256x768xf32, #tpu.memory_space<vmem>>, vector<256x768xf32>
      %get3A_6 = arith.constant 0 : index
      %get3A_7 = arith.constant 0 : index
      %get3A_8 = arith.constant 0 : index
      %get3A_9 = vector.load %arg3[%get3A_6, %get3A_7, %get3A_8] : memref<1x768x2048xf32, #tpu.memory_space<vmem>>, vector<1x768x2048xf32>
      %get3A_10 = vector.shape_cast %get3A_9 : vector<1x768x2048xf32> to vector<768x2048xf32>
      %dot_general3A = arith.constant dense<0.000000e+00> : vector<256x2048xf32>
      %dot_general3A_11 = tpu.matmul %get3A_5, %get3A_10, %dot_general3A {dimension_numbers = #tpu.dot_dimension_numbers<[1], [0], [0], [1], [0, 0, 1, 1], [], []>, transpose_lhs_hint = false} : vector<256x768xf32>, vector<768x2048xf32>, vector<256x2048xf32> -> vector<256x2048xf32>
      %get3A_12 = arith.constant 0 : index
      %get3A_13 = arith.constant 0 : index
      %get3A_14 = arith.constant 0 : index
      %get3A_15 = vector.load %arg4[%get3A_12, %get3A_13, %get3A_14] : memref<1x1x2048xf32, #tpu.memory_space<vmem>>, vector<1x1x2048xf32>
      %get3A_16 = vector.shape_cast %get3A_15 : vector<1x1x2048xf32> to vector<1x2048xf32>
      %add3A = vector.broadcast %get3A_16 : vector<1x2048xf32> to vector<256x2048xf32>
      %add3A_17 = arith.addf %dot_general3A_11, %add3A : vector<256x2048xf32>
      %max3A = arith.constant 0.000000e+00 : f32
      %max3A_18 = vector.broadcast %max3A : f32 to vector<256x2048xf32>
      %max3A_19 = arith.maximumf %add3A_17, %max3A_18 : vector<256x2048xf32>
      %get3A_20 = arith.constant 0 : index
      %get3A_21 = arith.constant 0 : index
      %get3A_22 = arith.constant 0 : index
      %get3A_23 = vector.load %arg5[%get3A_20, %get3A_21, %get3A_22] : memref<1x2048x768xf32, #tpu.memory_space<vmem>>, vector<1x2048x768xf32>
      %get3A_24 = vector.shape_cast %get3A_23 : vector<1x2048x768xf32> to vector<2048x768xf32>
      %dot_general3A_25 = arith.constant dense<0.000000e+00> : vector<256x768xf32>
      %dot_general3A_26 = tpu.matmul %max3A_19, %get3A_24, %dot_general3A_25 {dimension_numbers = #tpu.dot_dimension_numbers<[1], [0], [0], [1], [0, 0, 1, 1], [], []>, transpose_lhs_hint = false} : vector<256x2048xf32>, vector<2048x768xf32>, vector<256x768xf32> -> vector<256x768xf32>
      %get3A_27 = arith.constant 0 : index
      %get3A_28 = arith.constant 0 : index
      %get3A_29 = arith.constant 0 : index
      %get3A_30 = vector.load %arg6[%get3A_27, %get3A_28, %get3A_29] : memref<1x1x768xf32, #tpu.memory_space<vmem>>, vector<1x1x768xf32>
      %get3A_31 = vector.shape_cast %get3A_30 : vector<1x1x768xf32> to vector<1x768xf32>
      %add3A_32 = vector.broadcast %get3A_31 : vector<1x768xf32> to vector<256x768xf32>
      %add3A_33 = arith.addf %dot_general3A_26, %add3A_32 : vector<256x768xf32>
      %get3A_34 = arith.constant 0 : index
      %get3A_35 = arith.constant 0 : index
      %get3A_36 = vector.load %arg7[%get3A_34, %get3A_35] : memref<256x1xf32, #tpu.memory_space<vmem>>, vector<256x1xf32>
      %mul3A = vector.broadcast %get3A_36 : vector<256x1xf32> to vector<256x768xf32>
      %mul3A_37 = arith.mulf %add3A_33, %mul3A : vector<256x768xf32>
      %swap3A = arith.constant 0 : index
      %swap3A_38 = arith.constant 0 : index
      %swap3A_39 = vector.load %arg8[%swap3A, %swap3A_38] : memref<256x768xf32, #tpu.memory_space<vmem>>, vector<256x768xf32>
      tpu.vector_store %arg8[%swap3A, %swap3A_38], %mul3A_37 {strides = array<i32>} : memref<256x768xf32, #tpu.memory_space<vmem>>, vector<256x768xf32>,
    } else {
    }
    return
  }
  func.func @transform_0(%arg0: i32, %arg1: memref<32xi32, #tpu.memory_space<smem>>) -> (i32, i32) {
    %c0_i32 = arith.constant 0 : i32
    %c0_i32_0 = arith.constant 0 : i32
    return %arg0, %c0_i32 : i32, i32
  }
  func.func @transform_1(%arg0: i32, %arg1: memref<32xi32, #tpu.memory_space<smem>>) -> (i32, i32, i32) {
    %get3A = arith.index_cast %arg0 : i32 to index
    %get3A_0 = memref.load %arg1[%get3A] : memref<32xi32, #tpu.memory_space<smem>>
    %lt3A = arith.constant 0 : i32
    %lt3A_1 = arith.cmpi slt, %get3A_0, %lt3A : i32
    %get3A_2 = arith.index_cast %arg0 : i32 to index
    %get3A_3 = memref.load %arg1[%get3A_2] : memref<32xi32, #tpu.memory_space<smem>>
    %jit3A = arith.constant 7 : i32
    %select_n3A = arith.select %lt3A_1, %jit3A, %get3A_3 : i32
    %c0_i32 = arith.constant 0 : i32
    %c0_i32_4 = arith.constant 0 : i32
    %c0_i32_5 = arith.constant 0 : i32
    return %select_n3A, %c0_i32, %c0_i32_4 : i32, i32, i32
  }
  func.func @transform_2(%arg0: i32, %arg1: memref<32xi32, #tpu.memory_space<smem>>) -> (i32, i32, i32) {
    %get3A = arith.index_cast %arg0 : i32 to index
    %get3A_0 = memref.load %arg1[%get3A] : memref<32xi32, #tpu.memory_space<smem>>
    %lt3A = arith.constant 0 : i32
    %lt3A_1 = arith.cmpi slt, %get3A_0, %lt3A : i32
    %get3A_2 = arith.index_cast %arg0 : i32 to index
    %get3A_3 = memref.load %arg1[%get3A_2] : memref<32xi32, #tpu.memory_space<smem>>
    %jit3A = arith.constant 7 : i32
    %select_n3A = arith.select %lt3A_1, %jit3A, %get3A_3 : i32
    %c0_i32 = arith.constant 0 : i32
    %c0_i32_4 = arith.constant 0 : i32
    %c0_i32_5 = arith.constant 0 : i32
    return %select_n3A, %c0_i32, %c0_i32_4 : i32, i32, i32
  }
  func.func @transform_3(%arg0: i32, %arg1: memref<32xi32, #tpu.memory_space<smem>>) -> (i32, i32, i32) {
    %get3A = arith.index_cast %arg0 : i32 to index
    %get3A_0 = memref.load %arg1[%get3A] : memref<32xi32, #tpu.memory_space<smem>>
    %lt3A = arith.constant 0 : i32
    %lt3A_1 = arith.cmpi slt, %get3A_0, %lt3A : i32
    %get3A_2 = arith.index_cast %arg0 : i32 to index
    %get3A_3 = memref.load %arg1[%get3A_2] : memref<32xi32, #tpu.memory_space<smem>>
    %jit3A = arith.constant 7 : i32
    %select_n3A = arith.select %lt3A_1, %jit3A, %get3A_3 : i32
    %c0_i32 = arith.constant 0 : i32
    %c0_i32_4 = arith.constant 0 : i32
    %c0_i32_5 = arith.constant 0 : i32
    return %select_n3A, %c0_i32, %c0_i32_4 : i32, i32, i32
  }
  func.func @transform_4(%arg0: i32, %arg1: memref<32xi32, #tpu.memory_space<smem>>) -> (i32, i32, i32) {
    %get3A = arith.index_cast %arg0 : i32 to index
    %get3A_0 = memref.load %arg1[%get3A] : memref<32xi32, #tpu.memory_space<smem>>
    %lt3A = arith.constant 0 : i32
    %lt3A_1 = arith.cmpi slt, %get3A_0, %lt3A : i32
    %get3A_2 = arith.index_cast %arg0 : i32 to index
    %get3A_3 = memref.load %arg1[%get3A_2] : memref<32xi32, #tpu.memory_space<smem>>
    %jit3A = arith.constant 7 : i32
    %select_n3A = arith.select %lt3A_1, %jit3A, %get3A_3 : i32
    %c0_i32 = arith.constant 0 : i32
    %c0_i32_4 = arith.constant 0 : i32
    %c0_i32_5 = arith.constant 0 : i32
    return %select_n3A, %c0_i32, %c0_i32_4 : i32, i32, i32
  }
  func.func @transform_5(%arg0: i32, %arg1: memref<32xi32, #tpu.memory_space<smem>>) -> (i32, i32) {
    %c0_i32 = arith.constant 0 : i32
    %c0_i32_0 = arith.constant 0 : i32
    return %arg0, %c0_i32 : i32, i32
  }
  func.func @transform_6(%arg0: i32, %arg1: memref<32xi32, #tpu.memory_space<smem>>) -> (i32, i32) {
    %c0_i32 = arith.constant 0 : i32
    %c0_i32_0 = arith.constant 0 : i32
    return %arg0, %c0_i32 : i32, i32
  }
}

module attributes {stable_mosaic.version = 14 : i64} {
  func.func @_combine_ln_kernel(%arg0: i32, %arg1: memref<256x768xf32, #tpu.memory_space<vmem>>, %arg2: memref<2x256x768xf32, #tpu.memory_space<vmem>>, %arg3: memref<1x768xf32, #tpu.memory_space<vmem>>, %arg4: memref<1x768xf32, #tpu.memory_space<vmem>>, %arg5: memref<256x768xf32, #tpu.memory_space<vmem>>) attributes {dimension_semantics = [#tpu.dimension_semantics<arbitrary>], iteration_bounds = array<i64: 8>, scalar_prefetch = 0 : i64, scratch_operands = 0 : i64, tpu.core_type = #tpu.core_type<tc>, window_params = [{transform_indices = @transform_0, window_bounds = array<i64: 256, 768>}, {transform_indices = @transform_1, window_bounds = array<i64: 2, 256, 768>}, {pipeline_mode = #tpu.pipeline_mode<synchronous>, transform_indices = @transform_2, window_bounds = array<i64: 1, 768>}, {pipeline_mode = #tpu.pipeline_mode<synchronous>, transform_indices = @transform_3, window_bounds = array<i64: 1, 768>}, {transform_indices = @transform_4, window_bounds = array<i64: 256, 768>}]} {
    %get3A = arith.constant 0 : index
    %get3A_0 = arith.constant 0 : index
    %get3A_1 = vector.load %arg1[%get3A, %get3A_0] : memref<256x768xf32, #tpu.memory_space<vmem>>, vector<256x768xf32>
    %get3A_2 = arith.constant 0 : index
    %get3A_3 = arith.constant 0 : index
    %get3A_4 = arith.constant 0 : index
    %get3A_5 = vector.load %arg2[%get3A_2, %get3A_3, %get3A_4] : memref<2x256x768xf32, #tpu.memory_space<vmem>>, vector<1x256x768xf32>
    %get3A_6 = vector.shape_cast %get3A_5 : vector<1x256x768xf32> to vector<256x768xf32>
    %get3A_7 = arith.constant 1 : index
    %get3A_8 = arith.constant 0 : index
    %get3A_9 = arith.constant 0 : index
    %get3A_10 = vector.load %arg2[%get3A_7, %get3A_8, %get3A_9] : memref<2x256x768xf32, #tpu.memory_space<vmem>>, vector<1x256x768xf32>
    %get3A_11 = vector.shape_cast %get3A_10 : vector<1x256x768xf32> to vector<256x768xf32>
    %add3A = arith.addf %get3A_6, %get3A_11 : vector<256x768xf32>
    %add3A_12 = arith.addf %get3A_1, %add3A : vector<256x768xf32>
    %get3A_13 = arith.constant 0 : index
    %get3A_14 = arith.constant 0 : index
    %get3A_15 = vector.load %arg3[%get3A_13, %get3A_14] : memref<1x768xf32, #tpu.memory_space<vmem>>, vector<1x768xf32>
    %get3A_16 = arith.constant 0 : index
    %get3A_17 = arith.constant 0 : index
    %get3A_18 = vector.load %arg4[%get3A_16, %get3A_17] : memref<1x768xf32, #tpu.memory_space<vmem>>, vector<1x768xf32>
    %reduce_sum3A = arith.constant dense<0.000000e+00> : vector<256xf32>
    %reduce_sum3A_19 = vector.multi_reduction <add>, %add3A_12, %reduce_sum3A [1] : vector<256x768xf32> to vector<256xf32>
    %broadcast_in_dim3A = vector.shape_cast %reduce_sum3A_19 : vector<256xf32> to vector<256x1xf32>
    %div3A = arith.constant 7.680000e+02 : f32
    %div3A_20 = vector.broadcast %div3A : f32 to vector<256x1xf32>
    %div3A_21 = arith.divf %broadcast_in_dim3A, %div3A_20 : vector<256x1xf32>
    %sub3A = vector.broadcast %div3A_21 : vector<256x1xf32> to vector<256x768xf32>
    %sub3A_22 = arith.subf %add3A_12, %sub3A : vector<256x768xf32>
    %mul3A = arith.mulf %sub3A_22, %sub3A_22 : vector<256x768xf32>
    %reduce_sum3A_23 = arith.constant dense<0.000000e+00> : vector<256xf32>
    %reduce_sum3A_24 = vector.multi_reduction <add>, %mul3A, %reduce_sum3A_23 [1] : vector<256x768xf32> to vector<256xf32>
    %broadcast_in_dim3A_25 = vector.shape_cast %reduce_sum3A_24 : vector<256xf32> to vector<256x1xf32>
    %div3A_26 = arith.constant 7.680000e+02 : f32
    %div3A_27 = vector.broadcast %div3A_26 : f32 to vector<256x1xf32>
    %div3A_28 = arith.divf %broadcast_in_dim3A_25, %div3A_27 : vector<256x1xf32>
    %add3A_29 = arith.constant 9.99999974E-6 : f32
    %add3A_30 = vector.broadcast %add3A_29 : f32 to vector<256x1xf32>
    %add3A_31 = arith.addf %div3A_28, %add3A_30 : vector<256x1xf32>
    %sqrt3A = math.sqrt %add3A_31 : vector<256x1xf32>
    %div3A_32 = vector.broadcast %sqrt3A : vector<256x1xf32> to vector<256x768xf32>
    %div3A_33 = arith.divf %sub3A_22, %div3A_32 : vector<256x768xf32>
    %mul3A_34 = vector.broadcast %get3A_15 : vector<1x768xf32> to vector<256x768xf32>
    %mul3A_35 = arith.mulf %div3A_33, %mul3A_34 : vector<256x768xf32>
    %add3A_36 = vector.broadcast %get3A_18 : vector<1x768xf32> to vector<256x768xf32>
    %add3A_37 = arith.addf %mul3A_35, %add3A_36 : vector<256x768xf32>
    %swap3A = arith.constant 0 : index
    %swap3A_38 = arith.constant 0 : index
    %swap3A_39 = vector.load %arg5[%swap3A, %swap3A_38] : memref<256x768xf32, #tpu.memory_space<vmem>>, vector<256x768xf32>
    tpu.vector_store %arg5[%swap3A, %swap3A_38], %add3A_37 {strides = array<i32>} : memref<256x768xf32, #tpu.memory_space<vmem>>, vector<256x768xf32>,
    return
  }
  func.func @transform_0(%arg0: i32) -> (i32, i32) {
    %c0_i32 = arith.constant 0 : i32
    %c0_i32_0 = arith.constant 0 : i32
    return %arg0, %c0_i32 : i32, i32
  }
  func.func @transform_1(%arg0: i32) -> (i32, i32, i32) {
    %c0_i32 = arith.constant 0 : i32
    %c0_i32_0 = arith.constant 0 : i32
    %c0_i32_1 = arith.constant 0 : i32
    return %c0_i32, %arg0, %c0_i32_0 : i32, i32, i32
  }
  func.func @transform_2(%arg0: i32) -> (i32, i32) {
    %c0_i32 = arith.constant 0 : i32
    %c0_i32_0 = arith.constant 0 : i32
    %c0_i32_1 = arith.constant 0 : i32
    return %c0_i32, %c0_i32_0 : i32, i32
  }
  func.func @transform_3(%arg0: i32) -> (i32, i32) {
    %c0_i32 = arith.constant 0 : i32
    %c0_i32_0 = arith.constant 0 : i32
    %c0_i32_1 = arith.constant 0 : i32
    return %c0_i32, %c0_i32_0 : i32, i32
  }
  func.func @transform_4(%arg0: i32) -> (i32, i32) {
    %c0_i32 = arith.constant 0 : i32
    %c0_i32_0 = arith.constant 0 : i32
    return %arg0, %c0_i32 : i32, i32
  }
}

module attributes {stable_mosaic.version = 14 : i64} {
  func.func @_aux_kernel(%arg0: memref<2x8xf32, #tpu.memory_space<vmem>>, %arg1: memref<1x1xf32, #tpu.memory_space<vmem>>) attributes {dimension_semantics = [], scalar_prefetch = 0 : i64, scratch_operands = 0 : i64, tpu.core_type = #tpu.core_type<tc>} {
    %get3A = arith.constant 0 : index
    %get3A_0 = arith.constant 0 : index
    %get3A_1 = vector.load %arg0[%get3A, %get3A_0] : memref<2x8xf32, #tpu.memory_space<vmem>>, vector<2x8xf32>
    %reduce_sum3A = arith.constant dense<0.000000e+00> : vector<2xf32>
    %reduce_sum3A_2 = vector.multi_reduction <add>, %get3A_1, %reduce_sum3A [1] : vector<2x8xf32> to vector<2xf32>
    %broadcast_in_dim3A = vector.shape_cast %reduce_sum3A_2 : vector<2xf32> to vector<2x1xf32>
    %div3A = vector.broadcast %broadcast_in_dim3A : vector<2x1xf32> to vector<2x8xf32>
    %div3A_3 = arith.divf %get3A_1, %div3A : vector<2x8xf32>
    %add3A = arith.constant 9.99999971E-10 : f32
    %add3A_4 = vector.broadcast %add3A : f32 to vector<2x8xf32>
    %add3A_5 = arith.addf %div3A_3, %add3A_4 : vector<2x8xf32>
    %log3A = math.log %add3A_5 : vector<2x8xf32>
    %mul3A = arith.mulf %div3A_3, %log3A : vector<2x8xf32>
    %reduce_sum3A_6 = arith.constant dense<0.000000e+00> : vector<2xf32>
    %reduce_sum3A_7 = vector.multi_reduction <add>, %mul3A, %reduce_sum3A_6 [1] : vector<2x8xf32> to vector<2xf32>
    %neg3A = arith.constant 0.000000e+00 : f32
    %neg3A_8 = vector.broadcast %neg3A : f32 to vector<2xf32>
    %neg3A_9 = arith.subf %neg3A_8, %reduce_sum3A_7 : vector<2xf32>
    %reduce_sum3A_10 = vector.shape_cast %neg3A_9 : vector<2xf32> to vector<1x2xf32>
    %reduce_sum3A_11 = arith.constant dense<0.000000e+00> : vector<1xf32>
    %reduce_sum3A_12 = vector.multi_reduction <add>, %reduce_sum3A_10, %reduce_sum3A_11 [1] : vector<1x2xf32> to vector<1xf32>
    %reduce_sum3A_13 = vector.shape_cast %reduce_sum3A_12 : vector<1xf32> to vector<1x1xf32>
    %reduce_sum3A_14 = vector.extract %reduce_sum3A_13[0, 0] : f32 from vector<1x1xf32>
    %div3A_15 = arith.constant 2.000000e+00 : f32
    %div3A_16 = arith.divf %reduce_sum3A_14, %div3A_15 : f32
    %reshape3A = vector.broadcast %div3A_16 : f32 to vector<1x1xf32>
    %swap3A = arith.constant 0 : index
    %swap3A_17 = arith.constant 0 : index
    %swap3A_18 = vector.load %arg1[%swap3A, %swap3A_17] : memref<1x1xf32, #tpu.memory_space<vmem>>, vector<1x1xf32>
    tpu.vector_store %arg1[%swap3A, %swap3A_17], %reshape3A {strides = array<i32>} : memref<1x1xf32, #tpu.memory_space<vmem>>, vector<1x1xf32>,
    return
  }
}

</mosaic_0001>

<sc_bundles>
// kernel: kernel.23.cloned.1.call-start
scs
__scs_entry_jumppad:
0x0: {  	(pc) =	sbr.rel $0x88, $3  }
0x1: {  	(tag) =	ssettag $0x0;
	lr =	simm.s32 $0x1  }
0x2: {  	[smem:$0x3F92] =	sst lr;
	_ =	strace $0xD0000000  }
0x3: {  	_ = 	snop  }
0x4: {  	_ = 	snop  }
0x5: {  	_ = 	snop  }
0x6: {  	_ = 	snop  }
0x7: {  	_ = 	snop  }
__scs_overlays_trampoline_lowered:
0x8: {  	[smem:$0x3FA1] =	sst s0  }
0x9: {  	[smem:$0x3FA2] =	sst s1  }
0xa: {  	[smem:$0x3FA3] =	sst s2  }
0xb: {  	[smem:$0x3FA4] =	sst s3  }
0xc: {  	[smem:$0x3FA5] =	sst s4  }
0xd: {  	[smem:$0x3FA6] =	sst s5  }
0xe: {  	[smem:$0x3FA7] =	sst s6  }
0xf: {  	[smem:$0x3FA8] =	sst s7  }
0x10: {  	[smem:$0x3FA9] =	sst s8  }
0x11: {  	[smem:$0x3FAA] =	sst s9;
	s0 =	simm.s32 @!p0 $0x0  }
0x12: {  	s1 =	sld [smem:$0x3F90];
	s0 =	simm.s32 @p0 $0x1  }
0x13: {  	[smem:$0x3FAB] =	sst s0;
	s0 =	simm.s32 @!p1 $0x0  }
0x14: {  	s2 =	sld [smem:$0x3F8F];
	s0 =	simm.s32 @p1 $0x1  }
0x15: {  	[smem:$0x3FAC] =	sst s0;
	s0 =	simm.s32 @!p2 $0x0  }
0x16: {  	s3 =	sld [smem:$0x3FDB];
	s0 =	simm.s32 @p2 $0x1  }
0x17: {  	s4 =	simm.s32 $0x1BF5;
	[smem:$0x3FAE] =	sst s0  }
0x18: {  	s0 =	sld [smem:$0x3F91];
	_ =	swait.ge [sflag:s4], $0x0  }
0x19: {  	s7 =	sld [smem:$0x3F92]  }
0x1a: {  	s8 =	sadd.s32 $0xFFFFE003, lr  }
0x1b: {  	s9 =	sadd.s32 $0xFFFFFEF7, lr;
	s5 =	simm.s32 $0xFFFFFFFF;
	p2 =	slt.u32 s8, $0xFFFFF086  }
0x1c: {  	p1 =	slt.u32 s9, $0xF7A;
	s5 =	simm.s32 @!p2 $0x0  }
0x1d: {  	s5 =	simm.s32 @p1 $0x1;
	p0 =	seq.s32 s7, s2  }
0x1e: {  	s7 =	smul.u32 @!p0 $0xF7A, s2;
	p2 =	seq.s32 @!p0 s5, $0x0  }
0x1f: {  	s9 =	smul.u32 $0xF7A, s1;
	s8 =	simm.s32 @!p0 $0x1BF5;
	p2 =	por !p2, p0  }
0x20: {  	[sflag:s8] =	ssyncset.s32 @!p0 $0xFFFFF086;
	s6 =	sadd.s32 @!p0 s3, s7;
	s7 =	simm.s32 @!p0 $0x108  }
0x21: {  	s3 =	sadd.s32 s3, s9;
	s6 =	sadd.s32 @!p0 $0x88, s6;
	s7 =	simm.s32 @p2 $0x1082  }
0x22: {  	[simem:s7], [sflag:s8] =	dma.local @!p0 [hbm:s6], $0xF7A  }
0x23: {  	s9 =	sor.u32 $0xD0000000, s2;
	s6 =	simm.s32 $0x108;
	_ =	swait.ge @!p0 [sflag:s8], $0x0  }
0x24: {  	s3 =	sadd.s32 $0x88, s3;
	s6 =	simm.s32 @!p1 $0x1082;
	[sflag:s4] =	ssyncset.s32 $0xFFFFF086  }
0x25: {  	[simem:s6], [sflag:s4] =	dma.local [hbm:s3], $0xF7A  }
0x26: {  	[smem:$0x3F92] =	sst s1;
	(tag) =	ssettag s2;
	_ =	strace s9  }
0x27: {  	s1 =	sld [smem:$0x3FA2]  }
0x28: {  	s2 =	sld [smem:$0x3FA3]  }
0x29: {  	s4 =	sld [smem:$0x3FA5]  }
0x2a: {  	p0 =	seq.s32 s5, $0x0;
	s5 =	sld [smem:$0x3FA6]  }
0x2b: {  	s6 =	sld [smem:$0x3FA7]  }
0x2c: {  	s7 =	sld [smem:$0x3FA8]  }
0x2d: {  	s3 =	simm.s32 $0x108;
	s8 =	sld [smem:$0x3FA9]  }
0x2e: {  	s3 =	simm.s32 @!p0 $0x1082;
	s9 =	sld [smem:$0x3FAA]  }
0x2f: {  	lr =	sadd.s32 s0, s3;
	s0 =	sld [smem:$0x3FA1]  }
0x30: {  	s3 =	sld [smem:$0x3FA4]  }
0x31: {  	[smem:$0x3FAD] =	sst s10  }
0x32: {  	s10 =	sld [smem:$0x3FAB];
	_ =	sdelay $0x3  }
0x33: {  	p0 =	seq.s32 s10, $0x1;
	s10 =	sld [smem:$0x3FAD];
	_ =	sdelay $0x3  }
0x34: {  	[smem:$0x3FAD] =	sst s10  }
0x35: {  	s10 =	sld [smem:$0x3FAC];
	_ =	sdelay $0x3  }
0x36: {  	p1 =	seq.s32 s10, $0x1;
	s10 =	sld [smem:$0x3FAD];
	_ =	sdelay $0x3  }
0x37: {  	[smem:$0x3FAD] =	sst s10  }
0x38: {  	s10 =	sld [smem:$0x3FAE]  }
0x39: {  	_ = 	snop;
	(pc) =	sbr.ind lr, $3  }
0x3a: {  	_ = 	snop  }
0x3b: {  	_ = 	snop  }
0x3c: {  	p2 =	seq.s32 s10, $0x1;
	s10 =	sld [smem:$0x3FAD]  }
0x3d: {  	_ =	shalt  }
0x3e: {  	_ =	shalt  }
0x3f: {  	_ =	shalt  }
0x40: {  	_ =	shalt  }
0x41: {  	_ =	shalt  }
0x42: {  	_ =	shalt  }
0x43: {  	_ =	shalt  }
0x44: {  	_ =	shalt  }
0x45: {  	_ =	shalt  }
0x46: {  	_ =	shalt  }
0x47: {  	_ =	shalt  }
0x48: {  	_ =	shalt  }
0x49: {  	_ =	shalt  }
0x4a: {  	_ =	shalt  }
0x4b: {  	_ =	shalt  }
0x4c: {  	_ =	shalt  }
0x4d: {  	_ =	shalt  }
0x4e: {  	_ =	shalt  }
0x4f: {  	_ =	shalt  }
0x50: {  	_ =	shalt  }
0x51: {  	_ =	shalt  }
0x52: {  	_ =	shalt  }
0x53: {  	_ =	shalt  }
0x54: {  	_ =	shalt  }
0x55: {  	_ =	shalt  }
0x56: {  	_ =	shalt  }
0x57: {  	_ =	shalt  }
0x58: {  	_ =	shalt  }
0x59: {  	_ =	shalt  }
0x5a: {  	_ =	shalt  }
0x5b: {  	_ =	shalt  }
0x5c: {  	_ =	shalt  }
0x5d: {  	_ =	shalt  }
0x5e: {  	_ =	shalt  }
0x5f: {  	_ =	shalt  }
0x60: {  	_ =	shalt  }
0x61: {  	_ =	shalt  }
0x62: {  	_ =	shalt  }
0x63: {  	_ =	shalt  }
0x64: {  	_ =	shalt  }
0x65: {  	_ =	shalt  }
0x66: {  	_ =	shalt  }
0x67: {  	_ =	shalt  }
0x68: {  	_ =	shalt  }
0x69: {  	_ =	shalt  }
0x6a: {  	_ =	shalt  }
0x6b: {  	_ =	shalt  }
0x6c: {  	_ =	shalt  }
0x6d: {  	_ =	shalt  }
0x6e: {  	_ =	shalt  }
0x6f: {  	_ =	shalt  }
0x70: {  	_ =	shalt  }
0x71: {  	_ =	shalt  }
0x72: {  	_ =	shalt  }
0x73: {  	_ =	shalt  }
0x74: {  	_ =	shalt  }
0x75: {  	_ =	shalt  }
0x76: {  	_ =	shalt  }
0x77: {  	_ =	shalt  }
0x78: {  	_ =	shalt  }
0x79: {  	_ =	shalt  }
0x7a: {  	_ =	shalt  }
0x7b: {  	_ =	shalt  }
0x7c: {  	_ =	shalt  }
0x7d: {  	_ =	shalt  }
0x7e: {  	_ =	shalt  }
0x7f: {  	_ =	shalt  }
0x80: {  	_ =	shalt  }
0x81: {  	_ =	shalt  }
0x82: {  	_ =	shalt  }
0x83: {  	_ =	shalt  }
0x84: {  	_ =	shalt  }
0x85: {  	_ =	shalt  }
0x86: {  	_ =	shalt  }
0x87: {  	_ =	shalt  }
.Lfunc_end0:
.L_simem_size_0:
called_computation_lowered:
.L_overlay_start_0:
0x88: {  	s2 =	sld [smem:$0x3FD9]  }
0x89: {  	s3 =	sld [smem:$0x3FFE];
	_ =	sdelay $0x1  }
0x8a: {  	s1 =	srdreg.scid  }
0x8b: {  	s0 =	sand.u32 $0x1, s1  }
0x8c: {  	s16 =	sshll.u32 s0, $0xA;
	s2 =	sadd.s32 s3, s2  }
0x8d: {  	s2 =	sadd.s32 s2, s16  }
0x8e: {  	[smem:$0x3FB9] =	sst s2  }
0x8f: {  	_ = 	snop  }
0x90: {  	(tm) =	ssettm $0x1  }
0x91: {  	s17 =	sld [smem:$0x3FFB];
	_ =	sdelay $0x3  }
0x92: {  	_ =	strace s17  }
0x93: {  	s2 =	sld [smem:$0x3FFC];
	_ =	sdelay $0x3  }
0x94: {  	_ =	strace s2  }
0x95: {  	s2 =	sld [smem:$0x3FFD];
	_ =	sdelay $0x3  }
0x96: {  	_ =	strace s2  }
0x97: {  	_ =	strace $0x8FFFFFFF  }
0x98: {  	s18 =	sld [smem:$0x3FDB];
	_ =	sdelay $0x1  }
0x99: {  	s19 =	simm.s32 $_scs_section_size  }
0x9a: {  	s4 =	simm.s32 $_size__tile_overlayer_lowered;
	s5 =	simm.s32 $_tile_overlayer_lowered  }
0x9b: {  	s22 =	simm.s32 $0x1BFF;
	s21 =	sshll.u32 s5, $0x1;
	s2 =	sadd.s32 s19, s18  }
0x9c: {  	s6 =	simm.s32 $0x0;
	s20 =	sshll.u32 s4, $0x1;
	s4 =	sadd.s32 s21, s2  }
0x9d: {  	[timem:s6], [sflag:s22] =	dma.local [hbm:s4], s20  }
0x9e: {  	_ =	swait.ge [sflag:s22], s20  }
0x9f: {  	s3 =	ssub.s32 $0x0, s20;
	[sflag:s22] =	ssyncset.done $0x0  }
0xa0: {  	[sflag:s22] =	ssyncadd.s32 s3;
	_ =	sdelay $0x1  }
0xa1: {  	s23 =	simm.s32 $0x1B8B  }
0xa2: {  	_ =	swait.ge [sflag:s23], $0x1  }
0xa3: {  	[sflag:s23] =	ssyncset.done $0x0  }
0xa4: {  	s25 =	simm.s32 $0x1B8E;
	s24 =	sld [smem:$0x3FFE];
	[sflag:s23] =	ssyncadd.s32 $0xFFFFFFFF  }
0xa5: {  	s26 =	simm.s32 $execute0_lowered;
	[smem:$0x3FD2] =	sst s25  }
0xa6: {  	s4 =	sshll.u32 s26, $0x1;
	_ =	strace $0x80000046;
	[dreg:$0x1] =	wrdreg $0xFFFFFFFF  }
0xa7: {  	s28 =	simm.s32 $_size_execute0_lowered;
	s2 =	sadd.s32 s2, s4;
	[dreg:$0x0] =	wrdreg $0x0  }
0xa8: {  	s4 =	sshll.u32 s28, $0x1;
	[dreg:$0x2] =	wrdreg s2  }
0xa9: {  	[dreg:$0x3] =	wrdreg s4  }
0xaa: {  	[dreg:$0x4] =	wrdreg $0xC0  }
0xab: {  	_ =	task [dreg:s6], $0x5FFFF  }
0xac: {  	[dreg:$0x1] =	wrdreg $0xFFFFFFFF  }
0xad: {  	[dreg:$0x0] =	wrdreg $0x60  }
0xae: {  	[dreg:$0x2] =	wrdreg s24  }
0xaf: {  	[dreg:$0x3] =	wrdreg $0x9  }
0xb0: {  	_ =	task.clear_ibuf [dreg:s6], $0x4FFFF;
	_ =	strace $0x90000046  }
0xb1: {  	s29 =	simm.s32 $0x9;
	_ =	strace $0x80000048  }
0xb2: {  	_ =	swait.ge [sflag:s29], $0x1  }
0xb3: {  	[sflag:s29] =	ssyncadd.s32 $0xFFFFFFFF  }
0xb4: {  	_ =	strace $0x90000048  }
0xb5: {  	_ =	sfence  }
0xb6: {  	s30 =	sld [smem:$0x0];
	_ =	sdelay $0x2  }
0xb7: {  	s31 =	sshll.u32 s1, $0xD;
	s1 =	sshrl.u32 s1, $0x2  }
0xb8: {  	s3 =	sand.u32 $0x4000, s31;
	s1 =	sadd.s32 s1, s30  }
0xb9: {  	s0 =	sor.u32 s3, s0;
	s1 =	sshll.u32 s1, $0x11  }
0xba: {  	s0 =	sor.u32 s1, s0  }
0xbb: {  	s0 =	sadd.s32 $0x8F2B, s0  }
0xbc: {  	[sflag:s0] =	ssyncadd.remote.s32 $0x1  }
0xbd: {  	_ =	sfence.sel $0xFFFF  }
0xbe: {  	[dreg:$0x0] =	wrdreg $0xFFFFFFFF;
	(pc) =	sbr.abs _section_cstart, $3  }
0xbf: {  	[dreg:$0x1] =	wrdreg $0xFFFFFFFF  }
0xc0: {  	_ =	task.clear_ibuf [dreg:s6], $0x2FFFF;
	_ =	strace $0x9FFFFFFF  }
0xc1: {  	(tm) =	ssettm $0x7FFFFFFF  }
tec
execute0_lowered:
.L_overlay_start_1:
0x0: {  	(tag) =	ssettag $0x1  }
0x1: {  	s0 =	srdreg.scid  }
0x2: {  	s6 =	sand.u32 $0x1, s0;
	s0 =	stileid.u32  }
0x3: {  	s2 =	sshll.u32 s0, $0x1;
	s3 =	ssub.s32 $0x0, s6  }
0x4: {  	p0 =	sne.s32 s2, s3  }
.Ltmp0:
0x5: {  	_ = 	snop;
	(pc) =	sbr.rel @p0 .LBB2_7-.Ltmp0, $3  }
0x6: {  	_ =	sdelay $0x1  }
0x7: {  	s9 =	rddreg [dreg:$0x0]  }
0x8: {  	s1 =	rddreg [dreg:$0x1];
	_ =	strace $0x80000047  }
0x9: {  	s2 =	sadd.s32 $0x1AE00, s9;
	s3 =	sadd.s32 $0x1B000, s9  }
0xa: {  	s4 =	sadd.s32 $0x1B200, s9;
	s5 =	sadd.s32 $0x1AC00, s9;
	s10 =	ssub.s32 $0x2, s6  }
0xb: {  	s6 =	sadd.s32 $0x1B800, s9;
	s7 =	sadd.s32 $0x1BE00, s9;
	s8 =	sadd.s32 $0x1BC00, s9  }
0xc: {  	s9 =	sadd.s32 $0x1B400, s9;
	s12 =	simm.s32 $0x1;
	s13 =	simm.s32 $0x1000  }
0xd: {  	s14 =	simm.s32 $0x2000;
	s15 =	simm.s32 $0x3000;
	s16 =	simm.s32 $0x5900  }
0xe: {  	v0 =	vimm.s32 $0x0;
	s17 =	simm.s32 $0x3080;
	s18 =	simm.s32 $0x3100;
	s11 =	sshrl.u32 s10, $0x1  }
0xf: {  	vm0 =	vcmask $0x1F04;
	v1 =	vimm.s32 $0x1;
	v2 =	vlaneseq.u32;
	s19 =	simm.s32 $0x5980;
	s20 =	simm.s32 $0x4900;
	s10 =	ssub.s32 s10, s11  }
0x10: {  	v5 =	vimm.f32 $0.0e+00;
	s21 =	simm.s32 $0x0;
	v3 =	vadd.s32 $0x1, v2;
	v4 =	vadd.s32 $0x11, v2;
	s11 =	simm.s32 $0x0;
	s10 =	smax.u32 s10, $0x1  }
.LBB2_2:
0x11: {  	[tilespmem:s11], [sflag:$0x1] =	stream.linear.gather [hbm4b:s2+s11], $0x1000, $0x38;
	[tilespmem:$0x7180] =	vst v63  }
0x12: {  	_ =	swait.ge [sflag:s12], $0x1000  }
0x13: {  	[sflag:s12] =	ssyncset.done $0x0  }
0x14: {  	[sflag:s12] =	ssyncadd.s32 $0xFFFFF000  }
0x15: {  	[tilespmem:s13], [sflag:$0x1] =	stream.linear.gather [hbm4b:s3+s11], $0x1000, $0x38;
	[tilespmem:$0x7180] =	vst v63  }
0x16: {  	_ =	swait.ge [sflag:s12], $0x1000  }
0x17: {  	[sflag:s12] =	ssyncset.done $0x0  }
0x18: {  	[sflag:s12] =	ssyncadd.s32 $0xFFFFF000  }
0x19: {  	[tilespmem:s14], [sflag:$0x1] =	stream.linear.gather [hbm4b:s4+s11], $0x1000, $0x38;
	[tilespmem:$0x7180] =	vst v63  }
0x1a: {  	_ =	swait.ge [sflag:s12], $0x1000  }
0x1b: {  	[sflag:s12] =	ssyncset.done $0x0  }
0x1c: {  	[sflag:s12] =	ssyncadd.s32 $0xFFFFF000  }
0x1d: {  	[tilespmem:s15], [sflag:$0x1] =	stream.linear.gather [hbm4b:s5+s11], $0x80, $0x38;
	[tilespmem:$0x7180] =	vst v63  }
0x1e: {  	_ =	swait.ge [sflag:s12], $0x80  }
0x1f: {  	[sflag:s12] =	ssyncset.done $0x0  }
0x20: {  	[sflag:s12] =	ssyncadd.s32 $0xFFFFFF80  }
0x21: {  	v6 =	vld [tilespmem:$0x3000];
	_ =	sdelay $0x4  }
0x22: {  	v6 =	vadd.s32 $0xFF, v6  }
0x23: {  	v6 =	vshrl.u32 v6, $0x8  }
0x24: {  	(xrf0) =	vadd.scan.msk.s32 $0xffff, v6;
	_ =	sdelay $0x5  }
0x25: {  	v7, _, _ =	vpop (xrf0)  }
0x26: {  	v6 =	vsub.s32 v7, v6;
	_ =	sdelay $0x1  }
0x27: {  	[tilespmem:$0x5900] =	vst v0  }
0x28: {  	[tilespmem:$0x5910] =	vst v0  }
0x29: {  	[tilespmem:$0x3080] =	vst v6  }
0x2a: {  	[tilespmem:v6+s16+$0x0] =	vst.idx.add.s32.msk vm0, v1  }
0x2b: {  	v6 =	vld [tilespmem:$0x5900];
	_ =	sdelay $0x1  }
0x2c: {  	v8 =	vld [tilespmem:$0x5910];
	_ =	sdelay $0x2  }
0x2d: {  	(xrf0) =	vadd.scan.msk.s32 $0xffff, v6;
	_ =	sdelay $0x1  }
0x2e: {  	(xrf0) =	vadd.scan.msk.s32 $0xffff, v8;
	_ =	sdelay $0x3  }
0x2f: {  	v7 =	vbroadcast v7, $0xF;
	v6, _, _ =	vpop (xrf0)  }
0x30: {  	v63 =	vbroadcast v6, $0xF  }
0x31: {  	vm1 =	vlt.s32 v7, v3;
	v9, _, _ =	vpop (xrf0)  }
0x32: {  	v6 =	vsel vm1, $0xFFFFFFFF, v6;
	vm1 =	vlt.s32 v7, v4;
	v7 =	vadd.s32 v63, v9  }
0x33: {  	[tilespmem:$0x5900] =	vst v6;
	v6 =	vsel vm1, $0xFFFFFFFF, v7  }
0x34: {  	s22 =	simm.s32 $0x0;
	[tilespmem:$0x5910] =	vst v6  }
.LBB2_3:
0x35: {  	p0 =	sne.s32 s22, $0x5FC0  }
.Ltmp1:
0x36: {  	_ = 	snop;
	(pc) =	sbr.rel @p0 .LBB2_3-.Ltmp1, $4  }
0x37: {  	_ = 	snop  }
0x38: {  	s23 =	sshra.s32 s22, $0x2  }
0x39: {  	[tilespmem:s23+$0x3100] =	vst v0  }
0x3a: {  	s22 =	sadd.s32 $0x40, s22;
	[tilespmem:s23+$0x5980] =	vst v5  }
0x3b: {  	s22 =	simm.s32 $0x0;
	s23 =	simm.s32 $0x1000  }
0x3c: {  	s24 =	simm.s32 $0x2000;
	s25 =	simm.s32 $0x4900;
	s26 =	simm.s32 $0x0  }
.LBB2_5:
0x3d: {  	v6 =	vld [tilespmem:s22+$0x0];
	_ =	sdelay $0x7  }
0x3e: {  	v6 =	vld.idx.msk [tilespmem:v6+s17+$0x0], $0xffff  }
0x3f: {  	v7 =	vld [tilespmem:s23+$0x0];
	_ =	sdelay $0x3  }
0x40: {  	v6 =	vshll.u32 v6, $0x8  }
0x41: {  	v6 =	vadd.s32 v7, v6  }
0x42: {  	v7 =	vld [tilespmem:s24+$0x0]  }
0x43: {  	p0 =	sne.s32 s26, $0xFF0  }
.Ltmp2:
0x44: {  	v8 =	vor.u32 s26, v2;
	(pc) =	sbr.rel @p0 .LBB2_5-.Ltmp2, $4  }
0x45: {  	v8 =	vand.u32 $0x7FF, v8  }
0x46: {  	[tilespmem:v6+s18+$0x0] =	vst.idx.msk $0xffff, v8  }
0x47: {  	s22 =	sadd.s32 $0x10, s22;
	s23 =	sadd.s32 $0x10, s23;
	[tilespmem:v6+s19+$0x0] =	vst.idx.msk $0xffff, v7  }
0x48: {  	s26 =	sadd.s32 $0x10, s26;
	s24 =	sadd.s32 $0x10, s24;
	[tilespmem:s25+$0x0] =	vst v6;
	s25 =	sadd.s32 $0x10, s25  }
0x49: {  	[hbm4b:s6+s11] =	stream.linear.scatter [tilespmem:s18], [sflag:$0x1], $0x1800, $0x38;
	[tilespmem:$0x7180] =	vst v63  }
0x4a: {  	_ =	swait.ge [sflag:s12], $0x1800  }
0x4b: {  	[sflag:s12] =	ssyncset.done $0x0  }
0x4c: {  	[sflag:s12] =	ssyncadd.s32 $0xFFFFE800  }
0x4d: {  	[hbm4b:s7+s11] =	stream.linear.scatter [tilespmem:s20], [sflag:$0x1], $0x1000, $0x38;
	[tilespmem:$0x7180] =	vst v63  }
0x4e: {  	_ =	swait.ge [sflag:s12], $0x1000  }
0x4f: {  	[sflag:s12] =	ssyncset.done $0x0  }
0x50: {  	[sflag:s12] =	ssyncadd.s32 $0xFFFFF000  }
0x51: {  	[hbm4b:s8+s11] =	stream.linear.scatter [tilespmem:s16], [sflag:$0x1], $0x80, $0x38;
	[tilespmem:$0x7180] =	vst v63  }
0x52: {  	s21 =	sadd.s32 $0x1, s21;
	_ =	swait.ge [sflag:s12], $0x80  }
0x53: {  	p0 =	sne.s32 s21, s10;
	[sflag:s12] =	ssyncset.done $0x0  }
.Ltmp3:
0x54: {  	[sflag:s12] =	ssyncadd.s32 $0xFFFFFF80;
	(pc) =	sbr.rel @p0 .LBB2_2-.Ltmp3, $4  }
0x55: {  	[hbm4b:s9+s11] =	stream.linear.scatter [tilespmem:s19], [sflag:$0x1], $0x1800, $0x38;
	[tilespmem:$0x7180] =	vst v63  }
0x56: {  	_ =	swait.ge [sflag:s12], $0x1800  }
0x57: {  	[sflag:s12] =	ssyncset.done $0x0  }
0x58: {  	[sflag:s12] =	ssyncadd.s32 $0xFFFFE800  }
.LBB2_7:
0x59: {  	_ =	sfence.sel $0x180000  }
0x5a: {  	[bflag:$0x0] =	sbarrier.arrive $0xFFFF  }
0x5b: {  	p0 =	sne.s32 s0, $0x0;
	_ =	strace $0x90000047  }
0x5c: {  	s0 =	sadd.s32 @!p0 $0x100000, s1;
	[bflag:$0x2] =	sbarrier.arrive $0xFFFF  }
0x5d: {  	[sflag:s0] =	ssyncadd.tile.s32 @!p0 $0x1;
	_ =	shalt  }
.Lfunc_end2:
_tile_overlayer_lowered:
.L_overlay_start_2:
0x5e: {  	(tag) =	ssettag $0x2  }
0x5f: {  	s0 =	rddreg [dreg:$0x0];
	s2 =	stileid.u32  }
0x60: {  	s1 =	rddreg [dreg:$0x1];
	p0 =	sne.s32 s2, $0x0  }
0x61: {  	s3 =	rddreg [dreg:$0x2];
	[bflag:$0x3] =	sbarrier.arrive $0xFFFF;
	s2 =	simm.s32 @!p0 $0x1C01  }
0x62: {  	[timem:s3], [sflag:s2] =	dma.local @!p0 [hbm:s0], s1  }
0x63: {  	s0 =	simm.s32 @!p0 $0x1  }
0x64: {  	_ =	swait.ge @!p0 [sflag:s0], s1  }
0x65: {  	s1 =	ssub.s32 @!p0 $0x0, s1;
	[sflag:s0] =	ssyncset.done @!p0 $0x0  }
0x66: {  	[sflag:s0] =	ssyncadd.s32 @!p0 s1  }
0x67: {  	[bflag:$0x3] =	sbarrier.arrive $0xFFFF  }
0x68: {  	_ =	shalt  }

// kernel: kernel.26.cloned.1.call-start
scs
__scs_entry_jumppad:
0x0: {  	(pc) =	sbr.rel $0x88, $3  }
0x1: {  	(tag) =	ssettag $0x0;
	lr =	simm.s32 $0x1  }
0x2: {  	[smem:$0x3F92] =	sst lr;
	_ =	strace $0xD0000000  }
0x3: {  	_ = 	snop  }
0x4: {  	_ = 	snop  }
0x5: {  	_ = 	snop  }
0x6: {  	_ = 	snop  }
0x7: {  	_ = 	snop  }
__scs_overlays_trampoline_lowered:
0x8: {  	[smem:$0x3FA1] =	sst s0  }
0x9: {  	[smem:$0x3FA2] =	sst s1  }
0xa: {  	[smem:$0x3FA3] =	sst s2  }
0xb: {  	[smem:$0x3FA4] =	sst s3  }
0xc: {  	[smem:$0x3FA5] =	sst s4  }
0xd: {  	[smem:$0x3FA6] =	sst s5  }
0xe: {  	[smem:$0x3FA7] =	sst s6  }
0xf: {  	[smem:$0x3FA8] =	sst s7  }
0x10: {  	[smem:$0x3FA9] =	sst s8  }
0x11: {  	[smem:$0x3FAA] =	sst s9;
	s0 =	simm.s32 @!p0 $0x0  }
0x12: {  	s1 =	sld [smem:$0x3F90];
	s0 =	simm.s32 @p0 $0x1  }
0x13: {  	[smem:$0x3FAB] =	sst s0;
	s0 =	simm.s32 @!p1 $0x0  }
0x14: {  	s2 =	sld [smem:$0x3F8F];
	s0 =	simm.s32 @p1 $0x1  }
0x15: {  	[smem:$0x3FAC] =	sst s0;
	s0 =	simm.s32 @!p2 $0x0  }
0x16: {  	s3 =	sld [smem:$0x3FDB];
	s0 =	simm.s32 @p2 $0x1  }
0x17: {  	s4 =	simm.s32 $0x1BF5;
	[smem:$0x3FAE] =	sst s0  }
0x18: {  	s0 =	sld [smem:$0x3F91];
	_ =	swait.ge [sflag:s4], $0x0  }
0x19: {  	s7 =	sld [smem:$0x3F92]  }
0x1a: {  	s8 =	sadd.s32 $0xFFFFE003, lr  }
0x1b: {  	s9 =	sadd.s32 $0xFFFFFEF7, lr;
	s5 =	simm.s32 $0xFFFFFFFF;
	p2 =	slt.u32 s8, $0xFFFFF086  }
0x1c: {  	p1 =	slt.u32 s9, $0xF7A;
	s5 =	simm.s32 @!p2 $0x0  }
0x1d: {  	s5 =	simm.s32 @p1 $0x1;
	p0 =	seq.s32 s7, s2  }
0x1e: {  	s7 =	smul.u32 @!p0 $0xF7A, s2;
	p2 =	seq.s32 @!p0 s5, $0x0  }
0x1f: {  	s9 =	smul.u32 $0xF7A, s1;
	s8 =	simm.s32 @!p0 $0x1BF5;
	p2 =	por !p2, p0  }
0x20: {  	[sflag:s8] =	ssyncset.s32 @!p0 $0xFFFFF086;
	s6 =	sadd.s32 @!p0 s3, s7;
	s7 =	simm.s32 @!p0 $0x108  }
0x21: {  	s3 =	sadd.s32 s3, s9;
	s6 =	sadd.s32 @!p0 $0x88, s6;
	s7 =	simm.s32 @p2 $0x1082  }
0x22: {  	[simem:s7], [sflag:s8] =	dma.local @!p0 [hbm:s6], $0xF7A  }
0x23: {  	s9 =	sor.u32 $0xD0000000, s2;
	s6 =	simm.s32 $0x108;
	_ =	swait.ge @!p0 [sflag:s8], $0x0  }
0x24: {  	s3 =	sadd.s32 $0x88, s3;
	s6 =	simm.s32 @!p1 $0x1082;
	[sflag:s4] =	ssyncset.s32 $0xFFFFF086  }
0x25: {  	[simem:s6], [sflag:s4] =	dma.local [hbm:s3], $0xF7A  }
0x26: {  	[smem:$0x3F92] =	sst s1;
	(tag) =	ssettag s2;
	_ =	strace s9  }
0x27: {  	s1 =	sld [smem:$0x3FA2]  }
0x28: {  	s2 =	sld [smem:$0x3FA3]  }
0x29: {  	s4 =	sld [smem:$0x3FA5]  }
0x2a: {  	p0 =	seq.s32 s5, $0x0;
	s5 =	sld [smem:$0x3FA6]  }
0x2b: {  	s6 =	sld [smem:$0x3FA7]  }
0x2c: {  	s7 =	sld [smem:$0x3FA8]  }
0x2d: {  	s3 =	simm.s32 $0x108;
	s8 =	sld [smem:$0x3FA9]  }
0x2e: {  	s3 =	simm.s32 @!p0 $0x1082;
	s9 =	sld [smem:$0x3FAA]  }
0x2f: {  	lr =	sadd.s32 s0, s3;
	s0 =	sld [smem:$0x3FA1]  }
0x30: {  	s3 =	sld [smem:$0x3FA4]  }
0x31: {  	[smem:$0x3FAD] =	sst s10  }
0x32: {  	s10 =	sld [smem:$0x3FAB];
	_ =	sdelay $0x3  }
0x33: {  	p0 =	seq.s32 s10, $0x1;
	s10 =	sld [smem:$0x3FAD];
	_ =	sdelay $0x3  }
0x34: {  	[smem:$0x3FAD] =	sst s10  }
0x35: {  	s10 =	sld [smem:$0x3FAC];
	_ =	sdelay $0x3  }
0x36: {  	p1 =	seq.s32 s10, $0x1;
	s10 =	sld [smem:$0x3FAD];
	_ =	sdelay $0x3  }
0x37: {  	[smem:$0x3FAD] =	sst s10  }
0x38: {  	s10 =	sld [smem:$0x3FAE]  }
0x39: {  	_ = 	snop;
	(pc) =	sbr.ind lr, $3  }
0x3a: {  	_ = 	snop  }
0x3b: {  	_ = 	snop  }
0x3c: {  	p2 =	seq.s32 s10, $0x1;
	s10 =	sld [smem:$0x3FAD]  }
0x3d: {  	_ =	shalt  }
0x3e: {  	_ =	shalt  }
0x3f: {  	_ =	shalt  }
0x40: {  	_ =	shalt  }
0x41: {  	_ =	shalt  }
0x42: {  	_ =	shalt  }
0x43: {  	_ =	shalt  }
0x44: {  	_ =	shalt  }
0x45: {  	_ =	shalt  }
0x46: {  	_ =	shalt  }
0x47: {  	_ =	shalt  }
0x48: {  	_ =	shalt  }
0x49: {  	_ =	shalt  }
0x4a: {  	_ =	shalt  }
0x4b: {  	_ =	shalt  }
0x4c: {  	_ =	shalt  }
0x4d: {  	_ =	shalt  }
0x4e: {  	_ =	shalt  }
0x4f: {  	_ =	shalt  }
0x50: {  	_ =	shalt  }
0x51: {  	_ =	shalt  }
0x52: {  	_ =	shalt  }
0x53: {  	_ =	shalt  }
0x54: {  	_ =	shalt  }
0x55: {  	_ =	shalt  }
0x56: {  	_ =	shalt  }
0x57: {  	_ =	shalt  }
0x58: {  	_ =	shalt  }
0x59: {  	_ =	shalt  }
0x5a: {  	_ =	shalt  }
0x5b: {  	_ =	shalt  }
0x5c: {  	_ =	shalt  }
0x5d: {  	_ =	shalt  }
0x5e: {  	_ =	shalt  }
0x5f: {  	_ =	shalt  }
0x60: {  	_ =	shalt  }
0x61: {  	_ =	shalt  }
0x62: {  	_ =	shalt  }
0x63: {  	_ =	shalt  }
0x64: {  	_ =	shalt  }
0x65: {  	_ =	shalt  }
0x66: {  	_ =	shalt  }
0x67: {  	_ =	shalt  }
0x68: {  	_ =	shalt  }
0x69: {  	_ =	shalt  }
0x6a: {  	_ =	shalt  }
0x6b: {  	_ =	shalt  }
0x6c: {  	_ =	shalt  }
0x6d: {  	_ =	shalt  }
0x6e: {  	_ =	shalt  }
0x6f: {  	_ =	shalt  }
0x70: {  	_ =	shalt  }
0x71: {  	_ =	shalt  }
0x72: {  	_ =	shalt  }
0x73: {  	_ =	shalt  }
0x74: {  	_ =	shalt  }
0x75: {  	_ =	shalt  }
0x76: {  	_ =	shalt  }
0x77: {  	_ =	shalt  }
0x78: {  	_ =	shalt  }
0x79: {  	_ =	shalt  }
0x7a: {  	_ =	shalt  }
0x7b: {  	_ =	shalt  }
0x7c: {  	_ =	shalt  }
0x7d: {  	_ =	shalt  }
0x7e: {  	_ =	shalt  }
0x7f: {  	_ =	shalt  }
0x80: {  	_ =	shalt  }
0x81: {  	_ =	shalt  }
0x82: {  	_ =	shalt  }
0x83: {  	_ =	shalt  }
0x84: {  	_ =	shalt  }
0x85: {  	_ =	shalt  }
0x86: {  	_ =	shalt  }
0x87: {  	_ =	shalt  }
.Lfunc_end0:
.L_simem_size_0:
called_computation.1_lowered:
.L_overlay_start_0:
0x88: {  	s2 =	sld [smem:$0x3FD9]  }
0x89: {  	s3 =	sld [smem:$0x3FFE];
	_ =	sdelay $0x1  }
0x8a: {  	s1 =	srdreg.scid  }
0x8b: {  	s0 =	sand.u32 $0x1, s1  }
0x8c: {  	s14 =	sshll.u32 s0, $0xA;
	s2 =	sadd.s32 s3, s2  }
0x8d: {  	s2 =	sadd.s32 s2, s14  }
0x8e: {  	[smem:$0x3FB9] =	sst s2  }
0x8f: {  	_ = 	snop  }
0x90: {  	s2 =	sld [smem:$0x3FD0];
	_ =	sdelay $0x2  }
0x91: {  	s15 =	simm.s32 $0xA;
	s4 =	simm.s32 $0x10  }
0x92: {  	[smem:s4], [sflag:s15] =	dma.local [hbm:s2], $0x1  }
0x93: {  	_ =	swait.eq [sflag:s15], $0x1  }
0x94: {  	[sflag:s15] =	ssyncset.done $0x0  }
0x95: {  	[sflag:s15] =	ssyncadd.s32 $0xFFFFFFFF  }
0x96: {  	s16 =	sld [smem:$0x10];
	(tm) =	ssettm $0x1  }
0x97: {  	s17 =	sld [smem:$0x3FFB];
	_ =	sdelay $0x3  }
0x98: {  	_ =	strace s17  }
0x99: {  	s3 =	sld [smem:$0x3FFC];
	_ =	sdelay $0x3  }
0x9a: {  	_ =	strace s3  }
0x9b: {  	s3 =	sld [smem:$0x3FFD];
	_ =	sdelay $0x3  }
0x9c: {  	_ =	strace s3  }
0x9d: {  	_ =	strace $0x8FFFFFFF  }
0x9e: {  	s18 =	sld [smem:$0x3FDB];
	_ =	sdelay $0x1  }
0x9f: {  	s19 =	simm.s32 $_scs_section_size  }
0xa0: {  	s5 =	simm.s32 $_size__tile_overlayer_lowered;
	s6 =	simm.s32 $_tile_overlayer_lowered  }
0xa1: {  	s22 =	simm.s32 $0x1BFF;
	s21 =	sshll.u32 s6, $0x1;
	s3 =	sadd.s32 s19, s18  }
0xa2: {  	s7 =	simm.s32 $0x0;
	s20 =	sshll.u32 s5, $0x1;
	s5 =	sadd.s32 s21, s3  }
0xa3: {  	[timem:s7], [sflag:s22] =	dma.local [hbm:s5], s20  }
0xa4: {  	_ =	swait.ge [sflag:s22], s20  }
0xa5: {  	s4 =	ssub.s32 $0x0, s20;
	[sflag:s22] =	ssyncset.done $0x0  }
0xa6: {  	[sflag:s22] =	ssyncadd.s32 s4;
	_ =	sdelay $0x1  }
0xa7: {  	s23 =	simm.s32 $0x1B8B  }
0xa8: {  	_ =	swait.ge [sflag:s23], $0x1  }
0xa9: {  	[sflag:s23] =	ssyncset.done $0x0  }
0xaa: {  	s25 =	simm.s32 $0x1B8E;
	s24 =	sld [smem:$0x3FFE];
	[sflag:s23] =	ssyncadd.s32 $0xFFFFFFFF  }
0xab: {  	s26 =	simm.s32 $execute0_lowered;
	[smem:$0x3FD2] =	sst s25  }
0xac: {  	s5 =	sshll.u32 s26, $0x1;
	_ =	strace $0x80000049;
	[dreg:$0x1] =	wrdreg $0xFFFFFFFF  }
0xad: {  	s28 =	simm.s32 $_size_execute0_lowered;
	s3 =	sadd.s32 s3, s5;
	[dreg:$0x0] =	wrdreg $0x0  }
0xae: {  	s5 =	sshll.u32 s28, $0x1;
	[dreg:$0x2] =	wrdreg s3  }
0xaf: {  	[dreg:$0x3] =	wrdreg s5  }
0xb0: {  	[dreg:$0x4] =	wrdreg $0xC0  }
0xb1: {  	_ =	task [dreg:s7], $0x5FFFF  }
0xb2: {  	[dreg:$0x1] =	wrdreg $0xFFFFFFFF  }
0xb3: {  	[dreg:$0x0] =	wrdreg $0x60  }
0xb4: {  	[dreg:$0x2] =	wrdreg s16  }
0xb5: {  	[dreg:$0x3] =	wrdreg s24  }
0xb6: {  	[dreg:$0x4] =	wrdreg $0x9  }
0xb7: {  	_ =	task.clear_ibuf [dreg:s7], $0x5FFFF;
	_ =	strace $0x90000049  }
0xb8: {  	s29 =	simm.s32 $0x9;
	_ =	strace $0x8000004B  }
0xb9: {  	_ =	swait.ge [sflag:s29], $0x1  }
0xba: {  	[sflag:s29] =	ssyncadd.s32 $0xFFFFFFFF  }
0xbb: {  	_ =	strace $0x9000004B  }
0xbc: {  	_ =	sfence  }
0xbd: {  	s30 =	sld [smem:$0x0];
	_ =	sdelay $0x2  }
0xbe: {  	s31 =	sshll.u32 s1, $0xD;
	s1 =	sshrl.u32 s1, $0x2  }
0xbf: {  	s3 =	sand.u32 $0x4000, s31;
	s1 =	sadd.s32 s1, s30  }
0xc0: {  	s0 =	sor.u32 s3, s0;
	s1 =	sshll.u32 s1, $0x11  }
0xc1: {  	s0 =	sor.u32 s1, s0  }
0xc2: {  	s0 =	sadd.s32 $0x8F2B, s0  }
0xc3: {  	[sflag:s0] =	ssyncadd.remote.s32 $0x1  }
0xc4: {  	_ =	sfence.sel $0xFFFF  }
0xc5: {  	[dreg:$0x0] =	wrdreg $0xFFFFFFFF;
	(pc) =	sbr.abs _section_cstart, $3  }
0xc6: {  	[dreg:$0x1] =	wrdreg $0xFFFFFFFF  }
0xc7: {  	_ =	task.clear_ibuf [dreg:s7], $0x2FFFF;
	_ =	strace $0x9FFFFFFF  }
0xc8: {  	(tm) =	ssettm $0x7FFFFFFF  }
0xc9: {  	_ =	shalt  }
tec
execute0_lowered:
.L_overlay_start_1:
0x0: {  	(tag) =	ssettag $0x1  }
0x1: {  	s2 =	rddreg [dreg:$0x0]  }
0x2: {  	s4 =	rddreg [dreg:$0x1];
	s3 =	simm.s32 $0x0  }
0x3: {  	s7 =	simm.s32 $0xD900;
	[smem:$0x7FF] =	sst s3  }
0x4: {  	s8 =	simm.s32 $0xE100;
	_ =	strace $0x8000004A;
	[dreg:$0xb] =	wrdreg s7  }
0x5: {  	s9 =	simm.s32 $0xE900;
	[dreg:$0xc] =	wrdreg s8  }
0x6: {  	s10 =	simm.s32 $0xF100;
	[dreg:$0xd] =	wrdreg s9  }
0x7: {  	s11 =	simm.s32 $0xF900;
	[dreg:$0xe] =	wrdreg s10  }
0x8: {  	s0 =	srdreg.scid;
	s12 =	simm.s32 $0x10100;
	[dreg:$0xf] =	wrdreg s11  }
0x9: {  	s1 =	stileid.u32;
	s13 =	simm.s32 $0x10900;
	[dreg:$0x10] =	wrdreg s12  }
0xa: {  	s14 =	simm.s32 $0x11100;
	s15 =	simm.s32 $0x11900;
	[dreg:$0x11] =	wrdreg s13  }
0xb: {  	s16 =	simm.s32 $0x12900;
	s17 =	simm.s32 $0x13100;
	[dreg:$0x12] =	wrdreg s14  }
0xc: {  	s18 =	simm.s32 $0x13900;
	s19 =	simm.s32 $0x14100;
	[dreg:$0x13] =	wrdreg s15  }
0xd: {  	s20 =	simm.s32 $0x14900;
	s21 =	simm.s32 $0x15100;
	[dreg:$0x14] =	wrdreg s16  }
0xe: {  	s28 =	simm.s32 $0x6900;
	s29 =	simm.s32 $0x7100;
	[dreg:$0x15] =	wrdreg s17  }
0xf: {  	s0 =	sand.u32 $0x1, s0;
	s1 =	sshll.u32 s1, $0x1;
	[dreg:$0x16] =	wrdreg s18  }
0x10: {  	s30 =	simm.s32 $0x7900;
	s1 =	sor.u32 s0, s1;
	[dreg:$0x17] =	wrdreg s19  }
0x11: {  	s31 =	simm.s32 $0x8100;
	[dreg:$0x18] =	wrdreg s20;
	s1 =	smul.u32 $0xC0, s1  }
0x12: {  	s0 =	ssub.s32 $0x2, s0;
	[dreg:$0x19] =	wrdreg s21;
	s12 =	simm.s32 $0x1  }
0x13: {  	s13 =	simm.s32 $0x2;
	s21 =	simm.s32 $0x100;
	s1 =	sshrl.u32 s1, $0x3  }
0x14: {  	s15 =	simm.s32 $0x900;
	s16 =	simm.s32 $0x1100;
	s5 =	smul.u32 $0x1800, s1  }
0x15: {  	s17 =	simm.s32 $0x1900;
	s6 =	sadd.s32 s1, s4;
	s1 =	smul.u32 $0x300, s1  }
0x16: {  	s4 =	sadd.s32 $0x73E00, s4;
	s6 =	sadd.s32 $0x1B800, s6;
	s5 =	sshrl.u32 s5, $0x3  }
0x17: {  	[dreg:$0x3] =	wrdreg s6;
	s5 =	sadd.s32 s4, s5;
	s4 =	sadd.s32 s4, s1  }
0x18: {  	s18 =	simm.s32 $0x2100;
	s22 =	sadd.s32 $0xC00, s5;
	[dreg:$0x1f] =	wrdreg s4  }
0x19: {  	s19 =	simm.s32 $0x2900;
	s23 =	sadd.s32 $0x1800, s4;
	[dreg:$0x4] =	wrdreg s22  }
0x1a: {  	s20 =	simm.s32 $0x3100;
	s24 =	sadd.s32 $0x2400, s4;
	[dreg:$0x5] =	wrdreg s23  }
0x1b: {  	s10 =	simm.s32 $0x9900;
	s25 =	sadd.s32 $0x3000, s4;
	[dreg:$0x6] =	wrdreg s24  }
0x1c: {  	s11 =	simm.s32 $0xA100;
	s26 =	sadd.s32 $0x3C00, s4;
	[dreg:$0x7] =	wrdreg s25  }
0x1d: {  	s9 =	simm.s32 $0xB100;
	s4 =	simm.s32 $0xC900;
	[dreg:$0x8] =	wrdreg s26  }
0x1e: {  	s8 =	simm.s32 $0xC100;
	s5 =	simm.s32 $0xD100;
	[dreg:$0x9] =	wrdreg s4  }
0x1f: {  	s6 =	sshrl.u32 s0, $0x1;
	[dreg:$0xa] =	wrdreg s5;
	s22 =	simm.s32 $0x15900  }
0x20: {  	s0 =	ssub.s32 s0, s6;
	s23 =	simm.s32 $0x16100;
	[dreg:$0x1a] =	wrdreg s22  }
0x21: {  	s6 =	sadd.s32 $0x200, s2;
	s24 =	simm.s32 $0x16900;
	[dreg:$0x1b] =	wrdreg s23  }
0x22: {  	s7 =	smax.u32 s0, $0x1;
	s25 =	simm.s32 $0x17100;
	[dreg:$0x1c] =	wrdreg s24  }
0x23: {  	v2 =	vlaneseq.u32;
	s5 =	sadd.s32 $0x100, s2;
	s26 =	simm.s32 $0x17900;
	[dreg:$0x1d] =	wrdreg s25  }
0x24: {  	vm0 =	vmmov $0xffff;
	v1 =	vshrl.u32 v2, $0x3;
	[dreg:$0x1e] =	wrdreg s26;
	s22 =	simm.s32 $0x3900;
	s23 =	simm.s32 $0x4100  }
0x25: {  	v0 =	vand.u32 $0x7, v2;
	v2 =	vor.u32 $0x8, v2;
	v1 =	vmul.u32 $0x8, v1;
	s24 =	simm.s32 $0x4900;
	s25 =	simm.s32 $0x5100;
	s26 =	simm.s32 $0x5900  }
.LBB2_1:
0x26: {  	s4 =	rddreg [dreg:$0x3];
	s0 =	simm.s32 $0x3  }
0x27: {  	[tilespmem:s3], [sflag:$0x3] =	stream.linear.gather [hbm4b:s4+s3], $0xC0, $0x38;
	[tilespmem:$0x18100] =	vst v63  }
0x28: {  	_ =	swait.ge [sflag:s0], $0xC0  }
0x29: {  	[sflag:s0] =	ssyncset.done $0x0  }
0x2a: {  	[sflag:s0] =	ssyncadd.s32 $0xFFFFFF40  }
0x2b: {  	v3 =	vld [tilespmem:$0x0];
	_ =	sdelay $0x4  }
0x2c: {  	v4 =	vshrl.u32 v3, $0x3  }
0x2d: {  	v4 =	vmul.u32 $0x30, v4  }
0x2e: {  	v3 =	vand.u32 $0x7, v3  }
0x2f: {  	v3 =	vor.u32 v3, v4  }
0x30: {  	v4 =	vperm.xlane v3, v0;
	_ =	sdelay $0x1  }
0x31: {  	v4 =	vadd.s32 v1, v4;
	_ =	sdelay $0x3  }
0x32: {  	v3 =	vperm.xlane v3, v2  }
0x33: {  	[tilespmem:s21], [sflag:$0x1] =	stream.indirect_vreg.gather [hbm4b:s2+s3], $0x80, v4, vm0, $0xb8;
	[tilespmem:$0x18100] =	vst v63  }
0x34: {  	v3 =	vadd.s32 v1, v3  }
0x35: {  	[tilespmem:s15], [sflag:$0x1] =	stream.indirect_vreg.gather [hbm4b:s5+s3], $0x80, v4, vm0, $0xb8;
	[tilespmem:$0x18100] =	vst v63  }
0x36: {  	_ = 	snop  }
0x37: {  	[tilespmem:s16], [sflag:$0x1] =	stream.indirect_vreg.gather [hbm4b:s6+s3], $0x80, v4, vm0, $0xb8;
	[tilespmem:$0x18100] =	vst v63  }
0x38: {  	_ = 	snop  }
0x39: {  	[tilespmem:s17], [sflag:$0x1] =	stream.indirect_vreg.gather [hbm4b:s2+s3], $0x80, v3, vm0, $0xb8;
	[tilespmem:$0x18100] =	vst v63  }
0x3a: {  	_ = 	snop  }
0x3b: {  	[tilespmem:s18], [sflag:$0x1] =	stream.indirect_vreg.gather [hbm4b:s5+s3], $0x80, v3, vm0, $0xb8;
	[tilespmem:$0x18100] =	vst v63  }
0x3c: {  	_ = 	snop  }
0x3d: {  	[tilespmem:s19], [sflag:$0x1] =	stream.indirect_vreg.gather [hbm4b:s6+s3], $0x80, v3, vm0, $0xb8;
	[tilespmem:$0x18100] =	vst v63  }
0x3e: {  	v3 =	vld [tilespmem:$0x10];
	_ =	sdelay $0x4  }
0x3f: {  	v53 =	vshrl.u32 v3, $0x3  }
0x40: {  	v4 =	vmul.u32 $0x30, v53  }
0x41: {  	v3 =	vand.u32 $0x7, v3  }
0x42: {  	v3 =	vor.u32 v3, v4  }
0x43: {  	v4 =	vperm.xlane v3, v0;
	_ =	sdelay $0x1  }
0x44: {  	v4 =	vadd.s32 v1, v4;
	_ =	sdelay $0x3  }
0x45: {  	v3 =	vperm.xlane v3, v2  }
0x46: {  	[tilespmem:s20], [sflag:$0x1] =	stream.indirect_vreg.gather [hbm4b:s2+s3], $0x80, v4, vm0, $0xb8;
	[tilespmem:$0x18100] =	vst v63  }
0x47: {  	v3 =	vadd.s32 v1, v3  }
0x48: {  	[tilespmem:s22], [sflag:$0x1] =	stream.indirect_vreg.gather [hbm4b:s5+s3], $0x80, v4, vm0, $0xb8;
	[tilespmem:$0x18100] =	vst v63  }
0x49: {  	_ = 	snop  }
0x4a: {  	[tilespmem:s23], [sflag:$0x1] =	stream.indirect_vreg.gather [hbm4b:s6+s3], $0x80, v4, vm0, $0xb8;
	[tilespmem:$0x18100] =	vst v63  }
0x4b: {  	_ = 	snop  }
0x4c: {  	[tilespmem:s24], [sflag:$0x1] =	stream.indirect_vreg.gather [hbm4b:s2+s3], $0x80, v3, vm0, $0xb8;
	[tilespmem:$0x18100] =	vst v63  }
0x4d: {  	_ = 	snop  }
0x4e: {  	[tilespmem:s25], [sflag:$0x1] =	stream.indirect_vreg.gather [hbm4b:s5+s3], $0x80, v3, vm0, $0xb8;
	[tilespmem:$0x18100] =	vst v63  }
0x4f: {  	_ = 	snop  }
0x50: {  	[tilespmem:s26], [sflag:$0x1] =	stream.indirect_vreg.gather [hbm4b:s6+s3], $0x80, v3, vm0, $0xb8;
	[tilespmem:$0x18100] =	vst v63  }
0x51: {  	v3 =	vld [tilespmem:$0x20];
	_ =	sdelay $0x4  }
0x52: {  	v54 =	vshrl.u32 v3, $0x3  }
0x53: {  	v4 =	vmul.u32 $0x30, v54  }
0x54: {  	v3 =	vand.u32 $0x7, v3  }
0x55: {  	v3 =	vor.u32 v3, v4  }
0x56: {  	v4 =	vperm.xlane v3, v0;
	_ =	sdelay $0x1  }
0x57: {  	v4 =	vadd.s32 v1, v4;
	_ =	sdelay $0x3  }
0x58: {  	s0 =	simm.s32 $0x6100;
	v3 =	vperm.xlane v3, v2  }
0x59: {  	[tilespmem:s0], [sflag:$0x1] =	stream.indirect_vreg.gather [hbm4b:s2+s3], $0x80, v4, vm0, $0xb8;
	[tilespmem:$0x18100] =	vst v63  }
0x5a: {  	v3 =	vadd.s32 v1, v3  }
0x5b: {  	[tilespmem:s28], [sflag:$0x1] =	stream.indirect_vreg.gather [hbm4b:s5+s3], $0x80, v4, vm0, $0xb8;
	[tilespmem:$0x18100] =	vst v63  }
0x5c: {  	_ = 	snop  }
0x5d: {  	[tilespmem:s29], [sflag:$0x1] =	stream.indirect_vreg.gather [hbm4b:s6+s3], $0x80, v4, vm0, $0xb8;
	[tilespmem:$0x18100] =	vst v63  }
0x5e: {  	_ = 	snop  }
0x5f: {  	[tilespmem:s30], [sflag:$0x1] =	stream.indirect_vreg.gather [hbm4b:s2+s3], $0x80, v3, vm0, $0xb8;
	[tilespmem:$0x18100] =	vst v63  }
0x60: {  	_ = 	snop  }
0x61: {  	[tilespmem:s31], [sflag:$0x1] =	stream.indirect_vreg.gather [hbm4b:s5+s3], $0x80, v3, vm0, $0xb8;
	[tilespmem:$0x18100] =	vst v63  }
0x62: {  	s1 =	simm.s32 $0x8900  }
0x63: {  	[tilespmem:s1], [sflag:$0x1] =	stream.indirect_vreg.gather [hbm4b:s6+s3], $0x80, v3, vm0, $0xb8;
	[tilespmem:$0x18100] =	vst v63  }
0x64: {  	v3 =	vld [tilespmem:$0x30];
	_ =	sdelay $0x4  }
0x65: {  	v55 =	vshrl.u32 v3, $0x3  }
0x66: {  	v4 =	vmul.u32 $0x30, v55  }
0x67: {  	v3 =	vand.u32 $0x7, v3  }
0x68: {  	v3 =	vor.u32 v3, v4  }
0x69: {  	v4 =	vperm.xlane v3, v0;
	_ =	sdelay $0x1  }
0x6a: {  	v4 =	vadd.s32 v1, v4;
	_ =	sdelay $0x3  }
0x6b: {  	s14 =	simm.s32 $0x9100;
	v3 =	vperm.xlane v3, v2  }
0x6c: {  	[tilespmem:s14], [sflag:$0x1] =	stream.indirect_vreg.gather [hbm4b:s2+s3], $0x80, v4, vm0, $0xb8;
	[tilespmem:$0x18100] =	vst v63  }
0x6d: {  	v3 =	vadd.s32 v1, v3  }
0x6e: {  	[tilespmem:s10], [sflag:$0x1] =	stream.indirect_vreg.gather [hbm4b:s5+s3], $0x80, v4, vm0, $0xb8;
	[tilespmem:$0x18100] =	vst v63  }
0x6f: {  	_ = 	snop  }
0x70: {  	[tilespmem:s11], [sflag:$0x1] =	stream.indirect_vreg.gather [hbm4b:s6+s3], $0x80, v4, vm0, $0xb8;
	[tilespmem:$0x18100] =	vst v63  }
0x71: {  	s4 =	simm.s32 $0xA900  }
0x72: {  	[tilespmem:s4], [sflag:$0x1] =	stream.indirect_vreg.gather [hbm4b:s2+s3], $0x80, v3, vm0, $0xb8;
	[tilespmem:$0x18100] =	vst v63  }
0x73: {  	_ = 	snop  }
0x74: {  	[tilespmem:s9], [sflag:$0x1] =	stream.indirect_vreg.gather [hbm4b:s5+s3], $0x80, v3, vm0, $0xb8;
	[tilespmem:$0x18100] =	vst v63  }
0x75: {  	s14 =	simm.s32 $0xB900  }
0x76: {  	[tilespmem:s14], [sflag:$0x1] =	stream.indirect_vreg.gather [hbm4b:s6+s3], $0x80, v3, vm0, $0xb8;
	[tilespmem:$0x18100] =	vst v63  }
0x77: {  	v3 =	vld [tilespmem:$0x40];
	_ =	sdelay $0x4  }
0x78: {  	v56 =	vshrl.u32 v3, $0x3  }
0x79: {  	v4 =	vmul.u32 $0x30, v56  }
0x7a: {  	v3 =	vand.u32 $0x7, v3  }
0x7b: {  	v3 =	vor.u32 v3, v4  }
0x7c: {  	v4 =	vperm.xlane v3, v0;
	_ =	sdelay $0x1  }
0x7d: {  	v4 =	vadd.s32 v1, v4;
	_ =	sdelay $0x3  }
0x7e: {  	v3 =	vperm.xlane v3, v2  }
0x7f: {  	[tilespmem:s8], [sflag:$0x1] =	stream.indirect_vreg.gather [hbm4b:s2+s3], $0x80, v4, vm0, $0xb8;
	[tilespmem:$0x18100] =	vst v63  }
0x80: {  	s1 =	rddreg [dreg:$0x9];
	v3 =	vadd.s32 v1, v3  }
0x81: {  	[tilespmem:s1], [sflag:$0x1] =	stream.indirect_vreg.gather [hbm4b:s5+s3], $0x80, v4, vm0, $0xb8;
	[tilespmem:$0x18100] =	vst v63  }
0x82: {  	s14 =	rddreg [dreg:$0xa]  }
0x83: {  	[tilespmem:s14], [sflag:$0x1] =	stream.indirect_vreg.gather [hbm4b:s6+s3], $0x80, v4, vm0, $0xb8;
	[tilespmem:$0x18100] =	vst v63  }
0x84: {  	s1 =	rddreg [dreg:$0xb]  }
0x85: {  	[tilespmem:s1], [sflag:$0x1] =	stream.indirect_vreg.gather [hbm4b:s2+s3], $0x80, v3, vm0, $0xb8;
	[tilespmem:$0x18100] =	vst v63  }
0x86: {  	s14 =	rddreg [dreg:$0xc]  }
0x87: {  	[tilespmem:s14], [sflag:$0x1] =	stream.indirect_vreg.gather [hbm4b:s5+s3], $0x80, v3, vm0, $0xb8;
	[tilespmem:$0x18100] =	vst v63  }
0x88: {  	s1 =	rddreg [dreg:$0xd]  }
0x89: {  	[tilespmem:s1], [sflag:$0x1] =	stream.indirect_vreg.gather [hbm4b:s6+s3], $0x80, v3, vm0, $0xb8;
	[tilespmem:$0x18100] =	vst v63  }
0x8a: {  	v3 =	vld [tilespmem:$0x50];
	_ =	sdelay $0x4  }
0x8b: {  	v57 =	vshrl.u32 v3, $0x3  }
0x8c: {  	v4 =	vmul.u32 $0x30, v57  }
0x8d: {  	v3 =	vand.u32 $0x7, v3  }
0x8e: {  	v3 =	vor.u32 v3, v4  }
0x8f: {  	v4 =	vperm.xlane v3, v0;
	_ =	sdelay $0x1  }
0x90: {  	v4 =	vadd.s32 v1, v4;
	_ =	sdelay $0x3  }
0x91: {  	s14 =	rddreg [dreg:$0xe];
	v3 =	vperm.xlane v3, v2  }
0x92: {  	[tilespmem:s14], [sflag:$0x1] =	stream.indirect_vreg.gather [hbm4b:s2+s3], $0x80, v4, vm0, $0xb8;
	[tilespmem:$0x18100] =	vst v63  }
0x93: {  	s1 =	rddreg [dreg:$0xf];
	v3 =	vadd.s32 v1, v3  }
0x94: {  	[tilespmem:s1], [sflag:$0x1] =	stream.indirect_vreg.gather [hbm4b:s5+s3], $0x80, v4, vm0, $0xb8;
	[tilespmem:$0x18100] =	vst v63  }
0x95: {  	s4 =	rddreg [dreg:$0x10]  }
0x96: {  	[tilespmem:s4], [sflag:$0x1] =	stream.indirect_vreg.gather [hbm4b:s6+s3], $0x80, v4, vm0, $0xb8;
	[tilespmem:$0x18100] =	vst v63  }
0x97: {  	s1 =	rddreg [dreg:$0x11]  }
0x98: {  	[tilespmem:s1], [sflag:$0x1] =	stream.indirect_vreg.gather [hbm4b:s2+s3], $0x80, v3, vm0, $0xb8;
	[tilespmem:$0x18100] =	vst v63  }
0x99: {  	s4 =	rddreg [dreg:$0x12]  }
0x9a: {  	[tilespmem:s4], [sflag:$0x1] =	stream.indirect_vreg.gather [hbm4b:s5+s3], $0x80, v3, vm0, $0xb8;
	[tilespmem:$0x18100] =	vst v63  }
0x9b: {  	s1 =	rddreg [dreg:$0x13]  }
0x9c: {  	[tilespmem:s1], [sflag:$0x1] =	stream.indirect_vreg.gather [hbm4b:s6+s3], $0x80, v3, vm0, $0xb8;
	[tilespmem:$0x18100] =	vst v63  }
0x9d: {  	v3 =	vld [tilespmem:$0x60];
	_ =	sdelay $0x4  }
0x9e: {  	v58 =	vshrl.u32 v3, $0x3  }
0x9f: {  	v4 =	vmul.u32 $0x30, v58  }
0xa0: {  	v3 =	vand.u32 $0x7, v3  }
0xa1: {  	v3 =	vor.u32 v3, v4  }
0xa2: {  	v4 =	vperm.xlane v3, v0;
	_ =	sdelay $0x1  }
0xa3: {  	v4 =	vadd.s32 v1, v4;
	_ =	sdelay $0x3  }
0xa4: {  	s1 =	simm.s32 $0x12100;
	v3 =	vperm.xlane v3, v2  }
0xa5: {  	[tilespmem:s1], [sflag:$0x1] =	stream.indirect_vreg.gather [hbm4b:s2+s3], $0x80, v4, vm0, $0xb8;
	[tilespmem:$0x18100] =	vst v63  }
0xa6: {  	s4 =	rddreg [dreg:$0x14];
	v3 =	vadd.s32 v1, v3  }
0xa7: {  	[tilespmem:s4], [sflag:$0x1] =	stream.indirect_vreg.gather [hbm4b:s5+s3], $0x80, v4, vm0, $0xb8;
	[tilespmem:$0x18100] =	vst v63  }
0xa8: {  	s14 =	rddreg [dreg:$0x15]  }
0xa9: {  	[tilespmem:s14], [sflag:$0x1] =	stream.indirect_vreg.gather [hbm4b:s6+s3], $0x80, v4, vm0, $0xb8;
	[tilespmem:$0x18100] =	vst v63  }
0xaa: {  	s4 =	rddreg [dreg:$0x16]  }
0xab: {  	[tilespmem:s4], [sflag:$0x1] =	stream.indirect_vreg.gather [hbm4b:s2+s3], $0x80, v3, vm0, $0xb8;
	[tilespmem:$0x18100] =	vst v63  }
0xac: {  	s14 =	rddreg [dreg:$0x17]  }
0xad: {  	[tilespmem:s14], [sflag:$0x1] =	stream.indirect_vreg.gather [hbm4b:s5+s3], $0x80, v3, vm0, $0xb8;
	[tilespmem:$0x18100] =	vst v63  }
0xae: {  	s4 =	rddreg [dreg:$0x18]  }
0xaf: {  	[tilespmem:s4], [sflag:$0x1] =	stream.indirect_vreg.gather [hbm4b:s6+s3], $0x80, v3, vm0, $0xb8;
	[tilespmem:$0x18100] =	vst v63  }
0xb0: {  	v3 =	vld [tilespmem:$0x70];
	_ =	sdelay $0x4  }
0xb1: {  	v59 =	vshrl.u32 v3, $0x3  }
0xb2: {  	v4 =	vmul.u32 $0x30, v59  }
0xb3: {  	v3 =	vand.u32 $0x7, v3  }
0xb4: {  	v3 =	vor.u32 v3, v4  }
0xb5: {  	v4 =	vperm.xlane v3, v0;
	_ =	sdelay $0x1  }
0xb6: {  	v4 =	vadd.s32 v1, v4;
	_ =	sdelay $0x3  }
0xb7: {  	s4 =	rddreg [dreg:$0x19];
	v3 =	vperm.xlane v3, v2  }
0xb8: {  	[tilespmem:s4], [sflag:$0x1] =	stream.indirect_vreg.gather [hbm4b:s2+s3], $0x80, v4, vm0, $0xb8;
	[tilespmem:$0x18100] =	vst v63  }
0xb9: {  	s14 =	rddreg [dreg:$0x1a];
	v3 =	vadd.s32 v1, v3  }
0xba: {  	[tilespmem:s14], [sflag:$0x1] =	stream.indirect_vreg.gather [hbm4b:s5+s3], $0x80, v4, vm0, $0xb8;
	[tilespmem:$0x18100] =	vst v63  }
0xbb: {  	s4 =	rddreg [dreg:$0x1b]  }
0xbc: {  	[tilespmem:s4], [sflag:$0x1] =	stream.indirect_vreg.gather [hbm4b:s6+s3], $0x80, v4, vm0, $0xb8;
	[tilespmem:$0x18100] =	vst v63  }
0xbd: {  	s14 =	rddreg [dreg:$0x1c]  }
0xbe: {  	[tilespmem:s14], [sflag:$0x1] =	stream.indirect_vreg.gather [hbm4b:s2+s3], $0x80, v3, vm0, $0xb8;
	[tilespmem:$0x18100] =	vst v63  }
0xbf: {  	s4 =	rddreg [dreg:$0x1d]  }
0xc0: {  	[tilespmem:s4], [sflag:$0x1] =	stream.indirect_vreg.gather [hbm4b:s5+s3], $0x80, v3, vm0, $0xb8;
	[tilespmem:$0x18100] =	vst v63  }
0xc1: {  	s14 =	rddreg [dreg:$0x1e]  }
0xc2: {  	[tilespmem:s14], [sflag:$0x1] =	stream.indirect_vreg.gather [hbm4b:s6+s3], $0x80, v3, vm0, $0xb8;
	[tilespmem:$0x18100] =	vst v63  }
0xc3: {  	_ =	swait.ge [sflag:s12], $0x6000  }
0xc4: {  	[sflag:s12] =	ssyncset.done $0x0  }
0xc5: {  	s14 =	rddreg [dreg:$0x1f];
	[sflag:s12] =	ssyncadd.s32 $0xFFFFA000  }
0xc6: {  	[hbm4b:s14+s3] =	stream.linear.scatter [tilespmem:s21], [sflag:$0x2], $0x6000, $0x38;
	[tilespmem:$0x18100] =	vst v63  }
0xc7: {  	_ =	swait.ge [sflag:s13], $0x6000  }
0xc8: {  	[sflag:s13] =	ssyncset.done $0x0  }
0xc9: {  	[sflag:s13] =	ssyncadd.s32 $0xFFFFA000  }
0xca: {  	v3 =	vld [tilespmem:$0x80];
	_ =	sdelay $0x4  }
0xcb: {  	v60 =	vshrl.u32 v3, $0x3  }
0xcc: {  	v4 =	vmul.u32 $0x30, v60  }
0xcd: {  	v3 =	vand.u32 $0x7, v3  }
0xce: {  	v3 =	vor.u32 v3, v4  }
0xcf: {  	v4 =	vperm.xlane v3, v0;
	_ =	sdelay $0x1  }
0xd0: {  	v4 =	vadd.s32 v1, v4;
	_ =	sdelay $0x3  }
0xd1: {  	v3 =	vperm.xlane v3, v2  }
0xd2: {  	[tilespmem:s21], [sflag:$0x1] =	stream.indirect_vreg.gather [hbm4b:s2+s3], $0x80, v4, vm0, $0xb8;
	[tilespmem:$0x18100] =	vst v63  }
0xd3: {  	v3 =	vadd.s32 v1, v3  }
0xd4: {  	[tilespmem:s15], [sflag:$0x1] =	stream.indirect_vreg.gather [hbm4b:s5+s3], $0x80, v4, vm0, $0xb8;
	[tilespmem:$0x18100] =	vst v63  }
0xd5: {  	_ = 	snop  }
0xd6: {  	[tilespmem:s16], [sflag:$0x1] =	stream.indirect_vreg.gather [hbm4b:s6+s3], $0x80, v4, vm0, $0xb8;
	[tilespmem:$0x18100] =	vst v63  }
0xd7: {  	_ = 	snop  }
0xd8: {  	[tilespmem:s17], [sflag:$0x1] =	stream.indirect_vreg.gather [hbm4b:s2+s3], $0x80, v3, vm0, $0xb8;
	[tilespmem:$0x18100] =	vst v63  }
0xd9: {  	_ = 	snop  }
0xda: {  	[tilespmem:s18], [sflag:$0x1] =	stream.indirect_vreg.gather [hbm4b:s5+s3], $0x80, v3, vm0, $0xb8;
	[tilespmem:$0x18100] =	vst v63  }
0xdb: {  	_ = 	snop  }
0xdc: {  	[tilespmem:s19], [sflag:$0x1] =	stream.indirect_vreg.gather [hbm4b:s6+s3], $0x80, v3, vm0, $0xb8;
	[tilespmem:$0x18100] =	vst v63  }
0xdd: {  	v3 =	vld [tilespmem:$0x90];
	_ =	sdelay $0x4  }
0xde: {  	v61 =	vshrl.u32 v3, $0x3  }
0xdf: {  	v4 =	vmul.u32 $0x30, v61  }
0xe0: {  	v3 =	vand.u32 $0x7, v3  }
0xe1: {  	v3 =	vor.u32 v3, v4  }
0xe2: {  	v4 =	vperm.xlane v3, v0;
	_ =	sdelay $0x1  }
0xe3: {  	v4 =	vadd.s32 v1, v4;
	_ =	sdelay $0x3  }
0xe4: {  	v3 =	vperm.xlane v3, v2  }
0xe5: {  	[tilespmem:s20], [sflag:$0x1] =	stream.indirect_vreg.gather [hbm4b:s2+s3], $0x80, v4, vm0, $0xb8;
	[tilespmem:$0x18100] =	vst v63  }
0xe6: {  	v3 =	vadd.s32 v1, v3  }
0xe7: {  	[tilespmem:s22], [sflag:$0x1] =	stream.indirect_vreg.gather [hbm4b:s5+s3], $0x80, v4, vm0, $0xb8;
	[tilespmem:$0x18100] =	vst v63  }
0xe8: {  	_ = 	snop  }
0xe9: {  	[tilespmem:s23], [sflag:$0x1] =	stream.indirect_vreg.gather [hbm4b:s6+s3], $0x80, v4, vm0, $0xb8;
	[tilespmem:$0x18100] =	vst v63  }
0xea: {  	_ = 	snop  }
0xeb: {  	[tilespmem:s24], [sflag:$0x1] =	stream.indirect_vreg.gather [hbm4b:s2+s3], $0x80, v3, vm0, $0xb8;
	[tilespmem:$0x18100] =	vst v63  }
0xec: {  	_ = 	snop  }
0xed: {  	[tilespmem:s25], [sflag:$0x1] =	stream.indirect_vreg.gather [hbm4b:s5+s3], $0x80, v3, vm0, $0xb8;
	[tilespmem:$0x18100] =	vst v63  }
0xee: {  	_ = 	snop  }
0xef: {  	[tilespmem:s26], [sflag:$0x1] =	stream.indirect_vreg.gather [hbm4b:s6+s3], $0x80, v3, vm0, $0xb8;
	[tilespmem:$0x18100] =	vst v63  }
0xf0: {  	_ =	swait.ge [sflag:s12], $0x6000  }
0xf1: {  	[sflag:s12] =	ssyncset.done $0x0  }
0xf2: {  	s14 =	rddreg [dreg:$0x4];
	[sflag:s12] =	ssyncadd.s32 $0xFFFFA000  }
0xf3: {  	[hbm4b:s14+s3] =	stream.linear.scatter [tilespmem:s0], [sflag:$0x2], $0x6000, $0x38;
	[tilespmem:$0x18100] =	vst v63  }
0xf4: {  	_ =	swait.ge [sflag:s13], $0x6000  }
0xf5: {  	[sflag:s13] =	ssyncset.done $0x0  }
0xf6: {  	[sflag:s13] =	ssyncadd.s32 $0xFFFFA000  }
0xf7: {  	v3 =	vld [tilespmem:$0xA0];
	_ =	sdelay $0x4  }
0xf8: {  	v62 =	vshrl.u32 v3, $0x3  }
0xf9: {  	v4 =	vmul.u32 $0x30, v62  }
0xfa: {  	v3 =	vand.u32 $0x7, v3  }
0xfb: {  	v3 =	vor.u32 v3, v4  }
0xfc: {  	v4 =	vperm.xlane v3, v0;
	_ =	sdelay $0x1  }
0xfd: {  	v4 =	vadd.s32 v1, v4;
	_ =	sdelay $0x3  }
0xfe: {  	v3 =	vperm.xlane v3, v2  }
0xff: {  	[tilespmem:s0], [sflag:$0x1] =	stream.indirect_vreg.gather [hbm4b:s2+s3], $0x80, v4, vm0, $0xb8;
	[tilespmem:$0x18100] =	vst v63  }
0x100: {  	v3 =	vadd.s32 v1, v3  }
0x101: {  	[tilespmem:s28], [sflag:$0x1] =	stream.indirect_vreg.gather [hbm4b:s5+s3], $0x80, v4, vm0, $0xb8;
	[tilespmem:$0x18100] =	vst v63  }
0x102: {  	_ = 	snop  }
0x103: {  	[tilespmem:s29], [sflag:$0x1] =	stream.indirect_vreg.gather [hbm4b:s6+s3], $0x80, v4, vm0, $0xb8;
	[tilespmem:$0x18100] =	vst v63  }
0x104: {  	_ = 	snop  }
0x105: {  	[tilespmem:s30], [sflag:$0x1] =	stream.indirect_vreg.gather [hbm4b:s2+s3], $0x80, v3, vm0, $0xb8;
	[tilespmem:$0x18100] =	vst v63  }
0x106: {  	_ = 	snop  }
0x107: {  	[tilespmem:s31], [sflag:$0x1] =	stream.indirect_vreg.gather [hbm4b:s5+s3], $0x80, v3, vm0, $0xb8;
	[tilespmem:$0x18100] =	vst v63  }
0x108: {  	s14 =	simm.s32 $0x8900  }
0x109: {  	[tilespmem:s14], [sflag:$0x1] =	stream.indirect_vreg.gather [hbm4b:s6+s3], $0x80, v3, vm0, $0xb8;
	[tilespmem:$0x18100] =	vst v63  }
0x10a: {  	v3 =	vld [tilespmem:$0xB0];
	_ =	sdelay $0x4  }
0x10b: {  	v63 =	vshrl.u32 v3, $0x3  }
0x10c: {  	v4 =	vmul.u32 $0x30, v63  }
0x10d: {  	v3 =	vand.u32 $0x7, v3  }
0x10e: {  	v3 =	vor.u32 v3, v4  }
0x10f: {  	v4 =	vperm.xlane v3, v0;
	_ =	sdelay $0x1  }
0x110: {  	v4 =	vadd.s32 v1, v4;
	_ =	sdelay $0x3  }
0x111: {  	s14 =	simm.s32 $0x9100;
	v3 =	vperm.xlane v3, v2  }
0x112: {  	[tilespmem:s14], [sflag:$0x1] =	stream.indirect_vreg.gather [hbm4b:s2+s3], $0x80, v4, vm0, $0xb8;
	[tilespmem:$0x18100] =	vst v63  }
0x113: {  	v3 =	vadd.s32 v1, v3  }
0x114: {  	[tilespmem:s10], [sflag:$0x1] =	stream.indirect_vreg.gather [hbm4b:s5+s3], $0x80, v4, vm0, $0xb8;
	[tilespmem:$0x18100] =	vst v63  }
0x115: {  	_ = 	snop  }
0x116: {  	[tilespmem:s11], [sflag:$0x1] =	stream.indirect_vreg.gather [hbm4b:s6+s3], $0x80, v4, vm0, $0xb8;
	[tilespmem:$0x18100] =	vst v63  }
0x117: {  	s14 =	simm.s32 $0xA900  }
0x118: {  	[tilespmem:s14], [sflag:$0x1] =	stream.indirect_vreg.gather [hbm4b:s2+s3], $0x80, v3, vm0, $0xb8;
	[tilespmem:$0x18100] =	vst v63  }
0x119: {  	_ = 	snop  }
0x11a: {  	[tilespmem:s9], [sflag:$0x1] =	stream.indirect_vreg.gather [hbm4b:s5+s3], $0x80, v3, vm0, $0xb8;
	[tilespmem:$0x18100] =	vst v63  }
0x11b: {  	s14 =	simm.s32 $0xB900  }
0x11c: {  	[tilespmem:s14], [sflag:$0x1] =	stream.indirect_vreg.gather [hbm4b:s6+s3], $0x80, v3, vm0, $0xb8;
	[tilespmem:$0x18100] =	vst v63  }
0x11d: {  	_ =	swait.ge [sflag:s12], $0x6000  }
0x11e: {  	[sflag:s12] =	ssyncset.done $0x0  }
0x11f: {  	s14 =	rddreg [dreg:$0x5];
	[sflag:s12] =	ssyncadd.s32 $0xFFFFA000  }
0x120: {  	[hbm4b:s14+s3] =	stream.linear.scatter [tilespmem:s8], [sflag:$0x2], $0x6000, $0x38;
	[tilespmem:$0x18100] =	vst v63  }
0x121: {  	_ =	swait.ge [sflag:s12], $0x6000  }
0x122: {  	[sflag:s12] =	ssyncset.done $0x0  }
0x123: {  	s14 =	rddreg [dreg:$0x6];
	[sflag:s12] =	ssyncadd.s32 $0xFFFFA000  }
0x124: {  	[hbm4b:s14+s3] =	stream.linear.scatter [tilespmem:s1], [sflag:$0x2], $0x6000, $0x38;
	[tilespmem:$0x18100] =	vst v63  }
0x125: {  	_ =	swait.ge [sflag:s12], $0x6000  }
0x126: {  	[sflag:s12] =	ssyncset.done $0x0  }
0x127: {  	s1 =	rddreg [dreg:$0x7];
	[sflag:s12] =	ssyncadd.s32 $0xFFFFA000  }
0x128: {  	[hbm4b:s1+s3] =	stream.linear.scatter [tilespmem:s21], [sflag:$0x2], $0x6000, $0x38;
	[tilespmem:$0x18100] =	vst v63  }
0x129: {  	_ =	swait.ge [sflag:s12], $0x6000  }
0x12a: {  	[sflag:s12] =	ssyncset.done $0x0  }
0x12b: {  	s14 =	rddreg [dreg:$0x8];
	[sflag:s12] =	ssyncadd.s32 $0xFFFFA000  }
0x12c: {  	[hbm4b:s14+s3] =	stream.linear.scatter [tilespmem:s0], [sflag:$0x2], $0x6000, $0x38;
	[tilespmem:$0x18100] =	vst v63  }
0x12d: {  	_ =	swait.ge [sflag:s13], $0x6000  }
0x12e: {  	[sflag:s13] =	ssyncset.done $0x0  }
0x12f: {  	[sflag:s13] =	ssyncadd.s32 $0xFFFFA000  }
0x130: {  	_ =	swait.ge [sflag:s13], $0x6000  }
0x131: {  	[sflag:s13] =	ssyncset.done $0x0  }
0x132: {  	[sflag:s13] =	ssyncadd.s32 $0xFFFFA000  }
0x133: {  	p0 =	sne.s32 s7, $0x1;
	_ =	swait.ge [sflag:s13], $0x6000  }
.Ltmp0:
0x134: {  	[sflag:s13] =	ssyncset.done $0x0;
	(pc) =	sbr.rel @p0 .LBB2_1-.Ltmp0, $4  }
0x135: {  	[sflag:s13] =	ssyncadd.s32 $0xFFFFA000  }
0x136: {  	_ =	swait.ge [sflag:s13], $0x6000  }
0x137: {  	[sflag:s13] =	ssyncset.done $0x0  }
0x138: {  	s7 =	sadd.s32 $0xFFFFFFFF, s7;
	[sflag:s13] =	ssyncadd.s32 $0xFFFFA000  }
0x139: {  	_ =	sfence.sel $0x180000  }
0x13a: {  	[bflag:$0x0] =	sbarrier.arrive $0xFFFF  }
0x13b: {  	_ =	strace $0x9000004A  }
0x13c: {  	s0 =	stileid.u32;
	[bflag:$0x2] =	sbarrier.arrive $0xFFFF  }
0x13d: {  	p0 =	sne.s32 s0, $0x0;
	s0 =	rddreg [dreg:$0x2]  }
0x13e: {  	s0 =	sadd.s32 @!p0 $0x100000, s0  }
0x13f: {  	[sflag:s0] =	ssyncadd.tile.s32 @!p0 $0x1;
	_ =	shalt  }
.Lfunc_end2:
_tile_overlayer_lowered:
.L_overlay_start_2:
0x140: {  	(tag) =	ssettag $0x2  }
0x141: {  	s0 =	rddreg [dreg:$0x0];
	s2 =	stileid.u32  }
0x142: {  	s1 =	rddreg [dreg:$0x1];
	p0 =	sne.s32 s2, $0x0  }
0x143: {  	s3 =	rddreg [dreg:$0x2];
	[bflag:$0x3] =	sbarrier.arrive $0xFFFF;
	s2 =	simm.s32 @!p0 $0x1C03  }
0x144: {  	[timem:s3], [sflag:s2] =	dma.local @!p0 [hbm:s0], s1  }
0x145: {  	s0 =	simm.s32 @!p0 $0x3  }
0x146: {  	_ =	swait.ge @!p0 [sflag:s0], s1  }
0x147: {  	s1 =	ssub.s32 @!p0 $0x0, s1;
	[sflag:s0] =	ssyncset.done @!p0 $0x0  }
0x148: {  	[sflag:s0] =	ssyncadd.s32 @!p0 s1  }
0x149: {  	[bflag:$0x3] =	sbarrier.arrive $0xFFFF  }
0x14a: {  	_ =	shalt  }

// kernel: kernel.29.cloned.1.call-start
scs
__scs_entry_jumppad:
0x0: {  	(pc) =	sbr.rel $0x88, $3  }
0x1: {  	(tag) =	ssettag $0x0;
	lr =	simm.s32 $0x1  }
0x2: {  	[smem:$0x3F92] =	sst lr;
	_ =	strace $0xD0000000  }
0x3: {  	_ = 	snop  }
0x4: {  	_ = 	snop  }
0x5: {  	_ = 	snop  }
0x6: {  	_ = 	snop  }
0x7: {  	_ = 	snop  }
__scs_overlays_trampoline_lowered:
0x8: {  	[smem:$0x3FA1] =	sst s0  }
0x9: {  	[smem:$0x3FA2] =	sst s1  }
0xa: {  	[smem:$0x3FA3] =	sst s2  }
0xb: {  	[smem:$0x3FA4] =	sst s3  }
0xc: {  	[smem:$0x3FA5] =	sst s4  }
0xd: {  	[smem:$0x3FA6] =	sst s5  }
0xe: {  	[smem:$0x3FA7] =	sst s6  }
0xf: {  	[smem:$0x3FA8] =	sst s7  }
0x10: {  	[smem:$0x3FA9] =	sst s8  }
0x11: {  	[smem:$0x3FAA] =	sst s9;
	s0 =	simm.s32 @!p0 $0x0  }
0x12: {  	s1 =	sld [smem:$0x3F90];
	s0 =	simm.s32 @p0 $0x1  }
0x13: {  	[smem:$0x3FAB] =	sst s0;
	s0 =	simm.s32 @!p1 $0x0  }
0x14: {  	s2 =	sld [smem:$0x3F8F];
	s0 =	simm.s32 @p1 $0x1  }
0x15: {  	[smem:$0x3FAC] =	sst s0;
	s0 =	simm.s32 @!p2 $0x0  }
0x16: {  	s3 =	sld [smem:$0x3FDB];
	s0 =	simm.s32 @p2 $0x1  }
0x17: {  	s4 =	simm.s32 $0x1BF5;
	[smem:$0x3FAE] =	sst s0  }
0x18: {  	s0 =	sld [smem:$0x3F91];
	_ =	swait.ge [sflag:s4], $0x0  }
0x19: {  	s7 =	sld [smem:$0x3F92]  }
0x1a: {  	s8 =	sadd.s32 $0xFFFFE003, lr  }
0x1b: {  	s9 =	sadd.s32 $0xFFFFFEF7, lr;
	s5 =	simm.s32 $0xFFFFFFFF;
	p2 =	slt.u32 s8, $0xFFFFF086  }
0x1c: {  	p1 =	slt.u32 s9, $0xF7A;
	s5 =	simm.s32 @!p2 $0x0  }
0x1d: {  	s5 =	simm.s32 @p1 $0x1;
	p0 =	seq.s32 s7, s2  }
0x1e: {  	s7 =	smul.u32 @!p0 $0xF7A, s2;
	p2 =	seq.s32 @!p0 s5, $0x0  }
0x1f: {  	s9 =	smul.u32 $0xF7A, s1;
	s8 =	simm.s32 @!p0 $0x1BF5;
	p2 =	por !p2, p0  }
0x20: {  	[sflag:s8] =	ssyncset.s32 @!p0 $0xFFFFF086;
	s6 =	sadd.s32 @!p0 s3, s7;
	s7 =	simm.s32 @!p0 $0x108  }
0x21: {  	s3 =	sadd.s32 s3, s9;
	s6 =	sadd.s32 @!p0 $0x88, s6;
	s7 =	simm.s32 @p2 $0x1082  }
0x22: {  	[simem:s7], [sflag:s8] =	dma.local @!p0 [hbm:s6], $0xF7A  }
0x23: {  	s9 =	sor.u32 $0xD0000000, s2;
	s6 =	simm.s32 $0x108;
	_ =	swait.ge @!p0 [sflag:s8], $0x0  }
0x24: {  	s3 =	sadd.s32 $0x88, s3;
	s6 =	simm.s32 @!p1 $0x1082;
	[sflag:s4] =	ssyncset.s32 $0xFFFFF086  }
0x25: {  	[simem:s6], [sflag:s4] =	dma.local [hbm:s3], $0xF7A  }
0x26: {  	[smem:$0x3F92] =	sst s1;
	(tag) =	ssettag s2;
	_ =	strace s9  }
0x27: {  	s1 =	sld [smem:$0x3FA2]  }
0x28: {  	s2 =	sld [smem:$0x3FA3]  }
0x29: {  	s4 =	sld [smem:$0x3FA5]  }
0x2a: {  	p0 =	seq.s32 s5, $0x0;
	s5 =	sld [smem:$0x3FA6]  }
0x2b: {  	s6 =	sld [smem:$0x3FA7]  }
0x2c: {  	s7 =	sld [smem:$0x3FA8]  }
0x2d: {  	s3 =	simm.s32 $0x108;
	s8 =	sld [smem:$0x3FA9]  }
0x2e: {  	s3 =	simm.s32 @!p0 $0x1082;
	s9 =	sld [smem:$0x3FAA]  }
0x2f: {  	lr =	sadd.s32 s0, s3;
	s0 =	sld [smem:$0x3FA1]  }
0x30: {  	s3 =	sld [smem:$0x3FA4]  }
0x31: {  	[smem:$0x3FAD] =	sst s10  }
0x32: {  	s10 =	sld [smem:$0x3FAB];
	_ =	sdelay $0x3  }
0x33: {  	p0 =	seq.s32 s10, $0x1;
	s10 =	sld [smem:$0x3FAD];
	_ =	sdelay $0x3  }
0x34: {  	[smem:$0x3FAD] =	sst s10  }
0x35: {  	s10 =	sld [smem:$0x3FAC];
	_ =	sdelay $0x3  }
0x36: {  	p1 =	seq.s32 s10, $0x1;
	s10 =	sld [smem:$0x3FAD];
	_ =	sdelay $0x3  }
0x37: {  	[smem:$0x3FAD] =	sst s10  }
0x38: {  	s10 =	sld [smem:$0x3FAE]  }
0x39: {  	_ = 	snop;
	(pc) =	sbr.ind lr, $3  }
0x3a: {  	_ = 	snop  }
0x3b: {  	_ = 	snop  }
0x3c: {  	p2 =	seq.s32 s10, $0x1;
	s10 =	sld [smem:$0x3FAD]  }
0x3d: {  	_ =	shalt  }
0x3e: {  	_ =	shalt  }
0x3f: {  	_ =	shalt  }
0x40: {  	_ =	shalt  }
0x41: {  	_ =	shalt  }
0x42: {  	_ =	shalt  }
0x43: {  	_ =	shalt  }
0x44: {  	_ =	shalt  }
0x45: {  	_ =	shalt  }
0x46: {  	_ =	shalt  }
0x47: {  	_ =	shalt  }
0x48: {  	_ =	shalt  }
0x49: {  	_ =	shalt  }
0x4a: {  	_ =	shalt  }
0x4b: {  	_ =	shalt  }
0x4c: {  	_ =	shalt  }
0x4d: {  	_ =	shalt  }
0x4e: {  	_ =	shalt  }
0x4f: {  	_ =	shalt  }
0x50: {  	_ =	shalt  }
0x51: {  	_ =	shalt  }
0x52: {  	_ =	shalt  }
0x53: {  	_ =	shalt  }
0x54: {  	_ =	shalt  }
0x55: {  	_ =	shalt  }
0x56: {  	_ =	shalt  }
0x57: {  	_ =	shalt  }
0x58: {  	_ =	shalt  }
0x59: {  	_ =	shalt  }
0x5a: {  	_ =	shalt  }
0x5b: {  	_ =	shalt  }
0x5c: {  	_ =	shalt  }
0x5d: {  	_ =	shalt  }
0x5e: {  	_ =	shalt  }
0x5f: {  	_ =	shalt  }
0x60: {  	_ =	shalt  }
0x61: {  	_ =	shalt  }
0x62: {  	_ =	shalt  }
0x63: {  	_ =	shalt  }
0x64: {  	_ =	shalt  }
0x65: {  	_ =	shalt  }
0x66: {  	_ =	shalt  }
0x67: {  	_ =	shalt  }
0x68: {  	_ =	shalt  }
0x69: {  	_ =	shalt  }
0x6a: {  	_ =	shalt  }
0x6b: {  	_ =	shalt  }
0x6c: {  	_ =	shalt  }
0x6d: {  	_ =	shalt  }
0x6e: {  	_ =	shalt  }
0x6f: {  	_ =	shalt  }
0x70: {  	_ =	shalt  }
0x71: {  	_ =	shalt  }
0x72: {  	_ =	shalt  }
0x73: {  	_ =	shalt  }
0x74: {  	_ =	shalt  }
0x75: {  	_ =	shalt  }
0x76: {  	_ =	shalt  }
0x77: {  	_ =	shalt  }
0x78: {  	_ =	shalt  }
0x79: {  	_ =	shalt  }
0x7a: {  	_ =	shalt  }
0x7b: {  	_ =	shalt  }
0x7c: {  	_ =	shalt  }
0x7d: {  	_ =	shalt  }
0x7e: {  	_ =	shalt  }
0x7f: {  	_ =	shalt  }
0x80: {  	_ =	shalt  }
0x81: {  	_ =	shalt  }
0x82: {  	_ =	shalt  }
0x83: {  	_ =	shalt  }
0x84: {  	_ =	shalt  }
0x85: {  	_ =	shalt  }
0x86: {  	_ =	shalt  }
0x87: {  	_ =	shalt  }
.Lfunc_end0:
.L_simem_size_0:
called_computation.2_lowered:
.L_overlay_start_0:
0x88: {  	s2 =	sld [smem:$0x3FD9]  }
0x89: {  	s3 =	sld [smem:$0x3FFE];
	_ =	sdelay $0x1  }
0x8a: {  	s1 =	srdreg.scid  }
0x8b: {  	s0 =	sand.u32 $0x1, s1  }
0x8c: {  	s16 =	sshll.u32 s0, $0xA;
	s2 =	sadd.s32 s3, s2  }
0x8d: {  	s2 =	sadd.s32 s2, s16  }
0x8e: {  	[smem:$0x3FB9] =	sst s2  }
0x8f: {  	_ = 	snop  }
0x90: {  	(tm) =	ssettm $0x1  }
0x91: {  	s17 =	sld [smem:$0x3FFB];
	_ =	sdelay $0x3  }
0x92: {  	_ =	strace s17  }
0x93: {  	s2 =	sld [smem:$0x3FFC];
	_ =	sdelay $0x3  }
0x94: {  	_ =	strace s2  }
0x95: {  	s2 =	sld [smem:$0x3FFD];
	_ =	sdelay $0x3  }
0x96: {  	_ =	strace s2  }
0x97: {  	_ =	strace $0x8FFFFFFF  }
0x98: {  	s18 =	sld [smem:$0x3FDB];
	_ =	sdelay $0x1  }
0x99: {  	s19 =	simm.s32 $_scs_section_size  }
0x9a: {  	s4 =	simm.s32 $_size__tile_overlayer_lowered;
	s5 =	simm.s32 $_tile_overlayer_lowered  }
0x9b: {  	s22 =	simm.s32 $0x1BFF;
	s21 =	sshll.u32 s5, $0x1;
	s2 =	sadd.s32 s19, s18  }
0x9c: {  	s6 =	simm.s32 $0x0;
	s20 =	sshll.u32 s4, $0x1;
	s4 =	sadd.s32 s21, s2  }
0x9d: {  	[timem:s6], [sflag:s22] =	dma.local [hbm:s4], s20  }
0x9e: {  	_ =	swait.ge [sflag:s22], s20  }
0x9f: {  	s3 =	ssub.s32 $0x0, s20;
	[sflag:s22] =	ssyncset.done $0x0  }
0xa0: {  	[sflag:s22] =	ssyncadd.s32 s3;
	_ =	sdelay $0x1  }
0xa1: {  	s23 =	simm.s32 $0x1B8B  }
0xa2: {  	_ =	swait.ge [sflag:s23], $0x1  }
0xa3: {  	[sflag:s23] =	ssyncset.done $0x0  }
0xa4: {  	s25 =	simm.s32 $0x1B8E;
	s24 =	sld [smem:$0x3FFE];
	[sflag:s23] =	ssyncadd.s32 $0xFFFFFFFF  }
0xa5: {  	s26 =	simm.s32 $execute0_lowered;
	[smem:$0x3FD2] =	sst s25  }
0xa6: {  	s4 =	sshll.u32 s26, $0x1;
	_ =	strace $0x8000004C;
	[dreg:$0x1] =	wrdreg $0xFFFFFFFF  }
0xa7: {  	s28 =	simm.s32 $_size_execute0_lowered;
	s2 =	sadd.s32 s2, s4;
	[dreg:$0x0] =	wrdreg $0x0  }
0xa8: {  	s4 =	sshll.u32 s28, $0x1;
	[dreg:$0x2] =	wrdreg s2  }
0xa9: {  	[dreg:$0x3] =	wrdreg s4  }
0xaa: {  	[dreg:$0x4] =	wrdreg $0xC0  }
0xab: {  	_ =	task [dreg:s6], $0x5FFFF  }
0xac: {  	[dreg:$0x1] =	wrdreg $0xFFFFFFFF  }
0xad: {  	[dreg:$0x0] =	wrdreg $0x60  }
0xae: {  	[dreg:$0x2] =	wrdreg s24  }
0xaf: {  	[dreg:$0x3] =	wrdreg $0x9  }
0xb0: {  	_ =	task.clear_ibuf [dreg:s6], $0x4FFFF;
	_ =	strace $0x9000004C  }
0xb1: {  	s29 =	simm.s32 $0x9;
	_ =	strace $0x8000004E  }
0xb2: {  	_ =	swait.ge [sflag:s29], $0x1  }
0xb3: {  	[sflag:s29] =	ssyncadd.s32 $0xFFFFFFFF  }
0xb4: {  	_ =	strace $0x9000004E  }
0xb5: {  	_ =	sfence  }
0xb6: {  	s30 =	sld [smem:$0x0];
	_ =	sdelay $0x2  }
0xb7: {  	s31 =	sshll.u32 s1, $0xD;
	s1 =	sshrl.u32 s1, $0x2  }
0xb8: {  	s3 =	sand.u32 $0x4000, s31;
	s1 =	sadd.s32 s1, s30  }
0xb9: {  	s0 =	sor.u32 s3, s0;
	s1 =	sshll.u32 s1, $0x11  }
0xba: {  	s0 =	sor.u32 s1, s0  }
0xbb: {  	s0 =	sadd.s32 $0x8F2B, s0  }
0xbc: {  	[sflag:s0] =	ssyncadd.remote.s32 $0x1  }
0xbd: {  	_ =	sfence.sel $0xFFFF  }
0xbe: {  	[dreg:$0x0] =	wrdreg $0xFFFFFFFF;
	(pc) =	sbr.abs _section_cstart, $3  }
0xbf: {  	[dreg:$0x1] =	wrdreg $0xFFFFFFFF  }
0xc0: {  	_ =	task.clear_ibuf [dreg:s6], $0x2FFFF;
	_ =	strace $0x9FFFFFFF  }
0xc1: {  	(tm) =	ssettm $0x7FFFFFFF  }
tec
execute0_lowered:
.L_overlay_start_1:
0x0: {  	(tag) =	ssettag $0x1  }
0x1: {  	s1 =	srdreg.scid  }
0x2: {  	s0 =	stileid.u32;
	s5 =	sand.u32 $0x1, s1  }
0x3: {  	s2 =	sshll.u32 s0, $0x5;
	s3 =	sshll.u32 s5, $0x4  }
0x4: {  	s1 =	rddreg [dreg:$0x0];
	s3 =	sor.u32 s3, s2;
	s2 =	simm.s32 $0x0  }
0x5: {  	s21 =	simm.s32 $0x880;
	[smem:$0x7FF] =	sst s2  }
0x6: {  	s22 =	simm.s32 $0x1080;
	_ =	strace $0x8000004D;
	[dreg:$0x6] =	wrdreg s21  }
0x7: {  	s23 =	simm.s32 $0x1880;
	[dreg:$0x7] =	wrdreg s22  }
0x8: {  	s24 =	simm.s32 $0x2080;
	[dreg:$0x8] =	wrdreg s23  }
0x9: {  	s25 =	simm.s32 $0x2880;
	[dreg:$0x9] =	wrdreg s24  }
0xa: {  	s26 =	simm.s32 $0x3080;
	s9 =	simm.s32 $0x5880;
	[dreg:$0xa] =	wrdreg s25  }
0xb: {  	s10 =	simm.s32 $0x6880;
	s0 =	simm.s32 $0x3880;
	[dreg:$0xb] =	wrdreg s26  }
0xc: {  	s11 =	simm.s32 $0x7080;
	s12 =	simm.s32 $0x7880;
	[dreg:$0xc] =	wrdreg s0  }
0xd: {  	s13 =	simm.s32 $0x8080;
	s14 =	simm.s32 $0x8880;
	[dreg:$0x10] =	wrdreg s9  }
0xe: {  	s15 =	simm.s32 $0x9080;
	s16 =	simm.s32 $0x9880;
	[dreg:$0x11] =	wrdreg s10  }
0xf: {  	s28 =	simm.s32 $0x16880;
	s29 =	simm.s32 $0x17080;
	[dreg:$0x12] =	wrdreg s11  }
0x10: {  	s30 =	simm.s32 $0x17880;
	s31 =	simm.s32 $0x1;
	[dreg:$0x13] =	wrdreg s12  }
0x11: {  	s7 =	sadd.s32 $0x493E00, s1;
	s5 =	ssub.s32 $0x2, s5;
	[dreg:$0x14] =	wrdreg s13  }
0x12: {  	s17 =	sshrl.u32 s5, $0x1;
	s4 =	smul.u32 $0x300, s3;
	[dreg:$0x15] =	wrdreg s14  }
0x13: {  	s6 =	smul.u32 $0x1800, s3;
	s3 =	sadd.s32 s3, s1;
	[dreg:$0x16] =	wrdreg s15  }
0x14: {  	s8 =	sadd.s32 $0x1BE00, s3;
	[dreg:$0x17] =	wrdreg s16;
	s21 =	simm.s32 $0xB880  }
0x15: {  	s22 =	simm.s32 $0xC880;
	s23 =	simm.s32 $0xD080;
	s9 =	simm.s32 $0x80  }
0x16: {  	s24 =	simm.s32 $0xD880;
	s10 =	simm.s32 $0x6080;
	[dreg:$0x2] =	wrdreg s8  }
0x17: {  	s25 =	simm.s32 $0xE080;
	s11 =	simm.s32 $0xC080;
	[dreg:$0x1b] =	wrdreg s21  }
0x18: {  	s26 =	simm.s32 $0xE880;
	s13 =	simm.s32 $0xF880;
	[dreg:$0x1c] =	wrdreg s22  }
0x19: {  	s14 =	simm.s32 $0x10080;
	s15 =	simm.s32 $0x10880;
	[dreg:$0x1d] =	wrdreg s23  }
0x1a: {  	s16 =	simm.s32 $0x11080;
	s3 =	sadd.s32 s7, s4;
	[dreg:$0x1e] =	wrdreg s24  }
0x1b: {  	s18 =	sshrl.u32 s6, $0x3;
	s6 =	simm.s32 $0x4080;
	[dreg:$0x1f] =	wrdreg s25  }
0x1c: {  	s8 =	simm.s32 $0x5080;
	[smem:$0x7FD] =	sst s26;
	s21 =	simm.s32 $0x13880  }
0x1d: {  	s22 =	simm.s32 $0x14080;
	s23 =	simm.s32 $0x14880;
	s24 =	simm.s32 $0x15080  }
0x1e: {  	s25 =	simm.s32 $0x15880;
	s26 =	simm.s32 $0x16080;
	[dreg:$0xd] =	wrdreg s6  }
0x1f: {  	s19 =	sadd.s32 $0xC00, s3;
	s4 =	sadd.s32 s7, s18;
	[dreg:$0xf] =	wrdreg s8  }
0x20: {  	s7 =	simm.s32 $0x4880;
	s18 =	simm.s32 $0xA080;
	[dreg:$0x3] =	wrdreg s19  }
0x21: {  	s6 =	sadd.s32 $0x404000, s1;
	s8 =	simm.s32 $0x3;
	[dreg:$0xe] =	wrdreg s7  }
0x22: {  	s20 =	sadd.s32 $0x1800, s4;
	s4 =	sadd.s32 $0x2400, s4;
	[dreg:$0x18] =	wrdreg s18  }
0x23: {  	s7 =	ssub.s32 s5, s17;
	s19 =	simm.s32 $0xA880;
	[dreg:$0x4] =	wrdreg s20  }
0x24: {  	s5 =	sadd.s32 $0x403F00, s1;
	s17 =	simm.s32 $0x11880;
	[dreg:$0x5] =	wrdreg s4  }
0x25: {  	v2 =	vlaneseq.u32;
	s18 =	simm.s32 $0x12080;
	s4 =	sadd.s32 $0x403E00, s1;
	[dreg:$0x19] =	wrdreg s19  }
0x26: {  	vm0 =	vmmov $0xffff;
	v1 =	vshrl.u32 v2, $0x3;
	s20 =	simm.s32 $0xB080;
	s7 =	smax.u32 s7, $0x1;
	s19 =	simm.s32 $0x12880  }
0x27: {  	v0 =	vand.u32 $0x7, v2;
	v2 =	vor.u32 $0x8, v2;
	v1 =	vmul.u32 $0x8, v1;
	s1 =	simm.s32 $0x2;
	[dreg:$0x1a] =	wrdreg s20;
	s20 =	simm.s32 $0x13080  }
.LBB2_1:
0x28: {  	s0 =	rddreg [dreg:$0x2]  }
0x29: {  	[tilespmem:s2], [sflag:$0x3] =	stream.linear.gather [hbm4b:s0+s2], $0x80, $0x38;
	[tilespmem:$0x18080] =	vst v63  }
0x2a: {  	_ =	swait.ge [sflag:s8], $0x80  }
0x2b: {  	[sflag:s8] =	ssyncset.done $0x0  }
0x2c: {  	[sflag:s8] =	ssyncadd.s32 $0xFFFFFF80  }
0x2d: {  	v3 =	vld [tilespmem:$0x0];
	_ =	sdelay $0x4  }
0x2e: {  	v4 =	vshrl.u32 v3, $0x3  }
0x2f: {  	v4 =	vmul.u32 $0x30, v4  }
0x30: {  	v3 =	vand.u32 $0x7, v3  }
0x31: {  	v3 =	vor.u32 v3, v4  }
0x32: {  	v4 =	vperm.xlane v3, v0;
	_ =	sdelay $0x1  }
0x33: {  	v4 =	vadd.s32 v1, v4;
	_ =	sdelay $0x3  }
0x34: {  	v3 =	vperm.xlane v3, v2  }
0x35: {  	[tilespmem:s9], [sflag:$0x1] =	stream.indirect_vreg.gather [hbm4b:s4+s2], $0x80, v4, vm0, $0xb8;
	[tilespmem:$0x18080] =	vst v63  }
0x36: {  	s0 =	rddreg [dreg:$0x6];
	v3 =	vadd.s32 v1, v3  }
0x37: {  	[tilespmem:s0], [sflag:$0x1] =	stream.indirect_vreg.gather [hbm4b:s5+s2], $0x80, v4, vm0, $0xb8;
	[tilespmem:$0x18080] =	vst v63  }
0x38: {  	s12 =	rddreg [dreg:$0x7]  }
0x39: {  	[tilespmem:s12], [sflag:$0x1] =	stream.indirect_vreg.gather [hbm4b:s6+s2], $0x80, v4, vm0, $0xb8;
	[tilespmem:$0x18080] =	vst v63  }
0x3a: {  	s0 =	rddreg [dreg:$0x8]  }
0x3b: {  	[tilespmem:s0], [sflag:$0x1] =	stream.indirect_vreg.gather [hbm4b:s4+s2], $0x80, v3, vm0, $0xb8;
	[tilespmem:$0x18080] =	vst v63  }
0x3c: {  	s12 =	rddreg [dreg:$0x9]  }
0x3d: {  	[tilespmem:s12], [sflag:$0x1] =	stream.indirect_vreg.gather [hbm4b:s5+s2], $0x80, v3, vm0, $0xb8;
	[tilespmem:$0x18080] =	vst v63  }
0x3e: {  	s0 =	rddreg [dreg:$0xa]  }
0x3f: {  	[tilespmem:s0], [sflag:$0x1] =	stream.indirect_vreg.gather [hbm4b:s6+s2], $0x80, v3, vm0, $0xb8;
	[tilespmem:$0x18080] =	vst v63  }
0x40: {  	v3 =	vld [tilespmem:$0x10];
	_ =	sdelay $0x4  }
0x41: {  	v57 =	vshrl.u32 v3, $0x3  }
0x42: {  	v4 =	vmul.u32 $0x30, v57  }
0x43: {  	v3 =	vand.u32 $0x7, v3  }
0x44: {  	v3 =	vor.u32 v3, v4  }
0x45: {  	v4 =	vperm.xlane v3, v0;
	_ =	sdelay $0x1  }
0x46: {  	v4 =	vadd.s32 v1, v4;
	_ =	sdelay $0x3  }
0x47: {  	s0 =	rddreg [dreg:$0xb];
	v3 =	vperm.xlane v3, v2  }
0x48: {  	[tilespmem:s0], [sflag:$0x1] =	stream.indirect_vreg.gather [hbm4b:s4+s2], $0x80, v4, vm0, $0xb8;
	[tilespmem:$0x18080] =	vst v63  }
0x49: {  	s12 =	rddreg [dreg:$0xc];
	v3 =	vadd.s32 v1, v3  }
0x4a: {  	[tilespmem:s12], [sflag:$0x1] =	stream.indirect_vreg.gather [hbm4b:s5+s2], $0x80, v4, vm0, $0xb8;
	[tilespmem:$0x18080] =	vst v63  }
0x4b: {  	s0 =	rddreg [dreg:$0xd]  }
0x4c: {  	[tilespmem:s0], [sflag:$0x1] =	stream.indirect_vreg.gather [hbm4b:s6+s2], $0x80, v4, vm0, $0xb8;
	[tilespmem:$0x18080] =	vst v63  }
0x4d: {  	s12 =	rddreg [dreg:$0xe]  }
0x4e: {  	[tilespmem:s12], [sflag:$0x1] =	stream.indirect_vreg.gather [hbm4b:s4+s2], $0x80, v3, vm0, $0xb8;
	[tilespmem:$0x18080] =	vst v63  }
0x4f: {  	s0 =	rddreg [dreg:$0xf]  }
0x50: {  	[tilespmem:s0], [sflag:$0x1] =	stream.indirect_vreg.gather [hbm4b:s5+s2], $0x80, v3, vm0, $0xb8;
	[tilespmem:$0x18080] =	vst v63  }
0x51: {  	s12 =	rddreg [dreg:$0x10]  }
0x52: {  	[tilespmem:s12], [sflag:$0x1] =	stream.indirect_vreg.gather [hbm4b:s6+s2], $0x80, v3, vm0, $0xb8;
	[tilespmem:$0x18080] =	vst v63  }
0x53: {  	v3 =	vld [tilespmem:$0x20];
	_ =	sdelay $0x4  }
0x54: {  	v58 =	vshrl.u32 v3, $0x3  }
0x55: {  	v4 =	vmul.u32 $0x30, v58  }
0x56: {  	v3 =	vand.u32 $0x7, v3  }
0x57: {  	v3 =	vor.u32 v3, v4  }
0x58: {  	v4 =	vperm.xlane v3, v0;
	_ =	sdelay $0x1  }
0x59: {  	v4 =	vadd.s32 v1, v4;
	_ =	sdelay $0x3  }
0x5a: {  	v3 =	vperm.xlane v3, v2  }
0x5b: {  	[tilespmem:s10], [sflag:$0x1] =	stream.indirect_vreg.gather [hbm4b:s4+s2], $0x80, v4, vm0, $0xb8;
	[tilespmem:$0x18080] =	vst v63  }
0x5c: {  	s0 =	rddreg [dreg:$0x11];
	v3 =	vadd.s32 v1, v3  }
0x5d: {  	[tilespmem:s0], [sflag:$0x1] =	stream.indirect_vreg.gather [hbm4b:s5+s2], $0x80, v4, vm0, $0xb8;
	[tilespmem:$0x18080] =	vst v63  }
0x5e: {  	s12 =	rddreg [dreg:$0x12]  }
0x5f: {  	[tilespmem:s12], [sflag:$0x1] =	stream.indirect_vreg.gather [hbm4b:s6+s2], $0x80, v4, vm0, $0xb8;
	[tilespmem:$0x18080] =	vst v63  }
0x60: {  	s0 =	rddreg [dreg:$0x13]  }
0x61: {  	[tilespmem:s0], [sflag:$0x1] =	stream.indirect_vreg.gather [hbm4b:s4+s2], $0x80, v3, vm0, $0xb8;
	[tilespmem:$0x18080] =	vst v63  }
0x62: {  	s12 =	rddreg [dreg:$0x14]  }
0x63: {  	[tilespmem:s12], [sflag:$0x1] =	stream.indirect_vreg.gather [hbm4b:s5+s2], $0x80, v3, vm0, $0xb8;
	[tilespmem:$0x18080] =	vst v63  }
0x64: {  	s0 =	rddreg [dreg:$0x15]  }
0x65: {  	[tilespmem:s0], [sflag:$0x1] =	stream.indirect_vreg.gather [hbm4b:s6+s2], $0x80, v3, vm0, $0xb8;
	[tilespmem:$0x18080] =	vst v63  }
0x66: {  	v3 =	vld [tilespmem:$0x30];
	_ =	sdelay $0x4  }
0x67: {  	v59 =	vshrl.u32 v3, $0x3  }
0x68: {  	v4 =	vmul.u32 $0x30, v59  }
0x69: {  	v3 =	vand.u32 $0x7, v3  }
0x6a: {  	v3 =	vor.u32 v3, v4  }
0x6b: {  	v4 =	vperm.xlane v3, v0;
	_ =	sdelay $0x1  }
0x6c: {  	v4 =	vadd.s32 v1, v4;
	_ =	sdelay $0x3  }
0x6d: {  	s0 =	rddreg [dreg:$0x16];
	v3 =	vperm.xlane v3, v2  }
0x6e: {  	[tilespmem:s0], [sflag:$0x1] =	stream.indirect_vreg.gather [hbm4b:s4+s2], $0x80, v4, vm0, $0xb8;
	[tilespmem:$0x18080] =	vst v63  }
0x6f: {  	s12 =	rddreg [dreg:$0x17];
	v3 =	vadd.s32 v1, v3  }
0x70: {  	[tilespmem:s12], [sflag:$0x1] =	stream.indirect_vreg.gather [hbm4b:s5+s2], $0x80, v4, vm0, $0xb8;
	[tilespmem:$0x18080] =	vst v63  }
0x71: {  	s0 =	rddreg [dreg:$0x18]  }
0x72: {  	[tilespmem:s0], [sflag:$0x1] =	stream.indirect_vreg.gather [hbm4b:s6+s2], $0x80, v4, vm0, $0xb8;
	[tilespmem:$0x18080] =	vst v63  }
0x73: {  	s12 =	rddreg [dreg:$0x19]  }
0x74: {  	[tilespmem:s12], [sflag:$0x1] =	stream.indirect_vreg.gather [hbm4b:s4+s2], $0x80, v3, vm0, $0xb8;
	[tilespmem:$0x18080] =	vst v63  }
0x75: {  	s0 =	rddreg [dreg:$0x1a]  }
0x76: {  	[tilespmem:s0], [sflag:$0x1] =	stream.indirect_vreg.gather [hbm4b:s5+s2], $0x80, v3, vm0, $0xb8;
	[tilespmem:$0x18080] =	vst v63  }
0x77: {  	s12 =	rddreg [dreg:$0x1b]  }
0x78: {  	[tilespmem:s12], [sflag:$0x1] =	stream.indirect_vreg.gather [hbm4b:s6+s2], $0x80, v3, vm0, $0xb8;
	[tilespmem:$0x18080] =	vst v63  }
0x79: {  	v3 =	vld [tilespmem:$0x40];
	_ =	sdelay $0x4  }
0x7a: {  	v60 =	vshrl.u32 v3, $0x3  }
0x7b: {  	v4 =	vmul.u32 $0x30, v60  }
0x7c: {  	v3 =	vand.u32 $0x7, v3  }
0x7d: {  	v3 =	vor.u32 v3, v4  }
0x7e: {  	v4 =	vperm.xlane v3, v0;
	_ =	sdelay $0x1  }
0x7f: {  	v4 =	vadd.s32 v1, v4;
	_ =	sdelay $0x3  }
0x80: {  	s0 =	rddreg [dreg:$0x1c];
	v3 =	vperm.xlane v3, v2  }
0x81: {  	[tilespmem:s11], [sflag:$0x1] =	stream.indirect_vreg.gather [hbm4b:s4+s2], $0x80, v4, vm0, $0xb8;
	[tilespmem:$0x18080] =	vst v63  }
0x82: {  	s12 =	rddreg [dreg:$0x1d];
	v3 =	vadd.s32 v1, v3  }
0x83: {  	[tilespmem:s0], [sflag:$0x1] =	stream.indirect_vreg.gather [hbm4b:s5+s2], $0x80, v4, vm0, $0xb8;
	[tilespmem:$0x18080] =	vst v63  }
0x84: {  	s0 =	rddreg [dreg:$0x1e]  }
0x85: {  	[tilespmem:s12], [sflag:$0x1] =	stream.indirect_vreg.gather [hbm4b:s6+s2], $0x80, v4, vm0, $0xb8;
	[tilespmem:$0x18080] =	vst v63  }
0x86: {  	s12 =	rddreg [dreg:$0x1f]  }
0x87: {  	[tilespmem:s0], [sflag:$0x1] =	stream.indirect_vreg.gather [hbm4b:s4+s2], $0x80, v3, vm0, $0xb8;
	[tilespmem:$0x18080] =	vst v63  }
0x88: {  	s0 =	sld [smem:$0x7FD]  }
0x89: {  	[tilespmem:s12], [sflag:$0x1] =	stream.indirect_vreg.gather [hbm4b:s5+s2], $0x80, v3, vm0, $0xb8;
	[tilespmem:$0x18080] =	vst v63  }
0x8a: {  	_ = 	snop  }
0x8b: {  	[tilespmem:s0], [sflag:$0x1] =	stream.indirect_vreg.gather [hbm4b:s6+s2], $0x80, v3, vm0, $0xb8;
	[tilespmem:$0x18080] =	vst v63  }
0x8c: {  	v3 =	vld [tilespmem:$0x50];
	_ =	sdelay $0x4  }
0x8d: {  	v61 =	vshrl.u32 v3, $0x3  }
0x8e: {  	v4 =	vmul.u32 $0x30, v61  }
0x8f: {  	v3 =	vand.u32 $0x7, v3  }
0x90: {  	v3 =	vor.u32 v3, v4  }
0x91: {  	v4 =	vperm.xlane v3, v0;
	_ =	sdelay $0x1  }
0x92: {  	v4 =	vadd.s32 v1, v4;
	_ =	sdelay $0x3  }
0x93: {  	s12 =	simm.s32 $0xF080;
	v3 =	vperm.xlane v3, v2  }
0x94: {  	[tilespmem:s12], [sflag:$0x1] =	stream.indirect_vreg.gather [hbm4b:s4+s2], $0x80, v4, vm0, $0xb8;
	[tilespmem:$0x18080] =	vst v63  }
0x95: {  	v3 =	vadd.s32 v1, v3  }
0x96: {  	[tilespmem:s13], [sflag:$0x1] =	stream.indirect_vreg.gather [hbm4b:s5+s2], $0x80, v4, vm0, $0xb8;
	[tilespmem:$0x18080] =	vst v63  }
0x97: {  	_ = 	snop  }
0x98: {  	[tilespmem:s14], [sflag:$0x1] =	stream.indirect_vreg.gather [hbm4b:s6+s2], $0x80, v4, vm0, $0xb8;
	[tilespmem:$0x18080] =	vst v63  }
0x99: {  	_ = 	snop  }
0x9a: {  	[tilespmem:s15], [sflag:$0x1] =	stream.indirect_vreg.gather [hbm4b:s4+s2], $0x80, v3, vm0, $0xb8;
	[tilespmem:$0x18080] =	vst v63  }
0x9b: {  	_ = 	snop  }
0x9c: {  	[tilespmem:s16], [sflag:$0x1] =	stream.indirect_vreg.gather [hbm4b:s5+s2], $0x80, v3, vm0, $0xb8;
	[tilespmem:$0x18080] =	vst v63  }
0x9d: {  	_ = 	snop  }
0x9e: {  	[tilespmem:s17], [sflag:$0x1] =	stream.indirect_vreg.gather [hbm4b:s6+s2], $0x80, v3, vm0, $0xb8;
	[tilespmem:$0x18080] =	vst v63  }
0x9f: {  	v3 =	vld [tilespmem:$0x60];
	_ =	sdelay $0x4  }
0xa0: {  	v62 =	vshrl.u32 v3, $0x3  }
0xa1: {  	v4 =	vmul.u32 $0x30, v62  }
0xa2: {  	v3 =	vand.u32 $0x7, v3  }
0xa3: {  	v3 =	vor.u32 v3, v4  }
0xa4: {  	v4 =	vperm.xlane v3, v0;
	_ =	sdelay $0x1  }
0xa5: {  	v4 =	vadd.s32 v1, v4;
	_ =	sdelay $0x3  }
0xa6: {  	v3 =	vperm.xlane v3, v2  }
0xa7: {  	[tilespmem:s18], [sflag:$0x1] =	stream.indirect_vreg.gather [hbm4b:s4+s2], $0x80, v4, vm0, $0xb8;
	[tilespmem:$0x18080] =	vst v63  }
0xa8: {  	v3 =	vadd.s32 v1, v3  }
0xa9: {  	[tilespmem:s19], [sflag:$0x1] =	stream.indirect_vreg.gather [hbm4b:s5+s2], $0x80, v4, vm0, $0xb8;
	[tilespmem:$0x18080] =	vst v63  }
0xaa: {  	_ = 	snop  }
0xab: {  	[tilespmem:s20], [sflag:$0x1] =	stream.indirect_vreg.gather [hbm4b:s6+s2], $0x80, v4, vm0, $0xb8;
	[tilespmem:$0x18080] =	vst v63  }
0xac: {  	_ = 	snop  }
0xad: {  	[tilespmem:s21], [sflag:$0x1] =	stream.indirect_vreg.gather [hbm4b:s4+s2], $0x80, v3, vm0, $0xb8;
	[tilespmem:$0x18080] =	vst v63  }
0xae: {  	_ = 	snop  }
0xaf: {  	[tilespmem:s22], [sflag:$0x1] =	stream.indirect_vreg.gather [hbm4b:s5+s2], $0x80, v3, vm0, $0xb8;
	[tilespmem:$0x18080] =	vst v63  }
0xb0: {  	_ = 	snop  }
0xb1: {  	[tilespmem:s23], [sflag:$0x1] =	stream.indirect_vreg.gather [hbm4b:s6+s2], $0x80, v3, vm0, $0xb8;
	[tilespmem:$0x18080] =	vst v63  }
0xb2: {  	v3 =	vld [tilespmem:$0x70];
	_ =	sdelay $0x4  }
0xb3: {  	v63 =	vshrl.u32 v3, $0x3  }
0xb4: {  	v4 =	vmul.u32 $0x30, v63  }
0xb5: {  	v3 =	vand.u32 $0x7, v3  }
0xb6: {  	v3 =	vor.u32 v3, v4  }
0xb7: {  	v4 =	vperm.xlane v3, v0;
	_ =	sdelay $0x1  }
0xb8: {  	v4 =	vadd.s32 v1, v4;
	_ =	sdelay $0x3  }
0xb9: {  	v3 =	vperm.xlane v3, v2  }
0xba: {  	[tilespmem:s24], [sflag:$0x1] =	stream.indirect_vreg.gather [hbm4b:s4+s2], $0x80, v4, vm0, $0xb8;
	[tilespmem:$0x18080] =	vst v63  }
0xbb: {  	v3 =	vadd.s32 v1, v3  }
0xbc: {  	[tilespmem:s25], [sflag:$0x1] =	stream.indirect_vreg.gather [hbm4b:s5+s2], $0x80, v4, vm0, $0xb8;
	[tilespmem:$0x18080] =	vst v63  }
0xbd: {  	_ = 	snop  }
0xbe: {  	[tilespmem:s26], [sflag:$0x1] =	stream.indirect_vreg.gather [hbm4b:s6+s2], $0x80, v4, vm0, $0xb8;
	[tilespmem:$0x18080] =	vst v63  }
0xbf: {  	_ = 	snop  }
0xc0: {  	[tilespmem:s28], [sflag:$0x1] =	stream.indirect_vreg.gather [hbm4b:s4+s2], $0x80, v3, vm0, $0xb8;
	[tilespmem:$0x18080] =	vst v63  }
0xc1: {  	_ = 	snop  }
0xc2: {  	[tilespmem:s29], [sflag:$0x1] =	stream.indirect_vreg.gather [hbm4b:s5+s2], $0x80, v3, vm0, $0xb8;
	[tilespmem:$0x18080] =	vst v63  }
0xc3: {  	_ = 	snop  }
0xc4: {  	[tilespmem:s30], [sflag:$0x1] =	stream.indirect_vreg.gather [hbm4b:s6+s2], $0x80, v3, vm0, $0xb8;
	[tilespmem:$0x18080] =	vst v63  }
0xc5: {  	_ =	swait.ge [sflag:s31], $0x6000  }
0xc6: {  	[sflag:s31] =	ssyncset.done $0x0  }
0xc7: {  	[sflag:s31] =	ssyncadd.s32 $0xFFFFA000  }
0xc8: {  	[hbm4b:s3+s2] =	stream.linear.scatter [tilespmem:s9], [sflag:$0x2], $0x6000, $0x38;
	[tilespmem:$0x18080] =	vst v63  }
0xc9: {  	_ =	swait.ge [sflag:s31], $0x6000  }
0xca: {  	[sflag:s31] =	ssyncset.done $0x0  }
0xcb: {  	s12 =	rddreg [dreg:$0x3];
	[sflag:s31] =	ssyncadd.s32 $0xFFFFA000  }
0xcc: {  	[hbm4b:s12+s2] =	stream.linear.scatter [tilespmem:s10], [sflag:$0x2], $0x6000, $0x38;
	[tilespmem:$0x18080] =	vst v63  }
0xcd: {  	_ =	swait.ge [sflag:s31], $0x6000  }
0xce: {  	[sflag:s31] =	ssyncset.done $0x0  }
0xcf: {  	s12 =	rddreg [dreg:$0x4];
	[sflag:s31] =	ssyncadd.s32 $0xFFFFA000  }
0xd0: {  	[hbm4b:s12+s2] =	stream.linear.scatter [tilespmem:s11], [sflag:$0x2], $0x6000, $0x38;
	[tilespmem:$0x18080] =	vst v63  }
0xd1: {  	_ =	swait.ge [sflag:s31], $0x6000  }
0xd2: {  	[sflag:s31] =	ssyncset.done $0x0  }
0xd3: {  	s12 =	rddreg [dreg:$0x5];
	[sflag:s31] =	ssyncadd.s32 $0xFFFFA000  }
0xd4: {  	[hbm4b:s12+s2] =	stream.linear.scatter [tilespmem:s18], [sflag:$0x2], $0x6000, $0x38;
	[tilespmem:$0x18080] =	vst v63  }
0xd5: {  	_ =	swait.ge [sflag:s1], $0x6000  }
0xd6: {  	[sflag:s1] =	ssyncset.done $0x0  }
0xd7: {  	[sflag:s1] =	ssyncadd.s32 $0xFFFFA000  }
0xd8: {  	_ =	swait.ge [sflag:s1], $0x6000  }
0xd9: {  	[sflag:s1] =	ssyncset.done $0x0  }
0xda: {  	[sflag:s1] =	ssyncadd.s32 $0xFFFFA000  }
0xdb: {  	p0 =	sne.s32 s7, $0x1;
	_ =	swait.ge [sflag:s1], $0x6000  }
.Ltmp0:
0xdc: {  	[sflag:s1] =	ssyncset.done $0x0;
	(pc) =	sbr.rel @p0 .LBB2_1-.Ltmp0, $4  }
0xdd: {  	[sflag:s1] =	ssyncadd.s32 $0xFFFFA000  }
0xde: {  	_ =	swait.ge [sflag:s1], $0x6000  }
0xdf: {  	[sflag:s1] =	ssyncset.done $0x0  }
0xe0: {  	s7 =	sadd.s32 $0xFFFFFFFF, s7;
	[sflag:s1] =	ssyncadd.s32 $0xFFFFA000  }
0xe1: {  	_ =	sfence.sel $0x180000  }
0xe2: {  	[bflag:$0x0] =	sbarrier.arrive $0xFFFF  }
0xe3: {  	_ =	strace $0x9000004D  }
0xe4: {  	s0 =	stileid.u32;
	[bflag:$0x2] =	sbarrier.arrive $0xFFFF  }
0xe5: {  	p0 =	sne.s32 s0, $0x0;
	s0 =	rddreg [dreg:$0x1]  }
0xe6: {  	s0 =	sadd.s32 @!p0 $0x100000, s0  }
0xe7: {  	[sflag:s0] =	ssyncadd.tile.s32 @!p0 $0x1;
	_ =	shalt  }
.Lfunc_end2:
_tile_overlayer_lowered:
.L_overlay_start_2:
0xe8: {  	(tag) =	ssettag $0x2  }
0xe9: {  	s0 =	rddreg [dreg:$0x0];
	s2 =	stileid.u32  }
0xea: {  	s1 =	rddreg [dreg:$0x1];
	p0 =	sne.s32 s2, $0x0  }
0xeb: {  	s3 =	rddreg [dreg:$0x2];
	[bflag:$0x3] =	sbarrier.arrive $0xFFFF;
	s2 =	simm.s32 @!p0 $0x1C03  }
0xec: {  	[timem:s3], [sflag:s2] =	dma.local @!p0 [hbm:s0], s1  }
0xed: {  	s0 =	simm.s32 @!p0 $0x3  }
0xee: {  	_ =	swait.ge @!p0 [sflag:s0], s1  }
0xef: {  	s1 =	ssub.s32 @!p0 $0x0, s1;
	[sflag:s0] =	ssyncset.done @!p0 $0x0  }
0xf0: {  	[sflag:s0] =	ssyncadd.s32 @!p0 s1  }
0xf1: {  	[bflag:$0x3] =	sbarrier.arrive $0xFFFF  }
0xf2: {  	_ =	shalt  }

// kernel: kernel.32.cloned.1.call-start
scs
__scs_entry_jumppad:
0x0: {  	(pc) =	sbr.rel $0x88, $3  }
0x1: {  	(tag) =	ssettag $0x0;
	lr =	simm.s32 $0x1  }
0x2: {  	[smem:$0x3F92] =	sst lr;
	_ =	strace $0xD0000000  }
0x3: {  	_ = 	snop  }
0x4: {  	_ = 	snop  }
0x5: {  	_ = 	snop  }
0x6: {  	_ = 	snop  }
0x7: {  	_ = 	snop  }
__scs_overlays_trampoline_lowered:
0x8: {  	[smem:$0x3FA1] =	sst s0  }
0x9: {  	[smem:$0x3FA2] =	sst s1  }
0xa: {  	[smem:$0x3FA3] =	sst s2  }
0xb: {  	[smem:$0x3FA4] =	sst s3  }
0xc: {  	[smem:$0x3FA5] =	sst s4  }
0xd: {  	[smem:$0x3FA6] =	sst s5  }
0xe: {  	[smem:$0x3FA7] =	sst s6  }
0xf: {  	[smem:$0x3FA8] =	sst s7  }
0x10: {  	[smem:$0x3FA9] =	sst s8  }
0x11: {  	[smem:$0x3FAA] =	sst s9;
	s0 =	simm.s32 @!p0 $0x0  }
0x12: {  	s1 =	sld [smem:$0x3F90];
	s0 =	simm.s32 @p0 $0x1  }
0x13: {  	[smem:$0x3FAB] =	sst s0;
	s0 =	simm.s32 @!p1 $0x0  }
0x14: {  	s2 =	sld [smem:$0x3F8F];
	s0 =	simm.s32 @p1 $0x1  }
0x15: {  	[smem:$0x3FAC] =	sst s0;
	s0 =	simm.s32 @!p2 $0x0  }
0x16: {  	s3 =	sld [smem:$0x3FDB];
	s0 =	simm.s32 @p2 $0x1  }
0x17: {  	s4 =	simm.s32 $0x1BF5;
	[smem:$0x3FAE] =	sst s0  }
0x18: {  	s0 =	sld [smem:$0x3F91];
	_ =	swait.ge [sflag:s4], $0x0  }
0x19: {  	s7 =	sld [smem:$0x3F92]  }
0x1a: {  	s8 =	sadd.s32 $0xFFFFE003, lr  }
0x1b: {  	s9 =	sadd.s32 $0xFFFFFEF7, lr;
	s5 =	simm.s32 $0xFFFFFFFF;
	p2 =	slt.u32 s8, $0xFFFFF086  }
0x1c: {  	p1 =	slt.u32 s9, $0xF7A;
	s5 =	simm.s32 @!p2 $0x0  }
0x1d: {  	s5 =	simm.s32 @p1 $0x1;
	p0 =	seq.s32 s7, s2  }
0x1e: {  	s7 =	smul.u32 @!p0 $0xF7A, s2;
	p2 =	seq.s32 @!p0 s5, $0x0  }
0x1f: {  	s9 =	smul.u32 $0xF7A, s1;
	s8 =	simm.s32 @!p0 $0x1BF5;
	p2 =	por !p2, p0  }
0x20: {  	[sflag:s8] =	ssyncset.s32 @!p0 $0xFFFFF086;
	s6 =	sadd.s32 @!p0 s3, s7;
	s7 =	simm.s32 @!p0 $0x108  }
0x21: {  	s3 =	sadd.s32 s3, s9;
	s6 =	sadd.s32 @!p0 $0x88, s6;
	s7 =	simm.s32 @p2 $0x1082  }
0x22: {  	[simem:s7], [sflag:s8] =	dma.local @!p0 [hbm:s6], $0xF7A  }
0x23: {  	s9 =	sor.u32 $0xD0000000, s2;
	s6 =	simm.s32 $0x108;
	_ =	swait.ge @!p0 [sflag:s8], $0x0  }
0x24: {  	s3 =	sadd.s32 $0x88, s3;
	s6 =	simm.s32 @!p1 $0x1082;
	[sflag:s4] =	ssyncset.s32 $0xFFFFF086  }
0x25: {  	[simem:s6], [sflag:s4] =	dma.local [hbm:s3], $0xF7A  }
0x26: {  	[smem:$0x3F92] =	sst s1;
	(tag) =	ssettag s2;
	_ =	strace s9  }
0x27: {  	s1 =	sld [smem:$0x3FA2]  }
0x28: {  	s2 =	sld [smem:$0x3FA3]  }
0x29: {  	s4 =	sld [smem:$0x3FA5]  }
0x2a: {  	p0 =	seq.s32 s5, $0x0;
	s5 =	sld [smem:$0x3FA6]  }
0x2b: {  	s6 =	sld [smem:$0x3FA7]  }
0x2c: {  	s7 =	sld [smem:$0x3FA8]  }
0x2d: {  	s3 =	simm.s32 $0x108;
	s8 =	sld [smem:$0x3FA9]  }
0x2e: {  	s3 =	simm.s32 @!p0 $0x1082;
	s9 =	sld [smem:$0x3FAA]  }
0x2f: {  	lr =	sadd.s32 s0, s3;
	s0 =	sld [smem:$0x3FA1]  }
0x30: {  	s3 =	sld [smem:$0x3FA4]  }
0x31: {  	[smem:$0x3FAD] =	sst s10  }
0x32: {  	s10 =	sld [smem:$0x3FAB];
	_ =	sdelay $0x3  }
0x33: {  	p0 =	seq.s32 s10, $0x1;
	s10 =	sld [smem:$0x3FAD];
	_ =	sdelay $0x3  }
0x34: {  	[smem:$0x3FAD] =	sst s10  }
0x35: {  	s10 =	sld [smem:$0x3FAC];
	_ =	sdelay $0x3  }
0x36: {  	p1 =	seq.s32 s10, $0x1;
	s10 =	sld [smem:$0x3FAD];
	_ =	sdelay $0x3  }
0x37: {  	[smem:$0x3FAD] =	sst s10  }
0x38: {  	s10 =	sld [smem:$0x3FAE]  }
0x39: {  	_ = 	snop;
	(pc) =	sbr.ind lr, $3  }
0x3a: {  	_ = 	snop  }
0x3b: {  	_ = 	snop  }
0x3c: {  	p2 =	seq.s32 s10, $0x1;
	s10 =	sld [smem:$0x3FAD]  }
0x3d: {  	_ =	shalt  }
0x3e: {  	_ =	shalt  }
0x3f: {  	_ =	shalt  }
0x40: {  	_ =	shalt  }
0x41: {  	_ =	shalt  }
0x42: {  	_ =	shalt  }
0x43: {  	_ =	shalt  }
0x44: {  	_ =	shalt  }
0x45: {  	_ =	shalt  }
0x46: {  	_ =	shalt  }
0x47: {  	_ =	shalt  }
0x48: {  	_ =	shalt  }
0x49: {  	_ =	shalt  }
0x4a: {  	_ =	shalt  }
0x4b: {  	_ =	shalt  }
0x4c: {  	_ =	shalt  }
0x4d: {  	_ =	shalt  }
0x4e: {  	_ =	shalt  }
0x4f: {  	_ =	shalt  }
0x50: {  	_ =	shalt  }
0x51: {  	_ =	shalt  }
0x52: {  	_ =	shalt  }
0x53: {  	_ =	shalt  }
0x54: {  	_ =	shalt  }
0x55: {  	_ =	shalt  }
0x56: {  	_ =	shalt  }
0x57: {  	_ =	shalt  }
0x58: {  	_ =	shalt  }
0x59: {  	_ =	shalt  }
0x5a: {  	_ =	shalt  }
0x5b: {  	_ =	shalt  }
0x5c: {  	_ =	shalt  }
0x5d: {  	_ =	shalt  }
0x5e: {  	_ =	shalt  }
0x5f: {  	_ =	shalt  }
0x60: {  	_ =	shalt  }
0x61: {  	_ =	shalt  }
0x62: {  	_ =	shalt  }
0x63: {  	_ =	shalt  }
0x64: {  	_ =	shalt  }
0x65: {  	_ =	shalt  }
0x66: {  	_ =	shalt  }
0x67: {  	_ =	shalt  }
0x68: {  	_ =	shalt  }
0x69: {  	_ =	shalt  }
0x6a: {  	_ =	shalt  }
0x6b: {  	_ =	shalt  }
0x6c: {  	_ =	shalt  }
0x6d: {  	_ =	shalt  }
0x6e: {  	_ =	shalt  }
0x6f: {  	_ =	shalt  }
0x70: {  	_ =	shalt  }
0x71: {  	_ =	shalt  }
0x72: {  	_ =	shalt  }
0x73: {  	_ =	shalt  }
0x74: {  	_ =	shalt  }
0x75: {  	_ =	shalt  }
0x76: {  	_ =	shalt  }
0x77: {  	_ =	shalt  }
0x78: {  	_ =	shalt  }
0x79: {  	_ =	shalt  }
0x7a: {  	_ =	shalt  }
0x7b: {  	_ =	shalt  }
0x7c: {  	_ =	shalt  }
0x7d: {  	_ =	shalt  }
0x7e: {  	_ =	shalt  }
0x7f: {  	_ =	shalt  }
0x80: {  	_ =	shalt  }
0x81: {  	_ =	shalt  }
0x82: {  	_ =	shalt  }
0x83: {  	_ =	shalt  }
0x84: {  	_ =	shalt  }
0x85: {  	_ =	shalt  }
0x86: {  	_ =	shalt  }
0x87: {  	_ =	shalt  }
.Lfunc_end0:
.L_simem_size_0:
called_computation.3_lowered:
.L_overlay_start_0:
0x88: {  	s2 =	sld [smem:$0x3FD9]  }
0x89: {  	s3 =	sld [smem:$0x3FFE];
	_ =	sdelay $0x1  }
0x8a: {  	s1 =	srdreg.scid  }
0x8b: {  	s0 =	sand.u32 $0x1, s1  }
0x8c: {  	s14 =	sshll.u32 s0, $0xA;
	s2 =	sadd.s32 s3, s2  }
0x8d: {  	s2 =	sadd.s32 s2, s14  }
0x8e: {  	[smem:$0x3FB9] =	sst s2  }
0x8f: {  	_ = 	snop  }
0x90: {  	s2 =	sld [smem:$0x3FD0];
	_ =	sdelay $0x2  }
0x91: {  	s15 =	simm.s32 $0xA;
	s4 =	simm.s32 $0x10  }
0x92: {  	[smem:s4], [sflag:s15] =	dma.local [hbm:s2], $0x1  }
0x93: {  	_ =	swait.eq [sflag:s15], $0x1  }
0x94: {  	[sflag:s15] =	ssyncset.done $0x0  }
0x95: {  	[sflag:s15] =	ssyncadd.s32 $0xFFFFFFFF  }
0x96: {  	s16 =	sld [smem:$0x11];
	(tm) =	ssettm $0x1  }
0x97: {  	s17 =	sld [smem:$0x3FFB];
	_ =	sdelay $0x3  }
0x98: {  	_ =	strace s17  }
0x99: {  	s3 =	sld [smem:$0x3FFC];
	_ =	sdelay $0x3  }
0x9a: {  	_ =	strace s3  }
0x9b: {  	s3 =	sld [smem:$0x3FFD];
	_ =	sdelay $0x3  }
0x9c: {  	_ =	strace s3  }
0x9d: {  	_ =	strace $0x8FFFFFFF  }
0x9e: {  	s18 =	sld [smem:$0x3FDB];
	_ =	sdelay $0x1  }
0x9f: {  	s19 =	simm.s32 $_scs_section_size  }
0xa0: {  	s5 =	simm.s32 $_size__tile_overlayer_lowered;
	s6 =	simm.s32 $_tile_overlayer_lowered  }
0xa1: {  	s22 =	simm.s32 $0x1BFF;
	s21 =	sshll.u32 s6, $0x1;
	s3 =	sadd.s32 s19, s18  }
0xa2: {  	s7 =	simm.s32 $0x0;
	s20 =	sshll.u32 s5, $0x1;
	s5 =	sadd.s32 s21, s3  }
0xa3: {  	[timem:s7], [sflag:s22] =	dma.local [hbm:s5], s20  }
0xa4: {  	_ =	swait.ge [sflag:s22], s20  }
0xa5: {  	s4 =	ssub.s32 $0x0, s20;
	[sflag:s22] =	ssyncset.done $0x0  }
0xa6: {  	[sflag:s22] =	ssyncadd.s32 s4;
	_ =	sdelay $0x1  }
0xa7: {  	s23 =	simm.s32 $0x1B8B  }
0xa8: {  	_ =	swait.ge [sflag:s23], $0x1  }
0xa9: {  	[sflag:s23] =	ssyncset.done $0x0  }
0xaa: {  	s25 =	simm.s32 $0x1B8E;
	s24 =	sld [smem:$0x3FFE];
	[sflag:s23] =	ssyncadd.s32 $0xFFFFFFFF  }
0xab: {  	s26 =	simm.s32 $execute0_lowered;
	[smem:$0x3FD2] =	sst s25  }
0xac: {  	s5 =	sshll.u32 s26, $0x1;
	_ =	strace $0x8000004F;
	[dreg:$0x1] =	wrdreg $0xFFFFFFFF  }
0xad: {  	s28 =	simm.s32 $_size_execute0_lowered;
	s3 =	sadd.s32 s3, s5;
	[dreg:$0x0] =	wrdreg $0x0  }
0xae: {  	s5 =	sshll.u32 s28, $0x1;
	[dreg:$0x2] =	wrdreg s3  }
0xaf: {  	[dreg:$0x3] =	wrdreg s5  }
0xb0: {  	[dreg:$0x4] =	wrdreg $0xC0  }
0xb1: {  	_ =	task [dreg:s7], $0x5FFFF  }
0xb2: {  	[dreg:$0x1] =	wrdreg $0xFFFFFFFF  }
0xb3: {  	[dreg:$0x0] =	wrdreg $0x60  }
0xb4: {  	[dreg:$0x2] =	wrdreg s24  }
0xb5: {  	[dreg:$0x3] =	wrdreg s16  }
0xb6: {  	[dreg:$0x4] =	wrdreg $0x9  }
0xb7: {  	_ =	task.clear_ibuf [dreg:s7], $0x5FFFF;
	_ =	strace $0x9000004F  }
0xb8: {  	s29 =	simm.s32 $0x9;
	_ =	strace $0x80000051  }
0xb9: {  	_ =	swait.ge [sflag:s29], $0x1  }
0xba: {  	[sflag:s29] =	ssyncadd.s32 $0xFFFFFFFF  }
0xbb: {  	_ =	strace $0x90000051  }
0xbc: {  	_ =	sfence  }
0xbd: {  	s30 =	sld [smem:$0x0];
	_ =	sdelay $0x2  }
0xbe: {  	s31 =	sshll.u32 s1, $0xD;
	s1 =	sshrl.u32 s1, $0x2  }
0xbf: {  	s3 =	sand.u32 $0x4000, s31;
	s1 =	sadd.s32 s1, s30  }
0xc0: {  	s0 =	sor.u32 s3, s0;
	s1 =	sshll.u32 s1, $0x11  }
0xc1: {  	s0 =	sor.u32 s1, s0  }
0xc2: {  	s0 =	sadd.s32 $0x8F2B, s0  }
0xc3: {  	[sflag:s0] =	ssyncadd.remote.s32 $0x1  }
0xc4: {  	_ =	sfence.sel $0xFFFF  }
0xc5: {  	[dreg:$0x0] =	wrdreg $0xFFFFFFFF;
	(pc) =	sbr.abs _section_cstart, $3  }
0xc6: {  	[dreg:$0x1] =	wrdreg $0xFFFFFFFF  }
0xc7: {  	_ =	task.clear_ibuf [dreg:s7], $0x2FFFF;
	_ =	strace $0x9FFFFFFF  }
0xc8: {  	(tm) =	ssettm $0x7FFFFFFF  }
0xc9: {  	_ =	shalt  }
tec
execute0_lowered:
.L_overlay_start_1:
0x0: {  	(tag) =	ssettag $0x1  }
0x1: {  	s0 =	srdreg.scid  }
0x2: {  	s6 =	sand.u32 $0x1, s0;
	s0 =	stileid.u32  }
0x3: {  	s3 =	sshll.u32 s0, $0x1;
	s4 =	ssub.s32 $0x0, s6  }
0x4: {  	p0 =	sne.s32 s3, s4  }
.Ltmp0:
0x5: {  	_ = 	snop;
	(pc) =	sbr.rel @p0 .LBB2_7-.Ltmp0, $4  }
0x6: {  	_ = 	snop  }
0x7: {  	s9 =	rddreg [dreg:$0x0]  }
0x8: {  	s2 =	rddreg [dreg:$0x1]  }
0x9: {  	s1 =	rddreg [dreg:$0x2];
	_ =	strace $0x80000050  }
0xa: {  	s3 =	sadd.s32 $0x1B000, s9  }
0xb: {  	s4 =	sadd.s32 $0x1B200, s9;
	s5 =	sadd.s32 $0x1B400, s9;
	s10 =	ssub.s32 $0x2, s6  }
0xc: {  	s6 =	sadd.s32 $0x1BA00, s9;
	s7 =	sadd.s32 $0x1BE00, s9;
	s8 =	sadd.s32 $0x1A800, s9  }
0xd: {  	s9 =	sadd.s32 $0x1B600, s9;
	s12 =	simm.s32 $0x1;
	s13 =	simm.s32 $0x1000  }
0xe: {  	s14 =	simm.s32 $0x2000;
	s15 =	simm.s32 $0x3000;
	s16 =	simm.s32 $0x5900  }
0xf: {  	v0 =	vimm.s32 $0x0;
	s17 =	simm.s32 $0x3080;
	s18 =	simm.s32 $0x3100;
	s11 =	sshrl.u32 s10, $0x1  }
0x10: {  	vm0 =	vcmask $0x1F04;
	v1 =	vimm.s32 $0x1;
	v2 =	vlaneseq.u32;
	s19 =	simm.s32 $0x5980;
	s20 =	simm.s32 $0x4900;
	s10 =	ssub.s32 s10, s11  }
0x11: {  	v5 =	vimm.f32 $0.0e+00;
	s21 =	simm.s32 $0x0;
	v3 =	vadd.s32 $0x1, v2;
	v4 =	vadd.s32 $0x11, v2;
	s11 =	simm.s32 $0x0;
	s10 =	smax.u32 s10, $0x1  }
.LBB2_2:
0x12: {  	[tilespmem:s11], [sflag:$0x1] =	stream.linear.gather [hbm4b:s3+s11], $0x1000, $0x38;
	[tilespmem:$0x7180] =	vst v63  }
0x13: {  	_ =	swait.ge [sflag:s12], $0x1000  }
0x14: {  	[sflag:s12] =	ssyncset.done $0x0  }
0x15: {  	[sflag:s12] =	ssyncadd.s32 $0xFFFFF000  }
0x16: {  	[tilespmem:s13], [sflag:$0x1] =	stream.linear.gather [hbm4b:s4+s11], $0x1000, $0x38;
	[tilespmem:$0x7180] =	vst v63  }
0x17: {  	_ =	swait.ge [sflag:s12], $0x1000  }
0x18: {  	[sflag:s12] =	ssyncset.done $0x0  }
0x19: {  	[sflag:s12] =	ssyncadd.s32 $0xFFFFF000  }
0x1a: {  	[tilespmem:s14], [sflag:$0x1] =	stream.linear.gather [hbm4b:s5+s11], $0x1000, $0x38;
	[tilespmem:$0x7180] =	vst v63  }
0x1b: {  	_ =	swait.ge [sflag:s12], $0x1000  }
0x1c: {  	[sflag:s12] =	ssyncset.done $0x0  }
0x1d: {  	[sflag:s12] =	ssyncadd.s32 $0xFFFFF000  }
0x1e: {  	[tilespmem:s15], [sflag:$0x1] =	stream.linear.gather [hbm4b:s2+s11], $0x80, $0x38;
	[tilespmem:$0x7180] =	vst v63  }
0x1f: {  	_ =	swait.ge [sflag:s12], $0x80  }
0x20: {  	[sflag:s12] =	ssyncset.done $0x0  }
0x21: {  	[sflag:s12] =	ssyncadd.s32 $0xFFFFFF80  }
0x22: {  	v6 =	vld [tilespmem:$0x3000];
	_ =	sdelay $0x4  }
0x23: {  	v6 =	vadd.s32 $0xFF, v6  }
0x24: {  	v6 =	vshrl.u32 v6, $0x8  }
0x25: {  	(xrf0) =	vadd.scan.msk.s32 $0xffff, v6;
	_ =	sdelay $0x5  }
0x26: {  	v7, _, _ =	vpop (xrf0)  }
0x27: {  	v6 =	vsub.s32 v7, v6;
	_ =	sdelay $0x1  }
0x28: {  	[tilespmem:$0x5900] =	vst v0  }
0x29: {  	[tilespmem:$0x5910] =	vst v0  }
0x2a: {  	[tilespmem:$0x3080] =	vst v6  }
0x2b: {  	[tilespmem:v6+s16+$0x0] =	vst.idx.add.s32.msk vm0, v1  }
0x2c: {  	v6 =	vld [tilespmem:$0x5900];
	_ =	sdelay $0x1  }
0x2d: {  	v8 =	vld [tilespmem:$0x5910];
	_ =	sdelay $0x2  }
0x2e: {  	(xrf0) =	vadd.scan.msk.s32 $0xffff, v6;
	_ =	sdelay $0x1  }
0x2f: {  	(xrf0) =	vadd.scan.msk.s32 $0xffff, v8;
	_ =	sdelay $0x3  }
0x30: {  	v7 =	vbroadcast v7, $0xF;
	v6, _, _ =	vpop (xrf0)  }
0x31: {  	v63 =	vbroadcast v6, $0xF  }
0x32: {  	vm1 =	vlt.s32 v7, v3;
	v9, _, _ =	vpop (xrf0)  }
0x33: {  	v6 =	vsel vm1, $0xFFFFFFFF, v6;
	vm1 =	vlt.s32 v7, v4;
	v7 =	vadd.s32 v63, v9  }
0x34: {  	[tilespmem:$0x5900] =	vst v6;
	v6 =	vsel vm1, $0xFFFFFFFF, v7  }
0x35: {  	s22 =	simm.s32 $0x0;
	[tilespmem:$0x5910] =	vst v6  }
.LBB2_3:
0x36: {  	p0 =	sne.s32 s22, $0x5FC0  }
.Ltmp1:
0x37: {  	_ = 	snop;
	(pc) =	sbr.rel @p0 .LBB2_3-.Ltmp1, $4  }
0x38: {  	_ = 	snop  }
0x39: {  	s23 =	sshra.s32 s22, $0x2  }
0x3a: {  	[tilespmem:s23+$0x3100] =	vst v0  }
0x3b: {  	s22 =	sadd.s32 $0x40, s22;
	[tilespmem:s23+$0x5980] =	vst v5  }
0x3c: {  	s22 =	simm.s32 $0x0;
	s23 =	simm.s32 $0x1000  }
0x3d: {  	s24 =	simm.s32 $0x2000;
	s25 =	simm.s32 $0x4900;
	s26 =	simm.s32 $0x0  }
.LBB2_5:
0x3e: {  	v6 =	vld [tilespmem:s22+$0x0];
	_ =	sdelay $0x7  }
0x3f: {  	v6 =	vld.idx.msk [tilespmem:v6+s17+$0x0], $0xffff  }
0x40: {  	v7 =	vld [tilespmem:s23+$0x0];
	_ =	sdelay $0x3  }
0x41: {  	v6 =	vshll.u32 v6, $0x8  }
0x42: {  	v6 =	vadd.s32 v7, v6  }
0x43: {  	v7 =	vld [tilespmem:s24+$0x0]  }
0x44: {  	p0 =	sne.s32 s26, $0xFF0  }
.Ltmp2:
0x45: {  	v8 =	vor.u32 s26, v2;
	(pc) =	sbr.rel @p0 .LBB2_5-.Ltmp2, $4  }
0x46: {  	v8 =	vand.u32 $0x7FF, v8  }
0x47: {  	[tilespmem:v6+s18+$0x0] =	vst.idx.msk $0xffff, v8  }
0x48: {  	s22 =	sadd.s32 $0x10, s22;
	s23 =	sadd.s32 $0x10, s23;
	[tilespmem:v6+s19+$0x0] =	vst.idx.msk $0xffff, v7  }
0x49: {  	s26 =	sadd.s32 $0x10, s26;
	s24 =	sadd.s32 $0x10, s24;
	[tilespmem:s25+$0x0] =	vst v6;
	s25 =	sadd.s32 $0x10, s25  }
0x4a: {  	[hbm4b:s6+s11] =	stream.linear.scatter [tilespmem:s18], [sflag:$0x1], $0x1800, $0x38;
	[tilespmem:$0x7180] =	vst v63  }
0x4b: {  	_ =	swait.ge [sflag:s12], $0x1800  }
0x4c: {  	[sflag:s12] =	ssyncset.done $0x0  }
0x4d: {  	[sflag:s12] =	ssyncadd.s32 $0xFFFFE800  }
0x4e: {  	[hbm4b:s7+s11] =	stream.linear.scatter [tilespmem:s20], [sflag:$0x1], $0x1000, $0x38;
	[tilespmem:$0x7180] =	vst v63  }
0x4f: {  	_ =	swait.ge [sflag:s12], $0x1000  }
0x50: {  	[sflag:s12] =	ssyncset.done $0x0  }
0x51: {  	[sflag:s12] =	ssyncadd.s32 $0xFFFFF000  }
0x52: {  	[hbm4b:s8+s11] =	stream.linear.scatter [tilespmem:s16], [sflag:$0x1], $0x80, $0x38;
	[tilespmem:$0x7180] =	vst v63  }
0x53: {  	s21 =	sadd.s32 $0x1, s21;
	_ =	swait.ge [sflag:s12], $0x80  }
0x54: {  	p0 =	sne.s32 s21, s10;
	[sflag:s12] =	ssyncset.done $0x0  }
.Ltmp3:
0x55: {  	[sflag:s12] =	ssyncadd.s32 $0xFFFFFF80;
	(pc) =	sbr.rel @p0 .LBB2_2-.Ltmp3, $4  }
0x56: {  	[hbm4b:s9+s11] =	stream.linear.scatter [tilespmem:s19], [sflag:$0x1], $0x1800, $0x38;
	[tilespmem:$0x7180] =	vst v63  }
0x57: {  	_ =	swait.ge [sflag:s12], $0x1800  }
0x58: {  	[sflag:s12] =	ssyncset.done $0x0  }
0x59: {  	[sflag:s12] =	ssyncadd.s32 $0xFFFFE800  }
.LBB2_7:
0x5a: {  	_ =	sfence.sel $0x180000  }
0x5b: {  	[bflag:$0x0] =	sbarrier.arrive $0xFFFF  }
0x5c: {  	p0 =	sne.s32 s0, $0x0;
	_ =	strace $0x90000050  }
0x5d: {  	s0 =	sadd.s32 @!p0 $0x100000, s1;
	[bflag:$0x2] =	sbarrier.arrive $0xFFFF  }
0x5e: {  	[sflag:s0] =	ssyncadd.tile.s32 @!p0 $0x1;
	_ =	shalt  }
.Lfunc_end2:
_tile_overlayer_lowered:
.L_overlay_start_2:
0x5f: {  	(tag) =	ssettag $0x2  }
0x60: {  	s0 =	rddreg [dreg:$0x0];
	s2 =	stileid.u32  }
0x61: {  	s1 =	rddreg [dreg:$0x1];
	p0 =	sne.s32 s2, $0x0  }
0x62: {  	s3 =	rddreg [dreg:$0x2];
	[bflag:$0x3] =	sbarrier.arrive $0xFFFF;
	s2 =	simm.s32 @!p0 $0x1C01  }
0x63: {  	[timem:s3], [sflag:s2] =	dma.local @!p0 [hbm:s0], s1  }
0x64: {  	s0 =	simm.s32 @!p0 $0x1  }
0x65: {  	_ =	swait.ge @!p0 [sflag:s0], s1  }
0x66: {  	s1 =	ssub.s32 @!p0 $0x0, s1;
	[sflag:s0] =	ssyncset.done @!p0 $0x0  }
0x67: {  	[sflag:s0] =	ssyncadd.s32 @!p0 s1  }
0x68: {  	[bflag:$0x3] =	sbarrier.arrive $0xFFFF  }
0x69: {  	_ =	shalt  }

// kernel: kernel.35.cloned.1.call-start
scs
__scs_entry_jumppad:
0x0: {  	(pc) =	sbr.rel $0x88, $3  }
0x1: {  	(tag) =	ssettag $0x0;
	lr =	simm.s32 $0x1  }
0x2: {  	[smem:$0x3F92] =	sst lr;
	_ =	strace $0xD0000000  }
0x3: {  	_ = 	snop  }
0x4: {  	_ = 	snop  }
0x5: {  	_ = 	snop  }
0x6: {  	_ = 	snop  }
0x7: {  	_ = 	snop  }
__scs_overlays_trampoline_lowered:
0x8: {  	[smem:$0x3FA1] =	sst s0  }
0x9: {  	[smem:$0x3FA2] =	sst s1  }
0xa: {  	[smem:$0x3FA3] =	sst s2  }
0xb: {  	[smem:$0x3FA4] =	sst s3  }
0xc: {  	[smem:$0x3FA5] =	sst s4  }
0xd: {  	[smem:$0x3FA6] =	sst s5  }
0xe: {  	[smem:$0x3FA7] =	sst s6  }
0xf: {  	[smem:$0x3FA8] =	sst s7  }
0x10: {  	[smem:$0x3FA9] =	sst s8  }
0x11: {  	[smem:$0x3FAA] =	sst s9;
	s0 =	simm.s32 @!p0 $0x0  }
0x12: {  	s1 =	sld [smem:$0x3F90];
	s0 =	simm.s32 @p0 $0x1  }
0x13: {  	[smem:$0x3FAB] =	sst s0;
	s0 =	simm.s32 @!p1 $0x0  }
0x14: {  	s2 =	sld [smem:$0x3F8F];
	s0 =	simm.s32 @p1 $0x1  }
0x15: {  	[smem:$0x3FAC] =	sst s0;
	s0 =	simm.s32 @!p2 $0x0  }
0x16: {  	s3 =	sld [smem:$0x3FDB];
	s0 =	simm.s32 @p2 $0x1  }
0x17: {  	s4 =	simm.s32 $0x1BF5;
	[smem:$0x3FAE] =	sst s0  }
0x18: {  	s0 =	sld [smem:$0x3F91];
	_ =	swait.ge [sflag:s4], $0x0  }
0x19: {  	s7 =	sld [smem:$0x3F92]  }
0x1a: {  	s8 =	sadd.s32 $0xFFFFE003, lr  }
0x1b: {  	s9 =	sadd.s32 $0xFFFFFEF7, lr;
	s5 =	simm.s32 $0xFFFFFFFF;
	p2 =	slt.u32 s8, $0xFFFFF086  }
0x1c: {  	p1 =	slt.u32 s9, $0xF7A;
	s5 =	simm.s32 @!p2 $0x0  }
0x1d: {  	s5 =	simm.s32 @p1 $0x1;
	p0 =	seq.s32 s7, s2  }
0x1e: {  	s7 =	smul.u32 @!p0 $0xF7A, s2;
	p2 =	seq.s32 @!p0 s5, $0x0  }
0x1f: {  	s9 =	smul.u32 $0xF7A, s1;
	s8 =	simm.s32 @!p0 $0x1BF5;
	p2 =	por !p2, p0  }
0x20: {  	[sflag:s8] =	ssyncset.s32 @!p0 $0xFFFFF086;
	s6 =	sadd.s32 @!p0 s3, s7;
	s7 =	simm.s32 @!p0 $0x108  }
0x21: {  	s3 =	sadd.s32 s3, s9;
	s6 =	sadd.s32 @!p0 $0x88, s6;
	s7 =	simm.s32 @p2 $0x1082  }
0x22: {  	[simem:s7], [sflag:s8] =	dma.local @!p0 [hbm:s6], $0xF7A  }
0x23: {  	s9 =	sor.u32 $0xD0000000, s2;
	s6 =	simm.s32 $0x108;
	_ =	swait.ge @!p0 [sflag:s8], $0x0  }
0x24: {  	s3 =	sadd.s32 $0x88, s3;
	s6 =	simm.s32 @!p1 $0x1082;
	[sflag:s4] =	ssyncset.s32 $0xFFFFF086  }
0x25: {  	[simem:s6], [sflag:s4] =	dma.local [hbm:s3], $0xF7A  }
0x26: {  	[smem:$0x3F92] =	sst s1;
	(tag) =	ssettag s2;
	_ =	strace s9  }
0x27: {  	s1 =	sld [smem:$0x3FA2]  }
0x28: {  	s2 =	sld [smem:$0x3FA3]  }
0x29: {  	s4 =	sld [smem:$0x3FA5]  }
0x2a: {  	p0 =	seq.s32 s5, $0x0;
	s5 =	sld [smem:$0x3FA6]  }
0x2b: {  	s6 =	sld [smem:$0x3FA7]  }
0x2c: {  	s7 =	sld [smem:$0x3FA8]  }
0x2d: {  	s3 =	simm.s32 $0x108;
	s8 =	sld [smem:$0x3FA9]  }
0x2e: {  	s3 =	simm.s32 @!p0 $0x1082;
	s9 =	sld [smem:$0x3FAA]  }
0x2f: {  	lr =	sadd.s32 s0, s3;
	s0 =	sld [smem:$0x3FA1]  }
0x30: {  	s3 =	sld [smem:$0x3FA4]  }
0x31: {  	[smem:$0x3FAD] =	sst s10  }
0x32: {  	s10 =	sld [smem:$0x3FAB];
	_ =	sdelay $0x3  }
0x33: {  	p0 =	seq.s32 s10, $0x1;
	s10 =	sld [smem:$0x3FAD];
	_ =	sdelay $0x3  }
0x34: {  	[smem:$0x3FAD] =	sst s10  }
0x35: {  	s10 =	sld [smem:$0x3FAC];
	_ =	sdelay $0x3  }
0x36: {  	p1 =	seq.s32 s10, $0x1;
	s10 =	sld [smem:$0x3FAD];
	_ =	sdelay $0x3  }
0x37: {  	[smem:$0x3FAD] =	sst s10  }
0x38: {  	s10 =	sld [smem:$0x3FAE]  }
0x39: {  	_ = 	snop;
	(pc) =	sbr.ind lr, $3  }
0x3a: {  	_ = 	snop  }
0x3b: {  	_ = 	snop  }
0x3c: {  	p2 =	seq.s32 s10, $0x1;
	s10 =	sld [smem:$0x3FAD]  }
0x3d: {  	_ =	shalt  }
0x3e: {  	_ =	shalt  }
0x3f: {  	_ =	shalt  }
0x40: {  	_ =	shalt  }
0x41: {  	_ =	shalt  }
0x42: {  	_ =	shalt  }
0x43: {  	_ =	shalt  }
0x44: {  	_ =	shalt  }
0x45: {  	_ =	shalt  }
0x46: {  	_ =	shalt  }
0x47: {  	_ =	shalt  }
0x48: {  	_ =	shalt  }
0x49: {  	_ =	shalt  }
0x4a: {  	_ =	shalt  }
0x4b: {  	_ =	shalt  }
0x4c: {  	_ =	shalt  }
0x4d: {  	_ =	shalt  }
0x4e: {  	_ =	shalt  }
0x4f: {  	_ =	shalt  }
0x50: {  	_ =	shalt  }
0x51: {  	_ =	shalt  }
0x52: {  	_ =	shalt  }
0x53: {  	_ =	shalt  }
0x54: {  	_ =	shalt  }
0x55: {  	_ =	shalt  }
0x56: {  	_ =	shalt  }
0x57: {  	_ =	shalt  }
0x58: {  	_ =	shalt  }
0x59: {  	_ =	shalt  }
0x5a: {  	_ =	shalt  }
0x5b: {  	_ =	shalt  }
0x5c: {  	_ =	shalt  }
0x5d: {  	_ =	shalt  }
0x5e: {  	_ =	shalt  }
0x5f: {  	_ =	shalt  }
0x60: {  	_ =	shalt  }
0x61: {  	_ =	shalt  }
0x62: {  	_ =	shalt  }
0x63: {  	_ =	shalt  }
0x64: {  	_ =	shalt  }
0x65: {  	_ =	shalt  }
0x66: {  	_ =	shalt  }
0x67: {  	_ =	shalt  }
0x68: {  	_ =	shalt  }
0x69: {  	_ =	shalt  }
0x6a: {  	_ =	shalt  }
0x6b: {  	_ =	shalt  }
0x6c: {  	_ =	shalt  }
0x6d: {  	_ =	shalt  }
0x6e: {  	_ =	shalt  }
0x6f: {  	_ =	shalt  }
0x70: {  	_ =	shalt  }
0x71: {  	_ =	shalt  }
0x72: {  	_ =	shalt  }
0x73: {  	_ =	shalt  }
0x74: {  	_ =	shalt  }
0x75: {  	_ =	shalt  }
0x76: {  	_ =	shalt  }
0x77: {  	_ =	shalt  }
0x78: {  	_ =	shalt  }
0x79: {  	_ =	shalt  }
0x7a: {  	_ =	shalt  }
0x7b: {  	_ =	shalt  }
0x7c: {  	_ =	shalt  }
0x7d: {  	_ =	shalt  }
0x7e: {  	_ =	shalt  }
0x7f: {  	_ =	shalt  }
0x80: {  	_ =	shalt  }
0x81: {  	_ =	shalt  }
0x82: {  	_ =	shalt  }
0x83: {  	_ =	shalt  }
0x84: {  	_ =	shalt  }
0x85: {  	_ =	shalt  }
0x86: {  	_ =	shalt  }
0x87: {  	_ =	shalt  }
.Lfunc_end0:
.L_simem_size_0:
called_computation.4_lowered:
.L_overlay_start_0:
0x88: {  	s2 =	sld [smem:$0x3FD9]  }
0x89: {  	s3 =	sld [smem:$0x3FFE];
	_ =	sdelay $0x1  }
0x8a: {  	s1 =	srdreg.scid  }
0x8b: {  	s0 =	sand.u32 $0x1, s1  }
0x8c: {  	s14 =	sshll.u32 s0, $0xA;
	s2 =	sadd.s32 s3, s2  }
0x8d: {  	s2 =	sadd.s32 s2, s14  }
0x8e: {  	[smem:$0x3FB9] =	sst s2  }
0x8f: {  	_ = 	snop  }
0x90: {  	s2 =	sld [smem:$0x3FD0];
	_ =	sdelay $0x2  }
0x91: {  	s15 =	simm.s32 $0xA;
	s4 =	simm.s32 $0x10  }
0x92: {  	[smem:s4], [sflag:s15] =	dma.local [hbm:s2], $0x1  }
0x93: {  	_ =	swait.eq [sflag:s15], $0x1  }
0x94: {  	[sflag:s15] =	ssyncset.done $0x0  }
0x95: {  	[sflag:s15] =	ssyncadd.s32 $0xFFFFFFFF  }
0x96: {  	s16 =	sld [smem:$0x10];
	(tm) =	ssettm $0x1  }
0x97: {  	s17 =	sld [smem:$0x3FFB];
	_ =	sdelay $0x3  }
0x98: {  	_ =	strace s17  }
0x99: {  	s3 =	sld [smem:$0x3FFC];
	_ =	sdelay $0x3  }
0x9a: {  	_ =	strace s3  }
0x9b: {  	s3 =	sld [smem:$0x3FFD];
	_ =	sdelay $0x3  }
0x9c: {  	_ =	strace s3  }
0x9d: {  	_ =	strace $0x8FFFFFFF  }
0x9e: {  	s18 =	sld [smem:$0x3FDB];
	_ =	sdelay $0x1  }
0x9f: {  	s19 =	simm.s32 $_scs_section_size  }
0xa0: {  	s5 =	simm.s32 $_size__tile_overlayer_lowered;
	s6 =	simm.s32 $_tile_overlayer_lowered  }
0xa1: {  	s22 =	simm.s32 $0x1BFF;
	s21 =	sshll.u32 s6, $0x1;
	s3 =	sadd.s32 s19, s18  }
0xa2: {  	s7 =	simm.s32 $0x0;
	s20 =	sshll.u32 s5, $0x1;
	s5 =	sadd.s32 s21, s3  }
0xa3: {  	[timem:s7], [sflag:s22] =	dma.local [hbm:s5], s20  }
0xa4: {  	_ =	swait.ge [sflag:s22], s20  }
0xa5: {  	s4 =	ssub.s32 $0x0, s20;
	[sflag:s22] =	ssyncset.done $0x0  }
0xa6: {  	[sflag:s22] =	ssyncadd.s32 s4;
	_ =	sdelay $0x1  }
0xa7: {  	s23 =	simm.s32 $0x1B8B  }
0xa8: {  	_ =	swait.ge [sflag:s23], $0x1  }
0xa9: {  	[sflag:s23] =	ssyncset.done $0x0  }
0xaa: {  	s25 =	simm.s32 $0x1B8E;
	s24 =	sld [smem:$0x3FFE];
	[sflag:s23] =	ssyncadd.s32 $0xFFFFFFFF  }
0xab: {  	s26 =	simm.s32 $execute0_lowered;
	[smem:$0x3FD2] =	sst s25  }
0xac: {  	s5 =	sshll.u32 s26, $0x1;
	_ =	strace $0x80000052;
	[dreg:$0x1] =	wrdreg $0xFFFFFFFF  }
0xad: {  	s28 =	simm.s32 $_size_execute0_lowered;
	s3 =	sadd.s32 s3, s5;
	[dreg:$0x0] =	wrdreg $0x0  }
0xae: {  	s5 =	sshll.u32 s28, $0x1;
	[dreg:$0x2] =	wrdreg s3  }
0xaf: {  	[dreg:$0x3] =	wrdreg s5  }
0xb0: {  	[dreg:$0x4] =	wrdreg $0xC0  }
0xb1: {  	_ =	task [dreg:s7], $0x5FFFF  }
0xb2: {  	[dreg:$0x1] =	wrdreg $0xFFFFFFFF  }
0xb3: {  	[dreg:$0x0] =	wrdreg $0x60  }
0xb4: {  	[dreg:$0x2] =	wrdreg s16  }
0xb5: {  	[dreg:$0x3] =	wrdreg s24  }
0xb6: {  	[dreg:$0x4] =	wrdreg $0x9  }
0xb7: {  	_ =	task.clear_ibuf [dreg:s7], $0x5FFFF;
	_ =	strace $0x90000052  }
0xb8: {  	s29 =	simm.s32 $0x9;
	_ =	strace $0x80000054  }
0xb9: {  	_ =	swait.ge [sflag:s29], $0x1  }
0xba: {  	[sflag:s29] =	ssyncadd.s32 $0xFFFFFFFF  }
0xbb: {  	_ =	strace $0x90000054  }
0xbc: {  	_ =	sfence  }
0xbd: {  	s30 =	sld [smem:$0x0];
	_ =	sdelay $0x2  }
0xbe: {  	s31 =	sshll.u32 s1, $0xD;
	s1 =	sshrl.u32 s1, $0x2  }
0xbf: {  	s3 =	sand.u32 $0x4000, s31;
	s1 =	sadd.s32 s1, s30  }
0xc0: {  	s0 =	sor.u32 s3, s0;
	s1 =	sshll.u32 s1, $0x11  }
0xc1: {  	s0 =	sor.u32 s1, s0  }
0xc2: {  	s0 =	sadd.s32 $0x8F2B, s0  }
0xc3: {  	[sflag:s0] =	ssyncadd.remote.s32 $0x1  }
0xc4: {  	_ =	sfence.sel $0xFFFF  }
0xc5: {  	[dreg:$0x0] =	wrdreg $0xFFFFFFFF;
	(pc) =	sbr.abs _section_cstart, $3  }
0xc6: {  	[dreg:$0x1] =	wrdreg $0xFFFFFFFF  }
0xc7: {  	_ =	task.clear_ibuf [dreg:s7], $0x2FFFF;
	_ =	strace $0x9FFFFFFF  }
0xc8: {  	(tm) =	ssettm $0x7FFFFFFF  }
0xc9: {  	_ =	shalt  }
tec
execute0_lowered:
.L_overlay_start_1:
0x0: {  	(tag) =	ssettag $0x1  }
0x1: {  	s2 =	rddreg [dreg:$0x0]  }
0x2: {  	s4 =	rddreg [dreg:$0x1];
	s3 =	simm.s32 $0x0  }
0x3: {  	s7 =	simm.s32 $0xD900;
	[smem:$0x7FF] =	sst s3  }
0x4: {  	s8 =	simm.s32 $0xE100;
	_ =	strace $0x80000053;
	[dreg:$0xb] =	wrdreg s7  }
0x5: {  	s9 =	simm.s32 $0xE900;
	[dreg:$0xc] =	wrdreg s8  }
0x6: {  	s10 =	simm.s32 $0xF100;
	[dreg:$0xd] =	wrdreg s9  }
0x7: {  	s11 =	simm.s32 $0xF900;
	[dreg:$0xe] =	wrdreg s10  }
0x8: {  	s0 =	srdreg.scid;
	s12 =	simm.s32 $0x10100;
	[dreg:$0xf] =	wrdreg s11  }
0x9: {  	s1 =	stileid.u32;
	s13 =	simm.s32 $0x10900;
	[dreg:$0x10] =	wrdreg s12  }
0xa: {  	s14 =	simm.s32 $0x11100;
	s15 =	simm.s32 $0x11900;
	[dreg:$0x11] =	wrdreg s13  }
0xb: {  	s16 =	simm.s32 $0x12900;
	s17 =	simm.s32 $0x13100;
	[dreg:$0x12] =	wrdreg s14  }
0xc: {  	s18 =	simm.s32 $0x13900;
	s19 =	simm.s32 $0x14100;
	[dreg:$0x13] =	wrdreg s15  }
0xd: {  	s20 =	simm.s32 $0x14900;
	s21 =	simm.s32 $0x15100;
	[dreg:$0x14] =	wrdreg s16  }
0xe: {  	s28 =	simm.s32 $0x6900;
	s29 =	simm.s32 $0x7100;
	[dreg:$0x15] =	wrdreg s17  }
0xf: {  	s0 =	sand.u32 $0x1, s0;
	s1 =	sshll.u32 s1, $0x1;
	[dreg:$0x16] =	wrdreg s18  }
0x10: {  	s30 =	simm.s32 $0x7900;
	s1 =	sor.u32 s0, s1;
	[dreg:$0x17] =	wrdreg s19  }
0x11: {  	s31 =	simm.s32 $0x8100;
	[dreg:$0x18] =	wrdreg s20;
	s1 =	smul.u32 $0xC0, s1  }
0x12: {  	s0 =	ssub.s32 $0x2, s0;
	[dreg:$0x19] =	wrdreg s21;
	s12 =	simm.s32 $0x1  }
0x13: {  	s13 =	simm.s32 $0x2;
	s21 =	simm.s32 $0x100;
	s1 =	sshrl.u32 s1, $0x3  }
0x14: {  	s15 =	simm.s32 $0x900;
	s16 =	simm.s32 $0x1100;
	s5 =	smul.u32 $0x1800, s1  }
0x15: {  	s17 =	simm.s32 $0x1900;
	s6 =	sadd.s32 s1, s4;
	s1 =	smul.u32 $0x300, s1  }
0x16: {  	s4 =	sadd.s32 $0x403E00, s4;
	s6 =	sadd.s32 $0x1BA00, s6;
	s5 =	sshrl.u32 s5, $0x3  }
0x17: {  	[dreg:$0x3] =	wrdreg s6;
	s5 =	sadd.s32 s4, s5;
	s4 =	sadd.s32 s4, s1  }
0x18: {  	s18 =	simm.s32 $0x2100;
	s22 =	sadd.s32 $0xC00, s5;
	[dreg:$0x1f] =	wrdreg s4  }
0x19: {  	s19 =	simm.s32 $0x2900;
	s23 =	sadd.s32 $0x1800, s4;
	[dreg:$0x4] =	wrdreg s22  }
0x1a: {  	s20 =	simm.s32 $0x3100;
	s24 =	sadd.s32 $0x2400, s4;
	[dreg:$0x5] =	wrdreg s23  }
0x1b: {  	s10 =	simm.s32 $0x9900;
	s25 =	sadd.s32 $0x3000, s4;
	[dreg:$0x6] =	wrdreg s24  }
0x1c: {  	s11 =	simm.s32 $0xA100;
	s26 =	sadd.s32 $0x3C00, s4;
	[dreg:$0x7] =	wrdreg s25  }
0x1d: {  	s9 =	simm.s32 $0xB100;
	s4 =	simm.s32 $0xC900;
	[dreg:$0x8] =	wrdreg s26  }
0x1e: {  	s8 =	simm.s32 $0xC100;
	s5 =	simm.s32 $0xD100;
	[dreg:$0x9] =	wrdreg s4  }
0x1f: {  	s6 =	sshrl.u32 s0, $0x1;
	[dreg:$0xa] =	wrdreg s5;
	s22 =	simm.s32 $0x15900  }
0x20: {  	s0 =	ssub.s32 s0, s6;
	s23 =	simm.s32 $0x16100;
	[dreg:$0x1a] =	wrdreg s22  }
0x21: {  	s6 =	sadd.s32 $0x200, s2;
	s24 =	simm.s32 $0x16900;
	[dreg:$0x1b] =	wrdreg s23  }
0x22: {  	s7 =	smax.u32 s0, $0x1;
	s25 =	simm.s32 $0x17100;
	[dreg:$0x1c] =	wrdreg s24  }
0x23: {  	v2 =	vlaneseq.u32;
	s5 =	sadd.s32 $0x100, s2;
	s26 =	simm.s32 $0x17900;
	[dreg:$0x1d] =	wrdreg s25  }
0x24: {  	vm0 =	vmmov $0xffff;
	v1 =	vshrl.u32 v2, $0x3;
	[dreg:$0x1e] =	wrdreg s26;
	s22 =	simm.s32 $0x3900;
	s23 =	simm.s32 $0x4100  }
0x25: {  	v0 =	vand.u32 $0x7, v2;
	v2 =	vor.u32 $0x8, v2;
	v1 =	vmul.u32 $0x8, v1;
	s24 =	simm.s32 $0x4900;
	s25 =	simm.s32 $0x5100;
	s26 =	simm.s32 $0x5900  }
.LBB2_1:
0x26: {  	s4 =	rddreg [dreg:$0x3];
	s0 =	simm.s32 $0x3  }
0x27: {  	[tilespmem:s3], [sflag:$0x3] =	stream.linear.gather [hbm4b:s4+s3], $0xC0, $0x38;
	[tilespmem:$0x18100] =	vst v63  }
0x28: {  	_ =	swait.ge [sflag:s0], $0xC0  }
0x29: {  	[sflag:s0] =	ssyncset.done $0x0  }
0x2a: {  	[sflag:s0] =	ssyncadd.s32 $0xFFFFFF40  }
0x2b: {  	v3 =	vld [tilespmem:$0x0];
	_ =	sdelay $0x4  }
0x2c: {  	v4 =	vshrl.u32 v3, $0x3  }
0x2d: {  	v4 =	vmul.u32 $0x30, v4  }
0x2e: {  	v3 =	vand.u32 $0x7, v3  }
0x2f: {  	v3 =	vor.u32 v3, v4  }
0x30: {  	v4 =	vperm.xlane v3, v0;
	_ =	sdelay $0x1  }
0x31: {  	v4 =	vadd.s32 v1, v4;
	_ =	sdelay $0x3  }
0x32: {  	v3 =	vperm.xlane v3, v2  }
0x33: {  	[tilespmem:s21], [sflag:$0x1] =	stream.indirect_vreg.gather [hbm4b:s2+s3], $0x80, v4, vm0, $0xb8;
	[tilespmem:$0x18100] =	vst v63  }
0x34: {  	v3 =	vadd.s32 v1, v3  }
0x35: {  	[tilespmem:s15], [sflag:$0x1] =	stream.indirect_vreg.gather [hbm4b:s5+s3], $0x80, v4, vm0, $0xb8;
	[tilespmem:$0x18100] =	vst v63  }
0x36: {  	_ = 	snop  }
0x37: {  	[tilespmem:s16], [sflag:$0x1] =	stream.indirect_vreg.gather [hbm4b:s6+s3], $0x80, v4, vm0, $0xb8;
	[tilespmem:$0x18100] =	vst v63  }
0x38: {  	_ = 	snop  }
0x39: {  	[tilespmem:s17], [sflag:$0x1] =	stream.indirect_vreg.gather [hbm4b:s2+s3], $0x80, v3, vm0, $0xb8;
	[tilespmem:$0x18100] =	vst v63  }
0x3a: {  	_ = 	snop  }
0x3b: {  	[tilespmem:s18], [sflag:$0x1] =	stream.indirect_vreg.gather [hbm4b:s5+s3], $0x80, v3, vm0, $0xb8;
	[tilespmem:$0x18100] =	vst v63  }
0x3c: {  	_ = 	snop  }
0x3d: {  	[tilespmem:s19], [sflag:$0x1] =	stream.indirect_vreg.gather [hbm4b:s6+s3], $0x80, v3, vm0, $0xb8;
	[tilespmem:$0x18100] =	vst v63  }
0x3e: {  	v3 =	vld [tilespmem:$0x10];
	_ =	sdelay $0x4  }
0x3f: {  	v53 =	vshrl.u32 v3, $0x3  }
0x40: {  	v4 =	vmul.u32 $0x30, v53  }
0x41: {  	v3 =	vand.u32 $0x7, v3  }
0x42: {  	v3 =	vor.u32 v3, v4  }
0x43: {  	v4 =	vperm.xlane v3, v0;
	_ =	sdelay $0x1  }
0x44: {  	v4 =	vadd.s32 v1, v4;
	_ =	sdelay $0x3  }
0x45: {  	v3 =	vperm.xlane v3, v2  }
0x46: {  	[tilespmem:s20], [sflag:$0x1] =	stream.indirect_vreg.gather [hbm4b:s2+s3], $0x80, v4, vm0, $0xb8;
	[tilespmem:$0x18100] =	vst v63  }
0x47: {  	v3 =	vadd.s32 v1, v3  }
0x48: {  	[tilespmem:s22], [sflag:$0x1] =	stream.indirect_vreg.gather [hbm4b:s5+s3], $0x80, v4, vm0, $0xb8;
	[tilespmem:$0x18100] =	vst v63  }
0x49: {  	_ = 	snop  }
0x4a: {  	[tilespmem:s23], [sflag:$0x1] =	stream.indirect_vreg.gather [hbm4b:s6+s3], $0x80, v4, vm0, $0xb8;
	[tilespmem:$0x18100] =	vst v63  }
0x4b: {  	_ = 	snop  }
0x4c: {  	[tilespmem:s24], [sflag:$0x1] =	stream.indirect_vreg.gather [hbm4b:s2+s3], $0x80, v3, vm0, $0xb8;
	[tilespmem:$0x18100] =	vst v63  }
0x4d: {  	_ = 	snop  }
0x4e: {  	[tilespmem:s25], [sflag:$0x1] =	stream.indirect_vreg.gather [hbm4b:s5+s3], $0x80, v3, vm0, $0xb8;
	[tilespmem:$0x18100] =	vst v63  }
0x4f: {  	_ = 	snop  }
0x50: {  	[tilespmem:s26], [sflag:$0x1] =	stream.indirect_vreg.gather [hbm4b:s6+s3], $0x80, v3, vm0, $0xb8;
	[tilespmem:$0x18100] =	vst v63  }
0x51: {  	v3 =	vld [tilespmem:$0x20];
	_ =	sdelay $0x4  }
0x52: {  	v54 =	vshrl.u32 v3, $0x3  }
0x53: {  	v4 =	vmul.u32 $0x30, v54  }
0x54: {  	v3 =	vand.u32 $0x7, v3  }
0x55: {  	v3 =	vor.u32 v3, v4  }
0x56: {  	v4 =	vperm.xlane v3, v0;
	_ =	sdelay $0x1  }
0x57: {  	v4 =	vadd.s32 v1, v4;
	_ =	sdelay $0x3  }
0x58: {  	s0 =	simm.s32 $0x6100;
	v3 =	vperm.xlane v3, v2  }
0x59: {  	[tilespmem:s0], [sflag:$0x1] =	stream.indirect_vreg.gather [hbm4b:s2+s3], $0x80, v4, vm0, $0xb8;
	[tilespmem:$0x18100] =	vst v63  }
0x5a: {  	v3 =	vadd.s32 v1, v3  }
0x5b: {  	[tilespmem:s28], [sflag:$0x1] =	stream.indirect_vreg.gather [hbm4b:s5+s3], $0x80, v4, vm0, $0xb8;
	[tilespmem:$0x18100] =	vst v63  }
0x5c: {  	_ = 	snop  }
0x5d: {  	[tilespmem:s29], [sflag:$0x1] =	stream.indirect_vreg.gather [hbm4b:s6+s3], $0x80, v4, vm0, $0xb8;
	[tilespmem:$0x18100] =	vst v63  }
0x5e: {  	_ = 	snop  }
0x5f: {  	[tilespmem:s30], [sflag:$0x1] =	stream.indirect_vreg.gather [hbm4b:s2+s3], $0x80, v3, vm0, $0xb8;
	[tilespmem:$0x18100] =	vst v63  }
0x60: {  	_ = 	snop  }
0x61: {  	[tilespmem:s31], [sflag:$0x1] =	stream.indirect_vreg.gather [hbm4b:s5+s3], $0x80, v3, vm0, $0xb8;
	[tilespmem:$0x18100] =	vst v63  }
0x62: {  	s1 =	simm.s32 $0x8900  }
0x63: {  	[tilespmem:s1], [sflag:$0x1] =	stream.indirect_vreg.gather [hbm4b:s6+s3], $0x80, v3, vm0, $0xb8;
	[tilespmem:$0x18100] =	vst v63  }
0x64: {  	v3 =	vld [tilespmem:$0x30];
	_ =	sdelay $0x4  }
0x65: {  	v55 =	vshrl.u32 v3, $0x3  }
0x66: {  	v4 =	vmul.u32 $0x30, v55  }
0x67: {  	v3 =	vand.u32 $0x7, v3  }
0x68: {  	v3 =	vor.u32 v3, v4  }
0x69: {  	v4 =	vperm.xlane v3, v0;
	_ =	sdelay $0x1  }
0x6a: {  	v4 =	vadd.s32 v1, v4;
	_ =	sdelay $0x3  }
0x6b: {  	s14 =	simm.s32 $0x9100;
	v3 =	vperm.xlane v3, v2  }
0x6c: {  	[tilespmem:s14], [sflag:$0x1] =	stream.indirect_vreg.gather [hbm4b:s2+s3], $0x80, v4, vm0, $0xb8;
	[tilespmem:$0x18100] =	vst v63  }
0x6d: {  	v3 =	vadd.s32 v1, v3  }
0x6e: {  	[tilespmem:s10], [sflag:$0x1] =	stream.indirect_vreg.gather [hbm4b:s5+s3], $0x80, v4, vm0, $0xb8;
	[tilespmem:$0x18100] =	vst v63  }
0x6f: {  	_ = 	snop  }
0x70: {  	[tilespmem:s11], [sflag:$0x1] =	stream.indirect_vreg.gather [hbm4b:s6+s3], $0x80, v4, vm0, $0xb8;
	[tilespmem:$0x18100] =	vst v63  }
0x71: {  	s4 =	simm.s32 $0xA900  }
0x72: {  	[tilespmem:s4], [sflag:$0x1] =	stream.indirect_vreg.gather [hbm4b:s2+s3], $0x80, v3, vm0, $0xb8;
	[tilespmem:$0x18100] =	vst v63  }
0x73: {  	_ = 	snop  }
0x74: {  	[tilespmem:s9], [sflag:$0x1] =	stream.indirect_vreg.gather [hbm4b:s5+s3], $0x80, v3, vm0, $0xb8;
	[tilespmem:$0x18100] =	vst v63  }
0x75: {  	s14 =	simm.s32 $0xB900  }
0x76: {  	[tilespmem:s14], [sflag:$0x1] =	stream.indirect_vreg.gather [hbm4b:s6+s3], $0x80, v3, vm0, $0xb8;
	[tilespmem:$0x18100] =	vst v63  }
0x77: {  	v3 =	vld [tilespmem:$0x40];
	_ =	sdelay $0x4  }
0x78: {  	v56 =	vshrl.u32 v3, $0x3  }
0x79: {  	v4 =	vmul.u32 $0x30, v56  }
0x7a: {  	v3 =	vand.u32 $0x7, v3  }
0x7b: {  	v3 =	vor.u32 v3, v4  }
0x7c: {  	v4 =	vperm.xlane v3, v0;
	_ =	sdelay $0x1  }
0x7d: {  	v4 =	vadd.s32 v1, v4;
	_ =	sdelay $0x3  }
0x7e: {  	v3 =	vperm.xlane v3, v2  }
0x7f: {  	[tilespmem:s8], [sflag:$0x1] =	stream.indirect_vreg.gather [hbm4b:s2+s3], $0x80, v4, vm0, $0xb8;
	[tilespmem:$0x18100] =	vst v63  }
0x80: {  	s1 =	rddreg [dreg:$0x9];
	v3 =	vadd.s32 v1, v3  }
0x81: {  	[tilespmem:s1], [sflag:$0x1] =	stream.indirect_vreg.gather [hbm4b:s5+s3], $0x80, v4, vm0, $0xb8;
	[tilespmem:$0x18100] =	vst v63  }
0x82: {  	s14 =	rddreg [dreg:$0xa]  }
0x83: {  	[tilespmem:s14], [sflag:$0x1] =	stream.indirect_vreg.gather [hbm4b:s6+s3], $0x80, v4, vm0, $0xb8;
	[tilespmem:$0x18100] =	vst v63  }
0x84: {  	s1 =	rddreg [dreg:$0xb]  }
0x85: {  	[tilespmem:s1], [sflag:$0x1] =	stream.indirect_vreg.gather [hbm4b:s2+s3], $0x80, v3, vm0, $0xb8;
	[tilespmem:$0x18100] =	vst v63  }
0x86: {  	s14 =	rddreg [dreg:$0xc]  }
0x87: {  	[tilespmem:s14], [sflag:$0x1] =	stream.indirect_vreg.gather [hbm4b:s5+s3], $0x80, v3, vm0, $0xb8;
	[tilespmem:$0x18100] =	vst v63  }
0x88: {  	s1 =	rddreg [dreg:$0xd]  }
0x89: {  	[tilespmem:s1], [sflag:$0x1] =	stream.indirect_vreg.gather [hbm4b:s6+s3], $0x80, v3, vm0, $0xb8;
	[tilespmem:$0x18100] =	vst v63  }
0x8a: {  	v3 =	vld [tilespmem:$0x50];
	_ =	sdelay $0x4  }
0x8b: {  	v57 =	vshrl.u32 v3, $0x3  }
0x8c: {  	v4 =	vmul.u32 $0x30, v57  }
0x8d: {  	v3 =	vand.u32 $0x7, v3  }
0x8e: {  	v3 =	vor.u32 v3, v4  }
0x8f: {  	v4 =	vperm.xlane v3, v0;
	_ =	sdelay $0x1  }
0x90: {  	v4 =	vadd.s32 v1, v4;
	_ =	sdelay $0x3  }
0x91: {  	s14 =	rddreg [dreg:$0xe];
	v3 =	vperm.xlane v3, v2  }
0x92: {  	[tilespmem:s14], [sflag:$0x1] =	stream.indirect_vreg.gather [hbm4b:s2+s3], $0x80, v4, vm0, $0xb8;
	[tilespmem:$0x18100] =	vst v63  }
0x93: {  	s1 =	rddreg [dreg:$0xf];
	v3 =	vadd.s32 v1, v3  }
0x94: {  	[tilespmem:s1], [sflag:$0x1] =	stream.indirect_vreg.gather [hbm4b:s5+s3], $0x80, v4, vm0, $0xb8;
	[tilespmem:$0x18100] =	vst v63  }
0x95: {  	s4 =	rddreg [dreg:$0x10]  }
0x96: {  	[tilespmem:s4], [sflag:$0x1] =	stream.indirect_vreg.gather [hbm4b:s6+s3], $0x80, v4, vm0, $0xb8;
	[tilespmem:$0x18100] =	vst v63  }
0x97: {  	s1 =	rddreg [dreg:$0x11]  }
0x98: {  	[tilespmem:s1], [sflag:$0x1] =	stream.indirect_vreg.gather [hbm4b:s2+s3], $0x80, v3, vm0, $0xb8;
	[tilespmem:$0x18100] =	vst v63  }
0x99: {  	s4 =	rddreg [dreg:$0x12]  }
0x9a: {  	[tilespmem:s4], [sflag:$0x1] =	stream.indirect_vreg.gather [hbm4b:s5+s3], $0x80, v3, vm0, $0xb8;
	[tilespmem:$0x18100] =	vst v63  }
0x9b: {  	s1 =	rddreg [dreg:$0x13]  }
0x9c: {  	[tilespmem:s1], [sflag:$0x1] =	stream.indirect_vreg.gather [hbm4b:s6+s3], $0x80, v3, vm0, $0xb8;
	[tilespmem:$0x18100] =	vst v63  }
0x9d: {  	v3 =	vld [tilespmem:$0x60];
	_ =	sdelay $0x4  }
0x9e: {  	v58 =	vshrl.u32 v3, $0x3  }
0x9f: {  	v4 =	vmul.u32 $0x30, v58  }
0xa0: {  	v3 =	vand.u32 $0x7, v3  }
0xa1: {  	v3 =	vor.u32 v3, v4  }
0xa2: {  	v4 =	vperm.xlane v3, v0;
	_ =	sdelay $0x1  }
0xa3: {  	v4 =	vadd.s32 v1, v4;
	_ =	sdelay $0x3  }
0xa4: {  	s1 =	simm.s32 $0x12100;
	v3 =	vperm.xlane v3, v2  }
0xa5: {  	[tilespmem:s1], [sflag:$0x1] =	stream.indirect_vreg.gather [hbm4b:s2+s3], $0x80, v4, vm0, $0xb8;
	[tilespmem:$0x18100] =	vst v63  }
0xa6: {  	s4 =	rddreg [dreg:$0x14];
	v3 =	vadd.s32 v1, v3  }
0xa7: {  	[tilespmem:s4], [sflag:$0x1] =	stream.indirect_vreg.gather [hbm4b:s5+s3], $0x80, v4, vm0, $0xb8;
	[tilespmem:$0x18100] =	vst v63  }
0xa8: {  	s14 =	rddreg [dreg:$0x15]  }
0xa9: {  	[tilespmem:s14], [sflag:$0x1] =	stream.indirect_vreg.gather [hbm4b:s6+s3], $0x80, v4, vm0, $0xb8;
	[tilespmem:$0x18100] =	vst v63  }
0xaa: {  	s4 =	rddreg [dreg:$0x16]  }
0xab: {  	[tilespmem:s4], [sflag:$0x1] =	stream.indirect_vreg.gather [hbm4b:s2+s3], $0x80, v3, vm0, $0xb8;
	[tilespmem:$0x18100] =	vst v63  }
0xac: {  	s14 =	rddreg [dreg:$0x17]  }
0xad: {  	[tilespmem:s14], [sflag:$0x1] =	stream.indirect_vreg.gather [hbm4b:s5+s3], $0x80, v3, vm0, $0xb8;
	[tilespmem:$0x18100] =	vst v63  }
0xae: {  	s4 =	rddreg [dreg:$0x18]  }
0xaf: {  	[tilespmem:s4], [sflag:$0x1] =	stream.indirect_vreg.gather [hbm4b:s6+s3], $0x80, v3, vm0, $0xb8;
	[tilespmem:$0x18100] =	vst v63  }
0xb0: {  	v3 =	vld [tilespmem:$0x70];
	_ =	sdelay $0x4  }
0xb1: {  	v59 =	vshrl.u32 v3, $0x3  }
0xb2: {  	v4 =	vmul.u32 $0x30, v59  }
0xb3: {  	v3 =	vand.u32 $0x7, v3  }
0xb4: {  	v3 =	vor.u32 v3, v4  }
0xb5: {  	v4 =	vperm.xlane v3, v0;
	_ =	sdelay $0x1  }
0xb6: {  	v4 =	vadd.s32 v1, v4;
	_ =	sdelay $0x3  }
0xb7: {  	s4 =	rddreg [dreg:$0x19];
	v3 =	vperm.xlane v3, v2  }
0xb8: {  	[tilespmem:s4], [sflag:$0x1] =	stream.indirect_vreg.gather [hbm4b:s2+s3], $0x80, v4, vm0, $0xb8;
	[tilespmem:$0x18100] =	vst v63  }
0xb9: {  	s14 =	rddreg [dreg:$0x1a];
	v3 =	vadd.s32 v1, v3  }
0xba: {  	[tilespmem:s14], [sflag:$0x1] =	stream.indirect_vreg.gather [hbm4b:s5+s3], $0x80, v4, vm0, $0xb8;
	[tilespmem:$0x18100] =	vst v63  }
0xbb: {  	s4 =	rddreg [dreg:$0x1b]  }
0xbc: {  	[tilespmem:s4], [sflag:$0x1] =	stream.indirect_vreg.gather [hbm4b:s6+s3], $0x80, v4, vm0, $0xb8;
	[tilespmem:$0x18100] =	vst v63  }
0xbd: {  	s14 =	rddreg [dreg:$0x1c]  }
0xbe: {  	[tilespmem:s14], [sflag:$0x1] =	stream.indirect_vreg.gather [hbm4b:s2+s3], $0x80, v3, vm0, $0xb8;
	[tilespmem:$0x18100] =	vst v63  }
0xbf: {  	s4 =	rddreg [dreg:$0x1d]  }
0xc0: {  	[tilespmem:s4], [sflag:$0x1] =	stream.indirect_vreg.gather [hbm4b:s5+s3], $0x80, v3, vm0, $0xb8;
	[tilespmem:$0x18100] =	vst v63  }
0xc1: {  	s14 =	rddreg [dreg:$0x1e]  }
0xc2: {  	[tilespmem:s14], [sflag:$0x1] =	stream.indirect_vreg.gather [hbm4b:s6+s3], $0x80, v3, vm0, $0xb8;
	[tilespmem:$0x18100] =	vst v63  }
0xc3: {  	_ =	swait.ge [sflag:s12], $0x6000  }
0xc4: {  	[sflag:s12] =	ssyncset.done $0x0  }
0xc5: {  	s14 =	rddreg [dreg:$0x1f];
	[sflag:s12] =	ssyncadd.s32 $0xFFFFA000  }
0xc6: {  	[hbm4b:s14+s3] =	stream.linear.scatter [tilespmem:s21], [sflag:$0x2], $0x6000, $0x38;
	[tilespmem:$0x18100] =	vst v63  }
0xc7: {  	_ =	swait.ge [sflag:s13], $0x6000  }
0xc8: {  	[sflag:s13] =	ssyncset.done $0x0  }
0xc9: {  	[sflag:s13] =	ssyncadd.s32 $0xFFFFA000  }
0xca: {  	v3 =	vld [tilespmem:$0x80];
	_ =	sdelay $0x4  }
0xcb: {  	v60 =	vshrl.u32 v3, $0x3  }
0xcc: {  	v4 =	vmul.u32 $0x30, v60  }
0xcd: {  	v3 =	vand.u32 $0x7, v3  }
0xce: {  	v3 =	vor.u32 v3, v4  }
0xcf: {  	v4 =	vperm.xlane v3, v0;
	_ =	sdelay $0x1  }
0xd0: {  	v4 =	vadd.s32 v1, v4;
	_ =	sdelay $0x3  }
0xd1: {  	v3 =	vperm.xlane v3, v2  }
0xd2: {  	[tilespmem:s21], [sflag:$0x1] =	stream.indirect_vreg.gather [hbm4b:s2+s3], $0x80, v4, vm0, $0xb8;
	[tilespmem:$0x18100] =	vst v63  }
0xd3: {  	v3 =	vadd.s32 v1, v3  }
0xd4: {  	[tilespmem:s15], [sflag:$0x1] =	stream.indirect_vreg.gather [hbm4b:s5+s3], $0x80, v4, vm0, $0xb8;
	[tilespmem:$0x18100] =	vst v63  }
0xd5: {  	_ = 	snop  }
0xd6: {  	[tilespmem:s16], [sflag:$0x1] =	stream.indirect_vreg.gather [hbm4b:s6+s3], $0x80, v4, vm0, $0xb8;
	[tilespmem:$0x18100] =	vst v63  }
0xd7: {  	_ = 	snop  }
0xd8: {  	[tilespmem:s17], [sflag:$0x1] =	stream.indirect_vreg.gather [hbm4b:s2+s3], $0x80, v3, vm0, $0xb8;
	[tilespmem:$0x18100] =	vst v63  }
0xd9: {  	_ = 	snop  }
0xda: {  	[tilespmem:s18], [sflag:$0x1] =	stream.indirect_vreg.gather [hbm4b:s5+s3], $0x80, v3, vm0, $0xb8;
	[tilespmem:$0x18100] =	vst v63  }
0xdb: {  	_ = 	snop  }
0xdc: {  	[tilespmem:s19], [sflag:$0x1] =	stream.indirect_vreg.gather [hbm4b:s6+s3], $0x80, v3, vm0, $0xb8;
	[tilespmem:$0x18100] =	vst v63  }
0xdd: {  	v3 =	vld [tilespmem:$0x90];
	_ =	sdelay $0x4  }
0xde: {  	v61 =	vshrl.u32 v3, $0x3  }
0xdf: {  	v4 =	vmul.u32 $0x30, v61  }
0xe0: {  	v3 =	vand.u32 $0x7, v3  }
0xe1: {  	v3 =	vor.u32 v3, v4  }
0xe2: {  	v4 =	vperm.xlane v3, v0;
	_ =	sdelay $0x1  }
0xe3: {  	v4 =	vadd.s32 v1, v4;
	_ =	sdelay $0x3  }
0xe4: {  	v3 =	vperm.xlane v3, v2  }
0xe5: {  	[tilespmem:s20], [sflag:$0x1] =	stream.indirect_vreg.gather [hbm4b:s2+s3], $0x80, v4, vm0, $0xb8;
	[tilespmem:$0x18100] =	vst v63  }
0xe6: {  	v3 =	vadd.s32 v1, v3  }
0xe7: {  	[tilespmem:s22], [sflag:$0x1] =	stream.indirect_vreg.gather [hbm4b:s5+s3], $0x80, v4, vm0, $0xb8;
	[tilespmem:$0x18100] =	vst v63  }
0xe8: {  	_ = 	snop  }
0xe9: {  	[tilespmem:s23], [sflag:$0x1] =	stream.indirect_vreg.gather [hbm4b:s6+s3], $0x80, v4, vm0, $0xb8;
	[tilespmem:$0x18100] =	vst v63  }
0xea: {  	_ = 	snop  }
0xeb: {  	[tilespmem:s24], [sflag:$0x1] =	stream.indirect_vreg.gather [hbm4b:s2+s3], $0x80, v3, vm0, $0xb8;
	[tilespmem:$0x18100] =	vst v63  }
0xec: {  	_ = 	snop  }
0xed: {  	[tilespmem:s25], [sflag:$0x1] =	stream.indirect_vreg.gather [hbm4b:s5+s3], $0x80, v3, vm0, $0xb8;
	[tilespmem:$0x18100] =	vst v63  }
0xee: {  	_ = 	snop  }
0xef: {  	[tilespmem:s26], [sflag:$0x1] =	stream.indirect_vreg.gather [hbm4b:s6+s3], $0x80, v3, vm0, $0xb8;
	[tilespmem:$0x18100] =	vst v63  }
0xf0: {  	_ =	swait.ge [sflag:s12], $0x6000  }
0xf1: {  	[sflag:s12] =	ssyncset.done $0x0  }
0xf2: {  	s14 =	rddreg [dreg:$0x4];
	[sflag:s12] =	ssyncadd.s32 $0xFFFFA000  }
0xf3: {  	[hbm4b:s14+s3] =	stream.linear.scatter [tilespmem:s0], [sflag:$0x2], $0x6000, $0x38;
	[tilespmem:$0x18100] =	vst v63  }
0xf4: {  	_ =	swait.ge [sflag:s13], $0x6000  }
0xf5: {  	[sflag:s13] =	ssyncset.done $0x0  }
0xf6: {  	[sflag:s13] =	ssyncadd.s32 $0xFFFFA000  }
0xf7: {  	v3 =	vld [tilespmem:$0xA0];
	_ =	sdelay $0x4  }
0xf8: {  	v62 =	vshrl.u32 v3, $0x3  }
0xf9: {  	v4 =	vmul.u32 $0x30, v62  }
0xfa: {  	v3 =	vand.u32 $0x7, v3  }
0xfb: {  	v3 =	vor.u32 v3, v4  }
0xfc: {  	v4 =	vperm.xlane v3, v0;
	_ =	sdelay $0x1  }
0xfd: {  	v4 =	vadd.s32 v1, v4;
	_ =	sdelay $0x3  }
0xfe: {  	v3 =	vperm.xlane v3, v2  }
0xff: {  	[tilespmem:s0], [sflag:$0x1] =	stream.indirect_vreg.gather [hbm4b:s2+s3], $0x80, v4, vm0, $0xb8;
	[tilespmem:$0x18100] =	vst v63  }
0x100: {  	v3 =	vadd.s32 v1, v3  }
0x101: {  	[tilespmem:s28], [sflag:$0x1] =	stream.indirect_vreg.gather [hbm4b:s5+s3], $0x80, v4, vm0, $0xb8;
	[tilespmem:$0x18100] =	vst v63  }
0x102: {  	_ = 	snop  }
0x103: {  	[tilespmem:s29], [sflag:$0x1] =	stream.indirect_vreg.gather [hbm4b:s6+s3], $0x80, v4, vm0, $0xb8;
	[tilespmem:$0x18100] =	vst v63  }
0x104: {  	_ = 	snop  }
0x105: {  	[tilespmem:s30], [sflag:$0x1] =	stream.indirect_vreg.gather [hbm4b:s2+s3], $0x80, v3, vm0, $0xb8;
	[tilespmem:$0x18100] =	vst v63  }
0x106: {  	_ = 	snop  }
0x107: {  	[tilespmem:s31], [sflag:$0x1] =	stream.indirect_vreg.gather [hbm4b:s5+s3], $0x80, v3, vm0, $0xb8;
	[tilespmem:$0x18100] =	vst v63  }
0x108: {  	s14 =	simm.s32 $0x8900  }
0x109: {  	[tilespmem:s14], [sflag:$0x1] =	stream.indirect_vreg.gather [hbm4b:s6+s3], $0x80, v3, vm0, $0xb8;
	[tilespmem:$0x18100] =	vst v63  }
0x10a: {  	v3 =	vld [tilespmem:$0xB0];
	_ =	sdelay $0x4  }
0x10b: {  	v63 =	vshrl.u32 v3, $0x3  }
0x10c: {  	v4 =	vmul.u32 $0x30, v63  }
0x10d: {  	v3 =	vand.u32 $0x7, v3  }
0x10e: {  	v3 =	vor.u32 v3, v4  }
0x10f: {  	v4 =	vperm.xlane v3, v0;
	_ =	sdelay $0x1  }
0x110: {  	v4 =	vadd.s32 v1, v4;
	_ =	sdelay $0x3  }
0x111: {  	s14 =	simm.s32 $0x9100;
	v3 =	vperm.xlane v3, v2  }
0x112: {  	[tilespmem:s14], [sflag:$0x1] =	stream.indirect_vreg.gather [hbm4b:s2+s3], $0x80, v4, vm0, $0xb8;
	[tilespmem:$0x18100] =	vst v63  }
0x113: {  	v3 =	vadd.s32 v1, v3  }
0x114: {  	[tilespmem:s10], [sflag:$0x1] =	stream.indirect_vreg.gather [hbm4b:s5+s3], $0x80, v4, vm0, $0xb8;
	[tilespmem:$0x18100] =	vst v63  }
0x115: {  	_ = 	snop  }
0x116: {  	[tilespmem:s11], [sflag:$0x1] =	stream.indirect_vreg.gather [hbm4b:s6+s3], $0x80, v4, vm0, $0xb8;
	[tilespmem:$0x18100] =	vst v63  }
0x117: {  	s14 =	simm.s32 $0xA900  }
0x118: {  	[tilespmem:s14], [sflag:$0x1] =	stream.indirect_vreg.gather [hbm4b:s2+s3], $0x80, v3, vm0, $0xb8;
	[tilespmem:$0x18100] =	vst v63  }
0x119: {  	_ = 	snop  }
0x11a: {  	[tilespmem:s9], [sflag:$0x1] =	stream.indirect_vreg.gather [hbm4b:s5+s3], $0x80, v3, vm0, $0xb8;
	[tilespmem:$0x18100] =	vst v63  }
0x11b: {  	s14 =	simm.s32 $0xB900  }
0x11c: {  	[tilespmem:s14], [sflag:$0x1] =	stream.indirect_vreg.gather [hbm4b:s6+s3], $0x80, v3, vm0, $0xb8;
	[tilespmem:$0x18100] =	vst v63  }
0x11d: {  	_ =	swait.ge [sflag:s12], $0x6000  }
0x11e: {  	[sflag:s12] =	ssyncset.done $0x0  }
0x11f: {  	s14 =	rddreg [dreg:$0x5];
	[sflag:s12] =	ssyncadd.s32 $0xFFFFA000  }
0x120: {  	[hbm4b:s14+s3] =	stream.linear.scatter [tilespmem:s8], [sflag:$0x2], $0x6000, $0x38;
	[tilespmem:$0x18100] =	vst v63  }
0x121: {  	_ =	swait.ge [sflag:s12], $0x6000  }
0x122: {  	[sflag:s12] =	ssyncset.done $0x0  }
0x123: {  	s14 =	rddreg [dreg:$0x6];
	[sflag:s12] =	ssyncadd.s32 $0xFFFFA000  }
0x124: {  	[hbm4b:s14+s3] =	stream.linear.scatter [tilespmem:s1], [sflag:$0x2], $0x6000, $0x38;
	[tilespmem:$0x18100] =	vst v63  }
0x125: {  	_ =	swait.ge [sflag:s12], $0x6000  }
0x126: {  	[sflag:s12] =	ssyncset.done $0x0  }
0x127: {  	s1 =	rddreg [dreg:$0x7];
	[sflag:s12] =	ssyncadd.s32 $0xFFFFA000  }
0x128: {  	[hbm4b:s1+s3] =	stream.linear.scatter [tilespmem:s21], [sflag:$0x2], $0x6000, $0x38;
	[tilespmem:$0x18100] =	vst v63  }
0x129: {  	_ =	swait.ge [sflag:s12], $0x6000  }
0x12a: {  	[sflag:s12] =	ssyncset.done $0x0  }
0x12b: {  	s14 =	rddreg [dreg:$0x8];
	[sflag:s12] =	ssyncadd.s32 $0xFFFFA000  }
0x12c: {  	[hbm4b:s14+s3] =	stream.linear.scatter [tilespmem:s0], [sflag:$0x2], $0x6000, $0x38;
	[tilespmem:$0x18100] =	vst v63  }
0x12d: {  	_ =	swait.ge [sflag:s13], $0x6000  }
0x12e: {  	[sflag:s13] =	ssyncset.done $0x0  }
0x12f: {  	[sflag:s13] =	ssyncadd.s32 $0xFFFFA000  }
0x130: {  	_ =	swait.ge [sflag:s13], $0x6000  }
0x131: {  	[sflag:s13] =	ssyncset.done $0x0  }
0x132: {  	[sflag:s13] =	ssyncadd.s32 $0xFFFFA000  }
0x133: {  	p0 =	sne.s32 s7, $0x1;
	_ =	swait.ge [sflag:s13], $0x6000  }
.Ltmp0:
0x134: {  	[sflag:s13] =	ssyncset.done $0x0;
	(pc) =	sbr.rel @p0 .LBB2_1-.Ltmp0, $4  }
0x135: {  	[sflag:s13] =	ssyncadd.s32 $0xFFFFA000  }
0x136: {  	_ =	swait.ge [sflag:s13], $0x6000  }
0x137: {  	[sflag:s13] =	ssyncset.done $0x0  }
0x138: {  	s7 =	sadd.s32 $0xFFFFFFFF, s7;
	[sflag:s13] =	ssyncadd.s32 $0xFFFFA000  }
0x139: {  	_ =	sfence.sel $0x180000  }
0x13a: {  	[bflag:$0x0] =	sbarrier.arrive $0xFFFF  }
0x13b: {  	_ =	strace $0x90000053  }
0x13c: {  	s0 =	stileid.u32;
	[bflag:$0x2] =	sbarrier.arrive $0xFFFF  }
0x13d: {  	p0 =	sne.s32 s0, $0x0;
	s0 =	rddreg [dreg:$0x2]  }
0x13e: {  	s0 =	sadd.s32 @!p0 $0x100000, s0  }
0x13f: {  	[sflag:s0] =	ssyncadd.tile.s32 @!p0 $0x1;
	_ =	shalt  }
.Lfunc_end2:
_tile_overlayer_lowered:
.L_overlay_start_2:
0x140: {  	(tag) =	ssettag $0x2  }
0x141: {  	s0 =	rddreg [dreg:$0x0];
	s2 =	stileid.u32  }
0x142: {  	s1 =	rddreg [dreg:$0x1];
	p0 =	sne.s32 s2, $0x0  }
0x143: {  	s3 =	rddreg [dreg:$0x2];
	[bflag:$0x3] =	sbarrier.arrive $0xFFFF;
	s2 =	simm.s32 @!p0 $0x1C03  }
0x144: {  	[timem:s3], [sflag:s2] =	dma.local @!p0 [hbm:s0], s1  }
0x145: {  	s0 =	simm.s32 @!p0 $0x3  }
0x146: {  	_ =	swait.ge @!p0 [sflag:s0], s1  }
0x147: {  	s1 =	ssub.s32 @!p0 $0x0, s1;
	[sflag:s0] =	ssyncset.done @!p0 $0x0  }
0x148: {  	[sflag:s0] =	ssyncadd.s32 @!p0 s1  }
0x149: {  	[bflag:$0x3] =	sbarrier.arrive $0xFFFF  }
0x14a: {  	_ =	shalt  }

// kernel: kernel.38.cloned.1.call-start
scs
__scs_entry_jumppad:
0x0: {  	(pc) =	sbr.rel $0x88, $3  }
0x1: {  	(tag) =	ssettag $0x0;
	lr =	simm.s32 $0x1  }
0x2: {  	[smem:$0x3F92] =	sst lr;
	_ =	strace $0xD0000000  }
0x3: {  	_ = 	snop  }
0x4: {  	_ = 	snop  }
0x5: {  	_ = 	snop  }
0x6: {  	_ = 	snop  }
0x7: {  	_ = 	snop  }
__scs_overlays_trampoline_lowered:
0x8: {  	[smem:$0x3FA1] =	sst s0  }
0x9: {  	[smem:$0x3FA2] =	sst s1  }
0xa: {  	[smem:$0x3FA3] =	sst s2  }
0xb: {  	[smem:$0x3FA4] =	sst s3  }
0xc: {  	[smem:$0x3FA5] =	sst s4  }
0xd: {  	[smem:$0x3FA6] =	sst s5  }
0xe: {  	[smem:$0x3FA7] =	sst s6  }
0xf: {  	[smem:$0x3FA8] =	sst s7  }
0x10: {  	[smem:$0x3FA9] =	sst s8  }
0x11: {  	[smem:$0x3FAA] =	sst s9;
	s0 =	simm.s32 @!p0 $0x0  }
0x12: {  	s1 =	sld [smem:$0x3F90];
	s0 =	simm.s32 @p0 $0x1  }
0x13: {  	[smem:$0x3FAB] =	sst s0;
	s0 =	simm.s32 @!p1 $0x0  }
0x14: {  	s2 =	sld [smem:$0x3F8F];
	s0 =	simm.s32 @p1 $0x1  }
0x15: {  	[smem:$0x3FAC] =	sst s0;
	s0 =	simm.s32 @!p2 $0x0  }
0x16: {  	s3 =	sld [smem:$0x3FDB];
	s0 =	simm.s32 @p2 $0x1  }
0x17: {  	s4 =	simm.s32 $0x1BF5;
	[smem:$0x3FAE] =	sst s0  }
0x18: {  	s0 =	sld [smem:$0x3F91];
	_ =	swait.ge [sflag:s4], $0x0  }
0x19: {  	s7 =	sld [smem:$0x3F92]  }
0x1a: {  	s8 =	sadd.s32 $0xFFFFE003, lr  }
0x1b: {  	s9 =	sadd.s32 $0xFFFFFEF7, lr;
	s5 =	simm.s32 $0xFFFFFFFF;
	p2 =	slt.u32 s8, $0xFFFFF086  }
0x1c: {  	p1 =	slt.u32 s9, $0xF7A;
	s5 =	simm.s32 @!p2 $0x0  }
0x1d: {  	s5 =	simm.s32 @p1 $0x1;
	p0 =	seq.s32 s7, s2  }
0x1e: {  	s7 =	smul.u32 @!p0 $0xF7A, s2;
	p2 =	seq.s32 @!p0 s5, $0x0  }
0x1f: {  	s9 =	smul.u32 $0xF7A, s1;
	s8 =	simm.s32 @!p0 $0x1BF5;
	p2 =	por !p2, p0  }
0x20: {  	[sflag:s8] =	ssyncset.s32 @!p0 $0xFFFFF086;
	s6 =	sadd.s32 @!p0 s3, s7;
	s7 =	simm.s32 @!p0 $0x108  }
0x21: {  	s3 =	sadd.s32 s3, s9;
	s6 =	sadd.s32 @!p0 $0x88, s6;
	s7 =	simm.s32 @p2 $0x1082  }
0x22: {  	[simem:s7], [sflag:s8] =	dma.local @!p0 [hbm:s6], $0xF7A  }
0x23: {  	s9 =	sor.u32 $0xD0000000, s2;
	s6 =	simm.s32 $0x108;
	_ =	swait.ge @!p0 [sflag:s8], $0x0  }
0x24: {  	s3 =	sadd.s32 $0x88, s3;
	s6 =	simm.s32 @!p1 $0x1082;
	[sflag:s4] =	ssyncset.s32 $0xFFFFF086  }
0x25: {  	[simem:s6], [sflag:s4] =	dma.local [hbm:s3], $0xF7A  }
0x26: {  	[smem:$0x3F92] =	sst s1;
	(tag) =	ssettag s2;
	_ =	strace s9  }
0x27: {  	s1 =	sld [smem:$0x3FA2]  }
0x28: {  	s2 =	sld [smem:$0x3FA3]  }
0x29: {  	s4 =	sld [smem:$0x3FA5]  }
0x2a: {  	p0 =	seq.s32 s5, $0x0;
	s5 =	sld [smem:$0x3FA6]  }
0x2b: {  	s6 =	sld [smem:$0x3FA7]  }
0x2c: {  	s7 =	sld [smem:$0x3FA8]  }
0x2d: {  	s3 =	simm.s32 $0x108;
	s8 =	sld [smem:$0x3FA9]  }
0x2e: {  	s3 =	simm.s32 @!p0 $0x1082;
	s9 =	sld [smem:$0x3FAA]  }
0x2f: {  	lr =	sadd.s32 s0, s3;
	s0 =	sld [smem:$0x3FA1]  }
0x30: {  	s3 =	sld [smem:$0x3FA4]  }
0x31: {  	[smem:$0x3FAD] =	sst s10  }
0x32: {  	s10 =	sld [smem:$0x3FAB];
	_ =	sdelay $0x3  }
0x33: {  	p0 =	seq.s32 s10, $0x1;
	s10 =	sld [smem:$0x3FAD];
	_ =	sdelay $0x3  }
0x34: {  	[smem:$0x3FAD] =	sst s10  }
0x35: {  	s10 =	sld [smem:$0x3FAC];
	_ =	sdelay $0x3  }
0x36: {  	p1 =	seq.s32 s10, $0x1;
	s10 =	sld [smem:$0x3FAD];
	_ =	sdelay $0x3  }
0x37: {  	[smem:$0x3FAD] =	sst s10  }
0x38: {  	s10 =	sld [smem:$0x3FAE]  }
0x39: {  	_ = 	snop;
	(pc) =	sbr.ind lr, $3  }
0x3a: {  	_ = 	snop  }
0x3b: {  	_ = 	snop  }
0x3c: {  	p2 =	seq.s32 s10, $0x1;
	s10 =	sld [smem:$0x3FAD]  }
0x3d: {  	_ =	shalt  }
0x3e: {  	_ =	shalt  }
0x3f: {  	_ =	shalt  }
0x40: {  	_ =	shalt  }
0x41: {  	_ =	shalt  }
0x42: {  	_ =	shalt  }
0x43: {  	_ =	shalt  }
0x44: {  	_ =	shalt  }
0x45: {  	_ =	shalt  }
0x46: {  	_ =	shalt  }
0x47: {  	_ =	shalt  }
0x48: {  	_ =	shalt  }
0x49: {  	_ =	shalt  }
0x4a: {  	_ =	shalt  }
0x4b: {  	_ =	shalt  }
0x4c: {  	_ =	shalt  }
0x4d: {  	_ =	shalt  }
0x4e: {  	_ =	shalt  }
0x4f: {  	_ =	shalt  }
0x50: {  	_ =	shalt  }
0x51: {  	_ =	shalt  }
0x52: {  	_ =	shalt  }
0x53: {  	_ =	shalt  }
0x54: {  	_ =	shalt  }
0x55: {  	_ =	shalt  }
0x56: {  	_ =	shalt  }
0x57: {  	_ =	shalt  }
0x58: {  	_ =	shalt  }
0x59: {  	_ =	shalt  }
0x5a: {  	_ =	shalt  }
0x5b: {  	_ =	shalt  }
0x5c: {  	_ =	shalt  }
0x5d: {  	_ =	shalt  }
0x5e: {  	_ =	shalt  }
0x5f: {  	_ =	shalt  }
0x60: {  	_ =	shalt  }
0x61: {  	_ =	shalt  }
0x62: {  	_ =	shalt  }
0x63: {  	_ =	shalt  }
0x64: {  	_ =	shalt  }
0x65: {  	_ =	shalt  }
0x66: {  	_ =	shalt  }
0x67: {  	_ =	shalt  }
0x68: {  	_ =	shalt  }
0x69: {  	_ =	shalt  }
0x6a: {  	_ =	shalt  }
0x6b: {  	_ =	shalt  }
0x6c: {  	_ =	shalt  }
0x6d: {  	_ =	shalt  }
0x6e: {  	_ =	shalt  }
0x6f: {  	_ =	shalt  }
0x70: {  	_ =	shalt  }
0x71: {  	_ =	shalt  }
0x72: {  	_ =	shalt  }
0x73: {  	_ =	shalt  }
0x74: {  	_ =	shalt  }
0x75: {  	_ =	shalt  }
0x76: {  	_ =	shalt  }
0x77: {  	_ =	shalt  }
0x78: {  	_ =	shalt  }
0x79: {  	_ =	shalt  }
0x7a: {  	_ =	shalt  }
0x7b: {  	_ =	shalt  }
0x7c: {  	_ =	shalt  }
0x7d: {  	_ =	shalt  }
0x7e: {  	_ =	shalt  }
0x7f: {  	_ =	shalt  }
0x80: {  	_ =	shalt  }
0x81: {  	_ =	shalt  }
0x82: {  	_ =	shalt  }
0x83: {  	_ =	shalt  }
0x84: {  	_ =	shalt  }
0x85: {  	_ =	shalt  }
0x86: {  	_ =	shalt  }
0x87: {  	_ =	shalt  }
.Lfunc_end0:
.L_simem_size_0:
called_computation.5_lowered:
.L_overlay_start_0:
0x88: {  	s2 =	sld [smem:$0x3FD9]  }
0x89: {  	s3 =	sld [smem:$0x3FFE];
	_ =	sdelay $0x1  }
0x8a: {  	s1 =	srdreg.scid  }
0x8b: {  	s0 =	sand.u32 $0x1, s1  }
0x8c: {  	s16 =	sshll.u32 s0, $0xA;
	s2 =	sadd.s32 s3, s2  }
0x8d: {  	s2 =	sadd.s32 s2, s16  }
0x8e: {  	[smem:$0x3FB9] =	sst s2  }
0x8f: {  	_ = 	snop  }
0x90: {  	(tm) =	ssettm $0x1  }
0x91: {  	s17 =	sld [smem:$0x3FFB];
	_ =	sdelay $0x3  }
0x92: {  	_ =	strace s17  }
0x93: {  	s2 =	sld [smem:$0x3FFC];
	_ =	sdelay $0x3  }
0x94: {  	_ =	strace s2  }
0x95: {  	s2 =	sld [smem:$0x3FFD];
	_ =	sdelay $0x3  }
0x96: {  	_ =	strace s2  }
0x97: {  	_ =	strace $0x8FFFFFFF  }
0x98: {  	s18 =	sld [smem:$0x3FDB];
	_ =	sdelay $0x1  }
0x99: {  	s19 =	simm.s32 $_scs_section_size  }
0x9a: {  	s4 =	simm.s32 $_size__tile_overlayer_lowered;
	s5 =	simm.s32 $_tile_overlayer_lowered  }
0x9b: {  	s22 =	simm.s32 $0x1BFF;
	s21 =	sshll.u32 s5, $0x1;
	s2 =	sadd.s32 s19, s18  }
0x9c: {  	s6 =	simm.s32 $0x0;
	s20 =	sshll.u32 s4, $0x1;
	s4 =	sadd.s32 s21, s2  }
0x9d: {  	[timem:s6], [sflag:s22] =	dma.local [hbm:s4], s20  }
0x9e: {  	_ =	swait.ge [sflag:s22], s20  }
0x9f: {  	s3 =	ssub.s32 $0x0, s20;
	[sflag:s22] =	ssyncset.done $0x0  }
0xa0: {  	[sflag:s22] =	ssyncadd.s32 s3;
	_ =	sdelay $0x1  }
0xa1: {  	s23 =	simm.s32 $0x1B8B  }
0xa2: {  	_ =	swait.ge [sflag:s23], $0x1  }
0xa3: {  	[sflag:s23] =	ssyncset.done $0x0  }
0xa4: {  	s25 =	simm.s32 $0x1B8E;
	s24 =	sld [smem:$0x3FFE];
	[sflag:s23] =	ssyncadd.s32 $0xFFFFFFFF  }
0xa5: {  	s26 =	simm.s32 $execute0_lowered;
	[smem:$0x3FD2] =	sst s25  }
0xa6: {  	s4 =	sshll.u32 s26, $0x1;
	_ =	strace $0x80000055;
	[dreg:$0x1] =	wrdreg $0xFFFFFFFF  }
0xa7: {  	s28 =	simm.s32 $_size_execute0_lowered;
	s2 =	sadd.s32 s2, s4;
	[dreg:$0x0] =	wrdreg $0x0  }
0xa8: {  	s4 =	sshll.u32 s28, $0x1;
	[dreg:$0x2] =	wrdreg s2  }
0xa9: {  	[dreg:$0x3] =	wrdreg s4  }
0xaa: {  	[dreg:$0x4] =	wrdreg $0xC0  }
0xab: {  	_ =	task [dreg:s6], $0x5FFFF  }
0xac: {  	[dreg:$0x1] =	wrdreg $0xFFFFFFFF  }
0xad: {  	[dreg:$0x0] =	wrdreg $0x60  }
0xae: {  	[dreg:$0x2] =	wrdreg s24  }
0xaf: {  	[dreg:$0x3] =	wrdreg $0x9  }
0xb0: {  	_ =	task.clear_ibuf [dreg:s6], $0x4FFFF;
	_ =	strace $0x90000055  }
0xb1: {  	s29 =	simm.s32 $0x9;
	_ =	strace $0x80000057  }
0xb2: {  	_ =	swait.ge [sflag:s29], $0x1  }
0xb3: {  	[sflag:s29] =	ssyncadd.s32 $0xFFFFFFFF  }
0xb4: {  	_ =	strace $0x90000057  }
0xb5: {  	_ =	sfence  }
0xb6: {  	s30 =	sld [smem:$0x0];
	_ =	sdelay $0x2  }
0xb7: {  	s31 =	sshll.u32 s1, $0xD;
	s1 =	sshrl.u32 s1, $0x2  }
0xb8: {  	s3 =	sand.u32 $0x4000, s31;
	s1 =	sadd.s32 s1, s30  }
0xb9: {  	s0 =	sor.u32 s3, s0;
	s1 =	sshll.u32 s1, $0x11  }
0xba: {  	s0 =	sor.u32 s1, s0  }
0xbb: {  	s0 =	sadd.s32 $0x8F2B, s0  }
0xbc: {  	[sflag:s0] =	ssyncadd.remote.s32 $0x1  }
0xbd: {  	_ =	sfence.sel $0xFFFF  }
0xbe: {  	[dreg:$0x0] =	wrdreg $0xFFFFFFFF;
	(pc) =	sbr.abs _section_cstart, $3  }
0xbf: {  	[dreg:$0x1] =	wrdreg $0xFFFFFFFF  }
0xc0: {  	_ =	task.clear_ibuf [dreg:s6], $0x2FFFF;
	_ =	strace $0x9FFFFFFF  }
0xc1: {  	(tm) =	ssettm $0x7FFFFFFF  }
tec
execute0_lowered:
.L_overlay_start_1:
0x0: {  	(tag) =	ssettag $0x1  }
0x1: {  	s1 =	srdreg.scid  }
0x2: {  	s0 =	stileid.u32;
	s5 =	sand.u32 $0x1, s1  }
0x3: {  	s2 =	sshll.u32 s0, $0x5;
	s3 =	sshll.u32 s5, $0x4  }
0x4: {  	s1 =	rddreg [dreg:$0x0];
	s3 =	sor.u32 s3, s2;
	s2 =	simm.s32 $0x0  }
0x5: {  	s21 =	simm.s32 $0x880;
	[smem:$0x7FF] =	sst s2  }
0x6: {  	s22 =	simm.s32 $0x1080;
	_ =	strace $0x80000056;
	[dreg:$0x6] =	wrdreg s21  }
0x7: {  	s23 =	simm.s32 $0x1880;
	[dreg:$0x7] =	wrdreg s22  }
0x8: {  	s24 =	simm.s32 $0x2080;
	[dreg:$0x8] =	wrdreg s23  }
0x9: {  	s25 =	simm.s32 $0x2880;
	[dreg:$0x9] =	wrdreg s24  }
0xa: {  	s26 =	simm.s32 $0x3080;
	s9 =	simm.s32 $0x5880;
	[dreg:$0xa] =	wrdreg s25  }
0xb: {  	s10 =	simm.s32 $0x6880;
	s0 =	simm.s32 $0x3880;
	[dreg:$0xb] =	wrdreg s26  }
0xc: {  	s11 =	simm.s32 $0x7080;
	s12 =	simm.s32 $0x7880;
	[dreg:$0xc] =	wrdreg s0  }
0xd: {  	s13 =	simm.s32 $0x8080;
	s14 =	simm.s32 $0x8880;
	[dreg:$0x10] =	wrdreg s9  }
0xe: {  	s15 =	simm.s32 $0x9080;
	s16 =	simm.s32 $0x9880;
	[dreg:$0x11] =	wrdreg s10  }
0xf: {  	s28 =	simm.s32 $0x16880;
	s29 =	simm.s32 $0x17080;
	[dreg:$0x12] =	wrdreg s11  }
0x10: {  	s30 =	simm.s32 $0x17880;
	s31 =	simm.s32 $0x1;
	[dreg:$0x13] =	wrdreg s12  }
0x11: {  	s7 =	sadd.s32 $0xAC000, s1;
	s5 =	ssub.s32 $0x2, s5;
	[dreg:$0x14] =	wrdreg s13  }
0x12: {  	s17 =	sshrl.u32 s5, $0x1;
	s4 =	smul.u32 $0x300, s3;
	[dreg:$0x15] =	wrdreg s14  }
0x13: {  	s6 =	smul.u32 $0x1800, s3;
	s3 =	sadd.s32 s3, s1;
	[dreg:$0x16] =	wrdreg s15  }
0x14: {  	s8 =	sadd.s32 $0x1BE00, s3;
	[dreg:$0x17] =	wrdreg s16;
	s21 =	simm.s32 $0xB880  }
0x15: {  	s22 =	simm.s32 $0xC880;
	s23 =	simm.s32 $0xD080;
	s9 =	simm.s32 $0x80  }
0x16: {  	s24 =	simm.s32 $0xD880;
	s10 =	simm.s32 $0x6080;
	[dreg:$0x2] =	wrdreg s8  }
0x17: {  	s25 =	simm.s32 $0xE080;
	s11 =	simm.s32 $0xC080;
	[dreg:$0x1b] =	wrdreg s21  }
0x18: {  	s26 =	simm.s32 $0xE880;
	s13 =	simm.s32 $0xF880;
	[dreg:$0x1c] =	wrdreg s22  }
0x19: {  	s14 =	simm.s32 $0x10080;
	s15 =	simm.s32 $0x10880;
	[dreg:$0x1d] =	wrdreg s23  }
0x1a: {  	s16 =	simm.s32 $0x11080;
	s3 =	sadd.s32 s7, s4;
	[dreg:$0x1e] =	wrdreg s24  }
0x1b: {  	s18 =	sshrl.u32 s6, $0x3;
	s6 =	simm.s32 $0x4080;
	[dreg:$0x1f] =	wrdreg s25  }
0x1c: {  	s8 =	simm.s32 $0x5080;
	[smem:$0x7FD] =	sst s26;
	s21 =	simm.s32 $0x13880  }
0x1d: {  	s22 =	simm.s32 $0x14080;
	s23 =	simm.s32 $0x14880;
	s24 =	simm.s32 $0x15080  }
0x1e: {  	s25 =	simm.s32 $0x15880;
	s26 =	simm.s32 $0x16080;
	[dreg:$0xd] =	wrdreg s6  }
0x1f: {  	s19 =	sadd.s32 $0xC00, s3;
	s4 =	sadd.s32 s7, s18;
	[dreg:$0xf] =	wrdreg s8  }
0x20: {  	s7 =	simm.s32 $0x4880;
	s18 =	simm.s32 $0xA080;
	[dreg:$0x3] =	wrdreg s19  }
0x21: {  	s6 =	sadd.s32 $0x1C200, s1;
	s8 =	simm.s32 $0x3;
	[dreg:$0xe] =	wrdreg s7  }
0x22: {  	s20 =	sadd.s32 $0x1800, s4;
	s4 =	sadd.s32 $0x2400, s4;
	[dreg:$0x18] =	wrdreg s18  }
0x23: {  	s7 =	ssub.s32 s5, s17;
	s19 =	simm.s32 $0xA880;
	[dreg:$0x4] =	wrdreg s20  }
0x24: {  	s5 =	sadd.s32 $0x1C100, s1;
	s17 =	simm.s32 $0x11880;
	[dreg:$0x5] =	wrdreg s4  }
0x25: {  	v2 =	vlaneseq.u32;
	s18 =	simm.s32 $0x12080;
	s4 =	sadd.s32 $0x1C000, s1;
	[dreg:$0x19] =	wrdreg s19  }
0x26: {  	vm0 =	vmmov $0xffff;
	v1 =	vshrl.u32 v2, $0x3;
	s20 =	simm.s32 $0xB080;
	s7 =	smax.u32 s7, $0x1;
	s19 =	simm.s32 $0x12880  }
0x27: {  	v0 =	vand.u32 $0x7, v2;
	v2 =	vor.u32 $0x8, v2;
	v1 =	vmul.u32 $0x8, v1;
	s1 =	simm.s32 $0x2;
	[dreg:$0x1a] =	wrdreg s20;
	s20 =	simm.s32 $0x13080  }
.LBB2_1:
0x28: {  	s0 =	rddreg [dreg:$0x2]  }
0x29: {  	[tilespmem:s2], [sflag:$0x3] =	stream.linear.gather [hbm4b:s0+s2], $0x80, $0x38;
	[tilespmem:$0x18080] =	vst v63  }
0x2a: {  	_ =	swait.ge [sflag:s8], $0x80  }
0x2b: {  	[sflag:s8] =	ssyncset.done $0x0  }
0x2c: {  	[sflag:s8] =	ssyncadd.s32 $0xFFFFFF80  }
0x2d: {  	v3 =	vld [tilespmem:$0x0];
	_ =	sdelay $0x4  }
0x2e: {  	v4 =	vshrl.u32 v3, $0x3  }
0x2f: {  	v4 =	vmul.u32 $0x30, v4  }
0x30: {  	v3 =	vand.u32 $0x7, v3  }
0x31: {  	v3 =	vor.u32 v3, v4  }
0x32: {  	v4 =	vperm.xlane v3, v0;
	_ =	sdelay $0x1  }
0x33: {  	v4 =	vadd.s32 v1, v4;
	_ =	sdelay $0x3  }
0x34: {  	v3 =	vperm.xlane v3, v2  }
0x35: {  	[tilespmem:s9], [sflag:$0x1] =	stream.indirect_vreg.gather [hbm4b:s4+s2], $0x80, v4, vm0, $0xb8;
	[tilespmem:$0x18080] =	vst v63  }
0x36: {  	s0 =	rddreg [dreg:$0x6];
	v3 =	vadd.s32 v1, v3  }
0x37: {  	[tilespmem:s0], [sflag:$0x1] =	stream.indirect_vreg.gather [hbm4b:s5+s2], $0x80, v4, vm0, $0xb8;
	[tilespmem:$0x18080] =	vst v63  }
0x38: {  	s12 =	rddreg [dreg:$0x7]  }
0x39: {  	[tilespmem:s12], [sflag:$0x1] =	stream.indirect_vreg.gather [hbm4b:s6+s2], $0x80, v4, vm0, $0xb8;
	[tilespmem:$0x18080] =	vst v63  }
0x3a: {  	s0 =	rddreg [dreg:$0x8]  }
0x3b: {  	[tilespmem:s0], [sflag:$0x1] =	stream.indirect_vreg.gather [hbm4b:s4+s2], $0x80, v3, vm0, $0xb8;
	[tilespmem:$0x18080] =	vst v63  }
0x3c: {  	s12 =	rddreg [dreg:$0x9]  }
0x3d: {  	[tilespmem:s12], [sflag:$0x1] =	stream.indirect_vreg.gather [hbm4b:s5+s2], $0x80, v3, vm0, $0xb8;
	[tilespmem:$0x18080] =	vst v63  }
0x3e: {  	s0 =	rddreg [dreg:$0xa]  }
0x3f: {  	[tilespmem:s0], [sflag:$0x1] =	stream.indirect_vreg.gather [hbm4b:s6+s2], $0x80, v3, vm0, $0xb8;
	[tilespmem:$0x18080] =	vst v63  }
0x40: {  	v3 =	vld [tilespmem:$0x10];
	_ =	sdelay $0x4  }
0x41: {  	v57 =	vshrl.u32 v3, $0x3  }
0x42: {  	v4 =	vmul.u32 $0x30, v57  }
0x43: {  	v3 =	vand.u32 $0x7, v3  }
0x44: {  	v3 =	vor.u32 v3, v4  }
0x45: {  	v4 =	vperm.xlane v3, v0;
	_ =	sdelay $0x1  }
0x46: {  	v4 =	vadd.s32 v1, v4;
	_ =	sdelay $0x3  }
0x47: {  	s0 =	rddreg [dreg:$0xb];
	v3 =	vperm.xlane v3, v2  }
0x48: {  	[tilespmem:s0], [sflag:$0x1] =	stream.indirect_vreg.gather [hbm4b:s4+s2], $0x80, v4, vm0, $0xb8;
	[tilespmem:$0x18080] =	vst v63  }
0x49: {  	s12 =	rddreg [dreg:$0xc];
	v3 =	vadd.s32 v1, v3  }
0x4a: {  	[tilespmem:s12], [sflag:$0x1] =	stream.indirect_vreg.gather [hbm4b:s5+s2], $0x80, v4, vm0, $0xb8;
	[tilespmem:$0x18080] =	vst v63  }
0x4b: {  	s0 =	rddreg [dreg:$0xd]  }
0x4c: {  	[tilespmem:s0], [sflag:$0x1] =	stream.indirect_vreg.gather [hbm4b:s6+s2], $0x80, v4, vm0, $0xb8;
	[tilespmem:$0x18080] =	vst v63  }
0x4d: {  	s12 =	rddreg [dreg:$0xe]  }
0x4e: {  	[tilespmem:s12], [sflag:$0x1] =	stream.indirect_vreg.gather [hbm4b:s4+s2], $0x80, v3, vm0, $0xb8;
	[tilespmem:$0x18080] =	vst v63  }
0x4f: {  	s0 =	rddreg [dreg:$0xf]  }
0x50: {  	[tilespmem:s0], [sflag:$0x1] =	stream.indirect_vreg.gather [hbm4b:s5+s2], $0x80, v3, vm0, $0xb8;
	[tilespmem:$0x18080] =	vst v63  }
0x51: {  	s12 =	rddreg [dreg:$0x10]  }
0x52: {  	[tilespmem:s12], [sflag:$0x1] =	stream.indirect_vreg.gather [hbm4b:s6+s2], $0x80, v3, vm0, $0xb8;
	[tilespmem:$0x18080] =	vst v63  }
0x53: {  	v3 =	vld [tilespmem:$0x20];
	_ =	sdelay $0x4  }
0x54: {  	v58 =	vshrl.u32 v3, $0x3  }
0x55: {  	v4 =	vmul.u32 $0x30, v58  }
0x56: {  	v3 =	vand.u32 $0x7, v3  }
0x57: {  	v3 =	vor.u32 v3, v4  }
0x58: {  	v4 =	vperm.xlane v3, v0;
	_ =	sdelay $0x1  }
0x59: {  	v4 =	vadd.s32 v1, v4;
	_ =	sdelay $0x3  }
0x5a: {  	v3 =	vperm.xlane v3, v2  }
0x5b: {  	[tilespmem:s10], [sflag:$0x1] =	stream.indirect_vreg.gather [hbm4b:s4+s2], $0x80, v4, vm0, $0xb8;
	[tilespmem:$0x18080] =	vst v63  }
0x5c: {  	s0 =	rddreg [dreg:$0x11];
	v3 =	vadd.s32 v1, v3  }
0x5d: {  	[tilespmem:s0], [sflag:$0x1] =	stream.indirect_vreg.gather [hbm4b:s5+s2], $0x80, v4, vm0, $0xb8;
	[tilespmem:$0x18080] =	vst v63  }
0x5e: {  	s12 =	rddreg [dreg:$0x12]  }
0x5f: {  	[tilespmem:s12], [sflag:$0x1] =	stream.indirect_vreg.gather [hbm4b:s6+s2], $0x80, v4, vm0, $0xb8;
	[tilespmem:$0x18080] =	vst v63  }
0x60: {  	s0 =	rddreg [dreg:$0x13]  }
0x61: {  	[tilespmem:s0], [sflag:$0x1] =	stream.indirect_vreg.gather [hbm4b:s4+s2], $0x80, v3, vm0, $0xb8;
	[tilespmem:$0x18080] =	vst v63  }
0x62: {  	s12 =	rddreg [dreg:$0x14]  }
0x63: {  	[tilespmem:s12], [sflag:$0x1] =	stream.indirect_vreg.gather [hbm4b:s5+s2], $0x80, v3, vm0, $0xb8;
	[tilespmem:$0x18080] =	vst v63  }
0x64: {  	s0 =	rddreg [dreg:$0x15]  }
0x65: {  	[tilespmem:s0], [sflag:$0x1] =	stream.indirect_vreg.gather [hbm4b:s6+s2], $0x80, v3, vm0, $0xb8;
	[tilespmem:$0x18080] =	vst v63  }
0x66: {  	v3 =	vld [tilespmem:$0x30];
	_ =	sdelay $0x4  }
0x67: {  	v59 =	vshrl.u32 v3, $0x3  }
0x68: {  	v4 =	vmul.u32 $0x30, v59  }
0x69: {  	v3 =	vand.u32 $0x7, v3  }
0x6a: {  	v3 =	vor.u32 v3, v4  }
0x6b: {  	v4 =	vperm.xlane v3, v0;
	_ =	sdelay $0x1  }
0x6c: {  	v4 =	vadd.s32 v1, v4;
	_ =	sdelay $0x3  }
0x6d: {  	s0 =	rddreg [dreg:$0x16];
	v3 =	vperm.xlane v3, v2  }
0x6e: {  	[tilespmem:s0], [sflag:$0x1] =	stream.indirect_vreg.gather [hbm4b:s4+s2], $0x80, v4, vm0, $0xb8;
	[tilespmem:$0x18080] =	vst v63  }
0x6f: {  	s12 =	rddreg [dreg:$0x17];
	v3 =	vadd.s32 v1, v3  }
0x70: {  	[tilespmem:s12], [sflag:$0x1] =	stream.indirect_vreg.gather [hbm4b:s5+s2], $0x80, v4, vm0, $0xb8;
	[tilespmem:$0x18080] =	vst v63  }
0x71: {  	s0 =	rddreg [dreg:$0x18]  }
0x72: {  	[tilespmem:s0], [sflag:$0x1] =	stream.indirect_vreg.gather [hbm4b:s6+s2], $0x80, v4, vm0, $0xb8;
	[tilespmem:$0x18080] =	vst v63  }
0x73: {  	s12 =	rddreg [dreg:$0x19]  }
0x74: {  	[tilespmem:s12], [sflag:$0x1] =	stream.indirect_vreg.gather [hbm4b:s4+s2], $0x80, v3, vm0, $0xb8;
	[tilespmem:$0x18080] =	vst v63  }
0x75: {  	s0 =	rddreg [dreg:$0x1a]  }
0x76: {  	[tilespmem:s0], [sflag:$0x1] =	stream.indirect_vreg.gather [hbm4b:s5+s2], $0x80, v3, vm0, $0xb8;
	[tilespmem:$0x18080] =	vst v63  }
0x77: {  	s12 =	rddreg [dreg:$0x1b]  }
0x78: {  	[tilespmem:s12], [sflag:$0x1] =	stream.indirect_vreg.gather [hbm4b:s6+s2], $0x80, v3, vm0, $0xb8;
	[tilespmem:$0x18080] =	vst v63  }
0x79: {  	v3 =	vld [tilespmem:$0x40];
	_ =	sdelay $0x4  }
0x7a: {  	v60 =	vshrl.u32 v3, $0x3  }
0x7b: {  	v4 =	vmul.u32 $0x30, v60  }
0x7c: {  	v3 =	vand.u32 $0x7, v3  }
0x7d: {  	v3 =	vor.u32 v3, v4  }
0x7e: {  	v4 =	vperm.xlane v3, v0;
	_ =	sdelay $0x1  }
0x7f: {  	v4 =	vadd.s32 v1, v4;
	_ =	sdelay $0x3  }
0x80: {  	s0 =	rddreg [dreg:$0x1c];
	v3 =	vperm.xlane v3, v2  }
0x81: {  	[tilespmem:s11], [sflag:$0x1] =	stream.indirect_vreg.gather [hbm4b:s4+s2], $0x80, v4, vm0, $0xb8;
	[tilespmem:$0x18080] =	vst v63  }
0x82: {  	s12 =	rddreg [dreg:$0x1d];
	v3 =	vadd.s32 v1, v3  }
0x83: {  	[tilespmem:s0], [sflag:$0x1] =	stream.indirect_vreg.gather [hbm4b:s5+s2], $0x80, v4, vm0, $0xb8;
	[tilespmem:$0x18080] =	vst v63  }
0x84: {  	s0 =	rddreg [dreg:$0x1e]  }
0x85: {  	[tilespmem:s12], [sflag:$0x1] =	stream.indirect_vreg.gather [hbm4b:s6+s2], $0x80, v4, vm0, $0xb8;
	[tilespmem:$0x18080] =	vst v63  }
0x86: {  	s12 =	rddreg [dreg:$0x1f]  }
0x87: {  	[tilespmem:s0], [sflag:$0x1] =	stream.indirect_vreg.gather [hbm4b:s4+s2], $0x80, v3, vm0, $0xb8;
	[tilespmem:$0x18080] =	vst v63  }
0x88: {  	s0 =	sld [smem:$0x7FD]  }
0x89: {  	[tilespmem:s12], [sflag:$0x1] =	stream.indirect_vreg.gather [hbm4b:s5+s2], $0x80, v3, vm0, $0xb8;
	[tilespmem:$0x18080] =	vst v63  }
0x8a: {  	_ = 	snop  }
0x8b: {  	[tilespmem:s0], [sflag:$0x1] =	stream.indirect_vreg.gather [hbm4b:s6+s2], $0x80, v3, vm0, $0xb8;
	[tilespmem:$0x18080] =	vst v63  }
0x8c: {  	v3 =	vld [tilespmem:$0x50];
	_ =	sdelay $0x4  }
0x8d: {  	v61 =	vshrl.u32 v3, $0x3  }
0x8e: {  	v4 =	vmul.u32 $0x30, v61  }
0x8f: {  	v3 =	vand.u32 $0x7, v3  }
0x90: {  	v3 =	vor.u32 v3, v4  }
0x91: {  	v4 =	vperm.xlane v3, v0;
	_ =	sdelay $0x1  }
0x92: {  	v4 =	vadd.s32 v1, v4;
	_ =	sdelay $0x3  }
0x93: {  	s12 =	simm.s32 $0xF080;
	v3 =	vperm.xlane v3, v2  }
0x94: {  	[tilespmem:s12], [sflag:$0x1] =	stream.indirect_vreg.gather [hbm4b:s4+s2], $0x80, v4, vm0, $0xb8;
	[tilespmem:$0x18080] =	vst v63  }
0x95: {  	v3 =	vadd.s32 v1, v3  }
0x96: {  	[tilespmem:s13], [sflag:$0x1] =	stream.indirect_vreg.gather [hbm4b:s5+s2], $0x80, v4, vm0, $0xb8;
	[tilespmem:$0x18080] =	vst v63  }
0x97: {  	_ = 	snop  }
0x98: {  	[tilespmem:s14], [sflag:$0x1] =	stream.indirect_vreg.gather [hbm4b:s6+s2], $0x80, v4, vm0, $0xb8;
	[tilespmem:$0x18080] =	vst v63  }
0x99: {  	_ = 	snop  }
0x9a: {  	[tilespmem:s15], [sflag:$0x1] =	stream.indirect_vreg.gather [hbm4b:s4+s2], $0x80, v3, vm0, $0xb8;
	[tilespmem:$0x18080] =	vst v63  }
0x9b: {  	_ = 	snop  }
0x9c: {  	[tilespmem:s16], [sflag:$0x1] =	stream.indirect_vreg.gather [hbm4b:s5+s2], $0x80, v3, vm0, $0xb8;
	[tilespmem:$0x18080] =	vst v63  }
0x9d: {  	_ = 	snop  }
0x9e: {  	[tilespmem:s17], [sflag:$0x1] =	stream.indirect_vreg.gather [hbm4b:s6+s2], $0x80, v3, vm0, $0xb8;
	[tilespmem:$0x18080] =	vst v63  }
0x9f: {  	v3 =	vld [tilespmem:$0x60];
	_ =	sdelay $0x4  }
0xa0: {  	v62 =	vshrl.u32 v3, $0x3  }
0xa1: {  	v4 =	vmul.u32 $0x30, v62  }
0xa2: {  	v3 =	vand.u32 $0x7, v3  }
0xa3: {  	v3 =	vor.u32 v3, v4  }
0xa4: {  	v4 =	vperm.xlane v3, v0;
	_ =	sdelay $0x1  }
0xa5: {  	v4 =	vadd.s32 v1, v4;
	_ =	sdelay $0x3  }
0xa6: {  	v3 =	vperm.xlane v3, v2  }
0xa7: {  	[tilespmem:s18], [sflag:$0x1] =	stream.indirect_vreg.gather [hbm4b:s4+s2], $0x80, v4, vm0, $0xb8;
	[tilespmem:$0x18080] =	vst v63  }
0xa8: {  	v3 =	vadd.s32 v1, v3  }
0xa9: {  	[tilespmem:s19], [sflag:$0x1] =	stream.indirect_vreg.gather [hbm4b:s5+s2], $0x80, v4, vm0, $0xb8;
	[tilespmem:$0x18080] =	vst v63  }
0xaa: {  	_ = 	snop  }
0xab: {  	[tilespmem:s20], [sflag:$0x1] =	stream.indirect_vreg.gather [hbm4b:s6+s2], $0x80, v4, vm0, $0xb8;
	[tilespmem:$0x18080] =	vst v63  }
0xac: {  	_ = 	snop  }
0xad: {  	[tilespmem:s21], [sflag:$0x1] =	stream.indirect_vreg.gather [hbm4b:s4+s2], $0x80, v3, vm0, $0xb8;
	[tilespmem:$0x18080] =	vst v63  }
0xae: {  	_ = 	snop  }
0xaf: {  	[tilespmem:s22], [sflag:$0x1] =	stream.indirect_vreg.gather [hbm4b:s5+s2], $0x80, v3, vm0, $0xb8;
	[tilespmem:$0x18080] =	vst v63  }
0xb0: {  	_ = 	snop  }
0xb1: {  	[tilespmem:s23], [sflag:$0x1] =	stream.indirect_vreg.gather [hbm4b:s6+s2], $0x80, v3, vm0, $0xb8;
	[tilespmem:$0x18080] =	vst v63  }
0xb2: {  	v3 =	vld [tilespmem:$0x70];
	_ =	sdelay $0x4  }
0xb3: {  	v63 =	vshrl.u32 v3, $0x3  }
0xb4: {  	v4 =	vmul.u32 $0x30, v63  }
0xb5: {  	v3 =	vand.u32 $0x7, v3  }
0xb6: {  	v3 =	vor.u32 v3, v4  }
0xb7: {  	v4 =	vperm.xlane v3, v0;
	_ =	sdelay $0x1  }
0xb8: {  	v4 =	vadd.s32 v1, v4;
	_ =	sdelay $0x3  }
0xb9: {  	v3 =	vperm.xlane v3, v2  }
0xba: {  	[tilespmem:s24], [sflag:$0x1] =	stream.indirect_vreg.gather [hbm4b:s4+s2], $0x80, v4, vm0, $0xb8;
	[tilespmem:$0x18080] =	vst v63  }
0xbb: {  	v3 =	vadd.s32 v1, v3  }
0xbc: {  	[tilespmem:s25], [sflag:$0x1] =	stream.indirect_vreg.gather [hbm4b:s5+s2], $0x80, v4, vm0, $0xb8;
	[tilespmem:$0x18080] =	vst v63  }
0xbd: {  	_ = 	snop  }
0xbe: {  	[tilespmem:s26], [sflag:$0x1] =	stream.indirect_vreg.gather [hbm4b:s6+s2], $0x80, v4, vm0, $0xb8;
	[tilespmem:$0x18080] =	vst v63  }
0xbf: {  	_ = 	snop  }
0xc0: {  	[tilespmem:s28], [sflag:$0x1] =	stream.indirect_vreg.gather [hbm4b:s4+s2], $0x80, v3, vm0, $0xb8;
	[tilespmem:$0x18080] =	vst v63  }
0xc1: {  	_ = 	snop  }
0xc2: {  	[tilespmem:s29], [sflag:$0x1] =	stream.indirect_vreg.gather [hbm4b:s5+s2], $0x80, v3, vm0, $0xb8;
	[tilespmem:$0x18080] =	vst v63  }
0xc3: {  	_ = 	snop  }
0xc4: {  	[tilespmem:s30], [sflag:$0x1] =	stream.indirect_vreg.gather [hbm4b:s6+s2], $0x80, v3, vm0, $0xb8;
	[tilespmem:$0x18080] =	vst v63  }
0xc5: {  	_ =	swait.ge [sflag:s31], $0x6000  }
0xc6: {  	[sflag:s31] =	ssyncset.done $0x0  }
0xc7: {  	[sflag:s31] =	ssyncadd.s32 $0xFFFFA000  }
0xc8: {  	[hbm4b:s3+s2] =	stream.linear.scatter [tilespmem:s9], [sflag:$0x2], $0x6000, $0x38;
	[tilespmem:$0x18080] =	vst v63  }
0xc9: {  	_ =	swait.ge [sflag:s31], $0x6000  }
0xca: {  	[sflag:s31] =	ssyncset.done $0x0  }
0xcb: {  	s12 =	rddreg [dreg:$0x3];
	[sflag:s31] =	ssyncadd.s32 $0xFFFFA000  }
0xcc: {  	[hbm4b:s12+s2] =	stream.linear.scatter [tilespmem:s10], [sflag:$0x2], $0x6000, $0x38;
	[tilespmem:$0x18080] =	vst v63  }
0xcd: {  	_ =	swait.ge [sflag:s31], $0x6000  }
0xce: {  	[sflag:s31] =	ssyncset.done $0x0  }
0xcf: {  	s12 =	rddreg [dreg:$0x4];
	[sflag:s31] =	ssyncadd.s32 $0xFFFFA000  }
0xd0: {  	[hbm4b:s12+s2] =	stream.linear.scatter [tilespmem:s11], [sflag:$0x2], $0x6000, $0x38;
	[tilespmem:$0x18080] =	vst v63  }
0xd1: {  	_ =	swait.ge [sflag:s31], $0x6000  }
0xd2: {  	[sflag:s31] =	ssyncset.done $0x0  }
0xd3: {  	s12 =	rddreg [dreg:$0x5];
	[sflag:s31] =	ssyncadd.s32 $0xFFFFA000  }
0xd4: {  	[hbm4b:s12+s2] =	stream.linear.scatter [tilespmem:s18], [sflag:$0x2], $0x6000, $0x38;
	[tilespmem:$0x18080] =	vst v63  }
0xd5: {  	_ =	swait.ge [sflag:s1], $0x6000  }
0xd6: {  	[sflag:s1] =	ssyncset.done $0x0  }
0xd7: {  	[sflag:s1] =	ssyncadd.s32 $0xFFFFA000  }
0xd8: {  	_ =	swait.ge [sflag:s1], $0x6000  }
0xd9: {  	[sflag:s1] =	ssyncset.done $0x0  }
0xda: {  	[sflag:s1] =	ssyncadd.s32 $0xFFFFA000  }
0xdb: {  	p0 =	sne.s32 s7, $0x1;
	_ =	swait.ge [sflag:s1], $0x6000  }
.Ltmp0:
0xdc: {  	[sflag:s1] =	ssyncset.done $0x0;
	(pc) =	sbr.rel @p0 .LBB2_1-.Ltmp0, $4  }
0xdd: {  	[sflag:s1] =	ssyncadd.s32 $0xFFFFA000  }
0xde: {  	_ =	swait.ge [sflag:s1], $0x6000  }
0xdf: {  	[sflag:s1] =	ssyncset.done $0x0  }
0xe0: {  	s7 =	sadd.s32 $0xFFFFFFFF, s7;
	[sflag:s1] =	ssyncadd.s32 $0xFFFFA000  }
0xe1: {  	_ =	sfence.sel $0x180000  }
0xe2: {  	[bflag:$0x0] =	sbarrier.arrive $0xFFFF  }
0xe3: {  	_ =	strace $0x90000056  }
0xe4: {  	s0 =	stileid.u32;
	[bflag:$0x2] =	sbarrier.arrive $0xFFFF  }
0xe5: {  	p0 =	sne.s32 s0, $0x0;
	s0 =	rddreg [dreg:$0x1]  }
0xe6: {  	s0 =	sadd.s32 @!p0 $0x100000, s0  }
0xe7: {  	[sflag:s0] =	ssyncadd.tile.s32 @!p0 $0x1;
	_ =	shalt  }
.Lfunc_end2:
_tile_overlayer_lowered:
.L_overlay_start_2:
0xe8: {  	(tag) =	ssettag $0x2  }
0xe9: {  	s0 =	rddreg [dreg:$0x0];
	s2 =	stileid.u32  }
0xea: {  	s1 =	rddreg [dreg:$0x1];
	p0 =	sne.s32 s2, $0x0  }
0xeb: {  	s3 =	rddreg [dreg:$0x2];
	[bflag:$0x3] =	sbarrier.arrive $0xFFFF;
	s2 =	simm.s32 @!p0 $0x1C03  }
0xec: {  	[timem:s3], [sflag:s2] =	dma.local @!p0 [hbm:s0], s1  }
0xed: {  	s0 =	simm.s32 @!p0 $0x3  }
0xee: {  	_ =	swait.ge @!p0 [sflag:s0], s1  }
0xef: {  	s1 =	ssub.s32 @!p0 $0x0, s1;
	[sflag:s0] =	ssyncset.done @!p0 $0x0  }
0xf0: {  	[sflag:s0] =	ssyncadd.s32 @!p0 s1  }
0xf1: {  	[bflag:$0x3] =	sbarrier.arrive $0xFFFF  }
0xf2: {  	_ =	shalt  }

</sc_bundles>
